<compile_context>
chip_gen: v7x
topology: tpu7x:2x2x1
jax: 0.10.2.dev20260603
libtpu: 0.0.44.dev20260713+nightly
codegen_flags: <defaults>
</compile_context>

<pallas_src>
import jax
import jax.numpy as jnp
from jax import lax
from jax.experimental import pallas as pl
from jax.experimental.pallas import tpu as pltpu
from jax.experimental.pallas import tpu_sc as plsc

_N_NODES = 100000
_N_NODES_PAD = 100352
_STG = 896
_STG_FULL = _N_NODES // _STG
_STG_TAIL = _N_NODES - _STG_FULL * _STG
_N_EDGES = 3200000
_NC = 2
_NS = 16
_NW = _NC * _NS
_E = 1024
_NCHUNK = _N_EDGES // _E
_LAST = _NCHUNK - 1
_ITERS = 98
_G = _E // 16

_HALF_PI = 1.5707963267948966
_C_ATAN = (0.9999998977903125, -0.33331959846433457, 0.19969236562476794,
           -0.1401658988294469, 0.09906106970472799, -0.059367209648048674,
           0.02416624674527195, -0.004668784473913435)


def _rsqrt(x):
    i = plsc.bitcast(x, jnp.int32)
    i = jnp.int32(0x5F3759DF) - lax.shift_right_logical(i, 1)
    y = plsc.bitcast(i, jnp.float32)
    for _ in range(3):
        y = y * (1.5 - 0.5 * x * y * y)
    return y


def _qmul(q, r):
    qx, qy, qz, qw = q
    rx, ry, rz, rw = r
    return [qw * rx + qx * rw + qy * rz - qz * ry,
            qw * ry - qx * rz + qy * rw + qz * rx,
            qw * rz + qx * ry - qy * rx + qz * rw,
            qw * rw - qx * rx - qy * ry - qz * rz]


def _qconj(q):
    return [-q[0], -q[1], -q[2], q[3]]


def _cross(a, b):
    return [a[1] * b[2] - a[2] * b[1],
            a[2] * b[0] - a[0] * b[2],
            a[0] * b[1] - a[1] * b[0]]


def _qrot(q, v):
    qv = q[:3]
    w = q[3]
    t = [2.0 * c for c in _cross(qv, v)]
    ct = _cross(qv, t)
    return [v[i] + w * t[i] + ct[i] for i in range(3)]


def _edge_math(t1, q1, t2, q2, tp, qp):
    qA = _qmul(q2, _qconj(q1))
    rA = _qrot(qA, t1)
    tA = [t2[i] - rA[i] for i in range(3)]
    qip = _qconj(qp)
    qe = _qmul(qip, qA)
    d = [tA[i] - tp[i] for i in range(3)]
    te = _qrot(qip, d)

    w0 = qe[3]
    sflip = jnp.where(w0 < 0.0, jnp.float32(-1.0), jnp.float32(1.0))
    qv = [qe[i] * sflip for i in range(3)]
    w = jnp.abs(w0)
    n2q = qv[0] * qv[0] + qv[1] * qv[1] + qv[2] * qv[2]
    n = n2q * _rsqrt(jnp.maximum(n2q, jnp.float32(1e-30)))
    num = jnp.minimum(n, w)
    den = jnp.maximum(n, w)
    t = num / den
    u = t * t
    a = jnp.float32(_C_ATAN[-1])
    for ck in _C_ATAN[-2::-1]:
        a = a * u + jnp.float32(ck)
    a = a * t
    half = jnp.where(n > w, jnp.float32(_HALF_PI) - a, a)
    theta = 2.0 * half
    eps = jnp.float32(1e-7)
    big_n = n > eps
    w_safe = jnp.where(w > eps, w, jnp.float32(1.0))
    scale = jnp.where(big_n, theta, jnp.float32(2.0)) / jnp.where(big_n, n, w_safe)
    phi = [qv[i] * scale for i in range(3)]
    small = theta < 1e-4
    s = 2.0 * n * w
    c_ = w * w - n2q
    th2 = theta * theta
    denom = 2.0 * theta * s
    denom = jnp.where(jnp.abs(denom) > 1e-12, denom, jnp.float32(1e-12))
    coef = (denom - (1.0 + c_) * th2) / (th2 * denom)
    coef = jnp.where(small, jnp.float32(1.0 / 12.0), coef)
    pxt = _cross(phi, te)
    cpp = _cross(phi, pxt)
    rho = [te[i] - 0.5 * pxt[i] + coef * cpp[i] for i in range(3)]
    return rho + phi


def _sc_body(nodes_hbm, ed_hbm, poses_hbm, tail_hbm, out_hbm,
             tab, stg_in, stg_out, stg_tail, ed, idx0, idx1, nd1, nd2, pv, ov,
             sem_g, sem_ed, sem_p, sem_o):
    c = lax.axis_index("c")
    s = lax.axis_index("s")
    wid = s * _NC + c

    def stage_sub(sub):
        off = sub * _STG
        pltpu.sync_copy(nodes_hbm.at[:, pl.ds(off, _STG)], stg_in)

        @plsc.parallel_loop(0, _STG, step=16, unroll=2)
        def gbody(g0):
            sl = pl.ds(g0, 16)
            for comp in range(7):
                stg_out[comp][sl] = stg_in[comp, sl]
        for comp in range(7):
            pltpu.sync_copy(stg_out[comp], tab[comp].at[pl.ds(off, _STG)])

    for i in range(6):
        stage_sub(s + _NS * i)

    @pl.when(s < _NS - 1)
    def _():
        stage_sub(s + _NS * 6)

    @pl.when(s == _NS - 1)
    def _():
        pltpu.sync_copy(tail_hbm, stg_tail)
        for comp in range(7):
            pltpu.sync_copy(
                stg_tail.at[pl.ds(comp * _STG_TAIL, _STG_TAIL)],
                tab[comp].at[pl.ds(_STG_FULL * _STG, _STG_TAIL)])

    plsc.subcore_barrier()

    def goff_of(k):
        return jnp.minimum(wid + k * _NW, _LAST) * _E

    def issue_ed(k, b):
        pltpu.async_copy(
            ed_hbm.at[:, pl.ds(goff_of(k), _E)], ed[b], sem_ed[b])

    def issue_poses(k, b):
        pltpu.async_copy(
            poses_hbm.at[:, pl.ds(goff_of(k), _E)], pv[b], sem_p[b])

    def build_idx(b):
        @plsc.parallel_loop(0, _E, step=16, unroll=4)
        def jbody(e0):
            sl = pl.ds(e0, 16)
            idx0[b][pl.ds(e0, 16)] = ed[b][0, sl]
            idx0[b][pl.ds(_E + e0, 16)] = ed[b][1, sl]

    def issue_gathers(b):
        for comp in range(7):
            pltpu.async_copy(tab[comp].at[idx0[b]], nd1[b][comp], sem_g[b])

    def wait_gathers(b):
        for comp in range(7):
            pltpu.make_async_copy(
                tab[comp].at[idx0[b]], nd1[b][comp], sem_g[b]).wait()

    def wait_ed(b):
        pltpu.make_async_copy(
            ed_hbm.at[:, pl.ds(0, _E)], ed[b], sem_ed[b]).wait()

    def wait_poses(b):
        pltpu.make_async_copy(
            poses_hbm.at[:, pl.ds(0, _E)], pv[b], sem_p[b]).wait()

    def issue_out(k, b):
        pltpu.async_copy(
            ov[b], out_hbm.at[:, pl.ds(goff_of(k), _E)], sem_o[b])

    def wait_out(b):
        pltpu.make_async_copy(
            ov[b], out_hbm.at[:, pl.ds(0, _E)], sem_o[b]).wait()

    def compute(b):
        @plsc.parallel_loop(0, _E, step=16, unroll=4)
        def group_body(e0):
            sl = pl.ds(e0, 16)
            sl2 = pl.ds(_E + e0, 16)
            t1 = [nd1[b][i][sl] for i in range(3)]
            q1 = [nd1[b][3 + i][sl] for i in range(4)]
            t2 = [nd1[b][i][sl2] for i in range(3)]
            q2 = [nd1[b][3 + i][sl2] for i in range(4)]
            tp = [pv[b][i, sl] for i in range(3)]
            qp = [pv[b][3 + i, sl] for i in range(4)]
            res = _edge_math(t1, q1, t2, q2, tp, qp)
            for i in range(6):
                ov[b][i, sl] = res[i]

    pltpu.sync_copy(ed_hbm.at[:, pl.ds(goff_of(0), _E)], ed[0])
    build_idx(0)
    issue_gathers(0)
    issue_ed(1, 1)
    issue_poses(0, 0)

    def outer(kk, carry):
        for b in (0, 1):
            k = 2 * kk + b
            nb = 1 - b
            wait_ed(nb)
            build_idx(nb)
            issue_gathers(nb)
            issue_ed(k + 2, b)
            issue_poses(k + 1, nb)
            wait_gathers(b)
            wait_poses(b)

            @pl.when(kk > 0)
            def _():
                wait_out(b)

            compute(b)
            issue_out(k, b)
        return carry

    lax.fori_loop(0, _ITERS // 2, outer, 0)

    wait_gathers(0)
    wait_ed(1)
    wait_poses(0)
    wait_out(0)
    wait_out(1)


@jax.jit
def _pose_graph_sc(nodes_t, edges_t, poses_t, tail):
    run = pl.kernel(
        _sc_body,
        out_type=jax.ShapeDtypeStruct((6, _N_EDGES), jnp.float32),
        mesh=plsc.VectorSubcoreMesh(core_axis_name="c", subcore_axis_name="s"),
        compiler_params=pltpu.CompilerParams(needs_layout_passes=False),
        scratch_types=[
            [pltpu.VMEM_SHARED((_N_NODES_PAD,), jnp.float32) for _ in range(7)],
            pltpu.VMEM((7, _STG), jnp.float32),
            [pltpu.VMEM((_STG,), jnp.float32) for _ in range(7)],
            pltpu.VMEM((7 * _STG_TAIL,), jnp.float32),
            [pltpu.VMEM((2, _E), jnp.int32) for _ in range(2)],
            [pltpu.VMEM((2 * _E,), jnp.int32) for _ in range(2)],
            [pltpu.VMEM((_E,), jnp.int32) for _ in range(2)],
            [[pltpu.VMEM((2 * _E,), jnp.float32) for _ in range(7)] for _ in range(2)],
            [[pltpu.VMEM((_E,), jnp.float32) for _ in range(7)] for _ in range(2)],
            [pltpu.VMEM((7, _E), jnp.float32) for _ in range(2)],
            [pltpu.VMEM((6, _E), jnp.float32) for _ in range(2)],
            [pltpu.SemaphoreType.DMA for _ in range(2)],
            [pltpu.SemaphoreType.DMA for _ in range(2)],
            [pltpu.SemaphoreType.DMA for _ in range(2)],
            [pltpu.SemaphoreType.DMA for _ in range(2)],
        ],
    )
    return run(nodes_t, edges_t, poses_t, tail)


def kernel(nodes, edges, poses):
    nodes_t = nodes.T
    tail = nodes_t[:, _STG_FULL * _STG:].reshape(-1)
    out_t = _pose_graph_sc(nodes_t, edges.T, poses.T, tail)
    return out_t.T

# --- scband reference (transcript-rebuilt; emitter-appended) ---
"""Pipeline reference for scband-pose-graph-58531814310215 (READ-ONLY COPY).

The authoritative reference and input builder live on the scoring server;
editing this copy changes nothing except your own understanding.
"""

import jax, jax.numpy as jnp
import numpy as np

N_NODES = 100000
N_EDGES = 3200000


def _quat_mul(q, r):
    qx, qy, qz, qw = q[..., 0], q[..., 1], q[..., 2], q[..., 3]
    rx, ry, rz, rw = r[..., 0], r[..., 1], r[..., 2], r[..., 3]
    x = qw * rx + qx * rw + qy * rz - qz * ry
    y = qw * ry - qx * rz + qy * rw + qz * rx
    z = qw * rz + qx * ry - qy * rx + qz * rw
    w = qw * rw - qx * rx - qy * ry - qz * rz
    return jnp.stack([x, y, z, w], axis=-1)


def _quat_rotate(q, v):
    qv = q[..., :3]
    w = q[..., 3:4]
    t = 2.0 * jnp.cross(qv, v)
    return v + w * t + jnp.cross(qv, t)


def _quat_conj(q):
    return jnp.concatenate([-q[..., :3], q[..., 3:4]], axis=-1)


def _se3_inv(T):
    t = T[..., :3]
    q = T[..., 3:]
    qi = _quat_conj(q)
    ti = -_quat_rotate(qi, t)
    return jnp.concatenate([ti, qi], axis=-1)


def _se3_mul(T1, T2):
    t1 = T1[..., :3]
    q1 = T1[..., 3:]
    t2 = T2[..., :3]
    q2 = T2[..., 3:]
    t = t1 + _quat_rotate(q1, t2)
    q = _quat_mul(q1, q2)
    return jnp.concatenate([t, q], axis=-1)


def _so3_log(q):
    q = jnp.where(q[..., 3:4] < 0.0, -q, q)
    qv = q[..., :3]
    w = q[..., 3]
    n = jnp.linalg.norm(qv, axis=-1)
    theta = 2.0 * jnp.arctan2(n, w)
    eps = 1e-7
    n_safe = jnp.where(n > eps, n, 1.0)
    w_safe = jnp.where(jnp.abs(w) > eps, w, 1.0)
    scale = jnp.where(n > eps, theta / n_safe, 2.0 / w_safe)
    return qv * scale[..., None]


def _se3_log(T):
    t = T[..., :3]
    phi = _so3_log(T[..., 3:])
    theta = jnp.linalg.norm(phi, axis=-1)
    small = theta < 1e-4
    th = jnp.where(small, 1.0, theta)
    s = jnp.sin(th)
    c = jnp.cos(th)
    denom = 2.0 * th * s
    denom = jnp.where(jnp.abs(denom) > 1e-12, denom, 1e-12)
    coef = jnp.where(small, 1.0 / 12.0, 1.0 / (th * th) - (1.0 + c) / denom)
    pxt = jnp.cross(phi, t)
    rho = t - 0.5 * pxt + coef[..., None] * jnp.cross(phi, pxt)
    return jnp.concatenate([rho, phi], axis=-1)


def setup_inputs(seed: int = 0) -> dict:
    key = jax.random.key(seed)
    k1, k2, k3 = jax.random.split(key, 3)
    nodes_raw = jax.random.normal(k1, (N_NODES, 7), dtype=jnp.float32)
    qn = nodes_raw[:, 3:]
    qn = qn / jnp.linalg.norm(qn, axis=-1, keepdims=True)
    nodes = jnp.concatenate([nodes_raw[:, :3], qn], axis=-1)
    edges = jax.random.randint(k2, (N_EDGES, 2), 0, N_NODES, dtype=jnp.int32)
    poses_raw = jax.random.normal(k3, (N_EDGES, 7), dtype=jnp.float32)
    qp = poses_raw[:, 3:]
    qp = qp / jnp.linalg.norm(qp, axis=-1, keepdims=True)
    poses = jnp.concatenate([poses_raw[:, :3], qp], axis=-1)
    return {"nodes": nodes, "edges": edges, "poses": poses}


def reference(nodes, edges, poses):
    node1 = jnp.take(nodes, edges[:, 0], axis=0)
    node2 = jnp.take(nodes, edges[:, 1], axis=0)
    err = _se3_mul(_se3_inv(poses), _se3_mul(node2, _se3_inv(node1)))
    return _se3_log(err)

if __name__ == "__main__":
    import jax
    _d = setup_inputs()
    print(jax.jit(kernel)(*tuple(_d.values())))

</pallas_src>

<mosaic_0001>
#map = affine_map<(d0, d1) -> (0, 0)>
#map1 = affine_map<(d0, d1) -> (0)>
module attributes {stable_mosaic.version = 14 : i64} {
  func.func @_sc_body(%arg0: i32, %arg1: i32, %arg2: memref<7x100000xf32, #tpu.memory_space<hbm>>, %arg3: memref<2x3200000xi32, #tpu.memory_space<hbm>>, %arg4: memref<7x3200000xf32, #tpu.memory_space<hbm>>, %arg5: memref<3808xf32, #tpu.memory_space<hbm>>, %arg6: memref<6x3200000xf32, #tpu.memory_space<hbm>>, %arg7: memref<100352xf32, #tpu.memory_space<vmem_shared>>, %arg8: memref<100352xf32, #tpu.memory_space<vmem_shared>>, %arg9: memref<100352xf32, #tpu.memory_space<vmem_shared>>, %arg10: memref<100352xf32, #tpu.memory_space<vmem_shared>>, %arg11: memref<100352xf32, #tpu.memory_space<vmem_shared>>, %arg12: memref<100352xf32, #tpu.memory_space<vmem_shared>>, %arg13: memref<100352xf32, #tpu.memory_space<vmem_shared>>, %arg14: memref<7x896xf32, #tpu.memory_space<vmem>>, %arg15: memref<896xf32, #tpu.memory_space<vmem>>, %arg16: memref<896xf32, #tpu.memory_space<vmem>>, %arg17: memref<896xf32, #tpu.memory_space<vmem>>, %arg18: memref<896xf32, #tpu.memory_space<vmem>>, %arg19: memref<896xf32, #tpu.memory_space<vmem>>, %arg20: memref<896xf32, #tpu.memory_space<vmem>>, %arg21: memref<896xf32, #tpu.memory_space<vmem>>, %arg22: memref<3808xf32, #tpu.memory_space<vmem>>, %arg23: memref<2x1024xi32, #tpu.memory_space<vmem>>, %arg24: memref<2x1024xi32, #tpu.memory_space<vmem>>, %arg25: memref<2048xi32, #tpu.memory_space<vmem>>, %arg26: memref<2048xi32, #tpu.memory_space<vmem>>, %arg27: memref<1024xi32, #tpu.memory_space<vmem>>, %arg28: memref<1024xi32, #tpu.memory_space<vmem>>, %arg29: memref<2048xf32, #tpu.memory_space<vmem>>, %arg30: memref<2048xf32, #tpu.memory_space<vmem>>, %arg31: memref<2048xf32, #tpu.memory_space<vmem>>, %arg32: memref<2048xf32, #tpu.memory_space<vmem>>, %arg33: memref<2048xf32, #tpu.memory_space<vmem>>, %arg34: memref<2048xf32, #tpu.memory_space<vmem>>, %arg35: memref<2048xf32, #tpu.memory_space<vmem>>, %arg36: memref<2048xf32, #tpu.memory_space<vmem>>, %arg37: memref<2048xf32, #tpu.memory_space<vmem>>, %arg38: memref<2048xf32, #tpu.memory_space<vmem>>, %arg39: memref<2048xf32, #tpu.memory_space<vmem>>, %arg40: memref<2048xf32, #tpu.memory_space<vmem>>, %arg41: memref<2048xf32, #tpu.memory_space<vmem>>, %arg42: memref<2048xf32, #tpu.memory_space<vmem>>, %arg43: memref<1024xf32, #tpu.memory_space<vmem>>, %arg44: memref<1024xf32, #tpu.memory_space<vmem>>, %arg45: memref<1024xf32, #tpu.memory_space<vmem>>, %arg46: memref<1024xf32, #tpu.memory_space<vmem>>, %arg47: memref<1024xf32, #tpu.memory_space<vmem>>, %arg48: memref<1024xf32, #tpu.memory_space<vmem>>, %arg49: memref<1024xf32, #tpu.memory_space<vmem>>, %arg50: memref<1024xf32, #tpu.memory_space<vmem>>, %arg51: memref<1024xf32, #tpu.memory_space<vmem>>, %arg52: memref<1024xf32, #tpu.memory_space<vmem>>, %arg53: memref<1024xf32, #tpu.memory_space<vmem>>, %arg54: memref<1024xf32, #tpu.memory_space<vmem>>, %arg55: memref<1024xf32, #tpu.memory_space<vmem>>, %arg56: memref<1024xf32, #tpu.memory_space<vmem>>, %arg57: memref<7x1024xf32, #tpu.memory_space<vmem>>, %arg58: memref<7x1024xf32, #tpu.memory_space<vmem>>, %arg59: memref<6x1024xf32, #tpu.memory_space<vmem>>, %arg60: memref<6x1024xf32, #tpu.memory_space<vmem>>, %arg61: memref<!tpu.dma_semaphore, #tpu.memory_space<semaphore_mem>>, %arg62: memref<!tpu.dma_semaphore, #tpu.memory_space<semaphore_mem>>, %arg63: memref<!tpu.dma_semaphore, #tpu.memory_space<semaphore_mem>>, %arg64: memref<!tpu.dma_semaphore, #tpu.memory_space<semaphore_mem>>, %arg65: memref<!tpu.dma_semaphore, #tpu.memory_space<semaphore_mem>>, %arg66: memref<!tpu.dma_semaphore, #tpu.memory_space<semaphore_mem>>, %arg67: memref<!tpu.dma_semaphore, #tpu.memory_space<semaphore_mem>>, %arg68: memref<!tpu.dma_semaphore, #tpu.memory_space<semaphore_mem>>) attributes {dimension_semantics = [#tpu.dimension_semantics<core_parallel>, #tpu.dimension_semantics<subcore_parallel>], iteration_bounds = array<i64: 2, 16>, scalar_prefetch = 0 : i64, scratch_operands = 62 : i64, tpu.core_type = #tpu.core_type<sc_vector_subcore>, window_params = [{transform_indices = #map}, {transform_indices = #map}, {transform_indices = #map}, {transform_indices = #map1}, {transform_indices = #map}]} {
    %mul3A = arith.constant 2 : i32
    %mul3A_0 = arith.muli %arg1, %mul3A : i32
    %add3A = arith.addi %mul3A_0, %arg0 : i32
    %add3A_1 = arith.constant 0 : i32
    %add3A_2 = arith.addi %arg1, %add3A_1 : i32
    %mul3A_3 = arith.constant 896 : i32
    %mul3A_4 = arith.muli %add3A_2, %mul3A_3 : i32
    "tpu.region"() ({
      %run_scoped3A = tpu.sem_alloc : memref<!tpu.dma_semaphore, #tpu.memory_space<semaphore_mem>>
      %dma_start3A_131 = arith.constant 0 : i32
      %dma_start3A_132 = tpu.memref_slice %arg2[%dma_start3A_131, %mul3A_4] : memref<7x100000xf32, #tpu.memory_space<hbm>> -> memref<7x896xf32, #tpu.memory_space<hbm>>
      %dma_start3A_133 = arith.constant 0 : i32
      %dma_start3A_134 = tpu.memref_slice %arg2[%dma_start3A_133, %mul3A_4] : memref<7x100000xf32, #tpu.memory_space<hbm>> -> memref<7x896xf32, #tpu.memory_space<hbm>>
      tpu.enqueue_dma source(%dma_start3A_134 : memref<7x896xf32, #tpu.memory_space<hbm>>) target(%arg14 : memref<7x896xf32, #tpu.memory_space<vmem>>) target_semaphore(%run_scoped3A : memref<!tpu.dma_semaphore, #tpu.memory_space<semaphore_mem>>)
      %dma_wait3A_135 = arith.constant 0 : i32
      %dma_wait3A_136 = tpu.memref_slice %arg2[%dma_wait3A_135, %mul3A_4] : memref<7x100000xf32, #tpu.memory_space<hbm>> -> memref<7x896xf32, #tpu.memory_space<hbm>>
      %dma_wait3A_137 = arith.constant 0 : i32
      %dma_wait3A_138 = tpu.memref_slice %arg2[%dma_wait3A_137, %mul3A_4] : memref<7x100000xf32, #tpu.memory_space<hbm>> -> memref<7x896xf32, #tpu.memory_space<hbm>>
      tpu.wait_dma2 semaphore(%run_scoped3A : memref<!tpu.dma_semaphore, #tpu.memory_space<semaphore_mem>>) src(%dma_wait3A_138 : memref<7x896xf32, #tpu.memory_space<hbm>>) dst(%arg14 : memref<7x896xf32, #tpu.memory_space<vmem>>)
      tpu.yield
    }) : () -> ()
    %parallel_loop3A = arith.constant 0 : i32
    %parallel_loop3A_5 = arith.constant 896 : i32
    %parallel_loop3A_6 = arith.constant 16 : i32
    scf.for %parallel_loop3A_131 = %parallel_loop3A to %parallel_loop3A_5 step %parallel_loop3A_6  : i32 {
      %parallel_loop3A_132 = arith.constant 0 : i32
      %parallel_loop3A_133 = arith.index_cast %parallel_loop3A_132 : i32 to index
      %parallel_loop3A_134 = arith.index_cast %parallel_loop3A_131 : i32 to index
      %parallel_loop3A_135 = tpu.vector_load %arg14[%parallel_loop3A_133, %parallel_loop3A_134] {strides = array<i32>} : memref<7x896xf32, #tpu.memory_space<vmem>>, vector<16xf32>,
      %parallel_loop3A_136 = arith.index_cast %parallel_loop3A_131 : i32 to index
      %parallel_loop3A_137 = tpu.vector_load %arg15[%parallel_loop3A_136] {strides = array<i32>} : memref<896xf32, #tpu.memory_space<vmem>>, vector<16xf32>,
      tpu.vector_store %arg15[%parallel_loop3A_136], %parallel_loop3A_135 {strides = array<i32>} : memref<896xf32, #tpu.memory_space<vmem>>, vector<16xf32>,
      %parallel_loop3A_138 = arith.constant 1 : i32
      %parallel_loop3A_139 = arith.index_cast %parallel_loop3A_138 : i32 to index
      %parallel_loop3A_140 = arith.index_cast %parallel_loop3A_131 : i32 to index
      %parallel_loop3A_141 = tpu.vector_load %arg14[%parallel_loop3A_139, %parallel_loop3A_140] {strides = array<i32>} : memref<7x896xf32, #tpu.memory_space<vmem>>, vector<16xf32>,
      %parallel_loop3A_142 = arith.index_cast %parallel_loop3A_131 : i32 to index
      %parallel_loop3A_143 = tpu.vector_load %arg16[%parallel_loop3A_142] {strides = array<i32>} : memref<896xf32, #tpu.memory_space<vmem>>, vector<16xf32>,
      tpu.vector_store %arg16[%parallel_loop3A_142], %parallel_loop3A_141 {strides = array<i32>} : memref<896xf32, #tpu.memory_space<vmem>>, vector<16xf32>,
      %parallel_loop3A_144 = arith.constant 2 : i32
      %parallel_loop3A_145 = arith.index_cast %parallel_loop3A_144 : i32 to index
      %parallel_loop3A_146 = arith.index_cast %parallel_loop3A_131 : i32 to index
      %parallel_loop3A_147 = tpu.vector_load %arg14[%parallel_loop3A_145, %parallel_loop3A_146] {strides = array<i32>} : memref<7x896xf32, #tpu.memory_space<vmem>>, vector<16xf32>,
      %parallel_loop3A_148 = arith.index_cast %parallel_loop3A_131 : i32 to index
      %parallel_loop3A_149 = tpu.vector_load %arg17[%parallel_loop3A_148] {strides = array<i32>} : memref<896xf32, #tpu.memory_space<vmem>>, vector<16xf32>,
      tpu.vector_store %arg17[%parallel_loop3A_148], %parallel_loop3A_147 {strides = array<i32>} : memref<896xf32, #tpu.memory_space<vmem>>, vector<16xf32>,
      %parallel_loop3A_150 = arith.constant 3 : i32
      %parallel_loop3A_151 = arith.index_cast %parallel_loop3A_150 : i32 to index
      %parallel_loop3A_152 = arith.index_cast %parallel_loop3A_131 : i32 to index
      %parallel_loop3A_153 = tpu.vector_load %arg14[%parallel_loop3A_151, %parallel_loop3A_152] {strides = array<i32>} : memref<7x896xf32, #tpu.memory_space<vmem>>, vector<16xf32>,
      %parallel_loop3A_154 = arith.index_cast %parallel_loop3A_131 : i32 to index
      %parallel_loop3A_155 = tpu.vector_load %arg18[%parallel_loop3A_154] {strides = array<i32>} : memref<896xf32, #tpu.memory_space<vmem>>, vector<16xf32>,
      tpu.vector_store %arg18[%parallel_loop3A_154], %parallel_loop3A_153 {strides = array<i32>} : memref<896xf32, #tpu.memory_space<vmem>>, vector<16xf32>,
      %parallel_loop3A_156 = arith.constant 4 : i32
      %parallel_loop3A_157 = arith.index_cast %parallel_loop3A_156 : i32 to index
      %parallel_loop3A_158 = arith.index_cast %parallel_loop3A_131 : i32 to index
      %parallel_loop3A_159 = tpu.vector_load %arg14[%parallel_loop3A_157, %parallel_loop3A_158] {strides = array<i32>} : memref<7x896xf32, #tpu.memory_space<vmem>>, vector<16xf32>,
      %parallel_loop3A_160 = arith.index_cast %parallel_loop3A_131 : i32 to index
      %parallel_loop3A_161 = tpu.vector_load %arg19[%parallel_loop3A_160] {strides = array<i32>} : memref<896xf32, #tpu.memory_space<vmem>>, vector<16xf32>,
      tpu.vector_store %arg19[%parallel_loop3A_160], %parallel_loop3A_159 {strides = array<i32>} : memref<896xf32, #tpu.memory_space<vmem>>, vector<16xf32>,
      %parallel_loop3A_162 = arith.constant 5 : i32
      %parallel_loop3A_163 = arith.index_cast %parallel_loop3A_162 : i32 to index
      %parallel_loop3A_164 = arith.index_cast %parallel_loop3A_131 : i32 to index
      %parallel_loop3A_165 = tpu.vector_load %arg14[%parallel_loop3A_163, %parallel_loop3A_164] {strides = array<i32>} : memref<7x896xf32, #tpu.memory_space<vmem>>, vector<16xf32>,
      %parallel_loop3A_166 = arith.index_cast %parallel_loop3A_131 : i32 to index
      %parallel_loop3A_167 = tpu.vector_load %arg20[%parallel_loop3A_166] {strides = array<i32>} : memref<896xf32, #tpu.memory_space<vmem>>, vector<16xf32>,
      tpu.vector_store %arg20[%parallel_loop3A_166], %parallel_loop3A_165 {strides = array<i32>} : memref<896xf32, #tpu.memory_space<vmem>>, vector<16xf32>,
      %parallel_loop3A_168 = arith.constant 6 : i32
      %parallel_loop3A_169 = arith.index_cast %parallel_loop3A_168 : i32 to index
      %parallel_loop3A_170 = arith.index_cast %parallel_loop3A_131 : i32 to index
      %parallel_loop3A_171 = tpu.vector_load %arg14[%parallel_loop3A_169, %parallel_loop3A_170] {strides = array<i32>} : memref<7x896xf32, #tpu.memory_space<vmem>>, vector<16xf32>,
      %parallel_loop3A_172 = arith.index_cast %parallel_loop3A_131 : i32 to index
      %parallel_loop3A_173 = tpu.vector_load %arg21[%parallel_loop3A_172] {strides = array<i32>} : memref<896xf32, #tpu.memory_space<vmem>>, vector<16xf32>,
      tpu.vector_store %arg21[%parallel_loop3A_172], %parallel_loop3A_171 {strides = array<i32>} : memref<896xf32, #tpu.memory_space<vmem>>, vector<16xf32>,
    } {sc.loop_unroll_factor = 2 : i64, sc.parallel_access}
    "tpu.region"() ({
      %run_scoped3A = tpu.sem_alloc : memref<!tpu.dma_semaphore, #tpu.memory_space<semaphore_mem>>
      %dma_start3A_131 = tpu.memref_slice %arg7[%mul3A_4] : memref<100352xf32, #tpu.memory_space<vmem_shared>> -> memref<896xf32, #tpu.memory_space<vmem_shared>>
      %dma_start3A_132 = tpu.memref_slice %arg7[%mul3A_4] : memref<100352xf32, #tpu.memory_space<vmem_shared>> -> memref<896xf32, #tpu.memory_space<vmem_shared>>
      tpu.enqueue_dma source(%arg15 : memref<896xf32, #tpu.memory_space<vmem>>) target(%dma_start3A_132 : memref<896xf32, #tpu.memory_space<vmem_shared>>) target_semaphore(%run_scoped3A : memref<!tpu.dma_semaphore, #tpu.memory_space<semaphore_mem>>)
      %dma_wait3A_133 = tpu.memref_slice %arg7[%mul3A_4] : memref<100352xf32, #tpu.memory_space<vmem_shared>> -> memref<896xf32, #tpu.memory_space<vmem_shared>>
      %dma_wait3A_134 = tpu.memref_slice %arg7[%mul3A_4] : memref<100352xf32, #tpu.memory_space<vmem_shared>> -> memref<896xf32, #tpu.memory_space<vmem_shared>>
      tpu.wait_dma2 semaphore(%run_scoped3A : memref<!tpu.dma_semaphore, #tpu.memory_space<semaphore_mem>>) src(%arg15 : memref<896xf32, #tpu.memory_space<vmem>>) dst(%dma_wait3A_134 : memref<896xf32, #tpu.memory_space<vmem_shared>>)
      tpu.yield
    }) : () -> ()
    "tpu.region"() ({
      %run_scoped3A = tpu.sem_alloc : memref<!tpu.dma_semaphore, #tpu.memory_space<semaphore_mem>>
      %dma_start3A_131 = tpu.memref_slice %arg8[%mul3A_4] : memref<100352xf32, #tpu.memory_space<vmem_shared>> -> memref<896xf32, #tpu.memory_space<vmem_shared>>
      %dma_start3A_132 = tpu.memref_slice %arg8[%mul3A_4] : memref<100352xf32, #tpu.memory_space<vmem_shared>> -> memref<896xf32, #tpu.memory_space<vmem_shared>>
      tpu.enqueue_dma source(%arg16 : memref<896xf32, #tpu.memory_space<vmem>>) target(%dma_start3A_132 : memref<896xf32, #tpu.memory_space<vmem_shared>>) target_semaphore(%run_scoped3A : memref<!tpu.dma_semaphore, #tpu.memory_space<semaphore_mem>>)
      %dma_wait3A_133 = tpu.memref_slice %arg8[%mul3A_4] : memref<100352xf32, #tpu.memory_space<vmem_shared>> -> memref<896xf32, #tpu.memory_space<vmem_shared>>
      %dma_wait3A_134 = tpu.memref_slice %arg8[%mul3A_4] : memref<100352xf32, #tpu.memory_space<vmem_shared>> -> memref<896xf32, #tpu.memory_space<vmem_shared>>
      tpu.wait_dma2 semaphore(%run_scoped3A : memref<!tpu.dma_semaphore, #tpu.memory_space<semaphore_mem>>) src(%arg16 : memref<896xf32, #tpu.memory_space<vmem>>) dst(%dma_wait3A_134 : memref<896xf32, #tpu.memory_space<vmem_shared>>)
      tpu.yield
    }) : () -> ()
    "tpu.region"() ({
      %run_scoped3A = tpu.sem_alloc : memref<!tpu.dma_semaphore, #tpu.memory_space<semaphore_mem>>
      %dma_start3A_131 = tpu.memref_slice %arg9[%mul3A_4] : memref<100352xf32, #tpu.memory_space<vmem_shared>> -> memref<896xf32, #tpu.memory_space<vmem_shared>>
      %dma_start3A_132 = tpu.memref_slice %arg9[%mul3A_4] : memref<100352xf32, #tpu.memory_space<vmem_shared>> -> memref<896xf32, #tpu.memory_space<vmem_shared>>
      tpu.enqueue_dma source(%arg17 : memref<896xf32, #tpu.memory_space<vmem>>) target(%dma_start3A_132 : memref<896xf32, #tpu.memory_space<vmem_shared>>) target_semaphore(%run_scoped3A : memref<!tpu.dma_semaphore, #tpu.memory_space<semaphore_mem>>)
      %dma_wait3A_133 = tpu.memref_slice %arg9[%mul3A_4] : memref<100352xf32, #tpu.memory_space<vmem_shared>> -> memref<896xf32, #tpu.memory_space<vmem_shared>>
      %dma_wait3A_134 = tpu.memref_slice %arg9[%mul3A_4] : memref<100352xf32, #tpu.memory_space<vmem_shared>> -> memref<896xf32, #tpu.memory_space<vmem_shared>>
      tpu.wait_dma2 semaphore(%run_scoped3A : memref<!tpu.dma_semaphore, #tpu.memory_space<semaphore_mem>>) src(%arg17 : memref<896xf32, #tpu.memory_space<vmem>>) dst(%dma_wait3A_134 : memref<896xf32, #tpu.memory_space<vmem_shared>>)
      tpu.yield
    }) : () -> ()
    "tpu.region"() ({
      %run_scoped3A = tpu.sem_alloc : memref<!tpu.dma_semaphore, #tpu.memory_space<semaphore_mem>>
      %dma_start3A_131 = tpu.memref_slice %arg10[%mul3A_4] : memref<100352xf32, #tpu.memory_space<vmem_shared>> -> memref<896xf32, #tpu.memory_space<vmem_shared>>
      %dma_start3A_132 = tpu.memref_slice %arg10[%mul3A_4] : memref<100352xf32, #tpu.memory_space<vmem_shared>> -> memref<896xf32, #tpu.memory_space<vmem_shared>>
      tpu.enqueue_dma source(%arg18 : memref<896xf32, #tpu.memory_space<vmem>>) target(%dma_start3A_132 : memref<896xf32, #tpu.memory_space<vmem_shared>>) target_semaphore(%run_scoped3A : memref<!tpu.dma_semaphore, #tpu.memory_space<semaphore_mem>>)
      %dma_wait3A_133 = tpu.memref_slice %arg10[%mul3A_4] : memref<100352xf32, #tpu.memory_space<vmem_shared>> -> memref<896xf32, #tpu.memory_space<vmem_shared>>
      %dma_wait3A_134 = tpu.memref_slice %arg10[%mul3A_4] : memref<100352xf32, #tpu.memory_space<vmem_shared>> -> memref<896xf32, #tpu.memory_space<vmem_shared>>
      tpu.wait_dma2 semaphore(%run_scoped3A : memref<!tpu.dma_semaphore, #tpu.memory_space<semaphore_mem>>) src(%arg18 : memref<896xf32, #tpu.memory_space<vmem>>) dst(%dma_wait3A_134 : memref<896xf32, #tpu.memory_space<vmem_shared>>)
      tpu.yield
    }) : () -> ()
    "tpu.region"() ({
      %run_scoped3A = tpu.sem_alloc : memref<!tpu.dma_semaphore, #tpu.memory_space<semaphore_mem>>
      %dma_start3A_131 = tpu.memref_slice %arg11[%mul3A_4] : memref<100352xf32, #tpu.memory_space<vmem_shared>> -> memref<896xf32, #tpu.memory_space<vmem_shared>>
      %dma_start3A_132 = tpu.memref_slice %arg11[%mul3A_4] : memref<100352xf32, #tpu.memory_space<vmem_shared>> -> memref<896xf32, #tpu.memory_space<vmem_shared>>
      tpu.enqueue_dma source(%arg19 : memref<896xf32, #tpu.memory_space<vmem>>) target(%dma_start3A_132 : memref<896xf32, #tpu.memory_space<vmem_shared>>) target_semaphore(%run_scoped3A : memref<!tpu.dma_semaphore, #tpu.memory_space<semaphore_mem>>)
      %dma_wait3A_133 = tpu.memref_slice %arg11[%mul3A_4] : memref<100352xf32, #tpu.memory_space<vmem_shared>> -> memref<896xf32, #tpu.memory_space<vmem_shared>>
      %dma_wait3A_134 = tpu.memref_slice %arg11[%mul3A_4] : memref<100352xf32, #tpu.memory_space<vmem_shared>> -> memref<896xf32, #tpu.memory_space<vmem_shared>>
      tpu.wait_dma2 semaphore(%run_scoped3A : memref<!tpu.dma_semaphore, #tpu.memory_space<semaphore_mem>>) src(%arg19 : memref<896xf32, #tpu.memory_space<vmem>>) dst(%dma_wait3A_134 : memref<896xf32, #tpu.memory_space<vmem_shared>>)
      tpu.yield
    }) : () -> ()
    "tpu.region"() ({
      %run_scoped3A = tpu.sem_alloc : memref<!tpu.dma_semaphore, #tpu.memory_space<semaphore_mem>>
      %dma_start3A_131 = tpu.memref_slice %arg12[%mul3A_4] : memref<100352xf32, #tpu.memory_space<vmem_shared>> -> memref<896xf32, #tpu.memory_space<vmem_shared>>
      %dma_start3A_132 = tpu.memref_slice %arg12[%mul3A_4] : memref<100352xf32, #tpu.memory_space<vmem_shared>> -> memref<896xf32, #tpu.memory_space<vmem_shared>>
      tpu.enqueue_dma source(%arg20 : memref<896xf32, #tpu.memory_space<vmem>>) target(%dma_start3A_132 : memref<896xf32, #tpu.memory_space<vmem_shared>>) target_semaphore(%run_scoped3A : memref<!tpu.dma_semaphore, #tpu.memory_space<semaphore_mem>>)
      %dma_wait3A_133 = tpu.memref_slice %arg12[%mul3A_4] : memref<100352xf32, #tpu.memory_space<vmem_shared>> -> memref<896xf32, #tpu.memory_space<vmem_shared>>
      %dma_wait3A_134 = tpu.memref_slice %arg12[%mul3A_4] : memref<100352xf32, #tpu.memory_space<vmem_shared>> -> memref<896xf32, #tpu.memory_space<vmem_shared>>
      tpu.wait_dma2 semaphore(%run_scoped3A : memref<!tpu.dma_semaphore, #tpu.memory_space<semaphore_mem>>) src(%arg20 : memref<896xf32, #tpu.memory_space<vmem>>) dst(%dma_wait3A_134 : memref<896xf32, #tpu.memory_space<vmem_shared>>)
      tpu.yield
    }) : () -> ()
    "tpu.region"() ({
      %run_scoped3A = tpu.sem_alloc : memref<!tpu.dma_semaphore, #tpu.memory_space<semaphore_mem>>
      %dma_start3A_131 = tpu.memref_slice %arg13[%mul3A_4] : memref<100352xf32, #tpu.memory_space<vmem_shared>> -> memref<896xf32, #tpu.memory_space<vmem_shared>>
      %dma_start3A_132 = tpu.memref_slice %arg13[%mul3A_4] : memref<100352xf32, #tpu.memory_space<vmem_shared>> -> memref<896xf32, #tpu.memory_space<vmem_shared>>
      tpu.enqueue_dma source(%arg21 : memref<896xf32, #tpu.memory_space<vmem>>) target(%dma_start3A_132 : memref<896xf32, #tpu.memory_space<vmem_shared>>) target_semaphore(%run_scoped3A : memref<!tpu.dma_semaphore, #tpu.memory_space<semaphore_mem>>)
      %dma_wait3A_133 = tpu.memref_slice %arg13[%mul3A_4] : memref<100352xf32, #tpu.memory_space<vmem_shared>> -> memref<896xf32, #tpu.memory_space<vmem_shared>>
      %dma_wait3A_134 = tpu.memref_slice %arg13[%mul3A_4] : memref<100352xf32, #tpu.memory_space<vmem_shared>> -> memref<896xf32, #tpu.memory_space<vmem_shared>>
      tpu.wait_dma2 semaphore(%run_scoped3A : memref<!tpu.dma_semaphore, #tpu.memory_space<semaphore_mem>>) src(%arg21 : memref<896xf32, #tpu.memory_space<vmem>>) dst(%dma_wait3A_134 : memref<896xf32, #tpu.memory_space<vmem_shared>>)
      tpu.yield
    }) : () -> ()
    %add3A_7 = arith.constant 16 : i32
    %add3A_8 = arith.addi %arg1, %add3A_7 : i32
    %mul3A_9 = arith.constant 896 : i32
    %mul3A_10 = arith.muli %add3A_8, %mul3A_9 : i32
    "tpu.region"() ({
      %run_scoped3A = tpu.sem_alloc : memref<!tpu.dma_semaphore, #tpu.memory_space<semaphore_mem>>
      %dma_start3A_131 = arith.constant 0 : i32
      %dma_start3A_132 = tpu.memref_slice %arg2[%dma_start3A_131, %mul3A_10] : memref<7x100000xf32, #tpu.memory_space<hbm>> -> memref<7x896xf32, #tpu.memory_space<hbm>>
      %dma_start3A_133 = arith.constant 0 : i32
      %dma_start3A_134 = tpu.memref_slice %arg2[%dma_start3A_133, %mul3A_10] : memref<7x100000xf32, #tpu.memory_space<hbm>> -> memref<7x896xf32, #tpu.memory_space<hbm>>
      tpu.enqueue_dma source(%dma_start3A_134 : memref<7x896xf32, #tpu.memory_space<hbm>>) target(%arg14 : memref<7x896xf32, #tpu.memory_space<vmem>>) target_semaphore(%run_scoped3A : memref<!tpu.dma_semaphore, #tpu.memory_space<semaphore_mem>>)
      %dma_wait3A_135 = arith.constant 0 : i32
      %dma_wait3A_136 = tpu.memref_slice %arg2[%dma_wait3A_135, %mul3A_10] : memref<7x100000xf32, #tpu.memory_space<hbm>> -> memref<7x896xf32, #tpu.memory_space<hbm>>
      %dma_wait3A_137 = arith.constant 0 : i32
      %dma_wait3A_138 = tpu.memref_slice %arg2[%dma_wait3A_137, %mul3A_10] : memref<7x100000xf32, #tpu.memory_space<hbm>> -> memref<7x896xf32, #tpu.memory_space<hbm>>
      tpu.wait_dma2 semaphore(%run_scoped3A : memref<!tpu.dma_semaphore, #tpu.memory_space<semaphore_mem>>) src(%dma_wait3A_138 : memref<7x896xf32, #tpu.memory_space<hbm>>) dst(%arg14 : memref<7x896xf32, #tpu.memory_space<vmem>>)
      tpu.yield
    }) : () -> ()
    %parallel_loop3A_11 = arith.constant 0 : i32
    %parallel_loop3A_12 = arith.constant 896 : i32
    %parallel_loop3A_13 = arith.constant 16 : i32
    scf.for %parallel_loop3A_131 = %parallel_loop3A_11 to %parallel_loop3A_12 step %parallel_loop3A_13  : i32 {
      %parallel_loop3A_132 = arith.constant 0 : i32
      %parallel_loop3A_133 = arith.index_cast %parallel_loop3A_132 : i32 to index
      %parallel_loop3A_134 = arith.index_cast %parallel_loop3A_131 : i32 to index
      %parallel_loop3A_135 = tpu.vector_load %arg14[%parallel_loop3A_133, %parallel_loop3A_134] {strides = array<i32>} : memref<7x896xf32, #tpu.memory_space<vmem>>, vector<16xf32>,
      %parallel_loop3A_136 = arith.index_cast %parallel_loop3A_131 : i32 to index
      %parallel_loop3A_137 = tpu.vector_load %arg15[%parallel_loop3A_136] {strides = array<i32>} : memref<896xf32, #tpu.memory_space<vmem>>, vector<16xf32>,
      tpu.vector_store %arg15[%parallel_loop3A_136], %parallel_loop3A_135 {strides = array<i32>} : memref<896xf32, #tpu.memory_space<vmem>>, vector<16xf32>,
      %parallel_loop3A_138 = arith.constant 1 : i32
      %parallel_loop3A_139 = arith.index_cast %parallel_loop3A_138 : i32 to index
      %parallel_loop3A_140 = arith.index_cast %parallel_loop3A_131 : i32 to index
      %parallel_loop3A_141 = tpu.vector_load %arg14[%parallel_loop3A_139, %parallel_loop3A_140] {strides = array<i32>} : memref<7x896xf32, #tpu.memory_space<vmem>>, vector<16xf32>,
      %parallel_loop3A_142 = arith.index_cast %parallel_loop3A_131 : i32 to index
      %parallel_loop3A_143 = tpu.vector_load %arg16[%parallel_loop3A_142] {strides = array<i32>} : memref<896xf32, #tpu.memory_space<vmem>>, vector<16xf32>,
      tpu.vector_store %arg16[%parallel_loop3A_142], %parallel_loop3A_141 {strides = array<i32>} : memref<896xf32, #tpu.memory_space<vmem>>, vector<16xf32>,
      %parallel_loop3A_144 = arith.constant 2 : i32
      %parallel_loop3A_145 = arith.index_cast %parallel_loop3A_144 : i32 to index
      %parallel_loop3A_146 = arith.index_cast %parallel_loop3A_131 : i32 to index
      %parallel_loop3A_147 = tpu.vector_load %arg14[%parallel_loop3A_145, %parallel_loop3A_146] {strides = array<i32>} : memref<7x896xf32, #tpu.memory_space<vmem>>, vector<16xf32>,
      %parallel_loop3A_148 = arith.index_cast %parallel_loop3A_131 : i32 to index
      %parallel_loop3A_149 = tpu.vector_load %arg17[%parallel_loop3A_148] {strides = array<i32>} : memref<896xf32, #tpu.memory_space<vmem>>, vector<16xf32>,
      tpu.vector_store %arg17[%parallel_loop3A_148], %parallel_loop3A_147 {strides = array<i32>} : memref<896xf32, #tpu.memory_space<vmem>>, vector<16xf32>,
      %parallel_loop3A_150 = arith.constant 3 : i32
      %parallel_loop3A_151 = arith.index_cast %parallel_loop3A_150 : i32 to index
      %parallel_loop3A_152 = arith.index_cast %parallel_loop3A_131 : i32 to index
      %parallel_loop3A_153 = tpu.vector_load %arg14[%parallel_loop3A_151, %parallel_loop3A_152] {strides = array<i32>} : memref<7x896xf32, #tpu.memory_space<vmem>>, vector<16xf32>,
      %parallel_loop3A_154 = arith.index_cast %parallel_loop3A_131 : i32 to index
      %parallel_loop3A_155 = tpu.vector_load %arg18[%parallel_loop3A_154] {strides = array<i32>} : memref<896xf32, #tpu.memory_space<vmem>>, vector<16xf32>,
      tpu.vector_store %arg18[%parallel_loop3A_154], %parallel_loop3A_153 {strides = array<i32>} : memref<896xf32, #tpu.memory_space<vmem>>, vector<16xf32>,
      %parallel_loop3A_156 = arith.constant 4 : i32
      %parallel_loop3A_157 = arith.index_cast %parallel_loop3A_156 : i32 to index
      %parallel_loop3A_158 = arith.index_cast %parallel_loop3A_131 : i32 to index
      %parallel_loop3A_159 = tpu.vector_load %arg14[%parallel_loop3A_157, %parallel_loop3A_158] {strides = array<i32>} : memref<7x896xf32, #tpu.memory_space<vmem>>, vector<16xf32>,
      %parallel_loop3A_160 = arith.index_cast %parallel_loop3A_131 : i32 to index
      %parallel_loop3A_161 = tpu.vector_load %arg19[%parallel_loop3A_160] {strides = array<i32>} : memref<896xf32, #tpu.memory_space<vmem>>, vector<16xf32>,
      tpu.vector_store %arg19[%parallel_loop3A_160], %parallel_loop3A_159 {strides = array<i32>} : memref<896xf32, #tpu.memory_space<vmem>>, vector<16xf32>,
      %parallel_loop3A_162 = arith.constant 5 : i32
      %parallel_loop3A_163 = arith.index_cast %parallel_loop3A_162 : i32 to index
      %parallel_loop3A_164 = arith.index_cast %parallel_loop3A_131 : i32 to index
      %parallel_loop3A_165 = tpu.vector_load %arg14[%parallel_loop3A_163, %parallel_loop3A_164] {strides = array<i32>} : memref<7x896xf32, #tpu.memory_space<vmem>>, vector<16xf32>,
      %parallel_loop3A_166 = arith.index_cast %parallel_loop3A_131 : i32 to index
      %parallel_loop3A_167 = tpu.vector_load %arg20[%parallel_loop3A_166] {strides = array<i32>} : memref<896xf32, #tpu.memory_space<vmem>>, vector<16xf32>,
      tpu.vector_store %arg20[%parallel_loop3A_166], %parallel_loop3A_165 {strides = array<i32>} : memref<896xf32, #tpu.memory_space<vmem>>, vector<16xf32>,
      %parallel_loop3A_168 = arith.constant 6 : i32
      %parallel_loop3A_169 = arith.index_cast %parallel_loop3A_168 : i32 to index
      %parallel_loop3A_170 = arith.index_cast %parallel_loop3A_131 : i32 to index
      %parallel_loop3A_171 = tpu.vector_load %arg14[%parallel_loop3A_169, %parallel_loop3A_170] {strides = array<i32>} : memref<7x896xf32, #tpu.memory_space<vmem>>, vector<16xf32>,
      %parallel_loop3A_172 = arith.index_cast %parallel_loop3A_131 : i32 to index
      %parallel_loop3A_173 = tpu.vector_load %arg21[%parallel_loop3A_172] {strides = array<i32>} : memref<896xf32, #tpu.memory_space<vmem>>, vector<16xf32>,
      tpu.vector_store %arg21[%parallel_loop3A_172], %parallel_loop3A_171 {strides = array<i32>} : memref<896xf32, #tpu.memory_space<vmem>>, vector<16xf32>,
    } {sc.loop_unroll_factor = 2 : i64, sc.parallel_access}
    "tpu.region"() ({
      %run_scoped3A = tpu.sem_alloc : memref<!tpu.dma_semaphore, #tpu.memory_space<semaphore_mem>>
      %dma_start3A_131 = tpu.memref_slice %arg7[%mul3A_10] : memref<100352xf32, #tpu.memory_space<vmem_shared>> -> memref<896xf32, #tpu.memory_space<vmem_shared>>
      %dma_start3A_132 = tpu.memref_slice %arg7[%mul3A_10] : memref<100352xf32, #tpu.memory_space<vmem_shared>> -> memref<896xf32, #tpu.memory_space<vmem_shared>>
      tpu.enqueue_dma source(%arg15 : memref<896xf32, #tpu.memory_space<vmem>>) target(%dma_start3A_132 : memref<896xf32, #tpu.memory_space<vmem_shared>>) target_semaphore(%run_scoped3A : memref<!tpu.dma_semaphore, #tpu.memory_space<semaphore_mem>>)
      %dma_wait3A_133 = tpu.memref_slice %arg7[%mul3A_10] : memref<100352xf32, #tpu.memory_space<vmem_shared>> -> memref<896xf32, #tpu.memory_space<vmem_shared>>
      %dma_wait3A_134 = tpu.memref_slice %arg7[%mul3A_10] : memref<100352xf32, #tpu.memory_space<vmem_shared>> -> memref<896xf32, #tpu.memory_space<vmem_shared>>
      tpu.wait_dma2 semaphore(%run_scoped3A : memref<!tpu.dma_semaphore, #tpu.memory_space<semaphore_mem>>) src(%arg15 : memref<896xf32, #tpu.memory_space<vmem>>) dst(%dma_wait3A_134 : memref<896xf32, #tpu.memory_space<vmem_shared>>)
      tpu.yield
    }) : () -> ()
    "tpu.region"() ({
      %run_scoped3A = tpu.sem_alloc : memref<!tpu.dma_semaphore, #tpu.memory_space<semaphore_mem>>
      %dma_start3A_131 = tpu.memref_slice %arg8[%mul3A_10] : memref<100352xf32, #tpu.memory_space<vmem_shared>> -> memref<896xf32, #tpu.memory_space<vmem_shared>>
      %dma_start3A_132 = tpu.memref_slice %arg8[%mul3A_10] : memref<100352xf32, #tpu.memory_space<vmem_shared>> -> memref<896xf32, #tpu.memory_space<vmem_shared>>
      tpu.enqueue_dma source(%arg16 : memref<896xf32, #tpu.memory_space<vmem>>) target(%dma_start3A_132 : memref<896xf32, #tpu.memory_space<vmem_shared>>) target_semaphore(%run_scoped3A : memref<!tpu.dma_semaphore, #tpu.memory_space<semaphore_mem>>)
      %dma_wait3A_133 = tpu.memref_slice %arg8[%mul3A_10] : memref<100352xf32, #tpu.memory_space<vmem_shared>> -> memref<896xf32, #tpu.memory_space<vmem_shared>>
      %dma_wait3A_134 = tpu.memref_slice %arg8[%mul3A_10] : memref<100352xf32, #tpu.memory_space<vmem_shared>> -> memref<896xf32, #tpu.memory_space<vmem_shared>>
      tpu.wait_dma2 semaphore(%run_scoped3A : memref<!tpu.dma_semaphore, #tpu.memory_space<semaphore_mem>>) src(%arg16 : memref<896xf32, #tpu.memory_space<vmem>>) dst(%dma_wait3A_134 : memref<896xf32, #tpu.memory_space<vmem_shared>>)
      tpu.yield
    }) : () -> ()
    "tpu.region"() ({
      %run_scoped3A = tpu.sem_alloc : memref<!tpu.dma_semaphore, #tpu.memory_space<semaphore_mem>>
      %dma_start3A_131 = tpu.memref_slice %arg9[%mul3A_10] : memref<100352xf32, #tpu.memory_space<vmem_shared>> -> memref<896xf32, #tpu.memory_space<vmem_shared>>
      %dma_start3A_132 = tpu.memref_slice %arg9[%mul3A_10] : memref<100352xf32, #tpu.memory_space<vmem_shared>> -> memref<896xf32, #tpu.memory_space<vmem_shared>>
      tpu.enqueue_dma source(%arg17 : memref<896xf32, #tpu.memory_space<vmem>>) target(%dma_start3A_132 : memref<896xf32, #tpu.memory_space<vmem_shared>>) target_semaphore(%run_scoped3A : memref<!tpu.dma_semaphore, #tpu.memory_space<semaphore_mem>>)
      %dma_wait3A_133 = tpu.memref_slice %arg9[%mul3A_10] : memref<100352xf32, #tpu.memory_space<vmem_shared>> -> memref<896xf32, #tpu.memory_space<vmem_shared>>
      %dma_wait3A_134 = tpu.memref_slice %arg9[%mul3A_10] : memref<100352xf32, #tpu.memory_space<vmem_shared>> -> memref<896xf32, #tpu.memory_space<vmem_shared>>
      tpu.wait_dma2 semaphore(%run_scoped3A : memref<!tpu.dma_semaphore, #tpu.memory_space<semaphore_mem>>) src(%arg17 : memref<896xf32, #tpu.memory_space<vmem>>) dst(%dma_wait3A_134 : memref<896xf32, #tpu.memory_space<vmem_shared>>)
      tpu.yield
    }) : () -> ()
    "tpu.region"() ({
      %run_scoped3A = tpu.sem_alloc : memref<!tpu.dma_semaphore, #tpu.memory_space<semaphore_mem>>
      %dma_start3A_131 = tpu.memref_slice %arg10[%mul3A_10] : memref<100352xf32, #tpu.memory_space<vmem_shared>> -> memref<896xf32, #tpu.memory_space<vmem_shared>>
      %dma_start3A_132 = tpu.memref_slice %arg10[%mul3A_10] : memref<100352xf32, #tpu.memory_space<vmem_shared>> -> memref<896xf32, #tpu.memory_space<vmem_shared>>
      tpu.enqueue_dma source(%arg18 : memref<896xf32, #tpu.memory_space<vmem>>) target(%dma_start3A_132 : memref<896xf32, #tpu.memory_space<vmem_shared>>) target_semaphore(%run_scoped3A : memref<!tpu.dma_semaphore, #tpu.memory_space<semaphore_mem>>)
      %dma_wait3A_133 = tpu.memref_slice %arg10[%mul3A_10] : memref<100352xf32, #tpu.memory_space<vmem_shared>> -> memref<896xf32, #tpu.memory_space<vmem_shared>>
      %dma_wait3A_134 = tpu.memref_slice %arg10[%mul3A_10] : memref<100352xf32, #tpu.memory_space<vmem_shared>> -> memref<896xf32, #tpu.memory_space<vmem_shared>>
      tpu.wait_dma2 semaphore(%run_scoped3A : memref<!tpu.dma_semaphore, #tpu.memory_space<semaphore_mem>>) src(%arg18 : memref<896xf32, #tpu.memory_space<vmem>>) dst(%dma_wait3A_134 : memref<896xf32, #tpu.memory_space<vmem_shared>>)
      tpu.yield
    }) : () -> ()
    "tpu.region"() ({
      %run_scoped3A = tpu.sem_alloc : memref<!tpu.dma_semaphore, #tpu.memory_space<semaphore_mem>>
      %dma_start3A_131 = tpu.memref_slice %arg11[%mul3A_10] : memref<100352xf32, #tpu.memory_space<vmem_shared>> -> memref<896xf32, #tpu.memory_space<vmem_shared>>
      %dma_start3A_132 = tpu.memref_slice %arg11[%mul3A_10] : memref<100352xf32, #tpu.memory_space<vmem_shared>> -> memref<896xf32, #tpu.memory_space<vmem_shared>>
      tpu.enqueue_dma source(%arg19 : memref<896xf32, #tpu.memory_space<vmem>>) target(%dma_start3A_132 : memref<896xf32, #tpu.memory_space<vmem_shared>>) target_semaphore(%run_scoped3A : memref<!tpu.dma_semaphore, #tpu.memory_space<semaphore_mem>>)
      %dma_wait3A_133 = tpu.memref_slice %arg11[%mul3A_10] : memref<100352xf32, #tpu.memory_space<vmem_shared>> -> memref<896xf32, #tpu.memory_space<vmem_shared>>
      %dma_wait3A_134 = tpu.memref_slice %arg11[%mul3A_10] : memref<100352xf32, #tpu.memory_space<vmem_shared>> -> memref<896xf32, #tpu.memory_space<vmem_shared>>
      tpu.wait_dma2 semaphore(%run_scoped3A : memref<!tpu.dma_semaphore, #tpu.memory_space<semaphore_mem>>) src(%arg19 : memref<896xf32, #tpu.memory_space<vmem>>) dst(%dma_wait3A_134 : memref<896xf32, #tpu.memory_space<vmem_shared>>)
      tpu.yield
    }) : () -> ()
    "tpu.region"() ({
      %run_scoped3A = tpu.sem_alloc : memref<!tpu.dma_semaphore, #tpu.memory_space<semaphore_mem>>
      %dma_start3A_131 = tpu.memref_slice %arg12[%mul3A_10] : memref<100352xf32, #tpu.memory_space<vmem_shared>> -> memref<896xf32, #tpu.memory_space<vmem_shared>>
      %dma_start3A_132 = tpu.memref_slice %arg12[%mul3A_10] : memref<100352xf32, #tpu.memory_space<vmem_shared>> -> memref<896xf32, #tpu.memory_space<vmem_shared>>
      tpu.enqueue_dma source(%arg20 : memref<896xf32, #tpu.memory_space<vmem>>) target(%dma_start3A_132 : memref<896xf32, #tpu.memory_space<vmem_shared>>) target_semaphore(%run_scoped3A : memref<!tpu.dma_semaphore, #tpu.memory_space<semaphore_mem>>)
      %dma_wait3A_133 = tpu.memref_slice %arg12[%mul3A_10] : memref<100352xf32, #tpu.memory_space<vmem_shared>> -> memref<896xf32, #tpu.memory_space<vmem_shared>>
      %dma_wait3A_134 = tpu.memref_slice %arg12[%mul3A_10] : memref<100352xf32, #tpu.memory_space<vmem_shared>> -> memref<896xf32, #tpu.memory_space<vmem_shared>>
      tpu.wait_dma2 semaphore(%run_scoped3A : memref<!tpu.dma_semaphore, #tpu.memory_space<semaphore_mem>>) src(%arg20 : memref<896xf32, #tpu.memory_space<vmem>>) dst(%dma_wait3A_134 : memref<896xf32, #tpu.memory_space<vmem_shared>>)
      tpu.yield
    }) : () -> ()
    "tpu.region"() ({
      %run_scoped3A = tpu.sem_alloc : memref<!tpu.dma_semaphore, #tpu.memory_space<semaphore_mem>>
      %dma_start3A_131 = tpu.memref_slice %arg13[%mul3A_10] : memref<100352xf32, #tpu.memory_space<vmem_shared>> -> memref<896xf32, #tpu.memory_space<vmem_shared>>
      %dma_start3A_132 = tpu.memref_slice %arg13[%mul3A_10] : memref<100352xf32, #tpu.memory_space<vmem_shared>> -> memref<896xf32, #tpu.memory_space<vmem_shared>>
      tpu.enqueue_dma source(%arg21 : memref<896xf32, #tpu.memory_space<vmem>>) target(%dma_start3A_132 : memref<896xf32, #tpu.memory_space<vmem_shared>>) target_semaphore(%run_scoped3A : memref<!tpu.dma_semaphore, #tpu.memory_space<semaphore_mem>>)
      %dma_wait3A_133 = tpu.memref_slice %arg13[%mul3A_10] : memref<100352xf32, #tpu.memory_space<vmem_shared>> -> memref<896xf32, #tpu.memory_space<vmem_shared>>
      %dma_wait3A_134 = tpu.memref_slice %arg13[%mul3A_10] : memref<100352xf32, #tpu.memory_space<vmem_shared>> -> memref<896xf32, #tpu.memory_space<vmem_shared>>
      tpu.wait_dma2 semaphore(%run_scoped3A : memref<!tpu.dma_semaphore, #tpu.memory_space<semaphore_mem>>) src(%arg21 : memref<896xf32, #tpu.memory_space<vmem>>) dst(%dma_wait3A_134 : memref<896xf32, #tpu.memory_space<vmem_shared>>)
      tpu.yield
    }) : () -> ()
    %add3A_14 = arith.constant 32 : i32
    %add3A_15 = arith.addi %arg1, %add3A_14 : i32
    %mul3A_16 = arith.constant 896 : i32
    %mul3A_17 = arith.muli %add3A_15, %mul3A_16 : i32
    "tpu.region"() ({
      %run_scoped3A = tpu.sem_alloc : memref<!tpu.dma_semaphore, #tpu.memory_space<semaphore_mem>>
      %dma_start3A_131 = arith.constant 0 : i32
      %dma_start3A_132 = tpu.memref_slice %arg2[%dma_start3A_131, %mul3A_17] : memref<7x100000xf32, #tpu.memory_space<hbm>> -> memref<7x896xf32, #tpu.memory_space<hbm>>
      %dma_start3A_133 = arith.constant 0 : i32
      %dma_start3A_134 = tpu.memref_slice %arg2[%dma_start3A_133, %mul3A_17] : memref<7x100000xf32, #tpu.memory_space<hbm>> -> memref<7x896xf32, #tpu.memory_space<hbm>>
      tpu.enqueue_dma source(%dma_start3A_134 : memref<7x896xf32, #tpu.memory_space<hbm>>) target(%arg14 : memref<7x896xf32, #tpu.memory_space<vmem>>) target_semaphore(%run_scoped3A : memref<!tpu.dma_semaphore, #tpu.memory_space<semaphore_mem>>)
      %dma_wait3A_135 = arith.constant 0 : i32
      %dma_wait3A_136 = tpu.memref_slice %arg2[%dma_wait3A_135, %mul3A_17] : memref<7x100000xf32, #tpu.memory_space<hbm>> -> memref<7x896xf32, #tpu.memory_space<hbm>>
      %dma_wait3A_137 = arith.constant 0 : i32
      %dma_wait3A_138 = tpu.memref_slice %arg2[%dma_wait3A_137, %mul3A_17] : memref<7x100000xf32, #tpu.memory_space<hbm>> -> memref<7x896xf32, #tpu.memory_space<hbm>>
      tpu.wait_dma2 semaphore(%run_scoped3A : memref<!tpu.dma_semaphore, #tpu.memory_space<semaphore_mem>>) src(%dma_wait3A_138 : memref<7x896xf32, #tpu.memory_space<hbm>>) dst(%arg14 : memref<7x896xf32, #tpu.memory_space<vmem>>)
      tpu.yield
    }) : () -> ()
    %parallel_loop3A_18 = arith.constant 0 : i32
    %parallel_loop3A_19 = arith.constant 896 : i32
    %parallel_loop3A_20 = arith.constant 16 : i32
    scf.for %parallel_loop3A_131 = %parallel_loop3A_18 to %parallel_loop3A_19 step %parallel_loop3A_20  : i32 {
      %parallel_loop3A_132 = arith.constant 0 : i32
      %parallel_loop3A_133 = arith.index_cast %parallel_loop3A_132 : i32 to index
      %parallel_loop3A_134 = arith.index_cast %parallel_loop3A_131 : i32 to index
      %parallel_loop3A_135 = tpu.vector_load %arg14[%parallel_loop3A_133, %parallel_loop3A_134] {strides = array<i32>} : memref<7x896xf32, #tpu.memory_space<vmem>>, vector<16xf32>,
      %parallel_loop3A_136 = arith.index_cast %parallel_loop3A_131 : i32 to index
      %parallel_loop3A_137 = tpu.vector_load %arg15[%parallel_loop3A_136] {strides = array<i32>} : memref<896xf32, #tpu.memory_space<vmem>>, vector<16xf32>,
      tpu.vector_store %arg15[%parallel_loop3A_136], %parallel_loop3A_135 {strides = array<i32>} : memref<896xf32, #tpu.memory_space<vmem>>, vector<16xf32>,
      %parallel_loop3A_138 = arith.constant 1 : i32
      %parallel_loop3A_139 = arith.index_cast %parallel_loop3A_138 : i32 to index
      %parallel_loop3A_140 = arith.index_cast %parallel_loop3A_131 : i32 to index
      %parallel_loop3A_141 = tpu.vector_load %arg14[%parallel_loop3A_139, %parallel_loop3A_140] {strides = array<i32>} : memref<7x896xf32, #tpu.memory_space<vmem>>, vector<16xf32>,
      %parallel_loop3A_142 = arith.index_cast %parallel_loop3A_131 : i32 to index
      %parallel_loop3A_143 = tpu.vector_load %arg16[%parallel_loop3A_142] {strides = array<i32>} : memref<896xf32, #tpu.memory_space<vmem>>, vector<16xf32>,
      tpu.vector_store %arg16[%parallel_loop3A_142], %parallel_loop3A_141 {strides = array<i32>} : memref<896xf32, #tpu.memory_space<vmem>>, vector<16xf32>,
      %parallel_loop3A_144 = arith.constant 2 : i32
      %parallel_loop3A_145 = arith.index_cast %parallel_loop3A_144 : i32 to index
      %parallel_loop3A_146 = arith.index_cast %parallel_loop3A_131 : i32 to index
      %parallel_loop3A_147 = tpu.vector_load %arg14[%parallel_loop3A_145, %parallel_loop3A_146] {strides = array<i32>} : memref<7x896xf32, #tpu.memory_space<vmem>>, vector<16xf32>,
      %parallel_loop3A_148 = arith.index_cast %parallel_loop3A_131 : i32 to index
      %parallel_loop3A_149 = tpu.vector_load %arg17[%parallel_loop3A_148] {strides = array<i32>} : memref<896xf32, #tpu.memory_space<vmem>>, vector<16xf32>,
      tpu.vector_store %arg17[%parallel_loop3A_148], %parallel_loop3A_147 {strides = array<i32>} : memref<896xf32, #tpu.memory_space<vmem>>, vector<16xf32>,
      %parallel_loop3A_150 = arith.constant 3 : i32
      %parallel_loop3A_151 = arith.index_cast %parallel_loop3A_150 : i32 to index
      %parallel_loop3A_152 = arith.index_cast %parallel_loop3A_131 : i32 to index
      %parallel_loop3A_153 = tpu.vector_load %arg14[%parallel_loop3A_151, %parallel_loop3A_152] {strides = array<i32>} : memref<7x896xf32, #tpu.memory_space<vmem>>, vector<16xf32>,
      %parallel_loop3A_154 = arith.index_cast %parallel_loop3A_131 : i32 to index
      %parallel_loop3A_155 = tpu.vector_load %arg18[%parallel_loop3A_154] {strides = array<i32>} : memref<896xf32, #tpu.memory_space<vmem>>, vector<16xf32>,
      tpu.vector_store %arg18[%parallel_loop3A_154], %parallel_loop3A_153 {strides = array<i32>} : memref<896xf32, #tpu.memory_space<vmem>>, vector<16xf32>,
      %parallel_loop3A_156 = arith.constant 4 : i32
      %parallel_loop3A_157 = arith.index_cast %parallel_loop3A_156 : i32 to index
      %parallel_loop3A_158 = arith.index_cast %parallel_loop3A_131 : i32 to index
      %parallel_loop3A_159 = tpu.vector_load %arg14[%parallel_loop3A_157, %parallel_loop3A_158] {strides = array<i32>} : memref<7x896xf32, #tpu.memory_space<vmem>>, vector<16xf32>,
      %parallel_loop3A_160 = arith.index_cast %parallel_loop3A_131 : i32 to index
      %parallel_loop3A_161 = tpu.vector_load %arg19[%parallel_loop3A_160] {strides = array<i32>} : memref<896xf32, #tpu.memory_space<vmem>>, vector<16xf32>,
      tpu.vector_store %arg19[%parallel_loop3A_160], %parallel_loop3A_159 {strides = array<i32>} : memref<896xf32, #tpu.memory_space<vmem>>, vector<16xf32>,
      %parallel_loop3A_162 = arith.constant 5 : i32
      %parallel_loop3A_163 = arith.index_cast %parallel_loop3A_162 : i32 to index
      %parallel_loop3A_164 = arith.index_cast %parallel_loop3A_131 : i32 to index
      %parallel_loop3A_165 = tpu.vector_load %arg14[%parallel_loop3A_163, %parallel_loop3A_164] {strides = array<i32>} : memref<7x896xf32, #tpu.memory_space<vmem>>, vector<16xf32>,
      %parallel_loop3A_166 = arith.index_cast %parallel_loop3A_131 : i32 to index
      %parallel_loop3A_167 = tpu.vector_load %arg20[%parallel_loop3A_166] {strides = array<i32>} : memref<896xf32, #tpu.memory_space<vmem>>, vector<16xf32>,
      tpu.vector_store %arg20[%parallel_loop3A_166], %parallel_loop3A_165 {strides = array<i32>} : memref<896xf32, #tpu.memory_space<vmem>>, vector<16xf32>,
      %parallel_loop3A_168 = arith.constant 6 : i32
      %parallel_loop3A_169 = arith.index_cast %parallel_loop3A_168 : i32 to index
      %parallel_loop3A_170 = arith.index_cast %parallel_loop3A_131 : i32 to index
      %parallel_loop3A_171 = tpu.vector_load %arg14[%parallel_loop3A_169, %parallel_loop3A_170] {strides = array<i32>} : memref<7x896xf32, #tpu.memory_space<vmem>>, vector<16xf32>,
      %parallel_loop3A_172 = arith.index_cast %parallel_loop3A_131 : i32 to index
      %parallel_loop3A_173 = tpu.vector_load %arg21[%parallel_loop3A_172] {strides = array<i32>} : memref<896xf32, #tpu.memory_space<vmem>>, vector<16xf32>,
      tpu.vector_store %arg21[%parallel_loop3A_172], %parallel_loop3A_171 {strides = array<i32>} : memref<896xf32, #tpu.memory_space<vmem>>, vector<16xf32>,
    } {sc.loop_unroll_factor = 2 : i64, sc.parallel_access}
    "tpu.region"() ({
      %run_scoped3A = tpu.sem_alloc : memref<!tpu.dma_semaphore, #tpu.memory_space<semaphore_mem>>
      %dma_start3A_131 = tpu.memref_slice %arg7[%mul3A_17] : memref<100352xf32, #tpu.memory_space<vmem_shared>> -> memref<896xf32, #tpu.memory_space<vmem_shared>>
      %dma_start3A_132 = tpu.memref_slice %arg7[%mul3A_17] : memref<100352xf32, #tpu.memory_space<vmem_shared>> -> memref<896xf32, #tpu.memory_space<vmem_shared>>
      tpu.enqueue_dma source(%arg15 : memref<896xf32, #tpu.memory_space<vmem>>) target(%dma_start3A_132 : memref<896xf32, #tpu.memory_space<vmem_shared>>) target_semaphore(%run_scoped3A : memref<!tpu.dma_semaphore, #tpu.memory_space<semaphore_mem>>)
      %dma_wait3A_133 = tpu.memref_slice %arg7[%mul3A_17] : memref<100352xf32, #tpu.memory_space<vmem_shared>> -> memref<896xf32, #tpu.memory_space<vmem_shared>>
      %dma_wait3A_134 = tpu.memref_slice %arg7[%mul3A_17] : memref<100352xf32, #tpu.memory_space<vmem_shared>> -> memref<896xf32, #tpu.memory_space<vmem_shared>>
      tpu.wait_dma2 semaphore(%run_scoped3A : memref<!tpu.dma_semaphore, #tpu.memory_space<semaphore_mem>>) src(%arg15 : memref<896xf32, #tpu.memory_space<vmem>>) dst(%dma_wait3A_134 : memref<896xf32, #tpu.memory_space<vmem_shared>>)
      tpu.yield
    }) : () -> ()
    "tpu.region"() ({
      %run_scoped3A = tpu.sem_alloc : memref<!tpu.dma_semaphore, #tpu.memory_space<semaphore_mem>>
      %dma_start3A_131 = tpu.memref_slice %arg8[%mul3A_17] : memref<100352xf32, #tpu.memory_space<vmem_shared>> -> memref<896xf32, #tpu.memory_space<vmem_shared>>
      %dma_start3A_132 = tpu.memref_slice %arg8[%mul3A_17] : memref<100352xf32, #tpu.memory_space<vmem_shared>> -> memref<896xf32, #tpu.memory_space<vmem_shared>>
      tpu.enqueue_dma source(%arg16 : memref<896xf32, #tpu.memory_space<vmem>>) target(%dma_start3A_132 : memref<896xf32, #tpu.memory_space<vmem_shared>>) target_semaphore(%run_scoped3A : memref<!tpu.dma_semaphore, #tpu.memory_space<semaphore_mem>>)
      %dma_wait3A_133 = tpu.memref_slice %arg8[%mul3A_17] : memref<100352xf32, #tpu.memory_space<vmem_shared>> -> memref<896xf32, #tpu.memory_space<vmem_shared>>
      %dma_wait3A_134 = tpu.memref_slice %arg8[%mul3A_17] : memref<100352xf32, #tpu.memory_space<vmem_shared>> -> memref<896xf32, #tpu.memory_space<vmem_shared>>
      tpu.wait_dma2 semaphore(%run_scoped3A : memref<!tpu.dma_semaphore, #tpu.memory_space<semaphore_mem>>) src(%arg16 : memref<896xf32, #tpu.memory_space<vmem>>) dst(%dma_wait3A_134 : memref<896xf32, #tpu.memory_space<vmem_shared>>)
      tpu.yield
    }) : () -> ()
    "tpu.region"() ({
      %run_scoped3A = tpu.sem_alloc : memref<!tpu.dma_semaphore, #tpu.memory_space<semaphore_mem>>
      %dma_start3A_131 = tpu.memref_slice %arg9[%mul3A_17] : memref<100352xf32, #tpu.memory_space<vmem_shared>> -> memref<896xf32, #tpu.memory_space<vmem_shared>>
      %dma_start3A_132 = tpu.memref_slice %arg9[%mul3A_17] : memref<100352xf32, #tpu.memory_space<vmem_shared>> -> memref<896xf32, #tpu.memory_space<vmem_shared>>
      tpu.enqueue_dma source(%arg17 : memref<896xf32, #tpu.memory_space<vmem>>) target(%dma_start3A_132 : memref<896xf32, #tpu.memory_space<vmem_shared>>) target_semaphore(%run_scoped3A : memref<!tpu.dma_semaphore, #tpu.memory_space<semaphore_mem>>)
      %dma_wait3A_133 = tpu.memref_slice %arg9[%mul3A_17] : memref<100352xf32, #tpu.memory_space<vmem_shared>> -> memref<896xf32, #tpu.memory_space<vmem_shared>>
      %dma_wait3A_134 = tpu.memref_slice %arg9[%mul3A_17] : memref<100352xf32, #tpu.memory_space<vmem_shared>> -> memref<896xf32, #tpu.memory_space<vmem_shared>>
      tpu.wait_dma2 semaphore(%run_scoped3A : memref<!tpu.dma_semaphore, #tpu.memory_space<semaphore_mem>>) src(%arg17 : memref<896xf32, #tpu.memory_space<vmem>>) dst(%dma_wait3A_134 : memref<896xf32, #tpu.memory_space<vmem_shared>>)
      tpu.yield
    }) : () -> ()
    "tpu.region"() ({
      %run_scoped3A = tpu.sem_alloc : memref<!tpu.dma_semaphore, #tpu.memory_space<semaphore_mem>>
      %dma_start3A_131 = tpu.memref_slice %arg10[%mul3A_17] : memref<100352xf32, #tpu.memory_space<vmem_shared>> -> memref<896xf32, #tpu.memory_space<vmem_shared>>
      %dma_start3A_132 = tpu.memref_slice %arg10[%mul3A_17] : memref<100352xf32, #tpu.memory_space<vmem_shared>> -> memref<896xf32, #tpu.memory_space<vmem_shared>>
      tpu.enqueue_dma source(%arg18 : memref<896xf32, #tpu.memory_space<vmem>>) target(%dma_start3A_132 : memref<896xf32, #tpu.memory_space<vmem_shared>>) target_semaphore(%run_scoped3A : memref<!tpu.dma_semaphore, #tpu.memory_space<semaphore_mem>>)
      %dma_wait3A_133 = tpu.memref_slice %arg10[%mul3A_17] : memref<100352xf32, #tpu.memory_space<vmem_shared>> -> memref<896xf32, #tpu.memory_space<vmem_shared>>
      %dma_wait3A_134 = tpu.memref_slice %arg10[%mul3A_17] : memref<100352xf32, #tpu.memory_space<vmem_shared>> -> memref<896xf32, #tpu.memory_space<vmem_shared>>
      tpu.wait_dma2 semaphore(%run_scoped3A : memref<!tpu.dma_semaphore, #tpu.memory_space<semaphore_mem>>) src(%arg18 : memref<896xf32, #tpu.memory_space<vmem>>) dst(%dma_wait3A_134 : memref<896xf32, #tpu.memory_space<vmem_shared>>)
      tpu.yield
    }) : () -> ()
    "tpu.region"() ({
      %run_scoped3A = tpu.sem_alloc : memref<!tpu.dma_semaphore, #tpu.memory_space<semaphore_mem>>
      %dma_start3A_131 = tpu.memref_slice %arg11[%mul3A_17] : memref<100352xf32, #tpu.memory_space<vmem_shared>> -> memref<896xf32, #tpu.memory_space<vmem_shared>>
      %dma_start3A_132 = tpu.memref_slice %arg11[%mul3A_17] : memref<100352xf32, #tpu.memory_space<vmem_shared>> -> memref<896xf32, #tpu.memory_space<vmem_shared>>
      tpu.enqueue_dma source(%arg19 : memref<896xf32, #tpu.memory_space<vmem>>) target(%dma_start3A_132 : memref<896xf32, #tpu.memory_space<vmem_shared>>) target_semaphore(%run_scoped3A : memref<!tpu.dma_semaphore, #tpu.memory_space<semaphore_mem>>)
      %dma_wait3A_133 = tpu.memref_slice %arg11[%mul3A_17] : memref<100352xf32, #tpu.memory_space<vmem_shared>> -> memref<896xf32, #tpu.memory_space<vmem_shared>>
      %dma_wait3A_134 = tpu.memref_slice %arg11[%mul3A_17] : memref<100352xf32, #tpu.memory_space<vmem_shared>> -> memref<896xf32, #tpu.memory_space<vmem_shared>>
      tpu.wait_dma2 semaphore(%run_scoped3A : memref<!tpu.dma_semaphore, #tpu.memory_space<semaphore_mem>>) src(%arg19 : memref<896xf32, #tpu.memory_space<vmem>>) dst(%dma_wait3A_134 : memref<896xf32, #tpu.memory_space<vmem_shared>>)
      tpu.yield
    }) : () -> ()
    "tpu.region"() ({
      %run_scoped3A = tpu.sem_alloc : memref<!tpu.dma_semaphore, #tpu.memory_space<semaphore_mem>>
      %dma_start3A_131 = tpu.memref_slice %arg12[%mul3A_17] : memref<100352xf32, #tpu.memory_space<vmem_shared>> -> memref<896xf32, #tpu.memory_space<vmem_shared>>
      %dma_start3A_132 = tpu.memref_slice %arg12[%mul3A_17] : memref<100352xf32, #tpu.memory_space<vmem_shared>> -> memref<896xf32, #tpu.memory_space<vmem_shared>>
      tpu.enqueue_dma source(%arg20 : memref<896xf32, #tpu.memory_space<vmem>>) target(%dma_start3A_132 : memref<896xf32, #tpu.memory_space<vmem_shared>>) target_semaphore(%run_scoped3A : memref<!tpu.dma_semaphore, #tpu.memory_space<semaphore_mem>>)
      %dma_wait3A_133 = tpu.memref_slice %arg12[%mul3A_17] : memref<100352xf32, #tpu.memory_space<vmem_shared>> -> memref<896xf32, #tpu.memory_space<vmem_shared>>
      %dma_wait3A_134 = tpu.memref_slice %arg12[%mul3A_17] : memref<100352xf32, #tpu.memory_space<vmem_shared>> -> memref<896xf32, #tpu.memory_space<vmem_shared>>
      tpu.wait_dma2 semaphore(%run_scoped3A : memref<!tpu.dma_semaphore, #tpu.memory_space<semaphore_mem>>) src(%arg20 : memref<896xf32, #tpu.memory_space<vmem>>) dst(%dma_wait3A_134 : memref<896xf32, #tpu.memory_space<vmem_shared>>)
      tpu.yield
    }) : () -> ()
    "tpu.region"() ({
      %run_scoped3A = tpu.sem_alloc : memref<!tpu.dma_semaphore, #tpu.memory_space<semaphore_mem>>
      %dma_start3A_131 = tpu.memref_slice %arg13[%mul3A_17] : memref<100352xf32, #tpu.memory_space<vmem_shared>> -> memref<896xf32, #tpu.memory_space<vmem_shared>>
      %dma_start3A_132 = tpu.memref_slice %arg13[%mul3A_17] : memref<100352xf32, #tpu.memory_space<vmem_shared>> -> memref<896xf32, #tpu.memory_space<vmem_shared>>
      tpu.enqueue_dma source(%arg21 : memref<896xf32, #tpu.memory_space<vmem>>) target(%dma_start3A_132 : memref<896xf32, #tpu.memory_space<vmem_shared>>) target_semaphore(%run_scoped3A : memref<!tpu.dma_semaphore, #tpu.memory_space<semaphore_mem>>)
      %dma_wait3A_133 = tpu.memref_slice %arg13[%mul3A_17] : memref<100352xf32, #tpu.memory_space<vmem_shared>> -> memref<896xf32, #tpu.memory_space<vmem_shared>>
      %dma_wait3A_134 = tpu.memref_slice %arg13[%mul3A_17] : memref<100352xf32, #tpu.memory_space<vmem_shared>> -> memref<896xf32, #tpu.memory_space<vmem_shared>>
      tpu.wait_dma2 semaphore(%run_scoped3A : memref<!tpu.dma_semaphore, #tpu.memory_space<semaphore_mem>>) src(%arg21 : memref<896xf32, #tpu.memory_space<vmem>>) dst(%dma_wait3A_134 : memref<896xf32, #tpu.memory_space<vmem_shared>>)
      tpu.yield
    }) : () -> ()
    %add3A_21 = arith.constant 48 : i32
    %add3A_22 = arith.addi %arg1, %add3A_21 : i32
    %mul3A_23 = arith.constant 896 : i32
    %mul3A_24 = arith.muli %add3A_22, %mul3A_23 : i32
    "tpu.region"() ({
      %run_scoped3A = tpu.sem_alloc : memref<!tpu.dma_semaphore, #tpu.memory_space<semaphore_mem>>
      %dma_start3A_131 = arith.constant 0 : i32
      %dma_start3A_132 = tpu.memref_slice %arg2[%dma_start3A_131, %mul3A_24] : memref<7x100000xf32, #tpu.memory_space<hbm>> -> memref<7x896xf32, #tpu.memory_space<hbm>>
      %dma_start3A_133 = arith.constant 0 : i32
      %dma_start3A_134 = tpu.memref_slice %arg2[%dma_start3A_133, %mul3A_24] : memref<7x100000xf32, #tpu.memory_space<hbm>> -> memref<7x896xf32, #tpu.memory_space<hbm>>
      tpu.enqueue_dma source(%dma_start3A_134 : memref<7x896xf32, #tpu.memory_space<hbm>>) target(%arg14 : memref<7x896xf32, #tpu.memory_space<vmem>>) target_semaphore(%run_scoped3A : memref<!tpu.dma_semaphore, #tpu.memory_space<semaphore_mem>>)
      %dma_wait3A_135 = arith.constant 0 : i32
      %dma_wait3A_136 = tpu.memref_slice %arg2[%dma_wait3A_135, %mul3A_24] : memref<7x100000xf32, #tpu.memory_space<hbm>> -> memref<7x896xf32, #tpu.memory_space<hbm>>
      %dma_wait3A_137 = arith.constant 0 : i32
      %dma_wait3A_138 = tpu.memref_slice %arg2[%dma_wait3A_137, %mul3A_24] : memref<7x100000xf32, #tpu.memory_space<hbm>> -> memref<7x896xf32, #tpu.memory_space<hbm>>
      tpu.wait_dma2 semaphore(%run_scoped3A : memref<!tpu.dma_semaphore, #tpu.memory_space<semaphore_mem>>) src(%dma_wait3A_138 : memref<7x896xf32, #tpu.memory_space<hbm>>) dst(%arg14 : memref<7x896xf32, #tpu.memory_space<vmem>>)
      tpu.yield
    }) : () -> ()
    %parallel_loop3A_25 = arith.constant 0 : i32
    %parallel_loop3A_26 = arith.constant 896 : i32
    %parallel_loop3A_27 = arith.constant 16 : i32
    scf.for %parallel_loop3A_131 = %parallel_loop3A_25 to %parallel_loop3A_26 step %parallel_loop3A_27  : i32 {
      %parallel_loop3A_132 = arith.constant 0 : i32
      %parallel_loop3A_133 = arith.index_cast %parallel_loop3A_132 : i32 to index
      %parallel_loop3A_134 = arith.index_cast %parallel_loop3A_131 : i32 to index
      %parallel_loop3A_135 = tpu.vector_load %arg14[%parallel_loop3A_133, %parallel_loop3A_134] {strides = array<i32>} : memref<7x896xf32, #tpu.memory_space<vmem>>, vector<16xf32>,
      %parallel_loop3A_136 = arith.index_cast %parallel_loop3A_131 : i32 to index
      %parallel_loop3A_137 = tpu.vector_load %arg15[%parallel_loop3A_136] {strides = array<i32>} : memref<896xf32, #tpu.memory_space<vmem>>, vector<16xf32>,
      tpu.vector_store %arg15[%parallel_loop3A_136], %parallel_loop3A_135 {strides = array<i32>} : memref<896xf32, #tpu.memory_space<vmem>>, vector<16xf32>,
      %parallel_loop3A_138 = arith.constant 1 : i32
      %parallel_loop3A_139 = arith.index_cast %parallel_loop3A_138 : i32 to index
      %parallel_loop3A_140 = arith.index_cast %parallel_loop3A_131 : i32 to index
      %parallel_loop3A_141 = tpu.vector_load %arg14[%parallel_loop3A_139, %parallel_loop3A_140] {strides = array<i32>} : memref<7x896xf32, #tpu.memory_space<vmem>>, vector<16xf32>,
      %parallel_loop3A_142 = arith.index_cast %parallel_loop3A_131 : i32 to index
      %parallel_loop3A_143 = tpu.vector_load %arg16[%parallel_loop3A_142] {strides = array<i32>} : memref<896xf32, #tpu.memory_space<vmem>>, vector<16xf32>,
      tpu.vector_store %arg16[%parallel_loop3A_142], %parallel_loop3A_141 {strides = array<i32>} : memref<896xf32, #tpu.memory_space<vmem>>, vector<16xf32>,
      %parallel_loop3A_144 = arith.constant 2 : i32
      %parallel_loop3A_145 = arith.index_cast %parallel_loop3A_144 : i32 to index
      %parallel_loop3A_146 = arith.index_cast %parallel_loop3A_131 : i32 to index
      %parallel_loop3A_147 = tpu.vector_load %arg14[%parallel_loop3A_145, %parallel_loop3A_146] {strides = array<i32>} : memref<7x896xf32, #tpu.memory_space<vmem>>, vector<16xf32>,
      %parallel_loop3A_148 = arith.index_cast %parallel_loop3A_131 : i32 to index
      %parallel_loop3A_149 = tpu.vector_load %arg17[%parallel_loop3A_148] {strides = array<i32>} : memref<896xf32, #tpu.memory_space<vmem>>, vector<16xf32>,
      tpu.vector_store %arg17[%parallel_loop3A_148], %parallel_loop3A_147 {strides = array<i32>} : memref<896xf32, #tpu.memory_space<vmem>>, vector<16xf32>,
      %parallel_loop3A_150 = arith.constant 3 : i32
      %parallel_loop3A_151 = arith.index_cast %parallel_loop3A_150 : i32 to index
      %parallel_loop3A_152 = arith.index_cast %parallel_loop3A_131 : i32 to index
      %parallel_loop3A_153 = tpu.vector_load %arg14[%parallel_loop3A_151, %parallel_loop3A_152] {strides = array<i32>} : memref<7x896xf32, #tpu.memory_space<vmem>>, vector<16xf32>,
      %parallel_loop3A_154 = arith.index_cast %parallel_loop3A_131 : i32 to index
      %parallel_loop3A_155 = tpu.vector_load %arg18[%parallel_loop3A_154] {strides = array<i32>} : memref<896xf32, #tpu.memory_space<vmem>>, vector<16xf32>,
      tpu.vector_store %arg18[%parallel_loop3A_154], %parallel_loop3A_153 {strides = array<i32>} : memref<896xf32, #tpu.memory_space<vmem>>, vector<16xf32>,
      %parallel_loop3A_156 = arith.constant 4 : i32
      %parallel_loop3A_157 = arith.index_cast %parallel_loop3A_156 : i32 to index
      %parallel_loop3A_158 = arith.index_cast %parallel_loop3A_131 : i32 to index
      %parallel_loop3A_159 = tpu.vector_load %arg14[%parallel_loop3A_157, %parallel_loop3A_158] {strides = array<i32>} : memref<7x896xf32, #tpu.memory_space<vmem>>, vector<16xf32>,
      %parallel_loop3A_160 = arith.index_cast %parallel_loop3A_131 : i32 to index
      %parallel_loop3A_161 = tpu.vector_load %arg19[%parallel_loop3A_160] {strides = array<i32>} : memref<896xf32, #tpu.memory_space<vmem>>, vector<16xf32>,
      tpu.vector_store %arg19[%parallel_loop3A_160], %parallel_loop3A_159 {strides = array<i32>} : memref<896xf32, #tpu.memory_space<vmem>>, vector<16xf32>,
      %parallel_loop3A_162 = arith.constant 5 : i32
      %parallel_loop3A_163 = arith.index_cast %parallel_loop3A_162 : i32 to index
      %parallel_loop3A_164 = arith.index_cast %parallel_loop3A_131 : i32 to index
      %parallel_loop3A_165 = tpu.vector_load %arg14[%parallel_loop3A_163, %parallel_loop3A_164] {strides = array<i32>} : memref<7x896xf32, #tpu.memory_space<vmem>>, vector<16xf32>,
      %parallel_loop3A_166 = arith.index_cast %parallel_loop3A_131 : i32 to index
      %parallel_loop3A_167 = tpu.vector_load %arg20[%parallel_loop3A_166] {strides = array<i32>} : memref<896xf32, #tpu.memory_space<vmem>>, vector<16xf32>,
      tpu.vector_store %arg20[%parallel_loop3A_166], %parallel_loop3A_165 {strides = array<i32>} : memref<896xf32, #tpu.memory_space<vmem>>, vector<16xf32>,
      %parallel_loop3A_168 = arith.constant 6 : i32
      %parallel_loop3A_169 = arith.index_cast %parallel_loop3A_168 : i32 to index
      %parallel_loop3A_170 = arith.index_cast %parallel_loop3A_131 : i32 to index
      %parallel_loop3A_171 = tpu.vector_load %arg14[%parallel_loop3A_169, %parallel_loop3A_170] {strides = array<i32>} : memref<7x896xf32, #tpu.memory_space<vmem>>, vector<16xf32>,
      %parallel_loop3A_172 = arith.index_cast %parallel_loop3A_131 : i32 to index
      %parallel_loop3A_173 = tpu.vector_load %arg21[%parallel_loop3A_172] {strides = array<i32>} : memref<896xf32, #tpu.memory_space<vmem>>, vector<16xf32>,
      tpu.vector_store %arg21[%parallel_loop3A_172], %parallel_loop3A_171 {strides = array<i32>} : memref<896xf32, #tpu.memory_space<vmem>>, vector<16xf32>,
    } {sc.loop_unroll_factor = 2 : i64, sc.parallel_access}
    "tpu.region"() ({
      %run_scoped3A = tpu.sem_alloc : memref<!tpu.dma_semaphore, #tpu.memory_space<semaphore_mem>>
      %dma_start3A_131 = tpu.memref_slice %arg7[%mul3A_24] : memref<100352xf32, #tpu.memory_space<vmem_shared>> -> memref<896xf32, #tpu.memory_space<vmem_shared>>
      %dma_start3A_132 = tpu.memref_slice %arg7[%mul3A_24] : memref<100352xf32, #tpu.memory_space<vmem_shared>> -> memref<896xf32, #tpu.memory_space<vmem_shared>>
      tpu.enqueue_dma source(%arg15 : memref<896xf32, #tpu.memory_space<vmem>>) target(%dma_start3A_132 : memref<896xf32, #tpu.memory_space<vmem_shared>>) target_semaphore(%run_scoped3A : memref<!tpu.dma_semaphore, #tpu.memory_space<semaphore_mem>>)
      %dma_wait3A_133 = tpu.memref_slice %arg7[%mul3A_24] : memref<100352xf32, #tpu.memory_space<vmem_shared>> -> memref<896xf32, #tpu.memory_space<vmem_shared>>
      %dma_wait3A_134 = tpu.memref_slice %arg7[%mul3A_24] : memref<100352xf32, #tpu.memory_space<vmem_shared>> -> memref<896xf32, #tpu.memory_space<vmem_shared>>
      tpu.wait_dma2 semaphore(%run_scoped3A : memref<!tpu.dma_semaphore, #tpu.memory_space<semaphore_mem>>) src(%arg15 : memref<896xf32, #tpu.memory_space<vmem>>) dst(%dma_wait3A_134 : memref<896xf32, #tpu.memory_space<vmem_shared>>)
      tpu.yield
    }) : () -> ()
    "tpu.region"() ({
      %run_scoped3A = tpu.sem_alloc : memref<!tpu.dma_semaphore, #tpu.memory_space<semaphore_mem>>
      %dma_start3A_131 = tpu.memref_slice %arg8[%mul3A_24] : memref<100352xf32, #tpu.memory_space<vmem_shared>> -> memref<896xf32, #tpu.memory_space<vmem_shared>>
      %dma_start3A_132 = tpu.memref_slice %arg8[%mul3A_24] : memref<100352xf32, #tpu.memory_space<vmem_shared>> -> memref<896xf32, #tpu.memory_space<vmem_shared>>
      tpu.enqueue_dma source(%arg16 : memref<896xf32, #tpu.memory_space<vmem>>) target(%dma_start3A_132 : memref<896xf32, #tpu.memory_space<vmem_shared>>) target_semaphore(%run_scoped3A : memref<!tpu.dma_semaphore, #tpu.memory_space<semaphore_mem>>)
      %dma_wait3A_133 = tpu.memref_slice %arg8[%mul3A_24] : memref<100352xf32, #tpu.memory_space<vmem_shared>> -> memref<896xf32, #tpu.memory_space<vmem_shared>>
      %dma_wait3A_134 = tpu.memref_slice %arg8[%mul3A_24] : memref<100352xf32, #tpu.memory_space<vmem_shared>> -> memref<896xf32, #tpu.memory_space<vmem_shared>>
      tpu.wait_dma2 semaphore(%run_scoped3A : memref<!tpu.dma_semaphore, #tpu.memory_space<semaphore_mem>>) src(%arg16 : memref<896xf32, #tpu.memory_space<vmem>>) dst(%dma_wait3A_134 : memref<896xf32, #tpu.memory_space<vmem_shared>>)
      tpu.yield
    }) : () -> ()
    "tpu.region"() ({
      %run_scoped3A = tpu.sem_alloc : memref<!tpu.dma_semaphore, #tpu.memory_space<semaphore_mem>>
      %dma_start3A_131 = tpu.memref_slice %arg9[%mul3A_24] : memref<100352xf32, #tpu.memory_space<vmem_shared>> -> memref<896xf32, #tpu.memory_space<vmem_shared>>
      %dma_start3A_132 = tpu.memref_slice %arg9[%mul3A_24] : memref<100352xf32, #tpu.memory_space<vmem_shared>> -> memref<896xf32, #tpu.memory_space<vmem_shared>>
      tpu.enqueue_dma source(%arg17 : memref<896xf32, #tpu.memory_space<vmem>>) target(%dma_start3A_132 : memref<896xf32, #tpu.memory_space<vmem_shared>>) target_semaphore(%run_scoped3A : memref<!tpu.dma_semaphore, #tpu.memory_space<semaphore_mem>>)
      %dma_wait3A_133 = tpu.memref_slice %arg9[%mul3A_24] : memref<100352xf32, #tpu.memory_space<vmem_shared>> -> memref<896xf32, #tpu.memory_space<vmem_shared>>
      %dma_wait3A_134 = tpu.memref_slice %arg9[%mul3A_24] : memref<100352xf32, #tpu.memory_space<vmem_shared>> -> memref<896xf32, #tpu.memory_space<vmem_shared>>
      tpu.wait_dma2 semaphore(%run_scoped3A : memref<!tpu.dma_semaphore, #tpu.memory_space<semaphore_mem>>) src(%arg17 : memref<896xf32, #tpu.memory_space<vmem>>) dst(%dma_wait3A_134 : memref<896xf32, #tpu.memory_space<vmem_shared>>)
      tpu.yield
    }) : () -> ()
    "tpu.region"() ({
      %run_scoped3A = tpu.sem_alloc : memref<!tpu.dma_semaphore, #tpu.memory_space<semaphore_mem>>
      %dma_start3A_131 = tpu.memref_slice %arg10[%mul3A_24] : memref<100352xf32, #tpu.memory_space<vmem_shared>> -> memref<896xf32, #tpu.memory_space<vmem_shared>>
      %dma_start3A_132 = tpu.memref_slice %arg10[%mul3A_24] : memref<100352xf32, #tpu.memory_space<vmem_shared>> -> memref<896xf32, #tpu.memory_space<vmem_shared>>
      tpu.enqueue_dma source(%arg18 : memref<896xf32, #tpu.memory_space<vmem>>) target(%dma_start3A_132 : memref<896xf32, #tpu.memory_space<vmem_shared>>) target_semaphore(%run_scoped3A : memref<!tpu.dma_semaphore, #tpu.memory_space<semaphore_mem>>)
      %dma_wait3A_133 = tpu.memref_slice %arg10[%mul3A_24] : memref<100352xf32, #tpu.memory_space<vmem_shared>> -> memref<896xf32, #tpu.memory_space<vmem_shared>>
      %dma_wait3A_134 = tpu.memref_slice %arg10[%mul3A_24] : memref<100352xf32, #tpu.memory_space<vmem_shared>> -> memref<896xf32, #tpu.memory_space<vmem_shared>>
      tpu.wait_dma2 semaphore(%run_scoped3A : memref<!tpu.dma_semaphore, #tpu.memory_space<semaphore_mem>>) src(%arg18 : memref<896xf32, #tpu.memory_space<vmem>>) dst(%dma_wait3A_134 : memref<896xf32, #tpu.memory_space<vmem_shared>>)
      tpu.yield
    }) : () -> ()
    "tpu.region"() ({
      %run_scoped3A = tpu.sem_alloc : memref<!tpu.dma_semaphore, #tpu.memory_space<semaphore_mem>>
      %dma_start3A_131 = tpu.memref_slice %arg11[%mul3A_24] : memref<100352xf32, #tpu.memory_space<vmem_shared>> -> memref<896xf32, #tpu.memory_space<vmem_shared>>
      %dma_start3A_132 = tpu.memref_slice %arg11[%mul3A_24] : memref<100352xf32, #tpu.memory_space<vmem_shared>> -> memref<896xf32, #tpu.memory_space<vmem_shared>>
      tpu.enqueue_dma source(%arg19 : memref<896xf32, #tpu.memory_space<vmem>>) target(%dma_start3A_132 : memref<896xf32, #tpu.memory_space<vmem_shared>>) target_semaphore(%run_scoped3A : memref<!tpu.dma_semaphore, #tpu.memory_space<semaphore_mem>>)
      %dma_wait3A_133 = tpu.memref_slice %arg11[%mul3A_24] : memref<100352xf32, #tpu.memory_space<vmem_shared>> -> memref<896xf32, #tpu.memory_space<vmem_shared>>
      %dma_wait3A_134 = tpu.memref_slice %arg11[%mul3A_24] : memref<100352xf32, #tpu.memory_space<vmem_shared>> -> memref<896xf32, #tpu.memory_space<vmem_shared>>
      tpu.wait_dma2 semaphore(%run_scoped3A : memref<!tpu.dma_semaphore, #tpu.memory_space<semaphore_mem>>) src(%arg19 : memref<896xf32, #tpu.memory_space<vmem>>) dst(%dma_wait3A_134 : memref<896xf32, #tpu.memory_space<vmem_shared>>)
      tpu.yield
    }) : () -> ()
    "tpu.region"() ({
      %run_scoped3A = tpu.sem_alloc : memref<!tpu.dma_semaphore, #tpu.memory_space<semaphore_mem>>
      %dma_start3A_131 = tpu.memref_slice %arg12[%mul3A_24] : memref<100352xf32, #tpu.memory_space<vmem_shared>> -> memref<896xf32, #tpu.memory_space<vmem_shared>>
      %dma_start3A_132 = tpu.memref_slice %arg12[%mul3A_24] : memref<100352xf32, #tpu.memory_space<vmem_shared>> -> memref<896xf32, #tpu.memory_space<vmem_shared>>
      tpu.enqueue_dma source(%arg20 : memref<896xf32, #tpu.memory_space<vmem>>) target(%dma_start3A_132 : memref<896xf32, #tpu.memory_space<vmem_shared>>) target_semaphore(%run_scoped3A : memref<!tpu.dma_semaphore, #tpu.memory_space<semaphore_mem>>)
      %dma_wait3A_133 = tpu.memref_slice %arg12[%mul3A_24] : memref<100352xf32, #tpu.memory_space<vmem_shared>> -> memref<896xf32, #tpu.memory_space<vmem_shared>>
      %dma_wait3A_134 = tpu.memref_slice %arg12[%mul3A_24] : memref<100352xf32, #tpu.memory_space<vmem_shared>> -> memref<896xf32, #tpu.memory_space<vmem_shared>>
      tpu.wait_dma2 semaphore(%run_scoped3A : memref<!tpu.dma_semaphore, #tpu.memory_space<semaphore_mem>>) src(%arg20 : memref<896xf32, #tpu.memory_space<vmem>>) dst(%dma_wait3A_134 : memref<896xf32, #tpu.memory_space<vmem_shared>>)
      tpu.yield
    }) : () -> ()
    "tpu.region"() ({
      %run_scoped3A = tpu.sem_alloc : memref<!tpu.dma_semaphore, #tpu.memory_space<semaphore_mem>>
      %dma_start3A_131 = tpu.memref_slice %arg13[%mul3A_24] : memref<100352xf32, #tpu.memory_space<vmem_shared>> -> memref<896xf32, #tpu.memory_space<vmem_shared>>
      %dma_start3A_132 = tpu.memref_slice %arg13[%mul3A_24] : memref<100352xf32, #tpu.memory_space<vmem_shared>> -> memref<896xf32, #tpu.memory_space<vmem_shared>>
      tpu.enqueue_dma source(%arg21 : memref<896xf32, #tpu.memory_space<vmem>>) target(%dma_start3A_132 : memref<896xf32, #tpu.memory_space<vmem_shared>>) target_semaphore(%run_scoped3A : memref<!tpu.dma_semaphore, #tpu.memory_space<semaphore_mem>>)
      %dma_wait3A_133 = tpu.memref_slice %arg13[%mul3A_24] : memref<100352xf32, #tpu.memory_space<vmem_shared>> -> memref<896xf32, #tpu.memory_space<vmem_shared>>
      %dma_wait3A_134 = tpu.memref_slice %arg13[%mul3A_24] : memref<100352xf32, #tpu.memory_space<vmem_shared>> -> memref<896xf32, #tpu.memory_space<vmem_shared>>
      tpu.wait_dma2 semaphore(%run_scoped3A : memref<!tpu.dma_semaphore, #tpu.memory_space<semaphore_mem>>) src(%arg21 : memref<896xf32, #tpu.memory_space<vmem>>) dst(%dma_wait3A_134 : memref<896xf32, #tpu.memory_space<vmem_shared>>)
      tpu.yield
    }) : () -> ()
    %add3A_28 = arith.constant 64 : i32
    %add3A_29 = arith.addi %arg1, %add3A_28 : i32
    %mul3A_30 = arith.constant 896 : i32
    %mul3A_31 = arith.muli %add3A_29, %mul3A_30 : i32
    "tpu.region"() ({
      %run_scoped3A = tpu.sem_alloc : memref<!tpu.dma_semaphore, #tpu.memory_space<semaphore_mem>>
      %dma_start3A_131 = arith.constant 0 : i32
      %dma_start3A_132 = tpu.memref_slice %arg2[%dma_start3A_131, %mul3A_31] : memref<7x100000xf32, #tpu.memory_space<hbm>> -> memref<7x896xf32, #tpu.memory_space<hbm>>
      %dma_start3A_133 = arith.constant 0 : i32
      %dma_start3A_134 = tpu.memref_slice %arg2[%dma_start3A_133, %mul3A_31] : memref<7x100000xf32, #tpu.memory_space<hbm>> -> memref<7x896xf32, #tpu.memory_space<hbm>>
      tpu.enqueue_dma source(%dma_start3A_134 : memref<7x896xf32, #tpu.memory_space<hbm>>) target(%arg14 : memref<7x896xf32, #tpu.memory_space<vmem>>) target_semaphore(%run_scoped3A : memref<!tpu.dma_semaphore, #tpu.memory_space<semaphore_mem>>)
      %dma_wait3A_135 = arith.constant 0 : i32
      %dma_wait3A_136 = tpu.memref_slice %arg2[%dma_wait3A_135, %mul3A_31] : memref<7x100000xf32, #tpu.memory_space<hbm>> -> memref<7x896xf32, #tpu.memory_space<hbm>>
      %dma_wait3A_137 = arith.constant 0 : i32
      %dma_wait3A_138 = tpu.memref_slice %arg2[%dma_wait3A_137, %mul3A_31] : memref<7x100000xf32, #tpu.memory_space<hbm>> -> memref<7x896xf32, #tpu.memory_space<hbm>>
      tpu.wait_dma2 semaphore(%run_scoped3A : memref<!tpu.dma_semaphore, #tpu.memory_space<semaphore_mem>>) src(%dma_wait3A_138 : memref<7x896xf32, #tpu.memory_space<hbm>>) dst(%arg14 : memref<7x896xf32, #tpu.memory_space<vmem>>)
      tpu.yield
    }) : () -> ()
    %parallel_loop3A_32 = arith.constant 0 : i32
    %parallel_loop3A_33 = arith.constant 896 : i32
    %parallel_loop3A_34 = arith.constant 16 : i32
    scf.for %parallel_loop3A_131 = %parallel_loop3A_32 to %parallel_loop3A_33 step %parallel_loop3A_34  : i32 {
      %parallel_loop3A_132 = arith.constant 0 : i32
      %parallel_loop3A_133 = arith.index_cast %parallel_loop3A_132 : i32 to index
      %parallel_loop3A_134 = arith.index_cast %parallel_loop3A_131 : i32 to index
      %parallel_loop3A_135 = tpu.vector_load %arg14[%parallel_loop3A_133, %parallel_loop3A_134] {strides = array<i32>} : memref<7x896xf32, #tpu.memory_space<vmem>>, vector<16xf32>,
      %parallel_loop3A_136 = arith.index_cast %parallel_loop3A_131 : i32 to index
      %parallel_loop3A_137 = tpu.vector_load %arg15[%parallel_loop3A_136] {strides = array<i32>} : memref<896xf32, #tpu.memory_space<vmem>>, vector<16xf32>,
      tpu.vector_store %arg15[%parallel_loop3A_136], %parallel_loop3A_135 {strides = array<i32>} : memref<896xf32, #tpu.memory_space<vmem>>, vector<16xf32>,
      %parallel_loop3A_138 = arith.constant 1 : i32
      %parallel_loop3A_139 = arith.index_cast %parallel_loop3A_138 : i32 to index
      %parallel_loop3A_140 = arith.index_cast %parallel_loop3A_131 : i32 to index
      %parallel_loop3A_141 = tpu.vector_load %arg14[%parallel_loop3A_139, %parallel_loop3A_140] {strides = array<i32>} : memref<7x896xf32, #tpu.memory_space<vmem>>, vector<16xf32>,
      %parallel_loop3A_142 = arith.index_cast %parallel_loop3A_131 : i32 to index
      %parallel_loop3A_143 = tpu.vector_load %arg16[%parallel_loop3A_142] {strides = array<i32>} : memref<896xf32, #tpu.memory_space<vmem>>, vector<16xf32>,
      tpu.vector_store %arg16[%parallel_loop3A_142], %parallel_loop3A_141 {strides = array<i32>} : memref<896xf32, #tpu.memory_space<vmem>>, vector<16xf32>,
      %parallel_loop3A_144 = arith.constant 2 : i32
      %parallel_loop3A_145 = arith.index_cast %parallel_loop3A_144 : i32 to index
      %parallel_loop3A_146 = arith.index_cast %parallel_loop3A_131 : i32 to index
      %parallel_loop3A_147 = tpu.vector_load %arg14[%parallel_loop3A_145, %parallel_loop3A_146] {strides = array<i32>} : memref<7x896xf32, #tpu.memory_space<vmem>>, vector<16xf32>,
      %parallel_loop3A_148 = arith.index_cast %parallel_loop3A_131 : i32 to index
      %parallel_loop3A_149 = tpu.vector_load %arg17[%parallel_loop3A_148] {strides = array<i32>} : memref<896xf32, #tpu.memory_space<vmem>>, vector<16xf32>,
      tpu.vector_store %arg17[%parallel_loop3A_148], %parallel_loop3A_147 {strides = array<i32>} : memref<896xf32, #tpu.memory_space<vmem>>, vector<16xf32>,
      %parallel_loop3A_150 = arith.constant 3 : i32
      %parallel_loop3A_151 = arith.index_cast %parallel_loop3A_150 : i32 to index
      %parallel_loop3A_152 = arith.index_cast %parallel_loop3A_131 : i32 to index
      %parallel_loop3A_153 = tpu.vector_load %arg14[%parallel_loop3A_151, %parallel_loop3A_152] {strides = array<i32>} : memref<7x896xf32, #tpu.memory_space<vmem>>, vector<16xf32>,
      %parallel_loop3A_154 = arith.index_cast %parallel_loop3A_131 : i32 to index
      %parallel_loop3A_155 = tpu.vector_load %arg18[%parallel_loop3A_154] {strides = array<i32>} : memref<896xf32, #tpu.memory_space<vmem>>, vector<16xf32>,
      tpu.vector_store %arg18[%parallel_loop3A_154], %parallel_loop3A_153 {strides = array<i32>} : memref<896xf32, #tpu.memory_space<vmem>>, vector<16xf32>,
      %parallel_loop3A_156 = arith.constant 4 : i32
      %parallel_loop3A_157 = arith.index_cast %parallel_loop3A_156 : i32 to index
      %parallel_loop3A_158 = arith.index_cast %parallel_loop3A_131 : i32 to index
      %parallel_loop3A_159 = tpu.vector_load %arg14[%parallel_loop3A_157, %parallel_loop3A_158] {strides = array<i32>} : memref<7x896xf32, #tpu.memory_space<vmem>>, vector<16xf32>,
      %parallel_loop3A_160 = arith.index_cast %parallel_loop3A_131 : i32 to index
      %parallel_loop3A_161 = tpu.vector_load %arg19[%parallel_loop3A_160] {strides = array<i32>} : memref<896xf32, #tpu.memory_space<vmem>>, vector<16xf32>,
      tpu.vector_store %arg19[%parallel_loop3A_160], %parallel_loop3A_159 {strides = array<i32>} : memref<896xf32, #tpu.memory_space<vmem>>, vector<16xf32>,
      %parallel_loop3A_162 = arith.constant 5 : i32
      %parallel_loop3A_163 = arith.index_cast %parallel_loop3A_162 : i32 to index
      %parallel_loop3A_164 = arith.index_cast %parallel_loop3A_131 : i32 to index
      %parallel_loop3A_165 = tpu.vector_load %arg14[%parallel_loop3A_163, %parallel_loop3A_164] {strides = array<i32>} : memref<7x896xf32, #tpu.memory_space<vmem>>, vector<16xf32>,
      %parallel_loop3A_166 = arith.index_cast %parallel_loop3A_131 : i32 to index
      %parallel_loop3A_167 = tpu.vector_load %arg20[%parallel_loop3A_166] {strides = array<i32>} : memref<896xf32, #tpu.memory_space<vmem>>, vector<16xf32>,
      tpu.vector_store %arg20[%parallel_loop3A_166], %parallel_loop3A_165 {strides = array<i32>} : memref<896xf32, #tpu.memory_space<vmem>>, vector<16xf32>,
      %parallel_loop3A_168 = arith.constant 6 : i32
      %parallel_loop3A_169 = arith.index_cast %parallel_loop3A_168 : i32 to index
      %parallel_loop3A_170 = arith.index_cast %parallel_loop3A_131 : i32 to index
      %parallel_loop3A_171 = tpu.vector_load %arg14[%parallel_loop3A_169, %parallel_loop3A_170] {strides = array<i32>} : memref<7x896xf32, #tpu.memory_space<vmem>>, vector<16xf32>,
      %parallel_loop3A_172 = arith.index_cast %parallel_loop3A_131 : i32 to index
      %parallel_loop3A_173 = tpu.vector_load %arg21[%parallel_loop3A_172] {strides = array<i32>} : memref<896xf32, #tpu.memory_space<vmem>>, vector<16xf32>,
      tpu.vector_store %arg21[%parallel_loop3A_172], %parallel_loop3A_171 {strides = array<i32>} : memref<896xf32, #tpu.memory_space<vmem>>, vector<16xf32>,
    } {sc.loop_unroll_factor = 2 : i64, sc.parallel_access}
    "tpu.region"() ({
      %run_scoped3A = tpu.sem_alloc : memref<!tpu.dma_semaphore, #tpu.memory_space<semaphore_mem>>
      %dma_start3A_131 = tpu.memref_slice %arg7[%mul3A_31] : memref<100352xf32, #tpu.memory_space<vmem_shared>> -> memref<896xf32, #tpu.memory_space<vmem_shared>>
      %dma_start3A_132 = tpu.memref_slice %arg7[%mul3A_31] : memref<100352xf32, #tpu.memory_space<vmem_shared>> -> memref<896xf32, #tpu.memory_space<vmem_shared>>
      tpu.enqueue_dma source(%arg15 : memref<896xf32, #tpu.memory_space<vmem>>) target(%dma_start3A_132 : memref<896xf32, #tpu.memory_space<vmem_shared>>) target_semaphore(%run_scoped3A : memref<!tpu.dma_semaphore, #tpu.memory_space<semaphore_mem>>)
      %dma_wait3A_133 = tpu.memref_slice %arg7[%mul3A_31] : memref<100352xf32, #tpu.memory_space<vmem_shared>> -> memref<896xf32, #tpu.memory_space<vmem_shared>>
      %dma_wait3A_134 = tpu.memref_slice %arg7[%mul3A_31] : memref<100352xf32, #tpu.memory_space<vmem_shared>> -> memref<896xf32, #tpu.memory_space<vmem_shared>>
      tpu.wait_dma2 semaphore(%run_scoped3A : memref<!tpu.dma_semaphore, #tpu.memory_space<semaphore_mem>>) src(%arg15 : memref<896xf32, #tpu.memory_space<vmem>>) dst(%dma_wait3A_134 : memref<896xf32, #tpu.memory_space<vmem_shared>>)
      tpu.yield
    }) : () -> ()
    "tpu.region"() ({
      %run_scoped3A = tpu.sem_alloc : memref<!tpu.dma_semaphore, #tpu.memory_space<semaphore_mem>>
      %dma_start3A_131 = tpu.memref_slice %arg8[%mul3A_31] : memref<100352xf32, #tpu.memory_space<vmem_shared>> -> memref<896xf32, #tpu.memory_space<vmem_shared>>
      %dma_start3A_132 = tpu.memref_slice %arg8[%mul3A_31] : memref<100352xf32, #tpu.memory_space<vmem_shared>> -> memref<896xf32, #tpu.memory_space<vmem_shared>>
      tpu.enqueue_dma source(%arg16 : memref<896xf32, #tpu.memory_space<vmem>>) target(%dma_start3A_132 : memref<896xf32, #tpu.memory_space<vmem_shared>>) target_semaphore(%run_scoped3A : memref<!tpu.dma_semaphore, #tpu.memory_space<semaphore_mem>>)
      %dma_wait3A_133 = tpu.memref_slice %arg8[%mul3A_31] : memref<100352xf32, #tpu.memory_space<vmem_shared>> -> memref<896xf32, #tpu.memory_space<vmem_shared>>
      %dma_wait3A_134 = tpu.memref_slice %arg8[%mul3A_31] : memref<100352xf32, #tpu.memory_space<vmem_shared>> -> memref<896xf32, #tpu.memory_space<vmem_shared>>
      tpu.wait_dma2 semaphore(%run_scoped3A : memref<!tpu.dma_semaphore, #tpu.memory_space<semaphore_mem>>) src(%arg16 : memref<896xf32, #tpu.memory_space<vmem>>) dst(%dma_wait3A_134 : memref<896xf32, #tpu.memory_space<vmem_shared>>)
      tpu.yield
    }) : () -> ()
    "tpu.region"() ({
      %run_scoped3A = tpu.sem_alloc : memref<!tpu.dma_semaphore, #tpu.memory_space<semaphore_mem>>
      %dma_start3A_131 = tpu.memref_slice %arg9[%mul3A_31] : memref<100352xf32, #tpu.memory_space<vmem_shared>> -> memref<896xf32, #tpu.memory_space<vmem_shared>>
      %dma_start3A_132 = tpu.memref_slice %arg9[%mul3A_31] : memref<100352xf32, #tpu.memory_space<vmem_shared>> -> memref<896xf32, #tpu.memory_space<vmem_shared>>
      tpu.enqueue_dma source(%arg17 : memref<896xf32, #tpu.memory_space<vmem>>) target(%dma_start3A_132 : memref<896xf32, #tpu.memory_space<vmem_shared>>) target_semaphore(%run_scoped3A : memref<!tpu.dma_semaphore, #tpu.memory_space<semaphore_mem>>)
      %dma_wait3A_133 = tpu.memref_slice %arg9[%mul3A_31] : memref<100352xf32, #tpu.memory_space<vmem_shared>> -> memref<896xf32, #tpu.memory_space<vmem_shared>>
      %dma_wait3A_134 = tpu.memref_slice %arg9[%mul3A_31] : memref<100352xf32, #tpu.memory_space<vmem_shared>> -> memref<896xf32, #tpu.memory_space<vmem_shared>>
      tpu.wait_dma2 semaphore(%run_scoped3A : memref<!tpu.dma_semaphore, #tpu.memory_space<semaphore_mem>>) src(%arg17 : memref<896xf32, #tpu.memory_space<vmem>>) dst(%dma_wait3A_134 : memref<896xf32, #tpu.memory_space<vmem_shared>>)
      tpu.yield
    }) : () -> ()
    "tpu.region"() ({
      %run_scoped3A = tpu.sem_alloc : memref<!tpu.dma_semaphore, #tpu.memory_space<semaphore_mem>>
      %dma_start3A_131 = tpu.memref_slice %arg10[%mul3A_31] : memref<100352xf32, #tpu.memory_space<vmem_shared>> -> memref<896xf32, #tpu.memory_space<vmem_shared>>
      %dma_start3A_132 = tpu.memref_slice %arg10[%mul3A_31] : memref<100352xf32, #tpu.memory_space<vmem_shared>> -> memref<896xf32, #tpu.memory_space<vmem_shared>>
      tpu.enqueue_dma source(%arg18 : memref<896xf32, #tpu.memory_space<vmem>>) target(%dma_start3A_132 : memref<896xf32, #tpu.memory_space<vmem_shared>>) target_semaphore(%run_scoped3A : memref<!tpu.dma_semaphore, #tpu.memory_space<semaphore_mem>>)
      %dma_wait3A_133 = tpu.memref_slice %arg10[%mul3A_31] : memref<100352xf32, #tpu.memory_space<vmem_shared>> -> memref<896xf32, #tpu.memory_space<vmem_shared>>
      %dma_wait3A_134 = tpu.memref_slice %arg10[%mul3A_31] : memref<100352xf32, #tpu.memory_space<vmem_shared>> -> memref<896xf32, #tpu.memory_space<vmem_shared>>
      tpu.wait_dma2 semaphore(%run_scoped3A : memref<!tpu.dma_semaphore, #tpu.memory_space<semaphore_mem>>) src(%arg18 : memref<896xf32, #tpu.memory_space<vmem>>) dst(%dma_wait3A_134 : memref<896xf32, #tpu.memory_space<vmem_shared>>)
      tpu.yield
    }) : () -> ()
    "tpu.region"() ({
      %run_scoped3A = tpu.sem_alloc : memref<!tpu.dma_semaphore, #tpu.memory_space<semaphore_mem>>
      %dma_start3A_131 = tpu.memref_slice %arg11[%mul3A_31] : memref<100352xf32, #tpu.memory_space<vmem_shared>> -> memref<896xf32, #tpu.memory_space<vmem_shared>>
      %dma_start3A_132 = tpu.memref_slice %arg11[%mul3A_31] : memref<100352xf32, #tpu.memory_space<vmem_shared>> -> memref<896xf32, #tpu.memory_space<vmem_shared>>
      tpu.enqueue_dma source(%arg19 : memref<896xf32, #tpu.memory_space<vmem>>) target(%dma_start3A_132 : memref<896xf32, #tpu.memory_space<vmem_shared>>) target_semaphore(%run_scoped3A : memref<!tpu.dma_semaphore, #tpu.memory_space<semaphore_mem>>)
      %dma_wait3A_133 = tpu.memref_slice %arg11[%mul3A_31] : memref<100352xf32, #tpu.memory_space<vmem_shared>> -> memref<896xf32, #tpu.memory_space<vmem_shared>>
      %dma_wait3A_134 = tpu.memref_slice %arg11[%mul3A_31] : memref<100352xf32, #tpu.memory_space<vmem_shared>> -> memref<896xf32, #tpu.memory_space<vmem_shared>>
      tpu.wait_dma2 semaphore(%run_scoped3A : memref<!tpu.dma_semaphore, #tpu.memory_space<semaphore_mem>>) src(%arg19 : memref<896xf32, #tpu.memory_space<vmem>>) dst(%dma_wait3A_134 : memref<896xf32, #tpu.memory_space<vmem_shared>>)
      tpu.yield
    }) : () -> ()
    "tpu.region"() ({
      %run_scoped3A = tpu.sem_alloc : memref<!tpu.dma_semaphore, #tpu.memory_space<semaphore_mem>>
      %dma_start3A_131 = tpu.memref_slice %arg12[%mul3A_31] : memref<100352xf32, #tpu.memory_space<vmem_shared>> -> memref<896xf32, #tpu.memory_space<vmem_shared>>
      %dma_start3A_132 = tpu.memref_slice %arg12[%mul3A_31] : memref<100352xf32, #tpu.memory_space<vmem_shared>> -> memref<896xf32, #tpu.memory_space<vmem_shared>>
      tpu.enqueue_dma source(%arg20 : memref<896xf32, #tpu.memory_space<vmem>>) target(%dma_start3A_132 : memref<896xf32, #tpu.memory_space<vmem_shared>>) target_semaphore(%run_scoped3A : memref<!tpu.dma_semaphore, #tpu.memory_space<semaphore_mem>>)
      %dma_wait3A_133 = tpu.memref_slice %arg12[%mul3A_31] : memref<100352xf32, #tpu.memory_space<vmem_shared>> -> memref<896xf32, #tpu.memory_space<vmem_shared>>
      %dma_wait3A_134 = tpu.memref_slice %arg12[%mul3A_31] : memref<100352xf32, #tpu.memory_space<vmem_shared>> -> memref<896xf32, #tpu.memory_space<vmem_shared>>
      tpu.wait_dma2 semaphore(%run_scoped3A : memref<!tpu.dma_semaphore, #tpu.memory_space<semaphore_mem>>) src(%arg20 : memref<896xf32, #tpu.memory_space<vmem>>) dst(%dma_wait3A_134 : memref<896xf32, #tpu.memory_space<vmem_shared>>)
      tpu.yield
    }) : () -> ()
    "tpu.region"() ({
      %run_scoped3A = tpu.sem_alloc : memref<!tpu.dma_semaphore, #tpu.memory_space<semaphore_mem>>
      %dma_start3A_131 = tpu.memref_slice %arg13[%mul3A_31] : memref<100352xf32, #tpu.memory_space<vmem_shared>> -> memref<896xf32, #tpu.memory_space<vmem_shared>>
      %dma_start3A_132 = tpu.memref_slice %arg13[%mul3A_31] : memref<100352xf32, #tpu.memory_space<vmem_shared>> -> memref<896xf32, #tpu.memory_space<vmem_shared>>
      tpu.enqueue_dma source(%arg21 : memref<896xf32, #tpu.memory_space<vmem>>) target(%dma_start3A_132 : memref<896xf32, #tpu.memory_space<vmem_shared>>) target_semaphore(%run_scoped3A : memref<!tpu.dma_semaphore, #tpu.memory_space<semaphore_mem>>)
      %dma_wait3A_133 = tpu.memref_slice %arg13[%mul3A_31] : memref<100352xf32, #tpu.memory_space<vmem_shared>> -> memref<896xf32, #tpu.memory_space<vmem_shared>>
      %dma_wait3A_134 = tpu.memref_slice %arg13[%mul3A_31] : memref<100352xf32, #tpu.memory_space<vmem_shared>> -> memref<896xf32, #tpu.memory_space<vmem_shared>>
      tpu.wait_dma2 semaphore(%run_scoped3A : memref<!tpu.dma_semaphore, #tpu.memory_space<semaphore_mem>>) src(%arg21 : memref<896xf32, #tpu.memory_space<vmem>>) dst(%dma_wait3A_134 : memref<896xf32, #tpu.memory_space<vmem_shared>>)
      tpu.yield
    }) : () -> ()
    %add3A_35 = arith.constant 80 : i32
    %add3A_36 = arith.addi %arg1, %add3A_35 : i32
    %mul3A_37 = arith.constant 896 : i32
    %mul3A_38 = arith.muli %add3A_36, %mul3A_37 : i32
    "tpu.region"() ({
      %run_scoped3A = tpu.sem_alloc : memref<!tpu.dma_semaphore, #tpu.memory_space<semaphore_mem>>
      %dma_start3A_131 = arith.constant 0 : i32
      %dma_start3A_132 = tpu.memref_slice %arg2[%dma_start3A_131, %mul3A_38] : memref<7x100000xf32, #tpu.memory_space<hbm>> -> memref<7x896xf32, #tpu.memory_space<hbm>>
      %dma_start3A_133 = arith.constant 0 : i32
      %dma_start3A_134 = tpu.memref_slice %arg2[%dma_start3A_133, %mul3A_38] : memref<7x100000xf32, #tpu.memory_space<hbm>> -> memref<7x896xf32, #tpu.memory_space<hbm>>
      tpu.enqueue_dma source(%dma_start3A_134 : memref<7x896xf32, #tpu.memory_space<hbm>>) target(%arg14 : memref<7x896xf32, #tpu.memory_space<vmem>>) target_semaphore(%run_scoped3A : memref<!tpu.dma_semaphore, #tpu.memory_space<semaphore_mem>>)
      %dma_wait3A_135 = arith.constant 0 : i32
      %dma_wait3A_136 = tpu.memref_slice %arg2[%dma_wait3A_135, %mul3A_38] : memref<7x100000xf32, #tpu.memory_space<hbm>> -> memref<7x896xf32, #tpu.memory_space<hbm>>
      %dma_wait3A_137 = arith.constant 0 : i32
      %dma_wait3A_138 = tpu.memref_slice %arg2[%dma_wait3A_137, %mul3A_38] : memref<7x100000xf32, #tpu.memory_space<hbm>> -> memref<7x896xf32, #tpu.memory_space<hbm>>
      tpu.wait_dma2 semaphore(%run_scoped3A : memref<!tpu.dma_semaphore, #tpu.memory_space<semaphore_mem>>) src(%dma_wait3A_138 : memref<7x896xf32, #tpu.memory_space<hbm>>) dst(%arg14 : memref<7x896xf32, #tpu.memory_space<vmem>>)
      tpu.yield
    }) : () -> ()
    %parallel_loop3A_39 = arith.constant 0 : i32
    %parallel_loop3A_40 = arith.constant 896 : i32
    %parallel_loop3A_41 = arith.constant 16 : i32
    scf.for %parallel_loop3A_131 = %parallel_loop3A_39 to %parallel_loop3A_40 step %parallel_loop3A_41  : i32 {
      %parallel_loop3A_132 = arith.constant 0 : i32
      %parallel_loop3A_133 = arith.index_cast %parallel_loop3A_132 : i32 to index
      %parallel_loop3A_134 = arith.index_cast %parallel_loop3A_131 : i32 to index
      %parallel_loop3A_135 = tpu.vector_load %arg14[%parallel_loop3A_133, %parallel_loop3A_134] {strides = array<i32>} : memref<7x896xf32, #tpu.memory_space<vmem>>, vector<16xf32>,
      %parallel_loop3A_136 = arith.index_cast %parallel_loop3A_131 : i32 to index
      %parallel_loop3A_137 = tpu.vector_load %arg15[%parallel_loop3A_136] {strides = array<i32>} : memref<896xf32, #tpu.memory_space<vmem>>, vector<16xf32>,
      tpu.vector_store %arg15[%parallel_loop3A_136], %parallel_loop3A_135 {strides = array<i32>} : memref<896xf32, #tpu.memory_space<vmem>>, vector<16xf32>,
      %parallel_loop3A_138 = arith.constant 1 : i32
      %parallel_loop3A_139 = arith.index_cast %parallel_loop3A_138 : i32 to index
      %parallel_loop3A_140 = arith.index_cast %parallel_loop3A_131 : i32 to index
      %parallel_loop3A_141 = tpu.vector_load %arg14[%parallel_loop3A_139, %parallel_loop3A_140] {strides = array<i32>} : memref<7x896xf32, #tpu.memory_space<vmem>>, vector<16xf32>,
      %parallel_loop3A_142 = arith.index_cast %parallel_loop3A_131 : i32 to index
      %parallel_loop3A_143 = tpu.vector_load %arg16[%parallel_loop3A_142] {strides = array<i32>} : memref<896xf32, #tpu.memory_space<vmem>>, vector<16xf32>,
      tpu.vector_store %arg16[%parallel_loop3A_142], %parallel_loop3A_141 {strides = array<i32>} : memref<896xf32, #tpu.memory_space<vmem>>, vector<16xf32>,
      %parallel_loop3A_144 = arith.constant 2 : i32
      %parallel_loop3A_145 = arith.index_cast %parallel_loop3A_144 : i32 to index
      %parallel_loop3A_146 = arith.index_cast %parallel_loop3A_131 : i32 to index
      %parallel_loop3A_147 = tpu.vector_load %arg14[%parallel_loop3A_145, %parallel_loop3A_146] {strides = array<i32>} : memref<7x896xf32, #tpu.memory_space<vmem>>, vector<16xf32>,
      %parallel_loop3A_148 = arith.index_cast %parallel_loop3A_131 : i32 to index
      %parallel_loop3A_149 = tpu.vector_load %arg17[%parallel_loop3A_148] {strides = array<i32>} : memref<896xf32, #tpu.memory_space<vmem>>, vector<16xf32>,
      tpu.vector_store %arg17[%parallel_loop3A_148], %parallel_loop3A_147 {strides = array<i32>} : memref<896xf32, #tpu.memory_space<vmem>>, vector<16xf32>,
      %parallel_loop3A_150 = arith.constant 3 : i32
      %parallel_loop3A_151 = arith.index_cast %parallel_loop3A_150 : i32 to index
      %parallel_loop3A_152 = arith.index_cast %parallel_loop3A_131 : i32 to index
      %parallel_loop3A_153 = tpu.vector_load %arg14[%parallel_loop3A_151, %parallel_loop3A_152] {strides = array<i32>} : memref<7x896xf32, #tpu.memory_space<vmem>>, vector<16xf32>,
      %parallel_loop3A_154 = arith.index_cast %parallel_loop3A_131 : i32 to index
      %parallel_loop3A_155 = tpu.vector_load %arg18[%parallel_loop3A_154] {strides = array<i32>} : memref<896xf32, #tpu.memory_space<vmem>>, vector<16xf32>,
      tpu.vector_store %arg18[%parallel_loop3A_154], %parallel_loop3A_153 {strides = array<i32>} : memref<896xf32, #tpu.memory_space<vmem>>, vector<16xf32>,
      %parallel_loop3A_156 = arith.constant 4 : i32
      %parallel_loop3A_157 = arith.index_cast %parallel_loop3A_156 : i32 to index
      %parallel_loop3A_158 = arith.index_cast %parallel_loop3A_131 : i32 to index
      %parallel_loop3A_159 = tpu.vector_load %arg14[%parallel_loop3A_157, %parallel_loop3A_158] {strides = array<i32>} : memref<7x896xf32, #tpu.memory_space<vmem>>, vector<16xf32>,
      %parallel_loop3A_160 = arith.index_cast %parallel_loop3A_131 : i32 to index
      %parallel_loop3A_161 = tpu.vector_load %arg19[%parallel_loop3A_160] {strides = array<i32>} : memref<896xf32, #tpu.memory_space<vmem>>, vector<16xf32>,
      tpu.vector_store %arg19[%parallel_loop3A_160], %parallel_loop3A_159 {strides = array<i32>} : memref<896xf32, #tpu.memory_space<vmem>>, vector<16xf32>,
      %parallel_loop3A_162 = arith.constant 5 : i32
      %parallel_loop3A_163 = arith.index_cast %parallel_loop3A_162 : i32 to index
      %parallel_loop3A_164 = arith.index_cast %parallel_loop3A_131 : i32 to index
      %parallel_loop3A_165 = tpu.vector_load %arg14[%parallel_loop3A_163, %parallel_loop3A_164] {strides = array<i32>} : memref<7x896xf32, #tpu.memory_space<vmem>>, vector<16xf32>,
      %parallel_loop3A_166 = arith.index_cast %parallel_loop3A_131 : i32 to index
      %parallel_loop3A_167 = tpu.vector_load %arg20[%parallel_loop3A_166] {strides = array<i32>} : memref<896xf32, #tpu.memory_space<vmem>>, vector<16xf32>,
      tpu.vector_store %arg20[%parallel_loop3A_166], %parallel_loop3A_165 {strides = array<i32>} : memref<896xf32, #tpu.memory_space<vmem>>, vector<16xf32>,
      %parallel_loop3A_168 = arith.constant 6 : i32
      %parallel_loop3A_169 = arith.index_cast %parallel_loop3A_168 : i32 to index
      %parallel_loop3A_170 = arith.index_cast %parallel_loop3A_131 : i32 to index
      %parallel_loop3A_171 = tpu.vector_load %arg14[%parallel_loop3A_169, %parallel_loop3A_170] {strides = array<i32>} : memref<7x896xf32, #tpu.memory_space<vmem>>, vector<16xf32>,
      %parallel_loop3A_172 = arith.index_cast %parallel_loop3A_131 : i32 to index
      %parallel_loop3A_173 = tpu.vector_load %arg21[%parallel_loop3A_172] {strides = array<i32>} : memref<896xf32, #tpu.memory_space<vmem>>, vector<16xf32>,
      tpu.vector_store %arg21[%parallel_loop3A_172], %parallel_loop3A_171 {strides = array<i32>} : memref<896xf32, #tpu.memory_space<vmem>>, vector<16xf32>,
    } {sc.loop_unroll_factor = 2 : i64, sc.parallel_access}
    "tpu.region"() ({
      %run_scoped3A = tpu.sem_alloc : memref<!tpu.dma_semaphore, #tpu.memory_space<semaphore_mem>>
      %dma_start3A_131 = tpu.memref_slice %arg7[%mul3A_38] : memref<100352xf32, #tpu.memory_space<vmem_shared>> -> memref<896xf32, #tpu.memory_space<vmem_shared>>
      %dma_start3A_132 = tpu.memref_slice %arg7[%mul3A_38] : memref<100352xf32, #tpu.memory_space<vmem_shared>> -> memref<896xf32, #tpu.memory_space<vmem_shared>>
      tpu.enqueue_dma source(%arg15 : memref<896xf32, #tpu.memory_space<vmem>>) target(%dma_start3A_132 : memref<896xf32, #tpu.memory_space<vmem_shared>>) target_semaphore(%run_scoped3A : memref<!tpu.dma_semaphore, #tpu.memory_space<semaphore_mem>>)
      %dma_wait3A_133 = tpu.memref_slice %arg7[%mul3A_38] : memref<100352xf32, #tpu.memory_space<vmem_shared>> -> memref<896xf32, #tpu.memory_space<vmem_shared>>
      %dma_wait3A_134 = tpu.memref_slice %arg7[%mul3A_38] : memref<100352xf32, #tpu.memory_space<vmem_shared>> -> memref<896xf32, #tpu.memory_space<vmem_shared>>
      tpu.wait_dma2 semaphore(%run_scoped3A : memref<!tpu.dma_semaphore, #tpu.memory_space<semaphore_mem>>) src(%arg15 : memref<896xf32, #tpu.memory_space<vmem>>) dst(%dma_wait3A_134 : memref<896xf32, #tpu.memory_space<vmem_shared>>)
      tpu.yield
    }) : () -> ()
    "tpu.region"() ({
      %run_scoped3A = tpu.sem_alloc : memref<!tpu.dma_semaphore, #tpu.memory_space<semaphore_mem>>
      %dma_start3A_131 = tpu.memref_slice %arg8[%mul3A_38] : memref<100352xf32, #tpu.memory_space<vmem_shared>> -> memref<896xf32, #tpu.memory_space<vmem_shared>>
      %dma_start3A_132 = tpu.memref_slice %arg8[%mul3A_38] : memref<100352xf32, #tpu.memory_space<vmem_shared>> -> memref<896xf32, #tpu.memory_space<vmem_shared>>
      tpu.enqueue_dma source(%arg16 : memref<896xf32, #tpu.memory_space<vmem>>) target(%dma_start3A_132 : memref<896xf32, #tpu.memory_space<vmem_shared>>) target_semaphore(%run_scoped3A : memref<!tpu.dma_semaphore, #tpu.memory_space<semaphore_mem>>)
      %dma_wait3A_133 = tpu.memref_slice %arg8[%mul3A_38] : memref<100352xf32, #tpu.memory_space<vmem_shared>> -> memref<896xf32, #tpu.memory_space<vmem_shared>>
      %dma_wait3A_134 = tpu.memref_slice %arg8[%mul3A_38] : memref<100352xf32, #tpu.memory_space<vmem_shared>> -> memref<896xf32, #tpu.memory_space<vmem_shared>>
      tpu.wait_dma2 semaphore(%run_scoped3A : memref<!tpu.dma_semaphore, #tpu.memory_space<semaphore_mem>>) src(%arg16 : memref<896xf32, #tpu.memory_space<vmem>>) dst(%dma_wait3A_134 : memref<896xf32, #tpu.memory_space<vmem_shared>>)
      tpu.yield
    }) : () -> ()
    "tpu.region"() ({
      %run_scoped3A = tpu.sem_alloc : memref<!tpu.dma_semaphore, #tpu.memory_space<semaphore_mem>>
      %dma_start3A_131 = tpu.memref_slice %arg9[%mul3A_38] : memref<100352xf32, #tpu.memory_space<vmem_shared>> -> memref<896xf32, #tpu.memory_space<vmem_shared>>
      %dma_start3A_132 = tpu.memref_slice %arg9[%mul3A_38] : memref<100352xf32, #tpu.memory_space<vmem_shared>> -> memref<896xf32, #tpu.memory_space<vmem_shared>>
      tpu.enqueue_dma source(%arg17 : memref<896xf32, #tpu.memory_space<vmem>>) target(%dma_start3A_132 : memref<896xf32, #tpu.memory_space<vmem_shared>>) target_semaphore(%run_scoped3A : memref<!tpu.dma_semaphore, #tpu.memory_space<semaphore_mem>>)
      %dma_wait3A_133 = tpu.memref_slice %arg9[%mul3A_38] : memref<100352xf32, #tpu.memory_space<vmem_shared>> -> memref<896xf32, #tpu.memory_space<vmem_shared>>
      %dma_wait3A_134 = tpu.memref_slice %arg9[%mul3A_38] : memref<100352xf32, #tpu.memory_space<vmem_shared>> -> memref<896xf32, #tpu.memory_space<vmem_shared>>
      tpu.wait_dma2 semaphore(%run_scoped3A : memref<!tpu.dma_semaphore, #tpu.memory_space<semaphore_mem>>) src(%arg17 : memref<896xf32, #tpu.memory_space<vmem>>) dst(%dma_wait3A_134 : memref<896xf32, #tpu.memory_space<vmem_shared>>)
      tpu.yield
    }) : () -> ()
    "tpu.region"() ({
      %run_scoped3A = tpu.sem_alloc : memref<!tpu.dma_semaphore, #tpu.memory_space<semaphore_mem>>
      %dma_start3A_131 = tpu.memref_slice %arg10[%mul3A_38] : memref<100352xf32, #tpu.memory_space<vmem_shared>> -> memref<896xf32, #tpu.memory_space<vmem_shared>>
      %dma_start3A_132 = tpu.memref_slice %arg10[%mul3A_38] : memref<100352xf32, #tpu.memory_space<vmem_shared>> -> memref<896xf32, #tpu.memory_space<vmem_shared>>
      tpu.enqueue_dma source(%arg18 : memref<896xf32, #tpu.memory_space<vmem>>) target(%dma_start3A_132 : memref<896xf32, #tpu.memory_space<vmem_shared>>) target_semaphore(%run_scoped3A : memref<!tpu.dma_semaphore, #tpu.memory_space<semaphore_mem>>)
      %dma_wait3A_133 = tpu.memref_slice %arg10[%mul3A_38] : memref<100352xf32, #tpu.memory_space<vmem_shared>> -> memref<896xf32, #tpu.memory_space<vmem_shared>>
      %dma_wait3A_134 = tpu.memref_slice %arg10[%mul3A_38] : memref<100352xf32, #tpu.memory_space<vmem_shared>> -> memref<896xf32, #tpu.memory_space<vmem_shared>>
      tpu.wait_dma2 semaphore(%run_scoped3A : memref<!tpu.dma_semaphore, #tpu.memory_space<semaphore_mem>>) src(%arg18 : memref<896xf32, #tpu.memory_space<vmem>>) dst(%dma_wait3A_134 : memref<896xf32, #tpu.memory_space<vmem_shared>>)
      tpu.yield
    }) : () -> ()
    "tpu.region"() ({
      %run_scoped3A = tpu.sem_alloc : memref<!tpu.dma_semaphore, #tpu.memory_space<semaphore_mem>>
      %dma_start3A_131 = tpu.memref_slice %arg11[%mul3A_38] : memref<100352xf32, #tpu.memory_space<vmem_shared>> -> memref<896xf32, #tpu.memory_space<vmem_shared>>
      %dma_start3A_132 = tpu.memref_slice %arg11[%mul3A_38] : memref<100352xf32, #tpu.memory_space<vmem_shared>> -> memref<896xf32, #tpu.memory_space<vmem_shared>>
      tpu.enqueue_dma source(%arg19 : memref<896xf32, #tpu.memory_space<vmem>>) target(%dma_start3A_132 : memref<896xf32, #tpu.memory_space<vmem_shared>>) target_semaphore(%run_scoped3A : memref<!tpu.dma_semaphore, #tpu.memory_space<semaphore_mem>>)
      %dma_wait3A_133 = tpu.memref_slice %arg11[%mul3A_38] : memref<100352xf32, #tpu.memory_space<vmem_shared>> -> memref<896xf32, #tpu.memory_space<vmem_shared>>
      %dma_wait3A_134 = tpu.memref_slice %arg11[%mul3A_38] : memref<100352xf32, #tpu.memory_space<vmem_shared>> -> memref<896xf32, #tpu.memory_space<vmem_shared>>
      tpu.wait_dma2 semaphore(%run_scoped3A : memref<!tpu.dma_semaphore, #tpu.memory_space<semaphore_mem>>) src(%arg19 : memref<896xf32, #tpu.memory_space<vmem>>) dst(%dma_wait3A_134 : memref<896xf32, #tpu.memory_space<vmem_shared>>)
      tpu.yield
    }) : () -> ()
    "tpu.region"() ({
      %run_scoped3A = tpu.sem_alloc : memref<!tpu.dma_semaphore, #tpu.memory_space<semaphore_mem>>
      %dma_start3A_131 = tpu.memref_slice %arg12[%mul3A_38] : memref<100352xf32, #tpu.memory_space<vmem_shared>> -> memref<896xf32, #tpu.memory_space<vmem_shared>>
      %dma_start3A_132 = tpu.memref_slice %arg12[%mul3A_38] : memref<100352xf32, #tpu.memory_space<vmem_shared>> -> memref<896xf32, #tpu.memory_space<vmem_shared>>
      tpu.enqueue_dma source(%arg20 : memref<896xf32, #tpu.memory_space<vmem>>) target(%dma_start3A_132 : memref<896xf32, #tpu.memory_space<vmem_shared>>) target_semaphore(%run_scoped3A : memref<!tpu.dma_semaphore, #tpu.memory_space<semaphore_mem>>)
      %dma_wait3A_133 = tpu.memref_slice %arg12[%mul3A_38] : memref<100352xf32, #tpu.memory_space<vmem_shared>> -> memref<896xf32, #tpu.memory_space<vmem_shared>>
      %dma_wait3A_134 = tpu.memref_slice %arg12[%mul3A_38] : memref<100352xf32, #tpu.memory_space<vmem_shared>> -> memref<896xf32, #tpu.memory_space<vmem_shared>>
      tpu.wait_dma2 semaphore(%run_scoped3A : memref<!tpu.dma_semaphore, #tpu.memory_space<semaphore_mem>>) src(%arg20 : memref<896xf32, #tpu.memory_space<vmem>>) dst(%dma_wait3A_134 : memref<896xf32, #tpu.memory_space<vmem_shared>>)
      tpu.yield
    }) : () -> ()
    "tpu.region"() ({
      %run_scoped3A = tpu.sem_alloc : memref<!tpu.dma_semaphore, #tpu.memory_space<semaphore_mem>>
      %dma_start3A_131 = tpu.memref_slice %arg13[%mul3A_38] : memref<100352xf32, #tpu.memory_space<vmem_shared>> -> memref<896xf32, #tpu.memory_space<vmem_shared>>
      %dma_start3A_132 = tpu.memref_slice %arg13[%mul3A_38] : memref<100352xf32, #tpu.memory_space<vmem_shared>> -> memref<896xf32, #tpu.memory_space<vmem_shared>>
      tpu.enqueue_dma source(%arg21 : memref<896xf32, #tpu.memory_space<vmem>>) target(%dma_start3A_132 : memref<896xf32, #tpu.memory_space<vmem_shared>>) target_semaphore(%run_scoped3A : memref<!tpu.dma_semaphore, #tpu.memory_space<semaphore_mem>>)
      %dma_wait3A_133 = tpu.memref_slice %arg13[%mul3A_38] : memref<100352xf32, #tpu.memory_space<vmem_shared>> -> memref<896xf32, #tpu.memory_space<vmem_shared>>
      %dma_wait3A_134 = tpu.memref_slice %arg13[%mul3A_38] : memref<100352xf32, #tpu.memory_space<vmem_shared>> -> memref<896xf32, #tpu.memory_space<vmem_shared>>
      tpu.wait_dma2 semaphore(%run_scoped3A : memref<!tpu.dma_semaphore, #tpu.memory_space<semaphore_mem>>) src(%arg21 : memref<896xf32, #tpu.memory_space<vmem>>) dst(%dma_wait3A_134 : memref<896xf32, #tpu.memory_space<vmem_shared>>)
      tpu.yield
    }) : () -> ()
    %lt3A = arith.constant 15 : i32
    %lt3A_42 = arith.cmpi slt, %arg1, %lt3A : i32
    %convert_element_type3A = arith.extui %lt3A_42 : i1 to i32
    %cond3A = arith.constant 0 : i32
    %cond3A_43 = arith.cmpi ne, %convert_element_type3A, %cond3A : i32
    scf.if %cond3A_43 {
      %add3A_131 = arith.constant 96 : i32
      %add3A_132 = arith.addi %arg1, %add3A_131 : i32
      %mul3A_133 = arith.constant 896 : i32
      %mul3A_134 = arith.muli %add3A_132, %mul3A_133 : i32
      "tpu.region"() ({
        %run_scoped3A = tpu.sem_alloc : memref<!tpu.dma_semaphore, #tpu.memory_space<semaphore_mem>>
        %dma_start3A_138 = arith.constant 0 : i32
        %dma_start3A_139 = tpu.memref_slice %arg2[%dma_start3A_138, %mul3A_134] : memref<7x100000xf32, #tpu.memory_space<hbm>> -> memref<7x896xf32, #tpu.memory_space<hbm>>
        %dma_start3A_140 = arith.constant 0 : i32
        %dma_start3A_141 = tpu.memref_slice %arg2[%dma_start3A_140, %mul3A_134] : memref<7x100000xf32, #tpu.memory_space<hbm>> -> memref<7x896xf32, #tpu.memory_space<hbm>>
        tpu.enqueue_dma source(%dma_start3A_141 : memref<7x896xf32, #tpu.memory_space<hbm>>) target(%arg14 : memref<7x896xf32, #tpu.memory_space<vmem>>) target_semaphore(%run_scoped3A : memref<!tpu.dma_semaphore, #tpu.memory_space<semaphore_mem>>)
        %dma_wait3A_142 = arith.constant 0 : i32
        %dma_wait3A_143 = tpu.memref_slice %arg2[%dma_wait3A_142, %mul3A_134] : memref<7x100000xf32, #tpu.memory_space<hbm>> -> memref<7x896xf32, #tpu.memory_space<hbm>>
        %dma_wait3A_144 = arith.constant 0 : i32
        %dma_wait3A_145 = tpu.memref_slice %arg2[%dma_wait3A_144, %mul3A_134] : memref<7x100000xf32, #tpu.memory_space<hbm>> -> memref<7x896xf32, #tpu.memory_space<hbm>>
        tpu.wait_dma2 semaphore(%run_scoped3A : memref<!tpu.dma_semaphore, #tpu.memory_space<semaphore_mem>>) src(%dma_wait3A_145 : memref<7x896xf32, #tpu.memory_space<hbm>>) dst(%arg14 : memref<7x896xf32, #tpu.memory_space<vmem>>)
        tpu.yield
      }) : () -> ()
      %parallel_loop3A_135 = arith.constant 0 : i32
      %parallel_loop3A_136 = arith.constant 896 : i32
      %parallel_loop3A_137 = arith.constant 16 : i32
      scf.for %parallel_loop3A_138 = %parallel_loop3A_135 to %parallel_loop3A_136 step %parallel_loop3A_137  : i32 {
        %parallel_loop3A_139 = arith.constant 0 : i32
        %parallel_loop3A_140 = arith.index_cast %parallel_loop3A_139 : i32 to index
        %parallel_loop3A_141 = arith.index_cast %parallel_loop3A_138 : i32 to index
        %parallel_loop3A_142 = tpu.vector_load %arg14[%parallel_loop3A_140, %parallel_loop3A_141] {strides = array<i32>} : memref<7x896xf32, #tpu.memory_space<vmem>>, vector<16xf32>,
        %parallel_loop3A_143 = arith.index_cast %parallel_loop3A_138 : i32 to index
        %parallel_loop3A_144 = tpu.vector_load %arg15[%parallel_loop3A_143] {strides = array<i32>} : memref<896xf32, #tpu.memory_space<vmem>>, vector<16xf32>,
        tpu.vector_store %arg15[%parallel_loop3A_143], %parallel_loop3A_142 {strides = array<i32>} : memref<896xf32, #tpu.memory_space<vmem>>, vector<16xf32>,
        %parallel_loop3A_145 = arith.constant 1 : i32
        %parallel_loop3A_146 = arith.index_cast %parallel_loop3A_145 : i32 to index
        %parallel_loop3A_147 = arith.index_cast %parallel_loop3A_138 : i32 to index
        %parallel_loop3A_148 = tpu.vector_load %arg14[%parallel_loop3A_146, %parallel_loop3A_147] {strides = array<i32>} : memref<7x896xf32, #tpu.memory_space<vmem>>, vector<16xf32>,
        %parallel_loop3A_149 = arith.index_cast %parallel_loop3A_138 : i32 to index
        %parallel_loop3A_150 = tpu.vector_load %arg16[%parallel_loop3A_149] {strides = array<i32>} : memref<896xf32, #tpu.memory_space<vmem>>, vector<16xf32>,
        tpu.vector_store %arg16[%parallel_loop3A_149], %parallel_loop3A_148 {strides = array<i32>} : memref<896xf32, #tpu.memory_space<vmem>>, vector<16xf32>,
        %parallel_loop3A_151 = arith.constant 2 : i32
        %parallel_loop3A_152 = arith.index_cast %parallel_loop3A_151 : i32 to index
        %parallel_loop3A_153 = arith.index_cast %parallel_loop3A_138 : i32 to index
        %parallel_loop3A_154 = tpu.vector_load %arg14[%parallel_loop3A_152, %parallel_loop3A_153] {strides = array<i32>} : memref<7x896xf32, #tpu.memory_space<vmem>>, vector<16xf32>,
        %parallel_loop3A_155 = arith.index_cast %parallel_loop3A_138 : i32 to index
        %parallel_loop3A_156 = tpu.vector_load %arg17[%parallel_loop3A_155] {strides = array<i32>} : memref<896xf32, #tpu.memory_space<vmem>>, vector<16xf32>,
        tpu.vector_store %arg17[%parallel_loop3A_155], %parallel_loop3A_154 {strides = array<i32>} : memref<896xf32, #tpu.memory_space<vmem>>, vector<16xf32>,
        %parallel_loop3A_157 = arith.constant 3 : i32
        %parallel_loop3A_158 = arith.index_cast %parallel_loop3A_157 : i32 to index
        %parallel_loop3A_159 = arith.index_cast %parallel_loop3A_138 : i32 to index
        %parallel_loop3A_160 = tpu.vector_load %arg14[%parallel_loop3A_158, %parallel_loop3A_159] {strides = array<i32>} : memref<7x896xf32, #tpu.memory_space<vmem>>, vector<16xf32>,
        %parallel_loop3A_161 = arith.index_cast %parallel_loop3A_138 : i32 to index
        %parallel_loop3A_162 = tpu.vector_load %arg18[%parallel_loop3A_161] {strides = array<i32>} : memref<896xf32, #tpu.memory_space<vmem>>, vector<16xf32>,
        tpu.vector_store %arg18[%parallel_loop3A_161], %parallel_loop3A_160 {strides = array<i32>} : memref<896xf32, #tpu.memory_space<vmem>>, vector<16xf32>,
        %parallel_loop3A_163 = arith.constant 4 : i32
        %parallel_loop3A_164 = arith.index_cast %parallel_loop3A_163 : i32 to index
        %parallel_loop3A_165 = arith.index_cast %parallel_loop3A_138 : i32 to index
        %parallel_loop3A_166 = tpu.vector_load %arg14[%parallel_loop3A_164, %parallel_loop3A_165] {strides = array<i32>} : memref<7x896xf32, #tpu.memory_space<vmem>>, vector<16xf32>,
        %parallel_loop3A_167 = arith.index_cast %parallel_loop3A_138 : i32 to index
        %parallel_loop3A_168 = tpu.vector_load %arg19[%parallel_loop3A_167] {strides = array<i32>} : memref<896xf32, #tpu.memory_space<vmem>>, vector<16xf32>,
        tpu.vector_store %arg19[%parallel_loop3A_167], %parallel_loop3A_166 {strides = array<i32>} : memref<896xf32, #tpu.memory_space<vmem>>, vector<16xf32>,
        %parallel_loop3A_169 = arith.constant 5 : i32
        %parallel_loop3A_170 = arith.index_cast %parallel_loop3A_169 : i32 to index
        %parallel_loop3A_171 = arith.index_cast %parallel_loop3A_138 : i32 to index
        %parallel_loop3A_172 = tpu.vector_load %arg14[%parallel_loop3A_170, %parallel_loop3A_171] {strides = array<i32>} : memref<7x896xf32, #tpu.memory_space<vmem>>, vector<16xf32>,
        %parallel_loop3A_173 = arith.index_cast %parallel_loop3A_138 : i32 to index
        %parallel_loop3A_174 = tpu.vector_load %arg20[%parallel_loop3A_173] {strides = array<i32>} : memref<896xf32, #tpu.memory_space<vmem>>, vector<16xf32>,
        tpu.vector_store %arg20[%parallel_loop3A_173], %parallel_loop3A_172 {strides = array<i32>} : memref<896xf32, #tpu.memory_space<vmem>>, vector<16xf32>,
        %parallel_loop3A_175 = arith.constant 6 : i32
        %parallel_loop3A_176 = arith.index_cast %parallel_loop3A_175 : i32 to index
        %parallel_loop3A_177 = arith.index_cast %parallel_loop3A_138 : i32 to index
        %parallel_loop3A_178 = tpu.vector_load %arg14[%parallel_loop3A_176, %parallel_loop3A_177] {strides = array<i32>} : memref<7x896xf32, #tpu.memory_space<vmem>>, vector<16xf32>,
        %parallel_loop3A_179 = arith.index_cast %parallel_loop3A_138 : i32 to index
        %parallel_loop3A_180 = tpu.vector_load %arg21[%parallel_loop3A_179] {strides = array<i32>} : memref<896xf32, #tpu.memory_space<vmem>>, vector<16xf32>,
        tpu.vector_store %arg21[%parallel_loop3A_179], %parallel_loop3A_178 {strides = array<i32>} : memref<896xf32, #tpu.memory_space<vmem>>, vector<16xf32>,
      } {sc.loop_unroll_factor = 2 : i64, sc.parallel_access}
      "tpu.region"() ({
        %run_scoped3A = tpu.sem_alloc : memref<!tpu.dma_semaphore, #tpu.memory_space<semaphore_mem>>
        %dma_start3A_138 = tpu.memref_slice %arg7[%mul3A_134] : memref<100352xf32, #tpu.memory_space<vmem_shared>> -> memref<896xf32, #tpu.memory_space<vmem_shared>>
        %dma_start3A_139 = tpu.memref_slice %arg7[%mul3A_134] : memref<100352xf32, #tpu.memory_space<vmem_shared>> -> memref<896xf32, #tpu.memory_space<vmem_shared>>
        tpu.enqueue_dma source(%arg15 : memref<896xf32, #tpu.memory_space<vmem>>) target(%dma_start3A_139 : memref<896xf32, #tpu.memory_space<vmem_shared>>) target_semaphore(%run_scoped3A : memref<!tpu.dma_semaphore, #tpu.memory_space<semaphore_mem>>)
        %dma_wait3A_140 = tpu.memref_slice %arg7[%mul3A_134] : memref<100352xf32, #tpu.memory_space<vmem_shared>> -> memref<896xf32, #tpu.memory_space<vmem_shared>>
        %dma_wait3A_141 = tpu.memref_slice %arg7[%mul3A_134] : memref<100352xf32, #tpu.memory_space<vmem_shared>> -> memref<896xf32, #tpu.memory_space<vmem_shared>>
        tpu.wait_dma2 semaphore(%run_scoped3A : memref<!tpu.dma_semaphore, #tpu.memory_space<semaphore_mem>>) src(%arg15 : memref<896xf32, #tpu.memory_space<vmem>>) dst(%dma_wait3A_141 : memref<896xf32, #tpu.memory_space<vmem_shared>>)
        tpu.yield
      }) : () -> ()
      "tpu.region"() ({
        %run_scoped3A = tpu.sem_alloc : memref<!tpu.dma_semaphore, #tpu.memory_space<semaphore_mem>>
        %dma_start3A_138 = tpu.memref_slice %arg8[%mul3A_134] : memref<100352xf32, #tpu.memory_space<vmem_shared>> -> memref<896xf32, #tpu.memory_space<vmem_shared>>
        %dma_start3A_139 = tpu.memref_slice %arg8[%mul3A_134] : memref<100352xf32, #tpu.memory_space<vmem_shared>> -> memref<896xf32, #tpu.memory_space<vmem_shared>>
        tpu.enqueue_dma source(%arg16 : memref<896xf32, #tpu.memory_space<vmem>>) target(%dma_start3A_139 : memref<896xf32, #tpu.memory_space<vmem_shared>>) target_semaphore(%run_scoped3A : memref<!tpu.dma_semaphore, #tpu.memory_space<semaphore_mem>>)
        %dma_wait3A_140 = tpu.memref_slice %arg8[%mul3A_134] : memref<100352xf32, #tpu.memory_space<vmem_shared>> -> memref<896xf32, #tpu.memory_space<vmem_shared>>
        %dma_wait3A_141 = tpu.memref_slice %arg8[%mul3A_134] : memref<100352xf32, #tpu.memory_space<vmem_shared>> -> memref<896xf32, #tpu.memory_space<vmem_shared>>
        tpu.wait_dma2 semaphore(%run_scoped3A : memref<!tpu.dma_semaphore, #tpu.memory_space<semaphore_mem>>) src(%arg16 : memref<896xf32, #tpu.memory_space<vmem>>) dst(%dma_wait3A_141 : memref<896xf32, #tpu.memory_space<vmem_shared>>)
        tpu.yield
      }) : () -> ()
      "tpu.region"() ({
        %run_scoped3A = tpu.sem_alloc : memref<!tpu.dma_semaphore, #tpu.memory_space<semaphore_mem>>
        %dma_start3A_138 = tpu.memref_slice %arg9[%mul3A_134] : memref<100352xf32, #tpu.memory_space<vmem_shared>> -> memref<896xf32, #tpu.memory_space<vmem_shared>>
        %dma_start3A_139 = tpu.memref_slice %arg9[%mul3A_134] : memref<100352xf32, #tpu.memory_space<vmem_shared>> -> memref<896xf32, #tpu.memory_space<vmem_shared>>
        tpu.enqueue_dma source(%arg17 : memref<896xf32, #tpu.memory_space<vmem>>) target(%dma_start3A_139 : memref<896xf32, #tpu.memory_space<vmem_shared>>) target_semaphore(%run_scoped3A : memref<!tpu.dma_semaphore, #tpu.memory_space<semaphore_mem>>)
        %dma_wait3A_140 = tpu.memref_slice %arg9[%mul3A_134] : memref<100352xf32, #tpu.memory_space<vmem_shared>> -> memref<896xf32, #tpu.memory_space<vmem_shared>>
        %dma_wait3A_141 = tpu.memref_slice %arg9[%mul3A_134] : memref<100352xf32, #tpu.memory_space<vmem_shared>> -> memref<896xf32, #tpu.memory_space<vmem_shared>>
        tpu.wait_dma2 semaphore(%run_scoped3A : memref<!tpu.dma_semaphore, #tpu.memory_space<semaphore_mem>>) src(%arg17 : memref<896xf32, #tpu.memory_space<vmem>>) dst(%dma_wait3A_141 : memref<896xf32, #tpu.memory_space<vmem_shared>>)
        tpu.yield
      }) : () -> ()
      "tpu.region"() ({
        %run_scoped3A = tpu.sem_alloc : memref<!tpu.dma_semaphore, #tpu.memory_space<semaphore_mem>>
        %dma_start3A_138 = tpu.memref_slice %arg10[%mul3A_134] : memref<100352xf32, #tpu.memory_space<vmem_shared>> -> memref<896xf32, #tpu.memory_space<vmem_shared>>
        %dma_start3A_139 = tpu.memref_slice %arg10[%mul3A_134] : memref<100352xf32, #tpu.memory_space<vmem_shared>> -> memref<896xf32, #tpu.memory_space<vmem_shared>>
        tpu.enqueue_dma source(%arg18 : memref<896xf32, #tpu.memory_space<vmem>>) target(%dma_start3A_139 : memref<896xf32, #tpu.memory_space<vmem_shared>>) target_semaphore(%run_scoped3A : memref<!tpu.dma_semaphore, #tpu.memory_space<semaphore_mem>>)
        %dma_wait3A_140 = tpu.memref_slice %arg10[%mul3A_134] : memref<100352xf32, #tpu.memory_space<vmem_shared>> -> memref<896xf32, #tpu.memory_space<vmem_shared>>
        %dma_wait3A_141 = tpu.memref_slice %arg10[%mul3A_134] : memref<100352xf32, #tpu.memory_space<vmem_shared>> -> memref<896xf32, #tpu.memory_space<vmem_shared>>
        tpu.wait_dma2 semaphore(%run_scoped3A : memref<!tpu.dma_semaphore, #tpu.memory_space<semaphore_mem>>) src(%arg18 : memref<896xf32, #tpu.memory_space<vmem>>) dst(%dma_wait3A_141 : memref<896xf32, #tpu.memory_space<vmem_shared>>)
        tpu.yield
      }) : () -> ()
      "tpu.region"() ({
        %run_scoped3A = tpu.sem_alloc : memref<!tpu.dma_semaphore, #tpu.memory_space<semaphore_mem>>
        %dma_start3A_138 = tpu.memref_slice %arg11[%mul3A_134] : memref<100352xf32, #tpu.memory_space<vmem_shared>> -> memref<896xf32, #tpu.memory_space<vmem_shared>>
        %dma_start3A_139 = tpu.memref_slice %arg11[%mul3A_134] : memref<100352xf32, #tpu.memory_space<vmem_shared>> -> memref<896xf32, #tpu.memory_space<vmem_shared>>
        tpu.enqueue_dma source(%arg19 : memref<896xf32, #tpu.memory_space<vmem>>) target(%dma_start3A_139 : memref<896xf32, #tpu.memory_space<vmem_shared>>) target_semaphore(%run_scoped3A : memref<!tpu.dma_semaphore, #tpu.memory_space<semaphore_mem>>)
        %dma_wait3A_140 = tpu.memref_slice %arg11[%mul3A_134] : memref<100352xf32, #tpu.memory_space<vmem_shared>> -> memref<896xf32, #tpu.memory_space<vmem_shared>>
        %dma_wait3A_141 = tpu.memref_slice %arg11[%mul3A_134] : memref<100352xf32, #tpu.memory_space<vmem_shared>> -> memref<896xf32, #tpu.memory_space<vmem_shared>>
        tpu.wait_dma2 semaphore(%run_scoped3A : memref<!tpu.dma_semaphore, #tpu.memory_space<semaphore_mem>>) src(%arg19 : memref<896xf32, #tpu.memory_space<vmem>>) dst(%dma_wait3A_141 : memref<896xf32, #tpu.memory_space<vmem_shared>>)
        tpu.yield
      }) : () -> ()
      "tpu.region"() ({
        %run_scoped3A = tpu.sem_alloc : memref<!tpu.dma_semaphore, #tpu.memory_space<semaphore_mem>>
        %dma_start3A_138 = tpu.memref_slice %arg12[%mul3A_134] : memref<100352xf32, #tpu.memory_space<vmem_shared>> -> memref<896xf32, #tpu.memory_space<vmem_shared>>
        %dma_start3A_139 = tpu.memref_slice %arg12[%mul3A_134] : memref<100352xf32, #tpu.memory_space<vmem_shared>> -> memref<896xf32, #tpu.memory_space<vmem_shared>>
        tpu.enqueue_dma source(%arg20 : memref<896xf32, #tpu.memory_space<vmem>>) target(%dma_start3A_139 : memref<896xf32, #tpu.memory_space<vmem_shared>>) target_semaphore(%run_scoped3A : memref<!tpu.dma_semaphore, #tpu.memory_space<semaphore_mem>>)
        %dma_wait3A_140 = tpu.memref_slice %arg12[%mul3A_134] : memref<100352xf32, #tpu.memory_space<vmem_shared>> -> memref<896xf32, #tpu.memory_space<vmem_shared>>
        %dma_wait3A_141 = tpu.memref_slice %arg12[%mul3A_134] : memref<100352xf32, #tpu.memory_space<vmem_shared>> -> memref<896xf32, #tpu.memory_space<vmem_shared>>
        tpu.wait_dma2 semaphore(%run_scoped3A : memref<!tpu.dma_semaphore, #tpu.memory_space<semaphore_mem>>) src(%arg20 : memref<896xf32, #tpu.memory_space<vmem>>) dst(%dma_wait3A_141 : memref<896xf32, #tpu.memory_space<vmem_shared>>)
        tpu.yield
      }) : () -> ()
      "tpu.region"() ({
        %run_scoped3A = tpu.sem_alloc : memref<!tpu.dma_semaphore, #tpu.memory_space<semaphore_mem>>
        %dma_start3A_138 = tpu.memref_slice %arg13[%mul3A_134] : memref<100352xf32, #tpu.memory_space<vmem_shared>> -> memref<896xf32, #tpu.memory_space<vmem_shared>>
        %dma_start3A_139 = tpu.memref_slice %arg13[%mul3A_134] : memref<100352xf32, #tpu.memory_space<vmem_shared>> -> memref<896xf32, #tpu.memory_space<vmem_shared>>
        tpu.enqueue_dma source(%arg21 : memref<896xf32, #tpu.memory_space<vmem>>) target(%dma_start3A_139 : memref<896xf32, #tpu.memory_space<vmem_shared>>) target_semaphore(%run_scoped3A : memref<!tpu.dma_semaphore, #tpu.memory_space<semaphore_mem>>)
        %dma_wait3A_140 = tpu.memref_slice %arg13[%mul3A_134] : memref<100352xf32, #tpu.memory_space<vmem_shared>> -> memref<896xf32, #tpu.memory_space<vmem_shared>>
        %dma_wait3A_141 = tpu.memref_slice %arg13[%mul3A_134] : memref<100352xf32, #tpu.memory_space<vmem_shared>> -> memref<896xf32, #tpu.memory_space<vmem_shared>>
        tpu.wait_dma2 semaphore(%run_scoped3A : memref<!tpu.dma_semaphore, #tpu.memory_space<semaphore_mem>>) src(%arg21 : memref<896xf32, #tpu.memory_space<vmem>>) dst(%dma_wait3A_141 : memref<896xf32, #tpu.memory_space<vmem_shared>>)
        tpu.yield
      }) : () -> ()
    } else {
    }
    %eq3A = arith.constant 15 : i32
    %eq3A_44 = arith.cmpi eq, %arg1, %eq3A : i32
    %convert_element_type3A_45 = arith.extui %eq3A_44 : i1 to i32
    %cond3A_46 = arith.constant 0 : i32
    %cond3A_47 = arith.cmpi ne, %convert_element_type3A_45, %cond3A_46 : i32
    scf.if %cond3A_47 {
      "tpu.region"() ({
        %run_scoped3A = tpu.sem_alloc : memref<!tpu.dma_semaphore, #tpu.memory_space<semaphore_mem>>
        tpu.enqueue_dma source(%arg5 : memref<3808xf32, #tpu.memory_space<hbm>>) target(%arg22 : memref<3808xf32, #tpu.memory_space<vmem>>) target_semaphore(%run_scoped3A : memref<!tpu.dma_semaphore, #tpu.memory_space<semaphore_mem>>)
        tpu.wait_dma2 semaphore(%run_scoped3A : memref<!tpu.dma_semaphore, #tpu.memory_space<semaphore_mem>>) src(%arg5 : memref<3808xf32, #tpu.memory_space<hbm>>) dst(%arg22 : memref<3808xf32, #tpu.memory_space<vmem>>)
        tpu.yield
      }) : () -> ()
      "tpu.region"() ({
        %run_scoped3A = tpu.sem_alloc : memref<!tpu.dma_semaphore, #tpu.memory_space<semaphore_mem>>
        %dma_start3A_131 = arith.constant 0 : i32
        %dma_start3A_132 = tpu.memref_slice %arg22[%dma_start3A_131] : memref<3808xf32, #tpu.memory_space<vmem>> -> memref<544xf32, #tpu.memory_space<vmem>>
        %dma_start3A_133 = arith.constant 99456 : i32
        %dma_start3A_134 = tpu.memref_slice %arg7[%dma_start3A_133] : memref<100352xf32, #tpu.memory_space<vmem_shared>> -> memref<544xf32, #tpu.memory_space<vmem_shared>>
        %dma_start3A_135 = arith.constant 99456 : i32
        %dma_start3A_136 = tpu.memref_slice %arg7[%dma_start3A_135] : memref<100352xf32, #tpu.memory_space<vmem_shared>> -> memref<544xf32, #tpu.memory_space<vmem_shared>>
        %dma_start3A_137 = arith.constant 0 : i32
        %dma_start3A_138 = tpu.memref_slice %arg22[%dma_start3A_137] : memref<3808xf32, #tpu.memory_space<vmem>> -> memref<544xf32, #tpu.memory_space<vmem>>
        tpu.enqueue_dma source(%dma_start3A_138 : memref<544xf32, #tpu.memory_space<vmem>>) target(%dma_start3A_136 : memref<544xf32, #tpu.memory_space<vmem_shared>>) target_semaphore(%run_scoped3A : memref<!tpu.dma_semaphore, #tpu.memory_space<semaphore_mem>>)
        %dma_wait3A_139 = arith.constant 0 : i32
        %dma_wait3A_140 = tpu.memref_slice %arg22[%dma_wait3A_139] : memref<3808xf32, #tpu.memory_space<vmem>> -> memref<544xf32, #tpu.memory_space<vmem>>
        %dma_wait3A_141 = arith.constant 99456 : i32
        %dma_wait3A_142 = tpu.memref_slice %arg7[%dma_wait3A_141] : memref<100352xf32, #tpu.memory_space<vmem_shared>> -> memref<544xf32, #tpu.memory_space<vmem_shared>>
        %dma_wait3A_143 = arith.constant 99456 : i32
        %dma_wait3A_144 = tpu.memref_slice %arg7[%dma_wait3A_143] : memref<100352xf32, #tpu.memory_space<vmem_shared>> -> memref<544xf32, #tpu.memory_space<vmem_shared>>
        %dma_wait3A_145 = arith.constant 0 : i32
        %dma_wait3A_146 = tpu.memref_slice %arg22[%dma_wait3A_145] : memref<3808xf32, #tpu.memory_space<vmem>> -> memref<544xf32, #tpu.memory_space<vmem>>
        tpu.wait_dma2 semaphore(%run_scoped3A : memref<!tpu.dma_semaphore, #tpu.memory_space<semaphore_mem>>) src(%dma_wait3A_146 : memref<544xf32, #tpu.memory_space<vmem>>) dst(%dma_wait3A_144 : memref<544xf32, #tpu.memory_space<vmem_shared>>)
        tpu.yield
      }) : () -> ()
      "tpu.region"() ({
        %run_scoped3A = tpu.sem_alloc : memref<!tpu.dma_semaphore, #tpu.memory_space<semaphore_mem>>
        %dma_start3A_131 = arith.constant 544 : i32
        %dma_start3A_132 = tpu.memref_slice %arg22[%dma_start3A_131] : memref<3808xf32, #tpu.memory_space<vmem>> -> memref<544xf32, #tpu.memory_space<vmem>>
        %dma_start3A_133 = arith.constant 99456 : i32
        %dma_start3A_134 = tpu.memref_slice %arg8[%dma_start3A_133] : memref<100352xf32, #tpu.memory_space<vmem_shared>> -> memref<544xf32, #tpu.memory_space<vmem_shared>>
        %dma_start3A_135 = arith.constant 99456 : i32
        %dma_start3A_136 = tpu.memref_slice %arg8[%dma_start3A_135] : memref<100352xf32, #tpu.memory_space<vmem_shared>> -> memref<544xf32, #tpu.memory_space<vmem_shared>>
        %dma_start3A_137 = arith.constant 544 : i32
        %dma_start3A_138 = tpu.memref_slice %arg22[%dma_start3A_137] : memref<3808xf32, #tpu.memory_space<vmem>> -> memref<544xf32, #tpu.memory_space<vmem>>
        tpu.enqueue_dma source(%dma_start3A_138 : memref<544xf32, #tpu.memory_space<vmem>>) target(%dma_start3A_136 : memref<544xf32, #tpu.memory_space<vmem_shared>>) target_semaphore(%run_scoped3A : memref<!tpu.dma_semaphore, #tpu.memory_space<semaphore_mem>>)
        %dma_wait3A_139 = arith.constant 544 : i32
        %dma_wait3A_140 = tpu.memref_slice %arg22[%dma_wait3A_139] : memref<3808xf32, #tpu.memory_space<vmem>> -> memref<544xf32, #tpu.memory_space<vmem>>
        %dma_wait3A_141 = arith.constant 99456 : i32
        %dma_wait3A_142 = tpu.memref_slice %arg8[%dma_wait3A_141] : memref<100352xf32, #tpu.memory_space<vmem_shared>> -> memref<544xf32, #tpu.memory_space<vmem_shared>>
        %dma_wait3A_143 = arith.constant 99456 : i32
        %dma_wait3A_144 = tpu.memref_slice %arg8[%dma_wait3A_143] : memref<100352xf32, #tpu.memory_space<vmem_shared>> -> memref<544xf32, #tpu.memory_space<vmem_shared>>
        %dma_wait3A_145 = arith.constant 544 : i32
        %dma_wait3A_146 = tpu.memref_slice %arg22[%dma_wait3A_145] : memref<3808xf32, #tpu.memory_space<vmem>> -> memref<544xf32, #tpu.memory_space<vmem>>
        tpu.wait_dma2 semaphore(%run_scoped3A : memref<!tpu.dma_semaphore, #tpu.memory_space<semaphore_mem>>) src(%dma_wait3A_146 : memref<544xf32, #tpu.memory_space<vmem>>) dst(%dma_wait3A_144 : memref<544xf32, #tpu.memory_space<vmem_shared>>)
        tpu.yield
      }) : () -> ()
      "tpu.region"() ({
        %run_scoped3A = tpu.sem_alloc : memref<!tpu.dma_semaphore, #tpu.memory_space<semaphore_mem>>
        %dma_start3A_131 = arith.constant 1088 : i32
        %dma_start3A_132 = tpu.memref_slice %arg22[%dma_start3A_131] : memref<3808xf32, #tpu.memory_space<vmem>> -> memref<544xf32, #tpu.memory_space<vmem>>
        %dma_start3A_133 = arith.constant 99456 : i32
        %dma_start3A_134 = tpu.memref_slice %arg9[%dma_start3A_133] : memref<100352xf32, #tpu.memory_space<vmem_shared>> -> memref<544xf32, #tpu.memory_space<vmem_shared>>
        %dma_start3A_135 = arith.constant 99456 : i32
        %dma_start3A_136 = tpu.memref_slice %arg9[%dma_start3A_135] : memref<100352xf32, #tpu.memory_space<vmem_shared>> -> memref<544xf32, #tpu.memory_space<vmem_shared>>
        %dma_start3A_137 = arith.constant 1088 : i32
        %dma_start3A_138 = tpu.memref_slice %arg22[%dma_start3A_137] : memref<3808xf32, #tpu.memory_space<vmem>> -> memref<544xf32, #tpu.memory_space<vmem>>
        tpu.enqueue_dma source(%dma_start3A_138 : memref<544xf32, #tpu.memory_space<vmem>>) target(%dma_start3A_136 : memref<544xf32, #tpu.memory_space<vmem_shared>>) target_semaphore(%run_scoped3A : memref<!tpu.dma_semaphore, #tpu.memory_space<semaphore_mem>>)
        %dma_wait3A_139 = arith.constant 1088 : i32
        %dma_wait3A_140 = tpu.memref_slice %arg22[%dma_wait3A_139] : memref<3808xf32, #tpu.memory_space<vmem>> -> memref<544xf32, #tpu.memory_space<vmem>>
        %dma_wait3A_141 = arith.constant 99456 : i32
        %dma_wait3A_142 = tpu.memref_slice %arg9[%dma_wait3A_141] : memref<100352xf32, #tpu.memory_space<vmem_shared>> -> memref<544xf32, #tpu.memory_space<vmem_shared>>
        %dma_wait3A_143 = arith.constant 99456 : i32
        %dma_wait3A_144 = tpu.memref_slice %arg9[%dma_wait3A_143] : memref<100352xf32, #tpu.memory_space<vmem_shared>> -> memref<544xf32, #tpu.memory_space<vmem_shared>>
        %dma_wait3A_145 = arith.constant 1088 : i32
        %dma_wait3A_146 = tpu.memref_slice %arg22[%dma_wait3A_145] : memref<3808xf32, #tpu.memory_space<vmem>> -> memref<544xf32, #tpu.memory_space<vmem>>
        tpu.wait_dma2 semaphore(%run_scoped3A : memref<!tpu.dma_semaphore, #tpu.memory_space<semaphore_mem>>) src(%dma_wait3A_146 : memref<544xf32, #tpu.memory_space<vmem>>) dst(%dma_wait3A_144 : memref<544xf32, #tpu.memory_space<vmem_shared>>)
        tpu.yield
      }) : () -> ()
      "tpu.region"() ({
        %run_scoped3A = tpu.sem_alloc : memref<!tpu.dma_semaphore, #tpu.memory_space<semaphore_mem>>
        %dma_start3A_131 = arith.constant 1632 : i32
        %dma_start3A_132 = tpu.memref_slice %arg22[%dma_start3A_131] : memref<3808xf32, #tpu.memory_space<vmem>> -> memref<544xf32, #tpu.memory_space<vmem>>
        %dma_start3A_133 = arith.constant 99456 : i32
        %dma_start3A_134 = tpu.memref_slice %arg10[%dma_start3A_133] : memref<100352xf32, #tpu.memory_space<vmem_shared>> -> memref<544xf32, #tpu.memory_space<vmem_shared>>
        %dma_start3A_135 = arith.constant 99456 : i32
        %dma_start3A_136 = tpu.memref_slice %arg10[%dma_start3A_135] : memref<100352xf32, #tpu.memory_space<vmem_shared>> -> memref<544xf32, #tpu.memory_space<vmem_shared>>
        %dma_start3A_137 = arith.constant 1632 : i32
        %dma_start3A_138 = tpu.memref_slice %arg22[%dma_start3A_137] : memref<3808xf32, #tpu.memory_space<vmem>> -> memref<544xf32, #tpu.memory_space<vmem>>
        tpu.enqueue_dma source(%dma_start3A_138 : memref<544xf32, #tpu.memory_space<vmem>>) target(%dma_start3A_136 : memref<544xf32, #tpu.memory_space<vmem_shared>>) target_semaphore(%run_scoped3A : memref<!tpu.dma_semaphore, #tpu.memory_space<semaphore_mem>>)
        %dma_wait3A_139 = arith.constant 1632 : i32
        %dma_wait3A_140 = tpu.memref_slice %arg22[%dma_wait3A_139] : memref<3808xf32, #tpu.memory_space<vmem>> -> memref<544xf32, #tpu.memory_space<vmem>>
        %dma_wait3A_141 = arith.constant 99456 : i32
        %dma_wait3A_142 = tpu.memref_slice %arg10[%dma_wait3A_141] : memref<100352xf32, #tpu.memory_space<vmem_shared>> -> memref<544xf32, #tpu.memory_space<vmem_shared>>
        %dma_wait3A_143 = arith.constant 99456 : i32
        %dma_wait3A_144 = tpu.memref_slice %arg10[%dma_wait3A_143] : memref<100352xf32, #tpu.memory_space<vmem_shared>> -> memref<544xf32, #tpu.memory_space<vmem_shared>>
        %dma_wait3A_145 = arith.constant 1632 : i32
        %dma_wait3A_146 = tpu.memref_slice %arg22[%dma_wait3A_145] : memref<3808xf32, #tpu.memory_space<vmem>> -> memref<544xf32, #tpu.memory_space<vmem>>
        tpu.wait_dma2 semaphore(%run_scoped3A : memref<!tpu.dma_semaphore, #tpu.memory_space<semaphore_mem>>) src(%dma_wait3A_146 : memref<544xf32, #tpu.memory_space<vmem>>) dst(%dma_wait3A_144 : memref<544xf32, #tpu.memory_space<vmem_shared>>)
        tpu.yield
      }) : () -> ()
      "tpu.region"() ({
        %run_scoped3A = tpu.sem_alloc : memref<!tpu.dma_semaphore, #tpu.memory_space<semaphore_mem>>
        %dma_start3A_131 = arith.constant 2176 : i32
        %dma_start3A_132 = tpu.memref_slice %arg22[%dma_start3A_131] : memref<3808xf32, #tpu.memory_space<vmem>> -> memref<544xf32, #tpu.memory_space<vmem>>
        %dma_start3A_133 = arith.constant 99456 : i32
        %dma_start3A_134 = tpu.memref_slice %arg11[%dma_start3A_133] : memref<100352xf32, #tpu.memory_space<vmem_shared>> -> memref<544xf32, #tpu.memory_space<vmem_shared>>
        %dma_start3A_135 = arith.constant 99456 : i32
        %dma_start3A_136 = tpu.memref_slice %arg11[%dma_start3A_135] : memref<100352xf32, #tpu.memory_space<vmem_shared>> -> memref<544xf32, #tpu.memory_space<vmem_shared>>
        %dma_start3A_137 = arith.constant 2176 : i32
        %dma_start3A_138 = tpu.memref_slice %arg22[%dma_start3A_137] : memref<3808xf32, #tpu.memory_space<vmem>> -> memref<544xf32, #tpu.memory_space<vmem>>
        tpu.enqueue_dma source(%dma_start3A_138 : memref<544xf32, #tpu.memory_space<vmem>>) target(%dma_start3A_136 : memref<544xf32, #tpu.memory_space<vmem_shared>>) target_semaphore(%run_scoped3A : memref<!tpu.dma_semaphore, #tpu.memory_space<semaphore_mem>>)
        %dma_wait3A_139 = arith.constant 2176 : i32
        %dma_wait3A_140 = tpu.memref_slice %arg22[%dma_wait3A_139] : memref<3808xf32, #tpu.memory_space<vmem>> -> memref<544xf32, #tpu.memory_space<vmem>>
        %dma_wait3A_141 = arith.constant 99456 : i32
        %dma_wait3A_142 = tpu.memref_slice %arg11[%dma_wait3A_141] : memref<100352xf32, #tpu.memory_space<vmem_shared>> -> memref<544xf32, #tpu.memory_space<vmem_shared>>
        %dma_wait3A_143 = arith.constant 99456 : i32
        %dma_wait3A_144 = tpu.memref_slice %arg11[%dma_wait3A_143] : memref<100352xf32, #tpu.memory_space<vmem_shared>> -> memref<544xf32, #tpu.memory_space<vmem_shared>>
        %dma_wait3A_145 = arith.constant 2176 : i32
        %dma_wait3A_146 = tpu.memref_slice %arg22[%dma_wait3A_145] : memref<3808xf32, #tpu.memory_space<vmem>> -> memref<544xf32, #tpu.memory_space<vmem>>
        tpu.wait_dma2 semaphore(%run_scoped3A : memref<!tpu.dma_semaphore, #tpu.memory_space<semaphore_mem>>) src(%dma_wait3A_146 : memref<544xf32, #tpu.memory_space<vmem>>) dst(%dma_wait3A_144 : memref<544xf32, #tpu.memory_space<vmem_shared>>)
        tpu.yield
      }) : () -> ()
      "tpu.region"() ({
        %run_scoped3A = tpu.sem_alloc : memref<!tpu.dma_semaphore, #tpu.memory_space<semaphore_mem>>
        %dma_start3A_131 = arith.constant 2720 : i32
        %dma_start3A_132 = tpu.memref_slice %arg22[%dma_start3A_131] : memref<3808xf32, #tpu.memory_space<vmem>> -> memref<544xf32, #tpu.memory_space<vmem>>
        %dma_start3A_133 = arith.constant 99456 : i32
        %dma_start3A_134 = tpu.memref_slice %arg12[%dma_start3A_133] : memref<100352xf32, #tpu.memory_space<vmem_shared>> -> memref<544xf32, #tpu.memory_space<vmem_shared>>
        %dma_start3A_135 = arith.constant 99456 : i32
        %dma_start3A_136 = tpu.memref_slice %arg12[%dma_start3A_135] : memref<100352xf32, #tpu.memory_space<vmem_shared>> -> memref<544xf32, #tpu.memory_space<vmem_shared>>
        %dma_start3A_137 = arith.constant 2720 : i32
        %dma_start3A_138 = tpu.memref_slice %arg22[%dma_start3A_137] : memref<3808xf32, #tpu.memory_space<vmem>> -> memref<544xf32, #tpu.memory_space<vmem>>
        tpu.enqueue_dma source(%dma_start3A_138 : memref<544xf32, #tpu.memory_space<vmem>>) target(%dma_start3A_136 : memref<544xf32, #tpu.memory_space<vmem_shared>>) target_semaphore(%run_scoped3A : memref<!tpu.dma_semaphore, #tpu.memory_space<semaphore_mem>>)
        %dma_wait3A_139 = arith.constant 2720 : i32
        %dma_wait3A_140 = tpu.memref_slice %arg22[%dma_wait3A_139] : memref<3808xf32, #tpu.memory_space<vmem>> -> memref<544xf32, #tpu.memory_space<vmem>>
        %dma_wait3A_141 = arith.constant 99456 : i32
        %dma_wait3A_142 = tpu.memref_slice %arg12[%dma_wait3A_141] : memref<100352xf32, #tpu.memory_space<vmem_shared>> -> memref<544xf32, #tpu.memory_space<vmem_shared>>
        %dma_wait3A_143 = arith.constant 99456 : i32
        %dma_wait3A_144 = tpu.memref_slice %arg12[%dma_wait3A_143] : memref<100352xf32, #tpu.memory_space<vmem_shared>> -> memref<544xf32, #tpu.memory_space<vmem_shared>>
        %dma_wait3A_145 = arith.constant 2720 : i32
        %dma_wait3A_146 = tpu.memref_slice %arg22[%dma_wait3A_145] : memref<3808xf32, #tpu.memory_space<vmem>> -> memref<544xf32, #tpu.memory_space<vmem>>
        tpu.wait_dma2 semaphore(%run_scoped3A : memref<!tpu.dma_semaphore, #tpu.memory_space<semaphore_mem>>) src(%dma_wait3A_146 : memref<544xf32, #tpu.memory_space<vmem>>) dst(%dma_wait3A_144 : memref<544xf32, #tpu.memory_space<vmem_shared>>)
        tpu.yield
      }) : () -> ()
      "tpu.region"() ({
        %run_scoped3A = tpu.sem_alloc : memref<!tpu.dma_semaphore, #tpu.memory_space<semaphore_mem>>
        %dma_start3A_131 = arith.constant 3264 : i32
        %dma_start3A_132 = tpu.memref_slice %arg22[%dma_start3A_131] : memref<3808xf32, #tpu.memory_space<vmem>> -> memref<544xf32, #tpu.memory_space<vmem>>
        %dma_start3A_133 = arith.constant 99456 : i32
        %dma_start3A_134 = tpu.memref_slice %arg13[%dma_start3A_133] : memref<100352xf32, #tpu.memory_space<vmem_shared>> -> memref<544xf32, #tpu.memory_space<vmem_shared>>
        %dma_start3A_135 = arith.constant 99456 : i32
        %dma_start3A_136 = tpu.memref_slice %arg13[%dma_start3A_135] : memref<100352xf32, #tpu.memory_space<vmem_shared>> -> memref<544xf32, #tpu.memory_space<vmem_shared>>
        %dma_start3A_137 = arith.constant 3264 : i32
        %dma_start3A_138 = tpu.memref_slice %arg22[%dma_start3A_137] : memref<3808xf32, #tpu.memory_space<vmem>> -> memref<544xf32, #tpu.memory_space<vmem>>
        tpu.enqueue_dma source(%dma_start3A_138 : memref<544xf32, #tpu.memory_space<vmem>>) target(%dma_start3A_136 : memref<544xf32, #tpu.memory_space<vmem_shared>>) target_semaphore(%run_scoped3A : memref<!tpu.dma_semaphore, #tpu.memory_space<semaphore_mem>>)
        %dma_wait3A_139 = arith.constant 3264 : i32
        %dma_wait3A_140 = tpu.memref_slice %arg22[%dma_wait3A_139] : memref<3808xf32, #tpu.memory_space<vmem>> -> memref<544xf32, #tpu.memory_space<vmem>>
        %dma_wait3A_141 = arith.constant 99456 : i32
        %dma_wait3A_142 = tpu.memref_slice %arg13[%dma_wait3A_141] : memref<100352xf32, #tpu.memory_space<vmem_shared>> -> memref<544xf32, #tpu.memory_space<vmem_shared>>
        %dma_wait3A_143 = arith.constant 99456 : i32
        %dma_wait3A_144 = tpu.memref_slice %arg13[%dma_wait3A_143] : memref<100352xf32, #tpu.memory_space<vmem_shared>> -> memref<544xf32, #tpu.memory_space<vmem_shared>>
        %dma_wait3A_145 = arith.constant 3264 : i32
        %dma_wait3A_146 = tpu.memref_slice %arg22[%dma_wait3A_145] : memref<3808xf32, #tpu.memory_space<vmem>> -> memref<544xf32, #tpu.memory_space<vmem>>
        tpu.wait_dma2 semaphore(%run_scoped3A : memref<!tpu.dma_semaphore, #tpu.memory_space<semaphore_mem>>) src(%dma_wait3A_146 : memref<544xf32, #tpu.memory_space<vmem>>) dst(%dma_wait3A_144 : memref<544xf32, #tpu.memory_space<vmem_shared>>)
        tpu.yield
      }) : () -> ()
    } else {
    }
    %barrier3A = arith.constant 0 : index
    tpu.barrier barrier_id(%barrier3A)
    %add3A_48 = arith.constant 0 : i32
    %add3A_49 = arith.addi %add3A, %add3A_48 : i32
    %min3A = arith.constant 3124 : i32
    %min3A_50 = arith.minsi %add3A_49, %min3A : i32
    %mul3A_51 = arith.constant 1024 : i32
    %mul3A_52 = arith.muli %min3A_50, %mul3A_51 : i32
    "tpu.region"() ({
      %run_scoped3A = tpu.sem_alloc : memref<!tpu.dma_semaphore, #tpu.memory_space<semaphore_mem>>
      %dma_start3A_131 = arith.constant 0 : i32
      %dma_start3A_132 = tpu.memref_slice %arg3[%dma_start3A_131, %mul3A_52] : memref<2x3200000xi32, #tpu.memory_space<hbm>> -> memref<2x1024xi32, #tpu.memory_space<hbm>>
      %dma_start3A_133 = arith.constant 0 : i32
      %dma_start3A_134 = tpu.memref_slice %arg3[%dma_start3A_133, %mul3A_52] : memref<2x3200000xi32, #tpu.memory_space<hbm>> -> memref<2x1024xi32, #tpu.memory_space<hbm>>
      tpu.enqueue_dma source(%dma_start3A_134 : memref<2x1024xi32, #tpu.memory_space<hbm>>) target(%arg23 : memref<2x1024xi32, #tpu.memory_space<vmem>>) target_semaphore(%run_scoped3A : memref<!tpu.dma_semaphore, #tpu.memory_space<semaphore_mem>>)
      %dma_wait3A_135 = arith.constant 0 : i32
      %dma_wait3A_136 = tpu.memref_slice %arg3[%dma_wait3A_135, %mul3A_52] : memref<2x3200000xi32, #tpu.memory_space<hbm>> -> memref<2x1024xi32, #tpu.memory_space<hbm>>
      %dma_wait3A_137 = arith.constant 0 : i32
      %dma_wait3A_138 = tpu.memref_slice %arg3[%dma_wait3A_137, %mul3A_52] : memref<2x3200000xi32, #tpu.memory_space<hbm>> -> memref<2x1024xi32, #tpu.memory_space<hbm>>
      tpu.wait_dma2 semaphore(%run_scoped3A : memref<!tpu.dma_semaphore, #tpu.memory_space<semaphore_mem>>) src(%dma_wait3A_138 : memref<2x1024xi32, #tpu.memory_space<hbm>>) dst(%arg23 : memref<2x1024xi32, #tpu.memory_space<vmem>>)
      tpu.yield
    }) : () -> ()
    %parallel_loop3A_53 = arith.constant 0 : i32
    %parallel_loop3A_54 = arith.constant 1024 : i32
    %parallel_loop3A_55 = arith.constant 16 : i32
    scf.for %parallel_loop3A_131 = %parallel_loop3A_53 to %parallel_loop3A_54 step %parallel_loop3A_55  : i32 {
      %parallel_loop3A_132 = arith.constant 0 : i32
      %parallel_loop3A_133 = arith.index_cast %parallel_loop3A_132 : i32 to index
      %parallel_loop3A_134 = arith.index_cast %parallel_loop3A_131 : i32 to index
      %parallel_loop3A_135 = tpu.vector_load %arg23[%parallel_loop3A_133, %parallel_loop3A_134] {strides = array<i32>} : memref<2x1024xi32, #tpu.memory_space<vmem>>, vector<16xi32>,
      %parallel_loop3A_136 = arith.index_cast %parallel_loop3A_131 : i32 to index
      %parallel_loop3A_137 = tpu.vector_load %arg25[%parallel_loop3A_136] {strides = array<i32>} : memref<2048xi32, #tpu.memory_space<vmem>>, vector<16xi32>,
      tpu.vector_store %arg25[%parallel_loop3A_136], %parallel_loop3A_135 {strides = array<i32>} : memref<2048xi32, #tpu.memory_space<vmem>>, vector<16xi32>,
      %parallel_loop3A_138 = arith.constant 1 : i32
      %parallel_loop3A_139 = arith.index_cast %parallel_loop3A_138 : i32 to index
      %parallel_loop3A_140 = arith.index_cast %parallel_loop3A_131 : i32 to index
      %parallel_loop3A_141 = tpu.vector_load %arg23[%parallel_loop3A_139, %parallel_loop3A_140] {strides = array<i32>} : memref<2x1024xi32, #tpu.memory_space<vmem>>, vector<16xi32>,
      %parallel_loop3A_142 = arith.constant 1024 : i32
      %parallel_loop3A_143 = arith.addi %parallel_loop3A_142, %parallel_loop3A_131 : i32
      %parallel_loop3A_144 = arith.index_cast %parallel_loop3A_143 : i32 to index
      %parallel_loop3A_145 = tpu.vector_load %arg25[%parallel_loop3A_144] {strides = array<i32>} : memref<2048xi32, #tpu.memory_space<vmem>>, vector<16xi32>,
      tpu.vector_store %arg25[%parallel_loop3A_144], %parallel_loop3A_141 {strides = array<i32>} : memref<2048xi32, #tpu.memory_space<vmem>>, vector<16xi32>,
    } {sc.loop_unroll_factor = 4 : i64, sc.parallel_access}
    %dma_start3A = arith.constant 0 : i32
    %dma_start3A_56 = tpu.memref_slice %arg7[%dma_start3A] : memref<100352xf32, #tpu.memory_space<vmem_shared>> -> memref<100352xf32, #tpu.memory_space<vmem_shared>>
    tpu.enqueue_indirect_dma source(%dma_start3A_56 : memref<100352xf32, #tpu.memory_space<vmem_shared>>) target(%arg29 : memref<2048xf32, #tpu.memory_space<vmem>>) offsets(%arg25 : memref<2048xi32, #tpu.memory_space<vmem>>) semaphore(%arg61 : memref<!tpu.dma_semaphore, #tpu.memory_space<semaphore_mem>>)
    %dma_start3A_57 = arith.constant 0 : i32
    %dma_start3A_58 = tpu.memref_slice %arg8[%dma_start3A_57] : memref<100352xf32, #tpu.memory_space<vmem_shared>> -> memref<100352xf32, #tpu.memory_space<vmem_shared>>
    tpu.enqueue_indirect_dma source(%dma_start3A_58 : memref<100352xf32, #tpu.memory_space<vmem_shared>>) target(%arg30 : memref<2048xf32, #tpu.memory_space<vmem>>) offsets(%arg25 : memref<2048xi32, #tpu.memory_space<vmem>>) semaphore(%arg61 : memref<!tpu.dma_semaphore, #tpu.memory_space<semaphore_mem>>)
    %dma_start3A_59 = arith.constant 0 : i32
    %dma_start3A_60 = tpu.memref_slice %arg9[%dma_start3A_59] : memref<100352xf32, #tpu.memory_space<vmem_shared>> -> memref<100352xf32, #tpu.memory_space<vmem_shared>>
    tpu.enqueue_indirect_dma source(%dma_start3A_60 : memref<100352xf32, #tpu.memory_space<vmem_shared>>) target(%arg31 : memref<2048xf32, #tpu.memory_space<vmem>>) offsets(%arg25 : memref<2048xi32, #tpu.memory_space<vmem>>) semaphore(%arg61 : memref<!tpu.dma_semaphore, #tpu.memory_space<semaphore_mem>>)
    %dma_start3A_61 = arith.constant 0 : i32
    %dma_start3A_62 = tpu.memref_slice %arg10[%dma_start3A_61] : memref<100352xf32, #tpu.memory_space<vmem_shared>> -> memref<100352xf32, #tpu.memory_space<vmem_shared>>
    tpu.enqueue_indirect_dma source(%dma_start3A_62 : memref<100352xf32, #tpu.memory_space<vmem_shared>>) target(%arg32 : memref<2048xf32, #tpu.memory_space<vmem>>) offsets(%arg25 : memref<2048xi32, #tpu.memory_space<vmem>>) semaphore(%arg61 : memref<!tpu.dma_semaphore, #tpu.memory_space<semaphore_mem>>)
    %dma_start3A_63 = arith.constant 0 : i32
    %dma_start3A_64 = tpu.memref_slice %arg11[%dma_start3A_63] : memref<100352xf32, #tpu.memory_space<vmem_shared>> -> memref<100352xf32, #tpu.memory_space<vmem_shared>>
    tpu.enqueue_indirect_dma source(%dma_start3A_64 : memref<100352xf32, #tpu.memory_space<vmem_shared>>) target(%arg33 : memref<2048xf32, #tpu.memory_space<vmem>>) offsets(%arg25 : memref<2048xi32, #tpu.memory_space<vmem>>) semaphore(%arg61 : memref<!tpu.dma_semaphore, #tpu.memory_space<semaphore_mem>>)
    %dma_start3A_65 = arith.constant 0 : i32
    %dma_start3A_66 = tpu.memref_slice %arg12[%dma_start3A_65] : memref<100352xf32, #tpu.memory_space<vmem_shared>> -> memref<100352xf32, #tpu.memory_space<vmem_shared>>
    tpu.enqueue_indirect_dma source(%dma_start3A_66 : memref<100352xf32, #tpu.memory_space<vmem_shared>>) target(%arg34 : memref<2048xf32, #tpu.memory_space<vmem>>) offsets(%arg25 : memref<2048xi32, #tpu.memory_space<vmem>>) semaphore(%arg61 : memref<!tpu.dma_semaphore, #tpu.memory_space<semaphore_mem>>)
    %dma_start3A_67 = arith.constant 0 : i32
    %dma_start3A_68 = tpu.memref_slice %arg13[%dma_start3A_67] : memref<100352xf32, #tpu.memory_space<vmem_shared>> -> memref<100352xf32, #tpu.memory_space<vmem_shared>>
    tpu.enqueue_indirect_dma source(%dma_start3A_68 : memref<100352xf32, #tpu.memory_space<vmem_shared>>) target(%arg35 : memref<2048xf32, #tpu.memory_space<vmem>>) offsets(%arg25 : memref<2048xi32, #tpu.memory_space<vmem>>) semaphore(%arg61 : memref<!tpu.dma_semaphore, #tpu.memory_space<semaphore_mem>>)
    %add3A_69 = arith.constant 32 : i32
    %add3A_70 = arith.addi %add3A, %add3A_69 : i32
    %min3A_71 = arith.constant 3124 : i32
    %min3A_72 = arith.minsi %add3A_70, %min3A_71 : i32
    %mul3A_73 = arith.constant 1024 : i32
    %mul3A_74 = arith.muli %min3A_72, %mul3A_73 : i32
    %dma_start3A_75 = arith.constant 0 : i32
    %dma_start3A_76 = tpu.memref_slice %arg3[%dma_start3A_75, %mul3A_74] : memref<2x3200000xi32, #tpu.memory_space<hbm>> -> memref<2x1024xi32, #tpu.memory_space<hbm>>
    %dma_start3A_77 = arith.constant 0 : i32
    %dma_start3A_78 = tpu.memref_slice %arg3[%dma_start3A_77, %mul3A_74] : memref<2x3200000xi32, #tpu.memory_space<hbm>> -> memref<2x1024xi32, #tpu.memory_space<hbm>>
    tpu.enqueue_dma source(%dma_start3A_78 : memref<2x1024xi32, #tpu.memory_space<hbm>>) target(%arg24 : memref<2x1024xi32, #tpu.memory_space<vmem>>) target_semaphore(%arg64 : memref<!tpu.dma_semaphore, #tpu.memory_space<semaphore_mem>>)
    %add3A_79 = arith.constant 0 : i32
    %add3A_80 = arith.addi %add3A, %add3A_79 : i32
    %min3A_81 = arith.constant 3124 : i32
    %min3A_82 = arith.minsi %add3A_80, %min3A_81 : i32
    %mul3A_83 = arith.constant 1024 : i32
    %mul3A_84 = arith.muli %min3A_82, %mul3A_83 : i32
    %dma_start3A_85 = arith.constant 0 : i32
    %dma_start3A_86 = tpu.memref_slice %arg4[%dma_start3A_85, %mul3A_84] : memref<7x3200000xf32, #tpu.memory_space<hbm>> -> memref<7x1024xf32, #tpu.memory_space<hbm>>
    %dma_start3A_87 = arith.constant 0 : i32
    %dma_start3A_88 = tpu.memref_slice %arg4[%dma_start3A_87, %mul3A_84] : memref<7x3200000xf32, #tpu.memory_space<hbm>> -> memref<7x1024xf32, #tpu.memory_space<hbm>>
    tpu.enqueue_dma source(%dma_start3A_88 : memref<7x1024xf32, #tpu.memory_space<hbm>>) target(%arg57 : memref<7x1024xf32, #tpu.memory_space<vmem>>) target_semaphore(%arg65 : memref<!tpu.dma_semaphore, #tpu.memory_space<semaphore_mem>>)
    %scan3A = arith.constant 0 : i32
    %scan3A_89 = arith.constant 0 : i32
    %scan3A_90 = arith.constant 49 : i32
    %scan3A_91 = arith.addi %scan3A_89, %scan3A_90 : i32
    %scan3A_92 = arith.constant 1 : i32
    scf.for %scan3A_131 = %scan3A_89 to %scan3A_91 step %scan3A_92  : i32 {
      %mul3A_132 = arith.constant 2 : i32
      %mul3A_133 = arith.muli %mul3A_132, %scan3A_131 : i32
      %add3A_134 = arith.constant 0 : i32
      %add3A_135 = arith.addi %mul3A_133, %add3A_134 : i32
      %dma_wait3A_136 = arith.constant 0 : i32
      %dma_wait3A_137 = arith.constant 0 : i32
      %dma_wait3A_138 = tpu.memref_slice %arg3[%dma_wait3A_136, %dma_wait3A_137] : memref<2x3200000xi32, #tpu.memory_space<hbm>> -> memref<2x1024xi32, #tpu.memory_space<hbm>>
      %dma_wait3A_139 = arith.constant 0 : i32
      %dma_wait3A_140 = arith.constant 0 : i32
      %dma_wait3A_141 = tpu.memref_slice %arg3[%dma_wait3A_139, %dma_wait3A_140] : memref<2x3200000xi32, #tpu.memory_space<hbm>> -> memref<2x1024xi32, #tpu.memory_space<hbm>>
      tpu.wait_dma2 semaphore(%arg64 : memref<!tpu.dma_semaphore, #tpu.memory_space<semaphore_mem>>) src(%dma_wait3A_141 : memref<2x1024xi32, #tpu.memory_space<hbm>>) dst(%arg24 : memref<2x1024xi32, #tpu.memory_space<vmem>>)
      %parallel_loop3A_142 = arith.constant 0 : i32
      %parallel_loop3A_143 = arith.constant 1024 : i32
      %parallel_loop3A_144 = arith.constant 16 : i32
      scf.for %parallel_loop3A_315 = %parallel_loop3A_142 to %parallel_loop3A_143 step %parallel_loop3A_144  : i32 {
        %parallel_loop3A_316 = arith.constant 0 : i32
        %parallel_loop3A_317 = arith.index_cast %parallel_loop3A_316 : i32 to index
        %parallel_loop3A_318 = arith.index_cast %parallel_loop3A_315 : i32 to index
        %parallel_loop3A_319 = tpu.vector_load %arg24[%parallel_loop3A_317, %parallel_loop3A_318] {strides = array<i32>} : memref<2x1024xi32, #tpu.memory_space<vmem>>, vector<16xi32>,
        %parallel_loop3A_320 = arith.index_cast %parallel_loop3A_315 : i32 to index
        %parallel_loop3A_321 = tpu.vector_load %arg26[%parallel_loop3A_320] {strides = array<i32>} : memref<2048xi32, #tpu.memory_space<vmem>>, vector<16xi32>,
        tpu.vector_store %arg26[%parallel_loop3A_320], %parallel_loop3A_319 {strides = array<i32>} : memref<2048xi32, #tpu.memory_space<vmem>>, vector<16xi32>,
        %parallel_loop3A_322 = arith.constant 1 : i32
        %parallel_loop3A_323 = arith.index_cast %parallel_loop3A_322 : i32 to index
        %parallel_loop3A_324 = arith.index_cast %parallel_loop3A_315 : i32 to index
        %parallel_loop3A_325 = tpu.vector_load %arg24[%parallel_loop3A_323, %parallel_loop3A_324] {strides = array<i32>} : memref<2x1024xi32, #tpu.memory_space<vmem>>, vector<16xi32>,
        %parallel_loop3A_326 = arith.constant 1024 : i32
        %parallel_loop3A_327 = arith.addi %parallel_loop3A_326, %parallel_loop3A_315 : i32
        %parallel_loop3A_328 = arith.index_cast %parallel_loop3A_327 : i32 to index
        %parallel_loop3A_329 = tpu.vector_load %arg26[%parallel_loop3A_328] {strides = array<i32>} : memref<2048xi32, #tpu.memory_space<vmem>>, vector<16xi32>,
        tpu.vector_store %arg26[%parallel_loop3A_328], %parallel_loop3A_325 {strides = array<i32>} : memref<2048xi32, #tpu.memory_space<vmem>>, vector<16xi32>,
      } {sc.loop_unroll_factor = 4 : i64, sc.parallel_access}
      %dma_start3A_145 = arith.constant 0 : i32
      %dma_start3A_146 = tpu.memref_slice %arg7[%dma_start3A_145] : memref<100352xf32, #tpu.memory_space<vmem_shared>> -> memref<100352xf32, #tpu.memory_space<vmem_shared>>
      tpu.enqueue_indirect_dma source(%dma_start3A_146 : memref<100352xf32, #tpu.memory_space<vmem_shared>>) target(%arg36 : memref<2048xf32, #tpu.memory_space<vmem>>) offsets(%arg26 : memref<2048xi32, #tpu.memory_space<vmem>>) semaphore(%arg62 : memref<!tpu.dma_semaphore, #tpu.memory_space<semaphore_mem>>)
      %dma_start3A_147 = arith.constant 0 : i32
      %dma_start3A_148 = tpu.memref_slice %arg8[%dma_start3A_147] : memref<100352xf32, #tpu.memory_space<vmem_shared>> -> memref<100352xf32, #tpu.memory_space<vmem_shared>>
      tpu.enqueue_indirect_dma source(%dma_start3A_148 : memref<100352xf32, #tpu.memory_space<vmem_shared>>) target(%arg37 : memref<2048xf32, #tpu.memory_space<vmem>>) offsets(%arg26 : memref<2048xi32, #tpu.memory_space<vmem>>) semaphore(%arg62 : memref<!tpu.dma_semaphore, #tpu.memory_space<semaphore_mem>>)
      %dma_start3A_149 = arith.constant 0 : i32
      %dma_start3A_150 = tpu.memref_slice %arg9[%dma_start3A_149] : memref<100352xf32, #tpu.memory_space<vmem_shared>> -> memref<100352xf32, #tpu.memory_space<vmem_shared>>
      tpu.enqueue_indirect_dma source(%dma_start3A_150 : memref<100352xf32, #tpu.memory_space<vmem_shared>>) target(%arg38 : memref<2048xf32, #tpu.memory_space<vmem>>) offsets(%arg26 : memref<2048xi32, #tpu.memory_space<vmem>>) semaphore(%arg62 : memref<!tpu.dma_semaphore, #tpu.memory_space<semaphore_mem>>)
      %dma_start3A_151 = arith.constant 0 : i32
      %dma_start3A_152 = tpu.memref_slice %arg10[%dma_start3A_151] : memref<100352xf32, #tpu.memory_space<vmem_shared>> -> memref<100352xf32, #tpu.memory_space<vmem_shared>>
      tpu.enqueue_indirect_dma source(%dma_start3A_152 : memref<100352xf32, #tpu.memory_space<vmem_shared>>) target(%arg39 : memref<2048xf32, #tpu.memory_space<vmem>>) offsets(%arg26 : memref<2048xi32, #tpu.memory_space<vmem>>) semaphore(%arg62 : memref<!tpu.dma_semaphore, #tpu.memory_space<semaphore_mem>>)
      %dma_start3A_153 = arith.constant 0 : i32
      %dma_start3A_154 = tpu.memref_slice %arg11[%dma_start3A_153] : memref<100352xf32, #tpu.memory_space<vmem_shared>> -> memref<100352xf32, #tpu.memory_space<vmem_shared>>
      tpu.enqueue_indirect_dma source(%dma_start3A_154 : memref<100352xf32, #tpu.memory_space<vmem_shared>>) target(%arg40 : memref<2048xf32, #tpu.memory_space<vmem>>) offsets(%arg26 : memref<2048xi32, #tpu.memory_space<vmem>>) semaphore(%arg62 : memref<!tpu.dma_semaphore, #tpu.memory_space<semaphore_mem>>)
      %dma_start3A_155 = arith.constant 0 : i32
      %dma_start3A_156 = tpu.memref_slice %arg12[%dma_start3A_155] : memref<100352xf32, #tpu.memory_space<vmem_shared>> -> memref<100352xf32, #tpu.memory_space<vmem_shared>>
      tpu.enqueue_indirect_dma source(%dma_start3A_156 : memref<100352xf32, #tpu.memory_space<vmem_shared>>) target(%arg41 : memref<2048xf32, #tpu.memory_space<vmem>>) offsets(%arg26 : memref<2048xi32, #tpu.memory_space<vmem>>) semaphore(%arg62 : memref<!tpu.dma_semaphore, #tpu.memory_space<semaphore_mem>>)
      %dma_start3A_157 = arith.constant 0 : i32
      %dma_start3A_158 = tpu.memref_slice %arg13[%dma_start3A_157] : memref<100352xf32, #tpu.memory_space<vmem_shared>> -> memref<100352xf32, #tpu.memory_space<vmem_shared>>
      tpu.enqueue_indirect_dma source(%dma_start3A_158 : memref<100352xf32, #tpu.memory_space<vmem_shared>>) target(%arg42 : memref<2048xf32, #tpu.memory_space<vmem>>) offsets(%arg26 : memref<2048xi32, #tpu.memory_space<vmem>>) semaphore(%arg62 : memref<!tpu.dma_semaphore, #tpu.memory_space<semaphore_mem>>)
      %add3A_159 = arith.constant 2 : i32
      %add3A_160 = arith.addi %add3A_135, %add3A_159 : i32
      %mul3A_161 = arith.constant 32 : i32
      %mul3A_162 = arith.muli %add3A_160, %mul3A_161 : i32
      %add3A_163 = arith.addi %add3A, %mul3A_162 : i32
      %min3A_164 = arith.constant 3124 : i32
      %min3A_165 = arith.minsi %add3A_163, %min3A_164 : i32
      %mul3A_166 = arith.constant 1024 : i32
      %mul3A_167 = arith.muli %min3A_165, %mul3A_166 : i32
      %dma_start3A_168 = arith.constant 0 : i32
      %dma_start3A_169 = tpu.memref_slice %arg3[%dma_start3A_168, %mul3A_167] : memref<2x3200000xi32, #tpu.memory_space<hbm>> -> memref<2x1024xi32, #tpu.memory_space<hbm>>
      %dma_start3A_170 = arith.constant 0 : i32
      %dma_start3A_171 = tpu.memref_slice %arg3[%dma_start3A_170, %mul3A_167] : memref<2x3200000xi32, #tpu.memory_space<hbm>> -> memref<2x1024xi32, #tpu.memory_space<hbm>>
      tpu.enqueue_dma source(%dma_start3A_171 : memref<2x1024xi32, #tpu.memory_space<hbm>>) target(%arg23 : memref<2x1024xi32, #tpu.memory_space<vmem>>) target_semaphore(%arg63 : memref<!tpu.dma_semaphore, #tpu.memory_space<semaphore_mem>>)
      %add3A_172 = arith.constant 1 : i32
      %add3A_173 = arith.addi %add3A_135, %add3A_172 : i32
      %mul3A_174 = arith.constant 32 : i32
      %mul3A_175 = arith.muli %add3A_173, %mul3A_174 : i32
      %add3A_176 = arith.addi %add3A, %mul3A_175 : i32
      %min3A_177 = arith.constant 3124 : i32
      %min3A_178 = arith.minsi %add3A_176, %min3A_177 : i32
      %mul3A_179 = arith.constant 1024 : i32
      %mul3A_180 = arith.muli %min3A_178, %mul3A_179 : i32
      %dma_start3A_181 = arith.constant 0 : i32
      %dma_start3A_182 = tpu.memref_slice %arg4[%dma_start3A_181, %mul3A_180] : memref<7x3200000xf32, #tpu.memory_space<hbm>> -> memref<7x1024xf32, #tpu.memory_space<hbm>>
      %dma_start3A_183 = arith.constant 0 : i32
      %dma_start3A_184 = tpu.memref_slice %arg4[%dma_start3A_183, %mul3A_180] : memref<7x3200000xf32, #tpu.memory_space<hbm>> -> memref<7x1024xf32, #tpu.memory_space<hbm>>
      tpu.enqueue_dma source(%dma_start3A_184 : memref<7x1024xf32, #tpu.memory_space<hbm>>) target(%arg58 : memref<7x1024xf32, #tpu.memory_space<vmem>>) target_semaphore(%arg66 : memref<!tpu.dma_semaphore, #tpu.memory_space<semaphore_mem>>)
      %dma_wait3A_185 = arith.constant 0 : i32
      %dma_wait3A_186 = tpu.memref_slice %arg7[%dma_wait3A_185] : memref<100352xf32, #tpu.memory_space<vmem_shared>> -> memref<100352xf32, #tpu.memory_space<vmem_shared>>
      tpu.wait_indirect_dma semaphore(%arg61 : memref<!tpu.dma_semaphore, #tpu.memory_space<semaphore_mem>>) src(%dma_wait3A_186 : memref<100352xf32, #tpu.memory_space<vmem_shared>>) dst(%arg29 : memref<2048xf32, #tpu.memory_space<vmem>>)
      %dma_wait3A_187 = arith.constant 0 : i32
      %dma_wait3A_188 = tpu.memref_slice %arg8[%dma_wait3A_187] : memref<100352xf32, #tpu.memory_space<vmem_shared>> -> memref<100352xf32, #tpu.memory_space<vmem_shared>>
      tpu.wait_indirect_dma semaphore(%arg61 : memref<!tpu.dma_semaphore, #tpu.memory_space<semaphore_mem>>) src(%dma_wait3A_188 : memref<100352xf32, #tpu.memory_space<vmem_shared>>) dst(%arg30 : memref<2048xf32, #tpu.memory_space<vmem>>)
      %dma_wait3A_189 = arith.constant 0 : i32
      %dma_wait3A_190 = tpu.memref_slice %arg9[%dma_wait3A_189] : memref<100352xf32, #tpu.memory_space<vmem_shared>> -> memref<100352xf32, #tpu.memory_space<vmem_shared>>
      tpu.wait_indirect_dma semaphore(%arg61 : memref<!tpu.dma_semaphore, #tpu.memory_space<semaphore_mem>>) src(%dma_wait3A_190 : memref<100352xf32, #tpu.memory_space<vmem_shared>>) dst(%arg31 : memref<2048xf32, #tpu.memory_space<vmem>>)
      %dma_wait3A_191 = arith.constant 0 : i32
      %dma_wait3A_192 = tpu.memref_slice %arg10[%dma_wait3A_191] : memref<100352xf32, #tpu.memory_space<vmem_shared>> -> memref<100352xf32, #tpu.memory_space<vmem_shared>>
      tpu.wait_indirect_dma semaphore(%arg61 : memref<!tpu.dma_semaphore, #tpu.memory_space<semaphore_mem>>) src(%dma_wait3A_192 : memref<100352xf32, #tpu.memory_space<vmem_shared>>) dst(%arg32 : memref<2048xf32, #tpu.memory_space<vmem>>)
      %dma_wait3A_193 = arith.constant 0 : i32
      %dma_wait3A_194 = tpu.memref_slice %arg11[%dma_wait3A_193] : memref<100352xf32, #tpu.memory_space<vmem_shared>> -> memref<100352xf32, #tpu.memory_space<vmem_shared>>
      tpu.wait_indirect_dma semaphore(%arg61 : memref<!tpu.dma_semaphore, #tpu.memory_space<semaphore_mem>>) src(%dma_wait3A_194 : memref<100352xf32, #tpu.memory_space<vmem_shared>>) dst(%arg33 : memref<2048xf32, #tpu.memory_space<vmem>>)
      %dma_wait3A_195 = arith.constant 0 : i32
      %dma_wait3A_196 = tpu.memref_slice %arg12[%dma_wait3A_195] : memref<100352xf32, #tpu.memory_space<vmem_shared>> -> memref<100352xf32, #tpu.memory_space<vmem_shared>>
      tpu.wait_indirect_dma semaphore(%arg61 : memref<!tpu.dma_semaphore, #tpu.memory_space<semaphore_mem>>) src(%dma_wait3A_196 : memref<100352xf32, #tpu.memory_space<vmem_shared>>) dst(%arg34 : memref<2048xf32, #tpu.memory_space<vmem>>)
      %dma_wait3A_197 = arith.constant 0 : i32
      %dma_wait3A_198 = tpu.memref_slice %arg13[%dma_wait3A_197] : memref<100352xf32, #tpu.memory_space<vmem_shared>> -> memref<100352xf32, #tpu.memory_space<vmem_shared>>
      tpu.wait_indirect_dma semaphore(%arg61 : memref<!tpu.dma_semaphore, #tpu.memory_space<semaphore_mem>>) src(%dma_wait3A_198 : memref<100352xf32, #tpu.memory_space<vmem_shared>>) dst(%arg35 : memref<2048xf32, #tpu.memory_space<vmem>>)
      %dma_wait3A_199 = arith.constant 0 : i32
      %dma_wait3A_200 = arith.constant 0 : i32
      %dma_wait3A_201 = tpu.memref_slice %arg4[%dma_wait3A_199, %dma_wait3A_200] : memref<7x3200000xf32, #tpu.memory_space<hbm>> -> memref<7x1024xf32, #tpu.memory_space<hbm>>
      %dma_wait3A_202 = arith.constant 0 : i32
      %dma_wait3A_203 = arith.constant 0 : i32
      %dma_wait3A_204 = tpu.memref_slice %arg4[%dma_wait3A_202, %dma_wait3A_203] : memref<7x3200000xf32, #tpu.memory_space<hbm>> -> memref<7x1024xf32, #tpu.memory_space<hbm>>
      tpu.wait_dma2 semaphore(%arg65 : memref<!tpu.dma_semaphore, #tpu.memory_space<semaphore_mem>>) src(%dma_wait3A_204 : memref<7x1024xf32, #tpu.memory_space<hbm>>) dst(%arg57 : memref<7x1024xf32, #tpu.memory_space<vmem>>)
      %gt3A = arith.constant 0 : i32
      %gt3A_205 = arith.cmpi sgt, %scan3A_131, %gt3A : i32
      %convert_element_type3A_206 = arith.extui %gt3A_205 : i1 to i32
      %cond3A_207 = arith.constant 0 : i32
      %cond3A_208 = arith.cmpi ne, %convert_element_type3A_206, %cond3A_207 : i32
      scf.if %cond3A_208 {
        %dma_wait3A_315 = arith.constant 0 : i32
        %dma_wait3A_316 = arith.constant 0 : i32
        %dma_wait3A_317 = tpu.memref_slice %arg6[%dma_wait3A_315, %dma_wait3A_316] : memref<6x3200000xf32, #tpu.memory_space<hbm>> -> memref<6x1024xf32, #tpu.memory_space<hbm>>
        %dma_wait3A_318 = arith.constant 0 : i32
        %dma_wait3A_319 = arith.constant 0 : i32
        %dma_wait3A_320 = tpu.memref_slice %arg6[%dma_wait3A_318, %dma_wait3A_319] : memref<6x3200000xf32, #tpu.memory_space<hbm>> -> memref<6x1024xf32, #tpu.memory_space<hbm>>
        tpu.wait_dma2 semaphore(%arg67 : memref<!tpu.dma_semaphore, #tpu.memory_space<semaphore_mem>>) src(%arg59 : memref<6x1024xf32, #tpu.memory_space<vmem>>) dst(%dma_wait3A_320 : memref<6x1024xf32, #tpu.memory_space<hbm>>)
      } else {
      }
      %parallel_loop3A_209 = arith.constant 0 : i32
      %parallel_loop3A_210 = arith.constant 1024 : i32
      %parallel_loop3A_211 = arith.constant 16 : i32
      scf.for %parallel_loop3A_315 = %parallel_loop3A_209 to %parallel_loop3A_210 step %parallel_loop3A_211  : i32 {
        %parallel_loop3A_316 = arith.constant 1024 : i32
        %parallel_loop3A_317 = arith.addi %parallel_loop3A_316, %parallel_loop3A_315 : i32
        %parallel_loop3A_318 = arith.index_cast %parallel_loop3A_315 : i32 to index
        %parallel_loop3A_319 = tpu.vector_load %arg29[%parallel_loop3A_318] {strides = array<i32>} : memref<2048xf32, #tpu.memory_space<vmem>>, vector<16xf32>,
        %parallel_loop3A_320 = arith.index_cast %parallel_loop3A_315 : i32 to index
        %parallel_loop3A_321 = tpu.vector_load %arg30[%parallel_loop3A_320] {strides = array<i32>} : memref<2048xf32, #tpu.memory_space<vmem>>, vector<16xf32>,
        %parallel_loop3A_322 = arith.index_cast %parallel_loop3A_315 : i32 to index
        %parallel_loop3A_323 = tpu.vector_load %arg31[%parallel_loop3A_322] {strides = array<i32>} : memref<2048xf32, #tpu.memory_space<vmem>>, vector<16xf32>,
        %parallel_loop3A_324 = arith.index_cast %parallel_loop3A_315 : i32 to index
        %parallel_loop3A_325 = tpu.vector_load %arg32[%parallel_loop3A_324] {strides = array<i32>} : memref<2048xf32, #tpu.memory_space<vmem>>, vector<16xf32>,
        %parallel_loop3A_326 = arith.index_cast %parallel_loop3A_315 : i32 to index
        %parallel_loop3A_327 = tpu.vector_load %arg33[%parallel_loop3A_326] {strides = array<i32>} : memref<2048xf32, #tpu.memory_space<vmem>>, vector<16xf32>,
        %parallel_loop3A_328 = arith.index_cast %parallel_loop3A_315 : i32 to index
        %parallel_loop3A_329 = tpu.vector_load %arg34[%parallel_loop3A_328] {strides = array<i32>} : memref<2048xf32, #tpu.memory_space<vmem>>, vector<16xf32>,
        %parallel_loop3A_330 = arith.index_cast %parallel_loop3A_315 : i32 to index
        %parallel_loop3A_331 = tpu.vector_load %arg35[%parallel_loop3A_330] {strides = array<i32>} : memref<2048xf32, #tpu.memory_space<vmem>>, vector<16xf32>,
        %parallel_loop3A_332 = arith.index_cast %parallel_loop3A_317 : i32 to index
        %parallel_loop3A_333 = tpu.vector_load %arg29[%parallel_loop3A_332] {strides = array<i32>} : memref<2048xf32, #tpu.memory_space<vmem>>, vector<16xf32>,
        %parallel_loop3A_334 = arith.index_cast %parallel_loop3A_317 : i32 to index
        %parallel_loop3A_335 = tpu.vector_load %arg30[%parallel_loop3A_334] {strides = array<i32>} : memref<2048xf32, #tpu.memory_space<vmem>>, vector<16xf32>,
        %parallel_loop3A_336 = arith.index_cast %parallel_loop3A_317 : i32 to index
        %parallel_loop3A_337 = tpu.vector_load %arg31[%parallel_loop3A_336] {strides = array<i32>} : memref<2048xf32, #tpu.memory_space<vmem>>, vector<16xf32>,
        %parallel_loop3A_338 = arith.index_cast %parallel_loop3A_317 : i32 to index
        %parallel_loop3A_339 = tpu.vector_load %arg32[%parallel_loop3A_338] {strides = array<i32>} : memref<2048xf32, #tpu.memory_space<vmem>>, vector<16xf32>,
        %parallel_loop3A_340 = arith.index_cast %parallel_loop3A_317 : i32 to index
        %parallel_loop3A_341 = tpu.vector_load %arg33[%parallel_loop3A_340] {strides = array<i32>} : memref<2048xf32, #tpu.memory_space<vmem>>, vector<16xf32>,
        %parallel_loop3A_342 = arith.index_cast %parallel_loop3A_317 : i32 to index
        %parallel_loop3A_343 = tpu.vector_load %arg34[%parallel_loop3A_342] {strides = array<i32>} : memref<2048xf32, #tpu.memory_space<vmem>>, vector<16xf32>,
        %parallel_loop3A_344 = arith.index_cast %parallel_loop3A_317 : i32 to index
        %parallel_loop3A_345 = tpu.vector_load %arg35[%parallel_loop3A_344] {strides = array<i32>} : memref<2048xf32, #tpu.memory_space<vmem>>, vector<16xf32>,
        %parallel_loop3A_346 = arith.constant 0 : i32
        %parallel_loop3A_347 = arith.index_cast %parallel_loop3A_346 : i32 to index
        %parallel_loop3A_348 = arith.index_cast %parallel_loop3A_315 : i32 to index
        %parallel_loop3A_349 = tpu.vector_load %arg57[%parallel_loop3A_347, %parallel_loop3A_348] {strides = array<i32>} : memref<7x1024xf32, #tpu.memory_space<vmem>>, vector<16xf32>,
        %parallel_loop3A_350 = arith.constant 1 : i32
        %parallel_loop3A_351 = arith.index_cast %parallel_loop3A_350 : i32 to index
        %parallel_loop3A_352 = arith.index_cast %parallel_loop3A_315 : i32 to index
        %parallel_loop3A_353 = tpu.vector_load %arg57[%parallel_loop3A_351, %parallel_loop3A_352] {strides = array<i32>} : memref<7x1024xf32, #tpu.memory_space<vmem>>, vector<16xf32>,
        %parallel_loop3A_354 = arith.constant 2 : i32
        %parallel_loop3A_355 = arith.index_cast %parallel_loop3A_354 : i32 to index
        %parallel_loop3A_356 = arith.index_cast %parallel_loop3A_315 : i32 to index
        %parallel_loop3A_357 = tpu.vector_load %arg57[%parallel_loop3A_355, %parallel_loop3A_356] {strides = array<i32>} : memref<7x1024xf32, #tpu.memory_space<vmem>>, vector<16xf32>,
        %parallel_loop3A_358 = arith.constant 3 : i32
        %parallel_loop3A_359 = arith.index_cast %parallel_loop3A_358 : i32 to index
        %parallel_loop3A_360 = arith.index_cast %parallel_loop3A_315 : i32 to index
        %parallel_loop3A_361 = tpu.vector_load %arg57[%parallel_loop3A_359, %parallel_loop3A_360] {strides = array<i32>} : memref<7x1024xf32, #tpu.memory_space<vmem>>, vector<16xf32>,
        %parallel_loop3A_362 = arith.constant 4 : i32
        %parallel_loop3A_363 = arith.index_cast %parallel_loop3A_362 : i32 to index
        %parallel_loop3A_364 = arith.index_cast %parallel_loop3A_315 : i32 to index
        %parallel_loop3A_365 = tpu.vector_load %arg57[%parallel_loop3A_363, %parallel_loop3A_364] {strides = array<i32>} : memref<7x1024xf32, #tpu.memory_space<vmem>>, vector<16xf32>,
        %parallel_loop3A_366 = arith.constant 5 : i32
        %parallel_loop3A_367 = arith.index_cast %parallel_loop3A_366 : i32 to index
        %parallel_loop3A_368 = arith.index_cast %parallel_loop3A_315 : i32 to index
        %parallel_loop3A_369 = tpu.vector_load %arg57[%parallel_loop3A_367, %parallel_loop3A_368] {strides = array<i32>} : memref<7x1024xf32, #tpu.memory_space<vmem>>, vector<16xf32>,
        %parallel_loop3A_370 = arith.constant 6 : i32
        %parallel_loop3A_371 = arith.index_cast %parallel_loop3A_370 : i32 to index
        %parallel_loop3A_372 = arith.index_cast %parallel_loop3A_315 : i32 to index
        %parallel_loop3A_373 = tpu.vector_load %arg57[%parallel_loop3A_371, %parallel_loop3A_372] {strides = array<i32>} : memref<7x1024xf32, #tpu.memory_space<vmem>>, vector<16xf32>,
        %parallel_loop3A_374 = arith.constant 0.000000e+00 : f32
        %parallel_loop3A_375 = vector.broadcast %parallel_loop3A_374 : f32 to vector<16xf32>
        %parallel_loop3A_376 = arith.subf %parallel_loop3A_375, %parallel_loop3A_325 : vector<16xf32>
        %parallel_loop3A_377 = arith.constant 0.000000e+00 : f32
        %parallel_loop3A_378 = vector.broadcast %parallel_loop3A_377 : f32 to vector<16xf32>
        %parallel_loop3A_379 = arith.subf %parallel_loop3A_378, %parallel_loop3A_327 : vector<16xf32>
        %parallel_loop3A_380 = arith.constant 0.000000e+00 : f32
        %parallel_loop3A_381 = vector.broadcast %parallel_loop3A_380 : f32 to vector<16xf32>
        %parallel_loop3A_382 = arith.subf %parallel_loop3A_381, %parallel_loop3A_329 : vector<16xf32>
        %parallel_loop3A_383 = arith.mulf %parallel_loop3A_345, %parallel_loop3A_376 : vector<16xf32>
        %parallel_loop3A_384 = arith.mulf %parallel_loop3A_339, %parallel_loop3A_331 : vector<16xf32>
        %parallel_loop3A_385 = arith.addf %parallel_loop3A_383, %parallel_loop3A_384 : vector<16xf32>
        %parallel_loop3A_386 = arith.mulf %parallel_loop3A_341, %parallel_loop3A_382 : vector<16xf32>
        %parallel_loop3A_387 = arith.addf %parallel_loop3A_385, %parallel_loop3A_386 : vector<16xf32>
        %parallel_loop3A_388 = arith.mulf %parallel_loop3A_343, %parallel_loop3A_379 : vector<16xf32>
        %parallel_loop3A_389 = arith.subf %parallel_loop3A_387, %parallel_loop3A_388 : vector<16xf32>
        %parallel_loop3A_390 = arith.mulf %parallel_loop3A_345, %parallel_loop3A_379 : vector<16xf32>
        %parallel_loop3A_391 = arith.mulf %parallel_loop3A_339, %parallel_loop3A_382 : vector<16xf32>
        %parallel_loop3A_392 = arith.subf %parallel_loop3A_390, %parallel_loop3A_391 : vector<16xf32>
        %parallel_loop3A_393 = arith.mulf %parallel_loop3A_341, %parallel_loop3A_331 : vector<16xf32>
        %parallel_loop3A_394 = arith.addf %parallel_loop3A_392, %parallel_loop3A_393 : vector<16xf32>
        %parallel_loop3A_395 = arith.mulf %parallel_loop3A_343, %parallel_loop3A_376 : vector<16xf32>
        %parallel_loop3A_396 = arith.addf %parallel_loop3A_394, %parallel_loop3A_395 : vector<16xf32>
        %parallel_loop3A_397 = arith.mulf %parallel_loop3A_345, %parallel_loop3A_382 : vector<16xf32>
        %parallel_loop3A_398 = arith.mulf %parallel_loop3A_339, %parallel_loop3A_379 : vector<16xf32>
        %parallel_loop3A_399 = arith.addf %parallel_loop3A_397, %parallel_loop3A_398 : vector<16xf32>
        %parallel_loop3A_400 = arith.mulf %parallel_loop3A_341, %parallel_loop3A_376 : vector<16xf32>
        %parallel_loop3A_401 = arith.subf %parallel_loop3A_399, %parallel_loop3A_400 : vector<16xf32>
        %parallel_loop3A_402 = arith.mulf %parallel_loop3A_343, %parallel_loop3A_331 : vector<16xf32>
        %parallel_loop3A_403 = arith.addf %parallel_loop3A_401, %parallel_loop3A_402 : vector<16xf32>
        %parallel_loop3A_404 = arith.mulf %parallel_loop3A_345, %parallel_loop3A_331 : vector<16xf32>
        %parallel_loop3A_405 = arith.mulf %parallel_loop3A_339, %parallel_loop3A_376 : vector<16xf32>
        %parallel_loop3A_406 = arith.subf %parallel_loop3A_404, %parallel_loop3A_405 : vector<16xf32>
        %parallel_loop3A_407 = arith.mulf %parallel_loop3A_341, %parallel_loop3A_379 : vector<16xf32>
        %parallel_loop3A_408 = arith.subf %parallel_loop3A_406, %parallel_loop3A_407 : vector<16xf32>
        %parallel_loop3A_409 = arith.mulf %parallel_loop3A_343, %parallel_loop3A_382 : vector<16xf32>
        %parallel_loop3A_410 = arith.subf %parallel_loop3A_408, %parallel_loop3A_409 : vector<16xf32>
        %parallel_loop3A_411 = arith.mulf %parallel_loop3A_396, %parallel_loop3A_323 : vector<16xf32>
        %parallel_loop3A_412 = arith.mulf %parallel_loop3A_403, %parallel_loop3A_321 : vector<16xf32>
        %parallel_loop3A_413 = arith.subf %parallel_loop3A_411, %parallel_loop3A_412 : vector<16xf32>
        %parallel_loop3A_414 = arith.mulf %parallel_loop3A_403, %parallel_loop3A_319 : vector<16xf32>
        %parallel_loop3A_415 = arith.mulf %parallel_loop3A_389, %parallel_loop3A_323 : vector<16xf32>
        %parallel_loop3A_416 = arith.subf %parallel_loop3A_414, %parallel_loop3A_415 : vector<16xf32>
        %parallel_loop3A_417 = arith.mulf %parallel_loop3A_389, %parallel_loop3A_321 : vector<16xf32>
        %parallel_loop3A_418 = arith.mulf %parallel_loop3A_396, %parallel_loop3A_319 : vector<16xf32>
        %parallel_loop3A_419 = arith.subf %parallel_loop3A_417, %parallel_loop3A_418 : vector<16xf32>
        %parallel_loop3A_420 = arith.constant 2.000000e+00 : f32
        %parallel_loop3A_421 = vector.broadcast %parallel_loop3A_420 : f32 to vector<16xf32>
        %parallel_loop3A_422 = arith.mulf %parallel_loop3A_421, %parallel_loop3A_413 : vector<16xf32>
        %parallel_loop3A_423 = arith.constant 2.000000e+00 : f32
        %parallel_loop3A_424 = vector.broadcast %parallel_loop3A_423 : f32 to vector<16xf32>
        %parallel_loop3A_425 = arith.mulf %parallel_loop3A_424, %parallel_loop3A_416 : vector<16xf32>
        %parallel_loop3A_426 = arith.constant 2.000000e+00 : f32
        %parallel_loop3A_427 = vector.broadcast %parallel_loop3A_426 : f32 to vector<16xf32>
        %parallel_loop3A_428 = arith.mulf %parallel_loop3A_427, %parallel_loop3A_419 : vector<16xf32>
        %parallel_loop3A_429 = arith.mulf %parallel_loop3A_396, %parallel_loop3A_428 : vector<16xf32>
        %parallel_loop3A_430 = arith.mulf %parallel_loop3A_403, %parallel_loop3A_425 : vector<16xf32>
        %parallel_loop3A_431 = arith.subf %parallel_loop3A_429, %parallel_loop3A_430 : vector<16xf32>
        %parallel_loop3A_432 = arith.mulf %parallel_loop3A_403, %parallel_loop3A_422 : vector<16xf32>
        %parallel_loop3A_433 = arith.mulf %parallel_loop3A_389, %parallel_loop3A_428 : vector<16xf32>
        %parallel_loop3A_434 = arith.subf %parallel_loop3A_432, %parallel_loop3A_433 : vector<16xf32>
        %parallel_loop3A_435 = arith.mulf %parallel_loop3A_389, %parallel_loop3A_425 : vector<16xf32>
        %parallel_loop3A_436 = arith.mulf %parallel_loop3A_396, %parallel_loop3A_422 : vector<16xf32>
        %parallel_loop3A_437 = arith.subf %parallel_loop3A_435, %parallel_loop3A_436 : vector<16xf32>
        %parallel_loop3A_438 = arith.mulf %parallel_loop3A_410, %parallel_loop3A_422 : vector<16xf32>
        %parallel_loop3A_439 = arith.addf %parallel_loop3A_319, %parallel_loop3A_438 : vector<16xf32>
        %parallel_loop3A_440 = arith.addf %parallel_loop3A_439, %parallel_loop3A_431 : vector<16xf32>
        %parallel_loop3A_441 = arith.mulf %parallel_loop3A_410, %parallel_loop3A_425 : vector<16xf32>
        %parallel_loop3A_442 = arith.addf %parallel_loop3A_321, %parallel_loop3A_441 : vector<16xf32>
        %parallel_loop3A_443 = arith.addf %parallel_loop3A_442, %parallel_loop3A_434 : vector<16xf32>
        %parallel_loop3A_444 = arith.mulf %parallel_loop3A_410, %parallel_loop3A_428 : vector<16xf32>
        %parallel_loop3A_445 = arith.addf %parallel_loop3A_323, %parallel_loop3A_444 : vector<16xf32>
        %parallel_loop3A_446 = arith.addf %parallel_loop3A_445, %parallel_loop3A_437 : vector<16xf32>
        %parallel_loop3A_447 = arith.subf %parallel_loop3A_333, %parallel_loop3A_440 : vector<16xf32>
        %parallel_loop3A_448 = arith.subf %parallel_loop3A_335, %parallel_loop3A_443 : vector<16xf32>
        %parallel_loop3A_449 = arith.subf %parallel_loop3A_337, %parallel_loop3A_446 : vector<16xf32>
        %parallel_loop3A_450 = arith.constant 0.000000e+00 : f32
        %parallel_loop3A_451 = vector.broadcast %parallel_loop3A_450 : f32 to vector<16xf32>
        %parallel_loop3A_452 = arith.subf %parallel_loop3A_451, %parallel_loop3A_361 : vector<16xf32>
        %parallel_loop3A_453 = arith.constant 0.000000e+00 : f32
        %parallel_loop3A_454 = vector.broadcast %parallel_loop3A_453 : f32 to vector<16xf32>
        %parallel_loop3A_455 = arith.subf %parallel_loop3A_454, %parallel_loop3A_365 : vector<16xf32>
        %parallel_loop3A_456 = arith.constant 0.000000e+00 : f32
        %parallel_loop3A_457 = vector.broadcast %parallel_loop3A_456 : f32 to vector<16xf32>
        %parallel_loop3A_458 = arith.subf %parallel_loop3A_457, %parallel_loop3A_369 : vector<16xf32>
        %parallel_loop3A_459 = arith.mulf %parallel_loop3A_373, %parallel_loop3A_389 : vector<16xf32>
        %parallel_loop3A_460 = arith.mulf %parallel_loop3A_452, %parallel_loop3A_410 : vector<16xf32>
        %parallel_loop3A_461 = arith.addf %parallel_loop3A_459, %parallel_loop3A_460 : vector<16xf32>
        %parallel_loop3A_462 = arith.mulf %parallel_loop3A_455, %parallel_loop3A_403 : vector<16xf32>
        %parallel_loop3A_463 = arith.addf %parallel_loop3A_461, %parallel_loop3A_462 : vector<16xf32>
        %parallel_loop3A_464 = arith.mulf %parallel_loop3A_458, %parallel_loop3A_396 : vector<16xf32>
        %parallel_loop3A_465 = arith.subf %parallel_loop3A_463, %parallel_loop3A_464 : vector<16xf32>
        %parallel_loop3A_466 = arith.mulf %parallel_loop3A_373, %parallel_loop3A_396 : vector<16xf32>
        %parallel_loop3A_467 = arith.mulf %parallel_loop3A_452, %parallel_loop3A_403 : vector<16xf32>
        %parallel_loop3A_468 = arith.subf %parallel_loop3A_466, %parallel_loop3A_467 : vector<16xf32>
        %parallel_loop3A_469 = arith.mulf %parallel_loop3A_455, %parallel_loop3A_410 : vector<16xf32>
        %parallel_loop3A_470 = arith.addf %parallel_loop3A_468, %parallel_loop3A_469 : vector<16xf32>
        %parallel_loop3A_471 = arith.mulf %parallel_loop3A_458, %parallel_loop3A_389 : vector<16xf32>
        %parallel_loop3A_472 = arith.addf %parallel_loop3A_470, %parallel_loop3A_471 : vector<16xf32>
        %parallel_loop3A_473 = arith.mulf %parallel_loop3A_373, %parallel_loop3A_403 : vector<16xf32>
        %parallel_loop3A_474 = arith.mulf %parallel_loop3A_452, %parallel_loop3A_396 : vector<16xf32>
        %parallel_loop3A_475 = arith.addf %parallel_loop3A_473, %parallel_loop3A_474 : vector<16xf32>
        %parallel_loop3A_476 = arith.mulf %parallel_loop3A_455, %parallel_loop3A_389 : vector<16xf32>
        %parallel_loop3A_477 = arith.subf %parallel_loop3A_475, %parallel_loop3A_476 : vector<16xf32>
        %parallel_loop3A_478 = arith.mulf %parallel_loop3A_458, %parallel_loop3A_410 : vector<16xf32>
        %parallel_loop3A_479 = arith.addf %parallel_loop3A_477, %parallel_loop3A_478 : vector<16xf32>
        %parallel_loop3A_480 = arith.mulf %parallel_loop3A_373, %parallel_loop3A_410 : vector<16xf32>
        %parallel_loop3A_481 = arith.mulf %parallel_loop3A_452, %parallel_loop3A_389 : vector<16xf32>
        %parallel_loop3A_482 = arith.subf %parallel_loop3A_480, %parallel_loop3A_481 : vector<16xf32>
        %parallel_loop3A_483 = arith.mulf %parallel_loop3A_455, %parallel_loop3A_396 : vector<16xf32>
        %parallel_loop3A_484 = arith.subf %parallel_loop3A_482, %parallel_loop3A_483 : vector<16xf32>
        %parallel_loop3A_485 = arith.mulf %parallel_loop3A_458, %parallel_loop3A_403 : vector<16xf32>
        %parallel_loop3A_486 = arith.subf %parallel_loop3A_484, %parallel_loop3A_485 : vector<16xf32>
        %parallel_loop3A_487 = arith.subf %parallel_loop3A_447, %parallel_loop3A_349 : vector<16xf32>
        %parallel_loop3A_488 = arith.subf %parallel_loop3A_448, %parallel_loop3A_353 : vector<16xf32>
        %parallel_loop3A_489 = arith.subf %parallel_loop3A_449, %parallel_loop3A_357 : vector<16xf32>
        %parallel_loop3A_490 = arith.mulf %parallel_loop3A_455, %parallel_loop3A_489 : vector<16xf32>
        %parallel_loop3A_491 = arith.mulf %parallel_loop3A_458, %parallel_loop3A_488 : vector<16xf32>
        %parallel_loop3A_492 = arith.subf %parallel_loop3A_490, %parallel_loop3A_491 : vector<16xf32>
        %parallel_loop3A_493 = arith.mulf %parallel_loop3A_458, %parallel_loop3A_487 : vector<16xf32>
        %parallel_loop3A_494 = arith.mulf %parallel_loop3A_452, %parallel_loop3A_489 : vector<16xf32>
        %parallel_loop3A_495 = arith.subf %parallel_loop3A_493, %parallel_loop3A_494 : vector<16xf32>
        %parallel_loop3A_496 = arith.mulf %parallel_loop3A_452, %parallel_loop3A_488 : vector<16xf32>
        %parallel_loop3A_497 = arith.mulf %parallel_loop3A_455, %parallel_loop3A_487 : vector<16xf32>
        %parallel_loop3A_498 = arith.subf %parallel_loop3A_496, %parallel_loop3A_497 : vector<16xf32>
        %parallel_loop3A_499 = arith.constant 2.000000e+00 : f32
        %parallel_loop3A_500 = vector.broadcast %parallel_loop3A_499 : f32 to vector<16xf32>
        %parallel_loop3A_501 = arith.mulf %parallel_loop3A_500, %parallel_loop3A_492 : vector<16xf32>
        %parallel_loop3A_502 = arith.constant 2.000000e+00 : f32
        %parallel_loop3A_503 = vector.broadcast %parallel_loop3A_502 : f32 to vector<16xf32>
        %parallel_loop3A_504 = arith.mulf %parallel_loop3A_503, %parallel_loop3A_495 : vector<16xf32>
        %parallel_loop3A_505 = arith.constant 2.000000e+00 : f32
        %parallel_loop3A_506 = vector.broadcast %parallel_loop3A_505 : f32 to vector<16xf32>
        %parallel_loop3A_507 = arith.mulf %parallel_loop3A_506, %parallel_loop3A_498 : vector<16xf32>
        %parallel_loop3A_508 = arith.mulf %parallel_loop3A_455, %parallel_loop3A_507 : vector<16xf32>
        %parallel_loop3A_509 = arith.mulf %parallel_loop3A_458, %parallel_loop3A_504 : vector<16xf32>
        %parallel_loop3A_510 = arith.subf %parallel_loop3A_508, %parallel_loop3A_509 : vector<16xf32>
        %parallel_loop3A_511 = arith.mulf %parallel_loop3A_458, %parallel_loop3A_501 : vector<16xf32>
        %parallel_loop3A_512 = arith.mulf %parallel_loop3A_452, %parallel_loop3A_507 : vector<16xf32>
        %parallel_loop3A_513 = arith.subf %parallel_loop3A_511, %parallel_loop3A_512 : vector<16xf32>
        %parallel_loop3A_514 = arith.mulf %parallel_loop3A_452, %parallel_loop3A_504 : vector<16xf32>
        %parallel_loop3A_515 = arith.mulf %parallel_loop3A_455, %parallel_loop3A_501 : vector<16xf32>
        %parallel_loop3A_516 = arith.subf %parallel_loop3A_514, %parallel_loop3A_515 : vector<16xf32>
        %parallel_loop3A_517 = arith.mulf %parallel_loop3A_373, %parallel_loop3A_501 : vector<16xf32>
        %parallel_loop3A_518 = arith.addf %parallel_loop3A_487, %parallel_loop3A_517 : vector<16xf32>
        %parallel_loop3A_519 = arith.addf %parallel_loop3A_518, %parallel_loop3A_510 : vector<16xf32>
        %parallel_loop3A_520 = arith.mulf %parallel_loop3A_373, %parallel_loop3A_504 : vector<16xf32>
        %parallel_loop3A_521 = arith.addf %parallel_loop3A_488, %parallel_loop3A_520 : vector<16xf32>
        %parallel_loop3A_522 = arith.addf %parallel_loop3A_521, %parallel_loop3A_513 : vector<16xf32>
        %parallel_loop3A_523 = arith.mulf %parallel_loop3A_373, %parallel_loop3A_507 : vector<16xf32>
        %parallel_loop3A_524 = arith.addf %parallel_loop3A_489, %parallel_loop3A_523 : vector<16xf32>
        %parallel_loop3A_525 = arith.addf %parallel_loop3A_524, %parallel_loop3A_516 : vector<16xf32>
        %parallel_loop3A_526 = arith.constant 0.000000e+00 : f32
        %parallel_loop3A_527 = vector.broadcast %parallel_loop3A_526 : f32 to vector<16xf32>
        %parallel_loop3A_528 = arith.cmpf olt, %parallel_loop3A_486, %parallel_loop3A_527 : vector<16xf32>
        %parallel_loop3A_529 = arith.constant -1.000000e+00 : f32
        %parallel_loop3A_530 = arith.constant 1.000000e+00 : f32
        %parallel_loop3A_531 = vector.broadcast %parallel_loop3A_529 : f32 to vector<16xf32>
        %parallel_loop3A_532 = vector.broadcast %parallel_loop3A_530 : f32 to vector<16xf32>
        %parallel_loop3A_533 = arith.select %parallel_loop3A_528, %parallel_loop3A_531, %parallel_loop3A_532 : vector<16xi1>, vector<16xf32>
        %parallel_loop3A_534 = arith.mulf %parallel_loop3A_465, %parallel_loop3A_533 : vector<16xf32>
        %parallel_loop3A_535 = arith.mulf %parallel_loop3A_472, %parallel_loop3A_533 : vector<16xf32>
        %parallel_loop3A_536 = arith.mulf %parallel_loop3A_479, %parallel_loop3A_533 : vector<16xf32>
        %parallel_loop3A_537 = math.absf %parallel_loop3A_486 : vector<16xf32>
        %parallel_loop3A_538 = arith.mulf %parallel_loop3A_534, %parallel_loop3A_534 : vector<16xf32>
        %parallel_loop3A_539 = arith.mulf %parallel_loop3A_535, %parallel_loop3A_535 : vector<16xf32>
        %parallel_loop3A_540 = arith.addf %parallel_loop3A_538, %parallel_loop3A_539 : vector<16xf32>
        %parallel_loop3A_541 = arith.mulf %parallel_loop3A_536, %parallel_loop3A_536 : vector<16xf32>
        %parallel_loop3A_542 = arith.addf %parallel_loop3A_540, %parallel_loop3A_541 : vector<16xf32>
        %parallel_loop3A_543 = arith.constant 1.000000e-30 : f32
        %parallel_loop3A_544 = vector.broadcast %parallel_loop3A_543 : f32 to vector<16xf32>
        %parallel_loop3A_545 = arith.maximumf %parallel_loop3A_542, %parallel_loop3A_544 : vector<16xf32>
        %parallel_loop3A_546 = vector.bitcast %parallel_loop3A_545 : vector<16xf32> to vector<16xi32>
        %parallel_loop3A_547 = arith.constant 1 : i32
        %parallel_loop3A_548 = vector.broadcast %parallel_loop3A_547 : i32 to vector<16xi32>
        %parallel_loop3A_549 = arith.shrui %parallel_loop3A_546, %parallel_loop3A_548 : vector<16xi32>
        %parallel_loop3A_550 = arith.constant 1597463007 : i32
        %parallel_loop3A_551 = vector.broadcast %parallel_loop3A_550 : i32 to vector<16xi32>
        %parallel_loop3A_552 = arith.subi %parallel_loop3A_551, %parallel_loop3A_549 : vector<16xi32>
        %parallel_loop3A_553 = vector.bitcast %parallel_loop3A_552 : vector<16xi32> to vector<16xf32>
        %parallel_loop3A_554 = arith.constant 5.000000e-01 : f32
        %parallel_loop3A_555 = vector.broadcast %parallel_loop3A_554 : f32 to vector<16xf32>
        %parallel_loop3A_556 = arith.mulf %parallel_loop3A_555, %parallel_loop3A_545 : vector<16xf32>
        %parallel_loop3A_557 = arith.mulf %parallel_loop3A_556, %parallel_loop3A_553 : vector<16xf32>
        %parallel_loop3A_558 = arith.mulf %parallel_loop3A_557, %parallel_loop3A_553 : vector<16xf32>
        %parallel_loop3A_559 = arith.constant 1.500000e+00 : f32
        %parallel_loop3A_560 = vector.broadcast %parallel_loop3A_559 : f32 to vector<16xf32>
        %parallel_loop3A_561 = arith.subf %parallel_loop3A_560, %parallel_loop3A_558 : vector<16xf32>
        %parallel_loop3A_562 = arith.mulf %parallel_loop3A_553, %parallel_loop3A_561 : vector<16xf32>
        %parallel_loop3A_563 = arith.constant 5.000000e-01 : f32
        %parallel_loop3A_564 = vector.broadcast %parallel_loop3A_563 : f32 to vector<16xf32>
        %parallel_loop3A_565 = arith.mulf %parallel_loop3A_564, %parallel_loop3A_545 : vector<16xf32>
        %parallel_loop3A_566 = arith.mulf %parallel_loop3A_565, %parallel_loop3A_562 : vector<16xf32>
        %parallel_loop3A_567 = arith.mulf %parallel_loop3A_566, %parallel_loop3A_562 : vector<16xf32>
        %parallel_loop3A_568 = arith.constant 1.500000e+00 : f32
        %parallel_loop3A_569 = vector.broadcast %parallel_loop3A_568 : f32 to vector<16xf32>
        %parallel_loop3A_570 = arith.subf %parallel_loop3A_569, %parallel_loop3A_567 : vector<16xf32>
        %parallel_loop3A_571 = arith.mulf %parallel_loop3A_562, %parallel_loop3A_570 : vector<16xf32>
        %parallel_loop3A_572 = arith.constant 5.000000e-01 : f32
        %parallel_loop3A_573 = vector.broadcast %parallel_loop3A_572 : f32 to vector<16xf32>
        %parallel_loop3A_574 = arith.mulf %parallel_loop3A_573, %parallel_loop3A_545 : vector<16xf32>
        %parallel_loop3A_575 = arith.mulf %parallel_loop3A_574, %parallel_loop3A_571 : vector<16xf32>
        %parallel_loop3A_576 = arith.mulf %parallel_loop3A_575, %parallel_loop3A_571 : vector<16xf32>
        %parallel_loop3A_577 = arith.constant 1.500000e+00 : f32
        %parallel_loop3A_578 = vector.broadcast %parallel_loop3A_577 : f32 to vector<16xf32>
        %parallel_loop3A_579 = arith.subf %parallel_loop3A_578, %parallel_loop3A_576 : vector<16xf32>
        %parallel_loop3A_580 = arith.mulf %parallel_loop3A_571, %parallel_loop3A_579 : vector<16xf32>
        %parallel_loop3A_581 = arith.mulf %parallel_loop3A_542, %parallel_loop3A_580 : vector<16xf32>
        %parallel_loop3A_582 = arith.minimumf %parallel_loop3A_581, %parallel_loop3A_537 : vector<16xf32>
        %parallel_loop3A_583 = arith.maximumf %parallel_loop3A_581, %parallel_loop3A_537 : vector<16xf32>
        %parallel_loop3A_584 = arith.divf %parallel_loop3A_582, %parallel_loop3A_583 : vector<16xf32>
        %parallel_loop3A_585 = arith.mulf %parallel_loop3A_584, %parallel_loop3A_584 : vector<16xf32>
        %parallel_loop3A_586 = arith.constant -0.00466878433 : f32
        %parallel_loop3A_587 = vector.broadcast %parallel_loop3A_586 : f32 to vector<16xf32>
        %parallel_loop3A_588 = arith.mulf %parallel_loop3A_587, %parallel_loop3A_585 : vector<16xf32>
        %parallel_loop3A_589 = arith.constant 0.0241662469 : f32
        %parallel_loop3A_590 = vector.broadcast %parallel_loop3A_589 : f32 to vector<16xf32>
        %parallel_loop3A_591 = arith.addf %parallel_loop3A_588, %parallel_loop3A_590 : vector<16xf32>
        %parallel_loop3A_592 = arith.mulf %parallel_loop3A_591, %parallel_loop3A_585 : vector<16xf32>
        %parallel_loop3A_593 = arith.constant -0.0593672097 : f32
        %parallel_loop3A_594 = vector.broadcast %parallel_loop3A_593 : f32 to vector<16xf32>
        %parallel_loop3A_595 = arith.addf %parallel_loop3A_592, %parallel_loop3A_594 : vector<16xf32>
        %parallel_loop3A_596 = arith.mulf %parallel_loop3A_595, %parallel_loop3A_585 : vector<16xf32>
        %parallel_loop3A_597 = arith.constant 0.0990610718 : f32
        %parallel_loop3A_598 = vector.broadcast %parallel_loop3A_597 : f32 to vector<16xf32>
        %parallel_loop3A_599 = arith.addf %parallel_loop3A_596, %parallel_loop3A_598 : vector<16xf32>
        %parallel_loop3A_600 = arith.mulf %parallel_loop3A_599, %parallel_loop3A_585 : vector<16xf32>
        %parallel_loop3A_601 = arith.constant -0.140165895 : f32
        %parallel_loop3A_602 = vector.broadcast %parallel_loop3A_601 : f32 to vector<16xf32>
        %parallel_loop3A_603 = arith.addf %parallel_loop3A_600, %parallel_loop3A_602 : vector<16xf32>
        %parallel_loop3A_604 = arith.mulf %parallel_loop3A_603, %parallel_loop3A_585 : vector<16xf32>
        %parallel_loop3A_605 = arith.constant 0.199692369 : f32
        %parallel_loop3A_606 = vector.broadcast %parallel_loop3A_605 : f32 to vector<16xf32>
        %parallel_loop3A_607 = arith.addf %parallel_loop3A_604, %parallel_loop3A_606 : vector<16xf32>
        %parallel_loop3A_608 = arith.mulf %parallel_loop3A_607, %parallel_loop3A_585 : vector<16xf32>
        %parallel_loop3A_609 = arith.constant -0.333319604 : f32
        %parallel_loop3A_610 = vector.broadcast %parallel_loop3A_609 : f32 to vector<16xf32>
        %parallel_loop3A_611 = arith.addf %parallel_loop3A_608, %parallel_loop3A_610 : vector<16xf32>
        %parallel_loop3A_612 = arith.mulf %parallel_loop3A_611, %parallel_loop3A_585 : vector<16xf32>
        %parallel_loop3A_613 = arith.constant 0.99999988 : f32
        %parallel_loop3A_614 = vector.broadcast %parallel_loop3A_613 : f32 to vector<16xf32>
        %parallel_loop3A_615 = arith.addf %parallel_loop3A_612, %parallel_loop3A_614 : vector<16xf32>
        %parallel_loop3A_616 = arith.mulf %parallel_loop3A_615, %parallel_loop3A_584 : vector<16xf32>
        %parallel_loop3A_617 = arith.cmpf ogt, %parallel_loop3A_581, %parallel_loop3A_537 : vector<16xf32>
        %parallel_loop3A_618 = arith.constant 1.57079637 : f32
        %parallel_loop3A_619 = vector.broadcast %parallel_loop3A_618 : f32 to vector<16xf32>
        %parallel_loop3A_620 = arith.subf %parallel_loop3A_619, %parallel_loop3A_616 : vector<16xf32>
        %parallel_loop3A_621 = arith.select %parallel_loop3A_617, %parallel_loop3A_620, %parallel_loop3A_616 : vector<16xi1>, vector<16xf32>
        %parallel_loop3A_622 = arith.constant 2.000000e+00 : f32
        %parallel_loop3A_623 = vector.broadcast %parallel_loop3A_622 : f32 to vector<16xf32>
        %parallel_loop3A_624 = arith.mulf %parallel_loop3A_623, %parallel_loop3A_621 : vector<16xf32>
        %parallel_loop3A_625 = arith.constant 1.000000e-07 : f32
        %parallel_loop3A_626 = vector.broadcast %parallel_loop3A_625 : f32 to vector<16xf32>
        %parallel_loop3A_627 = arith.cmpf ogt, %parallel_loop3A_581, %parallel_loop3A_626 : vector<16xf32>
        %parallel_loop3A_628 = arith.constant 1.000000e-07 : f32
        %parallel_loop3A_629 = vector.broadcast %parallel_loop3A_628 : f32 to vector<16xf32>
        %parallel_loop3A_630 = arith.cmpf ogt, %parallel_loop3A_537, %parallel_loop3A_629 : vector<16xf32>
        %parallel_loop3A_631 = arith.constant 1.000000e+00 : f32
        %parallel_loop3A_632 = vector.broadcast %parallel_loop3A_631 : f32 to vector<16xf32>
        %parallel_loop3A_633 = arith.select %parallel_loop3A_630, %parallel_loop3A_537, %parallel_loop3A_632 : vector<16xi1>, vector<16xf32>
        %parallel_loop3A_634 = arith.constant 2.000000e+00 : f32
        %parallel_loop3A_635 = vector.broadcast %parallel_loop3A_634 : f32 to vector<16xf32>
        %parallel_loop3A_636 = arith.select %parallel_loop3A_627, %parallel_loop3A_624, %parallel_loop3A_635 : vector<16xi1>, vector<16xf32>
        %parallel_loop3A_637 = arith.select %parallel_loop3A_627, %parallel_loop3A_581, %parallel_loop3A_633 : vector<16xi1>, vector<16xf32>
        %parallel_loop3A_638 = arith.divf %parallel_loop3A_636, %parallel_loop3A_637 : vector<16xf32>
        %parallel_loop3A_639 = arith.mulf %parallel_loop3A_534, %parallel_loop3A_638 : vector<16xf32>
        %parallel_loop3A_640 = arith.mulf %parallel_loop3A_535, %parallel_loop3A_638 : vector<16xf32>
        %parallel_loop3A_641 = arith.mulf %parallel_loop3A_536, %parallel_loop3A_638 : vector<16xf32>
        %parallel_loop3A_642 = arith.constant 9.99999974E-5 : f32
        %parallel_loop3A_643 = vector.broadcast %parallel_loop3A_642 : f32 to vector<16xf32>
        %parallel_loop3A_644 = arith.cmpf olt, %parallel_loop3A_624, %parallel_loop3A_643 : vector<16xf32>
        %parallel_loop3A_645 = arith.constant 2.000000e+00 : f32
        %parallel_loop3A_646 = vector.broadcast %parallel_loop3A_645 : f32 to vector<16xf32>
        %parallel_loop3A_647 = arith.mulf %parallel_loop3A_646, %parallel_loop3A_581 : vector<16xf32>
        %parallel_loop3A_648 = arith.mulf %parallel_loop3A_647, %parallel_loop3A_537 : vector<16xf32>
        %parallel_loop3A_649 = arith.mulf %parallel_loop3A_537, %parallel_loop3A_537 : vector<16xf32>
        %parallel_loop3A_650 = arith.subf %parallel_loop3A_649, %parallel_loop3A_542 : vector<16xf32>
        %parallel_loop3A_651 = arith.mulf %parallel_loop3A_624, %parallel_loop3A_624 : vector<16xf32>
        %parallel_loop3A_652 = arith.constant 2.000000e+00 : f32
        %parallel_loop3A_653 = vector.broadcast %parallel_loop3A_652 : f32 to vector<16xf32>
        %parallel_loop3A_654 = arith.mulf %parallel_loop3A_653, %parallel_loop3A_624 : vector<16xf32>
        %parallel_loop3A_655 = arith.mulf %parallel_loop3A_654, %parallel_loop3A_648 : vector<16xf32>
        %parallel_loop3A_656 = math.absf %parallel_loop3A_655 : vector<16xf32>
        %parallel_loop3A_657 = arith.constant 9.99999996E-13 : f32
        %parallel_loop3A_658 = vector.broadcast %parallel_loop3A_657 : f32 to vector<16xf32>
        %parallel_loop3A_659 = arith.cmpf ogt, %parallel_loop3A_656, %parallel_loop3A_658 : vector<16xf32>
        %parallel_loop3A_660 = arith.constant 9.99999996E-13 : f32
        %parallel_loop3A_661 = vector.broadcast %parallel_loop3A_660 : f32 to vector<16xf32>
        %parallel_loop3A_662 = arith.select %parallel_loop3A_659, %parallel_loop3A_655, %parallel_loop3A_661 : vector<16xi1>, vector<16xf32>
        %parallel_loop3A_663 = arith.constant 1.000000e+00 : f32
        %parallel_loop3A_664 = vector.broadcast %parallel_loop3A_663 : f32 to vector<16xf32>
        %parallel_loop3A_665 = arith.addf %parallel_loop3A_664, %parallel_loop3A_650 : vector<16xf32>
        %parallel_loop3A_666 = arith.mulf %parallel_loop3A_665, %parallel_loop3A_651 : vector<16xf32>
        %parallel_loop3A_667 = arith.subf %parallel_loop3A_662, %parallel_loop3A_666 : vector<16xf32>
        %parallel_loop3A_668 = arith.mulf %parallel_loop3A_651, %parallel_loop3A_662 : vector<16xf32>
        %parallel_loop3A_669 = arith.divf %parallel_loop3A_667, %parallel_loop3A_668 : vector<16xf32>
        %parallel_loop3A_670 = arith.constant 0.0833333358 : f32
        %parallel_loop3A_671 = vector.broadcast %parallel_loop3A_670 : f32 to vector<16xf32>
        %parallel_loop3A_672 = arith.select %parallel_loop3A_644, %parallel_loop3A_671, %parallel_loop3A_669 : vector<16xi1>, vector<16xf32>
        %parallel_loop3A_673 = arith.mulf %parallel_loop3A_640, %parallel_loop3A_525 : vector<16xf32>
        %parallel_loop3A_674 = arith.mulf %parallel_loop3A_641, %parallel_loop3A_522 : vector<16xf32>
        %parallel_loop3A_675 = arith.subf %parallel_loop3A_673, %parallel_loop3A_674 : vector<16xf32>
        %parallel_loop3A_676 = arith.mulf %parallel_loop3A_641, %parallel_loop3A_519 : vector<16xf32>
        %parallel_loop3A_677 = arith.mulf %parallel_loop3A_639, %parallel_loop3A_525 : vector<16xf32>
        %parallel_loop3A_678 = arith.subf %parallel_loop3A_676, %parallel_loop3A_677 : vector<16xf32>
        %parallel_loop3A_679 = arith.mulf %parallel_loop3A_639, %parallel_loop3A_522 : vector<16xf32>
        %parallel_loop3A_680 = arith.mulf %parallel_loop3A_640, %parallel_loop3A_519 : vector<16xf32>
        %parallel_loop3A_681 = arith.subf %parallel_loop3A_679, %parallel_loop3A_680 : vector<16xf32>
        %parallel_loop3A_682 = arith.mulf %parallel_loop3A_640, %parallel_loop3A_681 : vector<16xf32>
        %parallel_loop3A_683 = arith.mulf %parallel_loop3A_641, %parallel_loop3A_678 : vector<16xf32>
        %parallel_loop3A_684 = arith.subf %parallel_loop3A_682, %parallel_loop3A_683 : vector<16xf32>
        %parallel_loop3A_685 = arith.mulf %parallel_loop3A_641, %parallel_loop3A_675 : vector<16xf32>
        %parallel_loop3A_686 = arith.mulf %parallel_loop3A_639, %parallel_loop3A_681 : vector<16xf32>
        %parallel_loop3A_687 = arith.subf %parallel_loop3A_685, %parallel_loop3A_686 : vector<16xf32>
        %parallel_loop3A_688 = arith.mulf %parallel_loop3A_639, %parallel_loop3A_678 : vector<16xf32>
        %parallel_loop3A_689 = arith.mulf %parallel_loop3A_640, %parallel_loop3A_675 : vector<16xf32>
        %parallel_loop3A_690 = arith.subf %parallel_loop3A_688, %parallel_loop3A_689 : vector<16xf32>
        %parallel_loop3A_691 = arith.constant 5.000000e-01 : f32
        %parallel_loop3A_692 = vector.broadcast %parallel_loop3A_691 : f32 to vector<16xf32>
        %parallel_loop3A_693 = arith.mulf %parallel_loop3A_692, %parallel_loop3A_675 : vector<16xf32>
        %parallel_loop3A_694 = arith.subf %parallel_loop3A_519, %parallel_loop3A_693 : vector<16xf32>
        %parallel_loop3A_695 = arith.mulf %parallel_loop3A_672, %parallel_loop3A_684 : vector<16xf32>
        %parallel_loop3A_696 = arith.addf %parallel_loop3A_694, %parallel_loop3A_695 : vector<16xf32>
        %parallel_loop3A_697 = arith.constant 5.000000e-01 : f32
        %parallel_loop3A_698 = vector.broadcast %parallel_loop3A_697 : f32 to vector<16xf32>
        %parallel_loop3A_699 = arith.mulf %parallel_loop3A_698, %parallel_loop3A_678 : vector<16xf32>
        %parallel_loop3A_700 = arith.subf %parallel_loop3A_522, %parallel_loop3A_699 : vector<16xf32>
        %parallel_loop3A_701 = arith.mulf %parallel_loop3A_672, %parallel_loop3A_687 : vector<16xf32>
        %parallel_loop3A_702 = arith.addf %parallel_loop3A_700, %parallel_loop3A_701 : vector<16xf32>
        %parallel_loop3A_703 = arith.constant 5.000000e-01 : f32
        %parallel_loop3A_704 = vector.broadcast %parallel_loop3A_703 : f32 to vector<16xf32>
        %parallel_loop3A_705 = arith.mulf %parallel_loop3A_704, %parallel_loop3A_681 : vector<16xf32>
        %parallel_loop3A_706 = arith.subf %parallel_loop3A_525, %parallel_loop3A_705 : vector<16xf32>
        %parallel_loop3A_707 = arith.mulf %parallel_loop3A_672, %parallel_loop3A_690 : vector<16xf32>
        %parallel_loop3A_708 = arith.addf %parallel_loop3A_706, %parallel_loop3A_707 : vector<16xf32>
        %parallel_loop3A_709 = arith.constant 0 : i32
        %parallel_loop3A_710 = arith.index_cast %parallel_loop3A_709 : i32 to index
        %parallel_loop3A_711 = arith.index_cast %parallel_loop3A_315 : i32 to index
        %parallel_loop3A_712 = tpu.vector_load %arg59[%parallel_loop3A_710, %parallel_loop3A_711] {strides = array<i32>} : memref<6x1024xf32, #tpu.memory_space<vmem>>, vector<16xf32>,
        tpu.vector_store %arg59[%parallel_loop3A_710, %parallel_loop3A_711], %parallel_loop3A_696 {strides = array<i32>} : memref<6x1024xf32, #tpu.memory_space<vmem>>, vector<16xf32>,
        %parallel_loop3A_713 = arith.constant 1 : i32
        %parallel_loop3A_714 = arith.index_cast %parallel_loop3A_713 : i32 to index
        %parallel_loop3A_715 = arith.index_cast %parallel_loop3A_315 : i32 to index
        %parallel_loop3A_716 = tpu.vector_load %arg59[%parallel_loop3A_714, %parallel_loop3A_715] {strides = array<i32>} : memref<6x1024xf32, #tpu.memory_space<vmem>>, vector<16xf32>,
        tpu.vector_store %arg59[%parallel_loop3A_714, %parallel_loop3A_715], %parallel_loop3A_702 {strides = array<i32>} : memref<6x1024xf32, #tpu.memory_space<vmem>>, vector<16xf32>,
        %parallel_loop3A_717 = arith.constant 2 : i32
        %parallel_loop3A_718 = arith.index_cast %parallel_loop3A_717 : i32 to index
        %parallel_loop3A_719 = arith.index_cast %parallel_loop3A_315 : i32 to index
        %parallel_loop3A_720 = tpu.vector_load %arg59[%parallel_loop3A_718, %parallel_loop3A_719] {strides = array<i32>} : memref<6x1024xf32, #tpu.memory_space<vmem>>, vector<16xf32>,
        tpu.vector_store %arg59[%parallel_loop3A_718, %parallel_loop3A_719], %parallel_loop3A_708 {strides = array<i32>} : memref<6x1024xf32, #tpu.memory_space<vmem>>, vector<16xf32>,
        %parallel_loop3A_721 = arith.constant 3 : i32
        %parallel_loop3A_722 = arith.index_cast %parallel_loop3A_721 : i32 to index
        %parallel_loop3A_723 = arith.index_cast %parallel_loop3A_315 : i32 to index
        %parallel_loop3A_724 = tpu.vector_load %arg59[%parallel_loop3A_722, %parallel_loop3A_723] {strides = array<i32>} : memref<6x1024xf32, #tpu.memory_space<vmem>>, vector<16xf32>,
        tpu.vector_store %arg59[%parallel_loop3A_722, %parallel_loop3A_723], %parallel_loop3A_639 {strides = array<i32>} : memref<6x1024xf32, #tpu.memory_space<vmem>>, vector<16xf32>,
        %parallel_loop3A_725 = arith.constant 4 : i32
        %parallel_loop3A_726 = arith.index_cast %parallel_loop3A_725 : i32 to index
        %parallel_loop3A_727 = arith.index_cast %parallel_loop3A_315 : i32 to index
        %parallel_loop3A_728 = tpu.vector_load %arg59[%parallel_loop3A_726, %parallel_loop3A_727] {strides = array<i32>} : memref<6x1024xf32, #tpu.memory_space<vmem>>, vector<16xf32>,
        tpu.vector_store %arg59[%parallel_loop3A_726, %parallel_loop3A_727], %parallel_loop3A_640 {strides = array<i32>} : memref<6x1024xf32, #tpu.memory_space<vmem>>, vector<16xf32>,
        %parallel_loop3A_729 = arith.constant 5 : i32
        %parallel_loop3A_730 = arith.index_cast %parallel_loop3A_729 : i32 to index
        %parallel_loop3A_731 = arith.index_cast %parallel_loop3A_315 : i32 to index
        %parallel_loop3A_732 = tpu.vector_load %arg59[%parallel_loop3A_730, %parallel_loop3A_731] {strides = array<i32>} : memref<6x1024xf32, #tpu.memory_space<vmem>>, vector<16xf32>,
        tpu.vector_store %arg59[%parallel_loop3A_730, %parallel_loop3A_731], %parallel_loop3A_641 {strides = array<i32>} : memref<6x1024xf32, #tpu.memory_space<vmem>>, vector<16xf32>,
      } {sc.loop_unroll_factor = 4 : i64, sc.parallel_access}
      %mul3A_212 = arith.constant 32 : i32
      %mul3A_213 = arith.muli %add3A_135, %mul3A_212 : i32
      %add3A_214 = arith.addi %add3A, %mul3A_213 : i32
      %min3A_215 = arith.constant 3124 : i32
      %min3A_216 = arith.minsi %add3A_214, %min3A_215 : i32
      %mul3A_217 = arith.constant 1024 : i32
      %mul3A_218 = arith.muli %min3A_216, %mul3A_217 : i32
      %dma_start3A_219 = arith.constant 0 : i32
      %dma_start3A_220 = tpu.memref_slice %arg6[%dma_start3A_219, %mul3A_218] : memref<6x3200000xf32, #tpu.memory_space<hbm>> -> memref<6x1024xf32, #tpu.memory_space<hbm>>
      %dma_start3A_221 = arith.constant 0 : i32
      %dma_start3A_222 = tpu.memref_slice %arg6[%dma_start3A_221, %mul3A_218] : memref<6x3200000xf32, #tpu.memory_space<hbm>> -> memref<6x1024xf32, #tpu.memory_space<hbm>>
      tpu.enqueue_dma source(%arg59 : memref<6x1024xf32, #tpu.memory_space<vmem>>) target(%dma_start3A_222 : memref<6x1024xf32, #tpu.memory_space<hbm>>) target_semaphore(%arg67 : memref<!tpu.dma_semaphore, #tpu.memory_space<semaphore_mem>>)
      %mul3A_223 = arith.constant 2 : i32
      %mul3A_224 = arith.muli %mul3A_223, %scan3A_131 : i32
      %add3A_225 = arith.constant 1 : i32
      %add3A_226 = arith.addi %mul3A_224, %add3A_225 : i32
      %dma_wait3A_227 = arith.constant 0 : i32
      %dma_wait3A_228 = arith.constant 0 : i32
      %dma_wait3A_229 = tpu.memref_slice %arg3[%dma_wait3A_227, %dma_wait3A_228] : memref<2x3200000xi32, #tpu.memory_space<hbm>> -> memref<2x1024xi32, #tpu.memory_space<hbm>>
      %dma_wait3A_230 = arith.constant 0 : i32
      %dma_wait3A_231 = arith.constant 0 : i32
      %dma_wait3A_232 = tpu.memref_slice %arg3[%dma_wait3A_230, %dma_wait3A_231] : memref<2x3200000xi32, #tpu.memory_space<hbm>> -> memref<2x1024xi32, #tpu.memory_space<hbm>>
      tpu.wait_dma2 semaphore(%arg63 : memref<!tpu.dma_semaphore, #tpu.memory_space<semaphore_mem>>) src(%dma_wait3A_232 : memref<2x1024xi32, #tpu.memory_space<hbm>>) dst(%arg23 : memref<2x1024xi32, #tpu.memory_space<vmem>>)
      %parallel_loop3A_233 = arith.constant 0 : i32
      %parallel_loop3A_234 = arith.constant 1024 : i32
      %parallel_loop3A_235 = arith.constant 16 : i32
      scf.for %parallel_loop3A_315 = %parallel_loop3A_233 to %parallel_loop3A_234 step %parallel_loop3A_235  : i32 {
        %parallel_loop3A_316 = arith.constant 0 : i32
        %parallel_loop3A_317 = arith.index_cast %parallel_loop3A_316 : i32 to index
        %parallel_loop3A_318 = arith.index_cast %parallel_loop3A_315 : i32 to index
        %parallel_loop3A_319 = tpu.vector_load %arg23[%parallel_loop3A_317, %parallel_loop3A_318] {strides = array<i32>} : memref<2x1024xi32, #tpu.memory_space<vmem>>, vector<16xi32>,
        %parallel_loop3A_320 = arith.index_cast %parallel_loop3A_315 : i32 to index
        %parallel_loop3A_321 = tpu.vector_load %arg25[%parallel_loop3A_320] {strides = array<i32>} : memref<2048xi32, #tpu.memory_space<vmem>>, vector<16xi32>,
        tpu.vector_store %arg25[%parallel_loop3A_320], %parallel_loop3A_319 {strides = array<i32>} : memref<2048xi32, #tpu.memory_space<vmem>>, vector<16xi32>,
        %parallel_loop3A_322 = arith.constant 1 : i32
        %parallel_loop3A_323 = arith.index_cast %parallel_loop3A_322 : i32 to index
        %parallel_loop3A_324 = arith.index_cast %parallel_loop3A_315 : i32 to index
        %parallel_loop3A_325 = tpu.vector_load %arg23[%parallel_loop3A_323, %parallel_loop3A_324] {strides = array<i32>} : memref<2x1024xi32, #tpu.memory_space<vmem>>, vector<16xi32>,
        %parallel_loop3A_326 = arith.constant 1024 : i32
        %parallel_loop3A_327 = arith.addi %parallel_loop3A_326, %parallel_loop3A_315 : i32
        %parallel_loop3A_328 = arith.index_cast %parallel_loop3A_327 : i32 to index
        %parallel_loop3A_329 = tpu.vector_load %arg25[%parallel_loop3A_328] {strides = array<i32>} : memref<2048xi32, #tpu.memory_space<vmem>>, vector<16xi32>,
        tpu.vector_store %arg25[%parallel_loop3A_328], %parallel_loop3A_325 {strides = array<i32>} : memref<2048xi32, #tpu.memory_space<vmem>>, vector<16xi32>,
      } {sc.loop_unroll_factor = 4 : i64, sc.parallel_access}
      %dma_start3A_236 = arith.constant 0 : i32
      %dma_start3A_237 = tpu.memref_slice %arg7[%dma_start3A_236] : memref<100352xf32, #tpu.memory_space<vmem_shared>> -> memref<100352xf32, #tpu.memory_space<vmem_shared>>
      tpu.enqueue_indirect_dma source(%dma_start3A_237 : memref<100352xf32, #tpu.memory_space<vmem_shared>>) target(%arg29 : memref<2048xf32, #tpu.memory_space<vmem>>) offsets(%arg25 : memref<2048xi32, #tpu.memory_space<vmem>>) semaphore(%arg61 : memref<!tpu.dma_semaphore, #tpu.memory_space<semaphore_mem>>)
      %dma_start3A_238 = arith.constant 0 : i32
      %dma_start3A_239 = tpu.memref_slice %arg8[%dma_start3A_238] : memref<100352xf32, #tpu.memory_space<vmem_shared>> -> memref<100352xf32, #tpu.memory_space<vmem_shared>>
      tpu.enqueue_indirect_dma source(%dma_start3A_239 : memref<100352xf32, #tpu.memory_space<vmem_shared>>) target(%arg30 : memref<2048xf32, #tpu.memory_space<vmem>>) offsets(%arg25 : memref<2048xi32, #tpu.memory_space<vmem>>) semaphore(%arg61 : memref<!tpu.dma_semaphore, #tpu.memory_space<semaphore_mem>>)
      %dma_start3A_240 = arith.constant 0 : i32
      %dma_start3A_241 = tpu.memref_slice %arg9[%dma_start3A_240] : memref<100352xf32, #tpu.memory_space<vmem_shared>> -> memref<100352xf32, #tpu.memory_space<vmem_shared>>
      tpu.enqueue_indirect_dma source(%dma_start3A_241 : memref<100352xf32, #tpu.memory_space<vmem_shared>>) target(%arg31 : memref<2048xf32, #tpu.memory_space<vmem>>) offsets(%arg25 : memref<2048xi32, #tpu.memory_space<vmem>>) semaphore(%arg61 : memref<!tpu.dma_semaphore, #tpu.memory_space<semaphore_mem>>)
      %dma_start3A_242 = arith.constant 0 : i32
      %dma_start3A_243 = tpu.memref_slice %arg10[%dma_start3A_242] : memref<100352xf32, #tpu.memory_space<vmem_shared>> -> memref<100352xf32, #tpu.memory_space<vmem_shared>>
      tpu.enqueue_indirect_dma source(%dma_start3A_243 : memref<100352xf32, #tpu.memory_space<vmem_shared>>) target(%arg32 : memref<2048xf32, #tpu.memory_space<vmem>>) offsets(%arg25 : memref<2048xi32, #tpu.memory_space<vmem>>) semaphore(%arg61 : memref<!tpu.dma_semaphore, #tpu.memory_space<semaphore_mem>>)
      %dma_start3A_244 = arith.constant 0 : i32
      %dma_start3A_245 = tpu.memref_slice %arg11[%dma_start3A_244] : memref<100352xf32, #tpu.memory_space<vmem_shared>> -> memref<100352xf32, #tpu.memory_space<vmem_shared>>
      tpu.enqueue_indirect_dma source(%dma_start3A_245 : memref<100352xf32, #tpu.memory_space<vmem_shared>>) target(%arg33 : memref<2048xf32, #tpu.memory_space<vmem>>) offsets(%arg25 : memref<2048xi32, #tpu.memory_space<vmem>>) semaphore(%arg61 : memref<!tpu.dma_semaphore, #tpu.memory_space<semaphore_mem>>)
      %dma_start3A_246 = arith.constant 0 : i32
      %dma_start3A_247 = tpu.memref_slice %arg12[%dma_start3A_246] : memref<100352xf32, #tpu.memory_space<vmem_shared>> -> memref<100352xf32, #tpu.memory_space<vmem_shared>>
      tpu.enqueue_indirect_dma source(%dma_start3A_247 : memref<100352xf32, #tpu.memory_space<vmem_shared>>) target(%arg34 : memref<2048xf32, #tpu.memory_space<vmem>>) offsets(%arg25 : memref<2048xi32, #tpu.memory_space<vmem>>) semaphore(%arg61 : memref<!tpu.dma_semaphore, #tpu.memory_space<semaphore_mem>>)
      %dma_start3A_248 = arith.constant 0 : i32
      %dma_start3A_249 = tpu.memref_slice %arg13[%dma_start3A_248] : memref<100352xf32, #tpu.memory_space<vmem_shared>> -> memref<100352xf32, #tpu.memory_space<vmem_shared>>
      tpu.enqueue_indirect_dma source(%dma_start3A_249 : memref<100352xf32, #tpu.memory_space<vmem_shared>>) target(%arg35 : memref<2048xf32, #tpu.memory_space<vmem>>) offsets(%arg25 : memref<2048xi32, #tpu.memory_space<vmem>>) semaphore(%arg61 : memref<!tpu.dma_semaphore, #tpu.memory_space<semaphore_mem>>)
      %add3A_250 = arith.constant 2 : i32
      %add3A_251 = arith.addi %add3A_226, %add3A_250 : i32
      %mul3A_252 = arith.constant 32 : i32
      %mul3A_253 = arith.muli %add3A_251, %mul3A_252 : i32
      %add3A_254 = arith.addi %add3A, %mul3A_253 : i32
      %min3A_255 = arith.constant 3124 : i32
      %min3A_256 = arith.minsi %add3A_254, %min3A_255 : i32
      %mul3A_257 = arith.constant 1024 : i32
      %mul3A_258 = arith.muli %min3A_256, %mul3A_257 : i32
      %dma_start3A_259 = arith.constant 0 : i32
      %dma_start3A_260 = tpu.memref_slice %arg3[%dma_start3A_259, %mul3A_258] : memref<2x3200000xi32, #tpu.memory_space<hbm>> -> memref<2x1024xi32, #tpu.memory_space<hbm>>
      %dma_start3A_261 = arith.constant 0 : i32
      %dma_start3A_262 = tpu.memref_slice %arg3[%dma_start3A_261, %mul3A_258] : memref<2x3200000xi32, #tpu.memory_space<hbm>> -> memref<2x1024xi32, #tpu.memory_space<hbm>>
      tpu.enqueue_dma source(%dma_start3A_262 : memref<2x1024xi32, #tpu.memory_space<hbm>>) target(%arg24 : memref<2x1024xi32, #tpu.memory_space<vmem>>) target_semaphore(%arg64 : memref<!tpu.dma_semaphore, #tpu.memory_space<semaphore_mem>>)
      %add3A_263 = arith.constant 1 : i32
      %add3A_264 = arith.addi %add3A_226, %add3A_263 : i32
      %mul3A_265 = arith.constant 32 : i32
      %mul3A_266 = arith.muli %add3A_264, %mul3A_265 : i32
      %add3A_267 = arith.addi %add3A, %mul3A_266 : i32
      %min3A_268 = arith.constant 3124 : i32
      %min3A_269 = arith.minsi %add3A_267, %min3A_268 : i32
      %mul3A_270 = arith.constant 1024 : i32
      %mul3A_271 = arith.muli %min3A_269, %mul3A_270 : i32
      %dma_start3A_272 = arith.constant 0 : i32
      %dma_start3A_273 = tpu.memref_slice %arg4[%dma_start3A_272, %mul3A_271] : memref<7x3200000xf32, #tpu.memory_space<hbm>> -> memref<7x1024xf32, #tpu.memory_space<hbm>>
      %dma_start3A_274 = arith.constant 0 : i32
      %dma_start3A_275 = tpu.memref_slice %arg4[%dma_start3A_274, %mul3A_271] : memref<7x3200000xf32, #tpu.memory_space<hbm>> -> memref<7x1024xf32, #tpu.memory_space<hbm>>
      tpu.enqueue_dma source(%dma_start3A_275 : memref<7x1024xf32, #tpu.memory_space<hbm>>) target(%arg57 : memref<7x1024xf32, #tpu.memory_space<vmem>>) target_semaphore(%arg65 : memref<!tpu.dma_semaphore, #tpu.memory_space<semaphore_mem>>)
      %dma_wait3A_276 = arith.constant 0 : i32
      %dma_wait3A_277 = tpu.memref_slice %arg7[%dma_wait3A_276] : memref<100352xf32, #tpu.memory_space<vmem_shared>> -> memref<100352xf32, #tpu.memory_space<vmem_shared>>
      tpu.wait_indirect_dma semaphore(%arg62 : memref<!tpu.dma_semaphore, #tpu.memory_space<semaphore_mem>>) src(%dma_wait3A_277 : memref<100352xf32, #tpu.memory_space<vmem_shared>>) dst(%arg36 : memref<2048xf32, #tpu.memory_space<vmem>>)
      %dma_wait3A_278 = arith.constant 0 : i32
      %dma_wait3A_279 = tpu.memref_slice %arg8[%dma_wait3A_278] : memref<100352xf32, #tpu.memory_space<vmem_shared>> -> memref<100352xf32, #tpu.memory_space<vmem_shared>>
      tpu.wait_indirect_dma semaphore(%arg62 : memref<!tpu.dma_semaphore, #tpu.memory_space<semaphore_mem>>) src(%dma_wait3A_279 : memref<100352xf32, #tpu.memory_space<vmem_shared>>) dst(%arg37 : memref<2048xf32, #tpu.memory_space<vmem>>)
      %dma_wait3A_280 = arith.constant 0 : i32
      %dma_wait3A_281 = tpu.memref_slice %arg9[%dma_wait3A_280] : memref<100352xf32, #tpu.memory_space<vmem_shared>> -> memref<100352xf32, #tpu.memory_space<vmem_shared>>
      tpu.wait_indirect_dma semaphore(%arg62 : memref<!tpu.dma_semaphore, #tpu.memory_space<semaphore_mem>>) src(%dma_wait3A_281 : memref<100352xf32, #tpu.memory_space<vmem_shared>>) dst(%arg38 : memref<2048xf32, #tpu.memory_space<vmem>>)
      %dma_wait3A_282 = arith.constant 0 : i32
      %dma_wait3A_283 = tpu.memref_slice %arg10[%dma_wait3A_282] : memref<100352xf32, #tpu.memory_space<vmem_shared>> -> memref<100352xf32, #tpu.memory_space<vmem_shared>>
      tpu.wait_indirect_dma semaphore(%arg62 : memref<!tpu.dma_semaphore, #tpu.memory_space<semaphore_mem>>) src(%dma_wait3A_283 : memref<100352xf32, #tpu.memory_space<vmem_shared>>) dst(%arg39 : memref<2048xf32, #tpu.memory_space<vmem>>)
      %dma_wait3A_284 = arith.constant 0 : i32
      %dma_wait3A_285 = tpu.memref_slice %arg11[%dma_wait3A_284] : memref<100352xf32, #tpu.memory_space<vmem_shared>> -> memref<100352xf32, #tpu.memory_space<vmem_shared>>
      tpu.wait_indirect_dma semaphore(%arg62 : memref<!tpu.dma_semaphore, #tpu.memory_space<semaphore_mem>>) src(%dma_wait3A_285 : memref<100352xf32, #tpu.memory_space<vmem_shared>>) dst(%arg40 : memref<2048xf32, #tpu.memory_space<vmem>>)
      %dma_wait3A_286 = arith.constant 0 : i32
      %dma_wait3A_287 = tpu.memref_slice %arg12[%dma_wait3A_286] : memref<100352xf32, #tpu.memory_space<vmem_shared>> -> memref<100352xf32, #tpu.memory_space<vmem_shared>>
      tpu.wait_indirect_dma semaphore(%arg62 : memref<!tpu.dma_semaphore, #tpu.memory_space<semaphore_mem>>) src(%dma_wait3A_287 : memref<100352xf32, #tpu.memory_space<vmem_shared>>) dst(%arg41 : memref<2048xf32, #tpu.memory_space<vmem>>)
      %dma_wait3A_288 = arith.constant 0 : i32
      %dma_wait3A_289 = tpu.memref_slice %arg13[%dma_wait3A_288] : memref<100352xf32, #tpu.memory_space<vmem_shared>> -> memref<100352xf32, #tpu.memory_space<vmem_shared>>
      tpu.wait_indirect_dma semaphore(%arg62 : memref<!tpu.dma_semaphore, #tpu.memory_space<semaphore_mem>>) src(%dma_wait3A_289 : memref<100352xf32, #tpu.memory_space<vmem_shared>>) dst(%arg42 : memref<2048xf32, #tpu.memory_space<vmem>>)
      %dma_wait3A_290 = arith.constant 0 : i32
      %dma_wait3A_291 = arith.constant 0 : i32
      %dma_wait3A_292 = tpu.memref_slice %arg4[%dma_wait3A_290, %dma_wait3A_291] : memref<7x3200000xf32, #tpu.memory_space<hbm>> -> memref<7x1024xf32, #tpu.memory_space<hbm>>
      %dma_wait3A_293 = arith.constant 0 : i32
      %dma_wait3A_294 = arith.constant 0 : i32
      %dma_wait3A_295 = tpu.memref_slice %arg4[%dma_wait3A_293, %dma_wait3A_294] : memref<7x3200000xf32, #tpu.memory_space<hbm>> -> memref<7x1024xf32, #tpu.memory_space<hbm>>
      tpu.wait_dma2 semaphore(%arg66 : memref<!tpu.dma_semaphore, #tpu.memory_space<semaphore_mem>>) src(%dma_wait3A_295 : memref<7x1024xf32, #tpu.memory_space<hbm>>) dst(%arg58 : memref<7x1024xf32, #tpu.memory_space<vmem>>)
      %gt3A_296 = arith.constant 0 : i32
      %gt3A_297 = arith.cmpi sgt, %scan3A_131, %gt3A_296 : i32
      %convert_element_type3A_298 = arith.extui %gt3A_297 : i1 to i32
      %cond3A_299 = arith.constant 0 : i32
      %cond3A_300 = arith.cmpi ne, %convert_element_type3A_298, %cond3A_299 : i32
      scf.if %cond3A_300 {
        %dma_wait3A_315 = arith.constant 0 : i32
        %dma_wait3A_316 = arith.constant 0 : i32
        %dma_wait3A_317 = tpu.memref_slice %arg6[%dma_wait3A_315, %dma_wait3A_316] : memref<6x3200000xf32, #tpu.memory_space<hbm>> -> memref<6x1024xf32, #tpu.memory_space<hbm>>
        %dma_wait3A_318 = arith.constant 0 : i32
        %dma_wait3A_319 = arith.constant 0 : i32
        %dma_wait3A_320 = tpu.memref_slice %arg6[%dma_wait3A_318, %dma_wait3A_319] : memref<6x3200000xf32, #tpu.memory_space<hbm>> -> memref<6x1024xf32, #tpu.memory_space<hbm>>
        tpu.wait_dma2 semaphore(%arg68 : memref<!tpu.dma_semaphore, #tpu.memory_space<semaphore_mem>>) src(%arg60 : memref<6x1024xf32, #tpu.memory_space<vmem>>) dst(%dma_wait3A_320 : memref<6x1024xf32, #tpu.memory_space<hbm>>)
      } else {
      }
      %parallel_loop3A_301 = arith.constant 0 : i32
      %parallel_loop3A_302 = arith.constant 1024 : i32
      %parallel_loop3A_303 = arith.constant 16 : i32
      scf.for %parallel_loop3A_315 = %parallel_loop3A_301 to %parallel_loop3A_302 step %parallel_loop3A_303  : i32 {
        %parallel_loop3A_316 = arith.constant 1024 : i32
        %parallel_loop3A_317 = arith.addi %parallel_loop3A_316, %parallel_loop3A_315 : i32
        %parallel_loop3A_318 = arith.index_cast %parallel_loop3A_315 : i32 to index
        %parallel_loop3A_319 = tpu.vector_load %arg36[%parallel_loop3A_318] {strides = array<i32>} : memref<2048xf32, #tpu.memory_space<vmem>>, vector<16xf32>,
        %parallel_loop3A_320 = arith.index_cast %parallel_loop3A_315 : i32 to index
        %parallel_loop3A_321 = tpu.vector_load %arg37[%parallel_loop3A_320] {strides = array<i32>} : memref<2048xf32, #tpu.memory_space<vmem>>, vector<16xf32>,
        %parallel_loop3A_322 = arith.index_cast %parallel_loop3A_315 : i32 to index
        %parallel_loop3A_323 = tpu.vector_load %arg38[%parallel_loop3A_322] {strides = array<i32>} : memref<2048xf32, #tpu.memory_space<vmem>>, vector<16xf32>,
        %parallel_loop3A_324 = arith.index_cast %parallel_loop3A_315 : i32 to index
        %parallel_loop3A_325 = tpu.vector_load %arg39[%parallel_loop3A_324] {strides = array<i32>} : memref<2048xf32, #tpu.memory_space<vmem>>, vector<16xf32>,
        %parallel_loop3A_326 = arith.index_cast %parallel_loop3A_315 : i32 to index
        %parallel_loop3A_327 = tpu.vector_load %arg40[%parallel_loop3A_326] {strides = array<i32>} : memref<2048xf32, #tpu.memory_space<vmem>>, vector<16xf32>,
        %parallel_loop3A_328 = arith.index_cast %parallel_loop3A_315 : i32 to index
        %parallel_loop3A_329 = tpu.vector_load %arg41[%parallel_loop3A_328] {strides = array<i32>} : memref<2048xf32, #tpu.memory_space<vmem>>, vector<16xf32>,
        %parallel_loop3A_330 = arith.index_cast %parallel_loop3A_315 : i32 to index
        %parallel_loop3A_331 = tpu.vector_load %arg42[%parallel_loop3A_330] {strides = array<i32>} : memref<2048xf32, #tpu.memory_space<vmem>>, vector<16xf32>,
        %parallel_loop3A_332 = arith.index_cast %parallel_loop3A_317 : i32 to index
        %parallel_loop3A_333 = tpu.vector_load %arg36[%parallel_loop3A_332] {strides = array<i32>} : memref<2048xf32, #tpu.memory_space<vmem>>, vector<16xf32>,
        %parallel_loop3A_334 = arith.index_cast %parallel_loop3A_317 : i32 to index
        %parallel_loop3A_335 = tpu.vector_load %arg37[%parallel_loop3A_334] {strides = array<i32>} : memref<2048xf32, #tpu.memory_space<vmem>>, vector<16xf32>,
        %parallel_loop3A_336 = arith.index_cast %parallel_loop3A_317 : i32 to index
        %parallel_loop3A_337 = tpu.vector_load %arg38[%parallel_loop3A_336] {strides = array<i32>} : memref<2048xf32, #tpu.memory_space<vmem>>, vector<16xf32>,
        %parallel_loop3A_338 = arith.index_cast %parallel_loop3A_317 : i32 to index
        %parallel_loop3A_339 = tpu.vector_load %arg39[%parallel_loop3A_338] {strides = array<i32>} : memref<2048xf32, #tpu.memory_space<vmem>>, vector<16xf32>,
        %parallel_loop3A_340 = arith.index_cast %parallel_loop3A_317 : i32 to index
        %parallel_loop3A_341 = tpu.vector_load %arg40[%parallel_loop3A_340] {strides = array<i32>} : memref<2048xf32, #tpu.memory_space<vmem>>, vector<16xf32>,
        %parallel_loop3A_342 = arith.index_cast %parallel_loop3A_317 : i32 to index
        %parallel_loop3A_343 = tpu.vector_load %arg41[%parallel_loop3A_342] {strides = array<i32>} : memref<2048xf32, #tpu.memory_space<vmem>>, vector<16xf32>,
        %parallel_loop3A_344 = arith.index_cast %parallel_loop3A_317 : i32 to index
        %parallel_loop3A_345 = tpu.vector_load %arg42[%parallel_loop3A_344] {strides = array<i32>} : memref<2048xf32, #tpu.memory_space<vmem>>, vector<16xf32>,
        %parallel_loop3A_346 = arith.constant 0 : i32
        %parallel_loop3A_347 = arith.index_cast %parallel_loop3A_346 : i32 to index
        %parallel_loop3A_348 = arith.index_cast %parallel_loop3A_315 : i32 to index
        %parallel_loop3A_349 = tpu.vector_load %arg58[%parallel_loop3A_347, %parallel_loop3A_348] {strides = array<i32>} : memref<7x1024xf32, #tpu.memory_space<vmem>>, vector<16xf32>,
        %parallel_loop3A_350 = arith.constant 1 : i32
        %parallel_loop3A_351 = arith.index_cast %parallel_loop3A_350 : i32 to index
        %parallel_loop3A_352 = arith.index_cast %parallel_loop3A_315 : i32 to index
        %parallel_loop3A_353 = tpu.vector_load %arg58[%parallel_loop3A_351, %parallel_loop3A_352] {strides = array<i32>} : memref<7x1024xf32, #tpu.memory_space<vmem>>, vector<16xf32>,
        %parallel_loop3A_354 = arith.constant 2 : i32
        %parallel_loop3A_355 = arith.index_cast %parallel_loop3A_354 : i32 to index
        %parallel_loop3A_356 = arith.index_cast %parallel_loop3A_315 : i32 to index
        %parallel_loop3A_357 = tpu.vector_load %arg58[%parallel_loop3A_355, %parallel_loop3A_356] {strides = array<i32>} : memref<7x1024xf32, #tpu.memory_space<vmem>>, vector<16xf32>,
        %parallel_loop3A_358 = arith.constant 3 : i32
        %parallel_loop3A_359 = arith.index_cast %parallel_loop3A_358 : i32 to index
        %parallel_loop3A_360 = arith.index_cast %parallel_loop3A_315 : i32 to index
        %parallel_loop3A_361 = tpu.vector_load %arg58[%parallel_loop3A_359, %parallel_loop3A_360] {strides = array<i32>} : memref<7x1024xf32, #tpu.memory_space<vmem>>, vector<16xf32>,
        %parallel_loop3A_362 = arith.constant 4 : i32
        %parallel_loop3A_363 = arith.index_cast %parallel_loop3A_362 : i32 to index
        %parallel_loop3A_364 = arith.index_cast %parallel_loop3A_315 : i32 to index
        %parallel_loop3A_365 = tpu.vector_load %arg58[%parallel_loop3A_363, %parallel_loop3A_364] {strides = array<i32>} : memref<7x1024xf32, #tpu.memory_space<vmem>>, vector<16xf32>,
        %parallel_loop3A_366 = arith.constant 5 : i32
        %parallel_loop3A_367 = arith.index_cast %parallel_loop3A_366 : i32 to index
        %parallel_loop3A_368 = arith.index_cast %parallel_loop3A_315 : i32 to index
        %parallel_loop3A_369 = tpu.vector_load %arg58[%parallel_loop3A_367, %parallel_loop3A_368] {strides = array<i32>} : memref<7x1024xf32, #tpu.memory_space<vmem>>, vector<16xf32>,
        %parallel_loop3A_370 = arith.constant 6 : i32
        %parallel_loop3A_371 = arith.index_cast %parallel_loop3A_370 : i32 to index
        %parallel_loop3A_372 = arith.index_cast %parallel_loop3A_315 : i32 to index
        %parallel_loop3A_373 = tpu.vector_load %arg58[%parallel_loop3A_371, %parallel_loop3A_372] {strides = array<i32>} : memref<7x1024xf32, #tpu.memory_space<vmem>>, vector<16xf32>,
        %parallel_loop3A_374 = arith.constant 0.000000e+00 : f32
        %parallel_loop3A_375 = vector.broadcast %parallel_loop3A_374 : f32 to vector<16xf32>
        %parallel_loop3A_376 = arith.subf %parallel_loop3A_375, %parallel_loop3A_325 : vector<16xf32>
        %parallel_loop3A_377 = arith.constant 0.000000e+00 : f32
        %parallel_loop3A_378 = vector.broadcast %parallel_loop3A_377 : f32 to vector<16xf32>
        %parallel_loop3A_379 = arith.subf %parallel_loop3A_378, %parallel_loop3A_327 : vector<16xf32>
        %parallel_loop3A_380 = arith.constant 0.000000e+00 : f32
        %parallel_loop3A_381 = vector.broadcast %parallel_loop3A_380 : f32 to vector<16xf32>
        %parallel_loop3A_382 = arith.subf %parallel_loop3A_381, %parallel_loop3A_329 : vector<16xf32>
        %parallel_loop3A_383 = arith.mulf %parallel_loop3A_345, %parallel_loop3A_376 : vector<16xf32>
        %parallel_loop3A_384 = arith.mulf %parallel_loop3A_339, %parallel_loop3A_331 : vector<16xf32>
        %parallel_loop3A_385 = arith.addf %parallel_loop3A_383, %parallel_loop3A_384 : vector<16xf32>
        %parallel_loop3A_386 = arith.mulf %parallel_loop3A_341, %parallel_loop3A_382 : vector<16xf32>
        %parallel_loop3A_387 = arith.addf %parallel_loop3A_385, %parallel_loop3A_386 : vector<16xf32>
        %parallel_loop3A_388 = arith.mulf %parallel_loop3A_343, %parallel_loop3A_379 : vector<16xf32>
        %parallel_loop3A_389 = arith.subf %parallel_loop3A_387, %parallel_loop3A_388 : vector<16xf32>
        %parallel_loop3A_390 = arith.mulf %parallel_loop3A_345, %parallel_loop3A_379 : vector<16xf32>
        %parallel_loop3A_391 = arith.mulf %parallel_loop3A_339, %parallel_loop3A_382 : vector<16xf32>
        %parallel_loop3A_392 = arith.subf %parallel_loop3A_390, %parallel_loop3A_391 : vector<16xf32>
        %parallel_loop3A_393 = arith.mulf %parallel_loop3A_341, %parallel_loop3A_331 : vector<16xf32>
        %parallel_loop3A_394 = arith.addf %parallel_loop3A_392, %parallel_loop3A_393 : vector<16xf32>
        %parallel_loop3A_395 = arith.mulf %parallel_loop3A_343, %parallel_loop3A_376 : vector<16xf32>
        %parallel_loop3A_396 = arith.addf %parallel_loop3A_394, %parallel_loop3A_395 : vector<16xf32>
        %parallel_loop3A_397 = arith.mulf %parallel_loop3A_345, %parallel_loop3A_382 : vector<16xf32>
        %parallel_loop3A_398 = arith.mulf %parallel_loop3A_339, %parallel_loop3A_379 : vector<16xf32>
        %parallel_loop3A_399 = arith.addf %parallel_loop3A_397, %parallel_loop3A_398 : vector<16xf32>
        %parallel_loop3A_400 = arith.mulf %parallel_loop3A_341, %parallel_loop3A_376 : vector<16xf32>
        %parallel_loop3A_401 = arith.subf %parallel_loop3A_399, %parallel_loop3A_400 : vector<16xf32>
        %parallel_loop3A_402 = arith.mulf %parallel_loop3A_343, %parallel_loop3A_331 : vector<16xf32>
        %parallel_loop3A_403 = arith.addf %parallel_loop3A_401, %parallel_loop3A_402 : vector<16xf32>
        %parallel_loop3A_404 = arith.mulf %parallel_loop3A_345, %parallel_loop3A_331 : vector<16xf32>
        %parallel_loop3A_405 = arith.mulf %parallel_loop3A_339, %parallel_loop3A_376 : vector<16xf32>
        %parallel_loop3A_406 = arith.subf %parallel_loop3A_404, %parallel_loop3A_405 : vector<16xf32>
        %parallel_loop3A_407 = arith.mulf %parallel_loop3A_341, %parallel_loop3A_379 : vector<16xf32>
        %parallel_loop3A_408 = arith.subf %parallel_loop3A_406, %parallel_loop3A_407 : vector<16xf32>
        %parallel_loop3A_409 = arith.mulf %parallel_loop3A_343, %parallel_loop3A_382 : vector<16xf32>
        %parallel_loop3A_410 = arith.subf %parallel_loop3A_408, %parallel_loop3A_409 : vector<16xf32>
        %parallel_loop3A_411 = arith.mulf %parallel_loop3A_396, %parallel_loop3A_323 : vector<16xf32>
        %parallel_loop3A_412 = arith.mulf %parallel_loop3A_403, %parallel_loop3A_321 : vector<16xf32>
        %parallel_loop3A_413 = arith.subf %parallel_loop3A_411, %parallel_loop3A_412 : vector<16xf32>
        %parallel_loop3A_414 = arith.mulf %parallel_loop3A_403, %parallel_loop3A_319 : vector<16xf32>
        %parallel_loop3A_415 = arith.mulf %parallel_loop3A_389, %parallel_loop3A_323 : vector<16xf32>
        %parallel_loop3A_416 = arith.subf %parallel_loop3A_414, %parallel_loop3A_415 : vector<16xf32>
        %parallel_loop3A_417 = arith.mulf %parallel_loop3A_389, %parallel_loop3A_321 : vector<16xf32>
        %parallel_loop3A_418 = arith.mulf %parallel_loop3A_396, %parallel_loop3A_319 : vector<16xf32>
        %parallel_loop3A_419 = arith.subf %parallel_loop3A_417, %parallel_loop3A_418 : vector<16xf32>
        %parallel_loop3A_420 = arith.constant 2.000000e+00 : f32
        %parallel_loop3A_421 = vector.broadcast %parallel_loop3A_420 : f32 to vector<16xf32>
        %parallel_loop3A_422 = arith.mulf %parallel_loop3A_421, %parallel_loop3A_413 : vector<16xf32>
        %parallel_loop3A_423 = arith.constant 2.000000e+00 : f32
        %parallel_loop3A_424 = vector.broadcast %parallel_loop3A_423 : f32 to vector<16xf32>
        %parallel_loop3A_425 = arith.mulf %parallel_loop3A_424, %parallel_loop3A_416 : vector<16xf32>
        %parallel_loop3A_426 = arith.constant 2.000000e+00 : f32
        %parallel_loop3A_427 = vector.broadcast %parallel_loop3A_426 : f32 to vector<16xf32>
        %parallel_loop3A_428 = arith.mulf %parallel_loop3A_427, %parallel_loop3A_419 : vector<16xf32>
        %parallel_loop3A_429 = arith.mulf %parallel_loop3A_396, %parallel_loop3A_428 : vector<16xf32>
        %parallel_loop3A_430 = arith.mulf %parallel_loop3A_403, %parallel_loop3A_425 : vector<16xf32>
        %parallel_loop3A_431 = arith.subf %parallel_loop3A_429, %parallel_loop3A_430 : vector<16xf32>
        %parallel_loop3A_432 = arith.mulf %parallel_loop3A_403, %parallel_loop3A_422 : vector<16xf32>
        %parallel_loop3A_433 = arith.mulf %parallel_loop3A_389, %parallel_loop3A_428 : vector<16xf32>
        %parallel_loop3A_434 = arith.subf %parallel_loop3A_432, %parallel_loop3A_433 : vector<16xf32>
        %parallel_loop3A_435 = arith.mulf %parallel_loop3A_389, %parallel_loop3A_425 : vector<16xf32>
        %parallel_loop3A_436 = arith.mulf %parallel_loop3A_396, %parallel_loop3A_422 : vector<16xf32>
        %parallel_loop3A_437 = arith.subf %parallel_loop3A_435, %parallel_loop3A_436 : vector<16xf32>
        %parallel_loop3A_438 = arith.mulf %parallel_loop3A_410, %parallel_loop3A_422 : vector<16xf32>
        %parallel_loop3A_439 = arith.addf %parallel_loop3A_319, %parallel_loop3A_438 : vector<16xf32>
        %parallel_loop3A_440 = arith.addf %parallel_loop3A_439, %parallel_loop3A_431 : vector<16xf32>
        %parallel_loop3A_441 = arith.mulf %parallel_loop3A_410, %parallel_loop3A_425 : vector<16xf32>
        %parallel_loop3A_442 = arith.addf %parallel_loop3A_321, %parallel_loop3A_441 : vector<16xf32>
        %parallel_loop3A_443 = arith.addf %parallel_loop3A_442, %parallel_loop3A_434 : vector<16xf32>
        %parallel_loop3A_444 = arith.mulf %parallel_loop3A_410, %parallel_loop3A_428 : vector<16xf32>
        %parallel_loop3A_445 = arith.addf %parallel_loop3A_323, %parallel_loop3A_444 : vector<16xf32>
        %parallel_loop3A_446 = arith.addf %parallel_loop3A_445, %parallel_loop3A_437 : vector<16xf32>
        %parallel_loop3A_447 = arith.subf %parallel_loop3A_333, %parallel_loop3A_440 : vector<16xf32>
        %parallel_loop3A_448 = arith.subf %parallel_loop3A_335, %parallel_loop3A_443 : vector<16xf32>
        %parallel_loop3A_449 = arith.subf %parallel_loop3A_337, %parallel_loop3A_446 : vector<16xf32>
        %parallel_loop3A_450 = arith.constant 0.000000e+00 : f32
        %parallel_loop3A_451 = vector.broadcast %parallel_loop3A_450 : f32 to vector<16xf32>
        %parallel_loop3A_452 = arith.subf %parallel_loop3A_451, %parallel_loop3A_361 : vector<16xf32>
        %parallel_loop3A_453 = arith.constant 0.000000e+00 : f32
        %parallel_loop3A_454 = vector.broadcast %parallel_loop3A_453 : f32 to vector<16xf32>
        %parallel_loop3A_455 = arith.subf %parallel_loop3A_454, %parallel_loop3A_365 : vector<16xf32>
        %parallel_loop3A_456 = arith.constant 0.000000e+00 : f32
        %parallel_loop3A_457 = vector.broadcast %parallel_loop3A_456 : f32 to vector<16xf32>
        %parallel_loop3A_458 = arith.subf %parallel_loop3A_457, %parallel_loop3A_369 : vector<16xf32>
        %parallel_loop3A_459 = arith.mulf %parallel_loop3A_373, %parallel_loop3A_389 : vector<16xf32>
        %parallel_loop3A_460 = arith.mulf %parallel_loop3A_452, %parallel_loop3A_410 : vector<16xf32>
        %parallel_loop3A_461 = arith.addf %parallel_loop3A_459, %parallel_loop3A_460 : vector<16xf32>
        %parallel_loop3A_462 = arith.mulf %parallel_loop3A_455, %parallel_loop3A_403 : vector<16xf32>
        %parallel_loop3A_463 = arith.addf %parallel_loop3A_461, %parallel_loop3A_462 : vector<16xf32>
        %parallel_loop3A_464 = arith.mulf %parallel_loop3A_458, %parallel_loop3A_396 : vector<16xf32>
        %parallel_loop3A_465 = arith.subf %parallel_loop3A_463, %parallel_loop3A_464 : vector<16xf32>
        %parallel_loop3A_466 = arith.mulf %parallel_loop3A_373, %parallel_loop3A_396 : vector<16xf32>
        %parallel_loop3A_467 = arith.mulf %parallel_loop3A_452, %parallel_loop3A_403 : vector<16xf32>
        %parallel_loop3A_468 = arith.subf %parallel_loop3A_466, %parallel_loop3A_467 : vector<16xf32>
        %parallel_loop3A_469 = arith.mulf %parallel_loop3A_455, %parallel_loop3A_410 : vector<16xf32>
        %parallel_loop3A_470 = arith.addf %parallel_loop3A_468, %parallel_loop3A_469 : vector<16xf32>
        %parallel_loop3A_471 = arith.mulf %parallel_loop3A_458, %parallel_loop3A_389 : vector<16xf32>
        %parallel_loop3A_472 = arith.addf %parallel_loop3A_470, %parallel_loop3A_471 : vector<16xf32>
        %parallel_loop3A_473 = arith.mulf %parallel_loop3A_373, %parallel_loop3A_403 : vector<16xf32>
        %parallel_loop3A_474 = arith.mulf %parallel_loop3A_452, %parallel_loop3A_396 : vector<16xf32>
        %parallel_loop3A_475 = arith.addf %parallel_loop3A_473, %parallel_loop3A_474 : vector<16xf32>
        %parallel_loop3A_476 = arith.mulf %parallel_loop3A_455, %parallel_loop3A_389 : vector<16xf32>
        %parallel_loop3A_477 = arith.subf %parallel_loop3A_475, %parallel_loop3A_476 : vector<16xf32>
        %parallel_loop3A_478 = arith.mulf %parallel_loop3A_458, %parallel_loop3A_410 : vector<16xf32>
        %parallel_loop3A_479 = arith.addf %parallel_loop3A_477, %parallel_loop3A_478 : vector<16xf32>
        %parallel_loop3A_480 = arith.mulf %parallel_loop3A_373, %parallel_loop3A_410 : vector<16xf32>
        %parallel_loop3A_481 = arith.mulf %parallel_loop3A_452, %parallel_loop3A_389 : vector<16xf32>
        %parallel_loop3A_482 = arith.subf %parallel_loop3A_480, %parallel_loop3A_481 : vector<16xf32>
        %parallel_loop3A_483 = arith.mulf %parallel_loop3A_455, %parallel_loop3A_396 : vector<16xf32>
        %parallel_loop3A_484 = arith.subf %parallel_loop3A_482, %parallel_loop3A_483 : vector<16xf32>
        %parallel_loop3A_485 = arith.mulf %parallel_loop3A_458, %parallel_loop3A_403 : vector<16xf32>
        %parallel_loop3A_486 = arith.subf %parallel_loop3A_484, %parallel_loop3A_485 : vector<16xf32>
        %parallel_loop3A_487 = arith.subf %parallel_loop3A_447, %parallel_loop3A_349 : vector<16xf32>
        %parallel_loop3A_488 = arith.subf %parallel_loop3A_448, %parallel_loop3A_353 : vector<16xf32>
        %parallel_loop3A_489 = arith.subf %parallel_loop3A_449, %parallel_loop3A_357 : vector<16xf32>
        %parallel_loop3A_490 = arith.mulf %parallel_loop3A_455, %parallel_loop3A_489 : vector<16xf32>
        %parallel_loop3A_491 = arith.mulf %parallel_loop3A_458, %parallel_loop3A_488 : vector<16xf32>
        %parallel_loop3A_492 = arith.subf %parallel_loop3A_490, %parallel_loop3A_491 : vector<16xf32>
        %parallel_loop3A_493 = arith.mulf %parallel_loop3A_458, %parallel_loop3A_487 : vector<16xf32>
        %parallel_loop3A_494 = arith.mulf %parallel_loop3A_452, %parallel_loop3A_489 : vector<16xf32>
        %parallel_loop3A_495 = arith.subf %parallel_loop3A_493, %parallel_loop3A_494 : vector<16xf32>
        %parallel_loop3A_496 = arith.mulf %parallel_loop3A_452, %parallel_loop3A_488 : vector<16xf32>
        %parallel_loop3A_497 = arith.mulf %parallel_loop3A_455, %parallel_loop3A_487 : vector<16xf32>
        %parallel_loop3A_498 = arith.subf %parallel_loop3A_496, %parallel_loop3A_497 : vector<16xf32>
        %parallel_loop3A_499 = arith.constant 2.000000e+00 : f32
        %parallel_loop3A_500 = vector.broadcast %parallel_loop3A_499 : f32 to vector<16xf32>
        %parallel_loop3A_501 = arith.mulf %parallel_loop3A_500, %parallel_loop3A_492 : vector<16xf32>
        %parallel_loop3A_502 = arith.constant 2.000000e+00 : f32
        %parallel_loop3A_503 = vector.broadcast %parallel_loop3A_502 : f32 to vector<16xf32>
        %parallel_loop3A_504 = arith.mulf %parallel_loop3A_503, %parallel_loop3A_495 : vector<16xf32>
        %parallel_loop3A_505 = arith.constant 2.000000e+00 : f32
        %parallel_loop3A_506 = vector.broadcast %parallel_loop3A_505 : f32 to vector<16xf32>
        %parallel_loop3A_507 = arith.mulf %parallel_loop3A_506, %parallel_loop3A_498 : vector<16xf32>
        %parallel_loop3A_508 = arith.mulf %parallel_loop3A_455, %parallel_loop3A_507 : vector<16xf32>
        %parallel_loop3A_509 = arith.mulf %parallel_loop3A_458, %parallel_loop3A_504 : vector<16xf32>
        %parallel_loop3A_510 = arith.subf %parallel_loop3A_508, %parallel_loop3A_509 : vector<16xf32>
        %parallel_loop3A_511 = arith.mulf %parallel_loop3A_458, %parallel_loop3A_501 : vector<16xf32>
        %parallel_loop3A_512 = arith.mulf %parallel_loop3A_452, %parallel_loop3A_507 : vector<16xf32>
        %parallel_loop3A_513 = arith.subf %parallel_loop3A_511, %parallel_loop3A_512 : vector<16xf32>
        %parallel_loop3A_514 = arith.mulf %parallel_loop3A_452, %parallel_loop3A_504 : vector<16xf32>
        %parallel_loop3A_515 = arith.mulf %parallel_loop3A_455, %parallel_loop3A_501 : vector<16xf32>
        %parallel_loop3A_516 = arith.subf %parallel_loop3A_514, %parallel_loop3A_515 : vector<16xf32>
        %parallel_loop3A_517 = arith.mulf %parallel_loop3A_373, %parallel_loop3A_501 : vector<16xf32>
        %parallel_loop3A_518 = arith.addf %parallel_loop3A_487, %parallel_loop3A_517 : vector<16xf32>
        %parallel_loop3A_519 = arith.addf %parallel_loop3A_518, %parallel_loop3A_510 : vector<16xf32>
        %parallel_loop3A_520 = arith.mulf %parallel_loop3A_373, %parallel_loop3A_504 : vector<16xf32>
        %parallel_loop3A_521 = arith.addf %parallel_loop3A_488, %parallel_loop3A_520 : vector<16xf32>
        %parallel_loop3A_522 = arith.addf %parallel_loop3A_521, %parallel_loop3A_513 : vector<16xf32>
        %parallel_loop3A_523 = arith.mulf %parallel_loop3A_373, %parallel_loop3A_507 : vector<16xf32>
        %parallel_loop3A_524 = arith.addf %parallel_loop3A_489, %parallel_loop3A_523 : vector<16xf32>
        %parallel_loop3A_525 = arith.addf %parallel_loop3A_524, %parallel_loop3A_516 : vector<16xf32>
        %parallel_loop3A_526 = arith.constant 0.000000e+00 : f32
        %parallel_loop3A_527 = vector.broadcast %parallel_loop3A_526 : f32 to vector<16xf32>
        %parallel_loop3A_528 = arith.cmpf olt, %parallel_loop3A_486, %parallel_loop3A_527 : vector<16xf32>
        %parallel_loop3A_529 = arith.constant -1.000000e+00 : f32
        %parallel_loop3A_530 = arith.constant 1.000000e+00 : f32
        %parallel_loop3A_531 = vector.broadcast %parallel_loop3A_529 : f32 to vector<16xf32>
        %parallel_loop3A_532 = vector.broadcast %parallel_loop3A_530 : f32 to vector<16xf32>
        %parallel_loop3A_533 = arith.select %parallel_loop3A_528, %parallel_loop3A_531, %parallel_loop3A_532 : vector<16xi1>, vector<16xf32>
        %parallel_loop3A_534 = arith.mulf %parallel_loop3A_465, %parallel_loop3A_533 : vector<16xf32>
        %parallel_loop3A_535 = arith.mulf %parallel_loop3A_472, %parallel_loop3A_533 : vector<16xf32>
        %parallel_loop3A_536 = arith.mulf %parallel_loop3A_479, %parallel_loop3A_533 : vector<16xf32>
        %parallel_loop3A_537 = math.absf %parallel_loop3A_486 : vector<16xf32>
        %parallel_loop3A_538 = arith.mulf %parallel_loop3A_534, %parallel_loop3A_534 : vector<16xf32>
        %parallel_loop3A_539 = arith.mulf %parallel_loop3A_535, %parallel_loop3A_535 : vector<16xf32>
        %parallel_loop3A_540 = arith.addf %parallel_loop3A_538, %parallel_loop3A_539 : vector<16xf32>
        %parallel_loop3A_541 = arith.mulf %parallel_loop3A_536, %parallel_loop3A_536 : vector<16xf32>
        %parallel_loop3A_542 = arith.addf %parallel_loop3A_540, %parallel_loop3A_541 : vector<16xf32>
        %parallel_loop3A_543 = arith.constant 1.000000e-30 : f32
        %parallel_loop3A_544 = vector.broadcast %parallel_loop3A_543 : f32 to vector<16xf32>
        %parallel_loop3A_545 = arith.maximumf %parallel_loop3A_542, %parallel_loop3A_544 : vector<16xf32>
        %parallel_loop3A_546 = vector.bitcast %parallel_loop3A_545 : vector<16xf32> to vector<16xi32>
        %parallel_loop3A_547 = arith.constant 1 : i32
        %parallel_loop3A_548 = vector.broadcast %parallel_loop3A_547 : i32 to vector<16xi32>
        %parallel_loop3A_549 = arith.shrui %parallel_loop3A_546, %parallel_loop3A_548 : vector<16xi32>
        %parallel_loop3A_550 = arith.constant 1597463007 : i32
        %parallel_loop3A_551 = vector.broadcast %parallel_loop3A_550 : i32 to vector<16xi32>
        %parallel_loop3A_552 = arith.subi %parallel_loop3A_551, %parallel_loop3A_549 : vector<16xi32>
        %parallel_loop3A_553 = vector.bitcast %parallel_loop3A_552 : vector<16xi32> to vector<16xf32>
        %parallel_loop3A_554 = arith.constant 5.000000e-01 : f32
        %parallel_loop3A_555 = vector.broadcast %parallel_loop3A_554 : f32 to vector<16xf32>
        %parallel_loop3A_556 = arith.mulf %parallel_loop3A_555, %parallel_loop3A_545 : vector<16xf32>
        %parallel_loop3A_557 = arith.mulf %parallel_loop3A_556, %parallel_loop3A_553 : vector<16xf32>
        %parallel_loop3A_558 = arith.mulf %parallel_loop3A_557, %parallel_loop3A_553 : vector<16xf32>
        %parallel_loop3A_559 = arith.constant 1.500000e+00 : f32
        %parallel_loop3A_560 = vector.broadcast %parallel_loop3A_559 : f32 to vector<16xf32>
        %parallel_loop3A_561 = arith.subf %parallel_loop3A_560, %parallel_loop3A_558 : vector<16xf32>
        %parallel_loop3A_562 = arith.mulf %parallel_loop3A_553, %parallel_loop3A_561 : vector<16xf32>
        %parallel_loop3A_563 = arith.constant 5.000000e-01 : f32
        %parallel_loop3A_564 = vector.broadcast %parallel_loop3A_563 : f32 to vector<16xf32>
        %parallel_loop3A_565 = arith.mulf %parallel_loop3A_564, %parallel_loop3A_545 : vector<16xf32>
        %parallel_loop3A_566 = arith.mulf %parallel_loop3A_565, %parallel_loop3A_562 : vector<16xf32>
        %parallel_loop3A_567 = arith.mulf %parallel_loop3A_566, %parallel_loop3A_562 : vector<16xf32>
        %parallel_loop3A_568 = arith.constant 1.500000e+00 : f32
        %parallel_loop3A_569 = vector.broadcast %parallel_loop3A_568 : f32 to vector<16xf32>
        %parallel_loop3A_570 = arith.subf %parallel_loop3A_569, %parallel_loop3A_567 : vector<16xf32>
        %parallel_loop3A_571 = arith.mulf %parallel_loop3A_562, %parallel_loop3A_570 : vector<16xf32>
        %parallel_loop3A_572 = arith.constant 5.000000e-01 : f32
        %parallel_loop3A_573 = vector.broadcast %parallel_loop3A_572 : f32 to vector<16xf32>
        %parallel_loop3A_574 = arith.mulf %parallel_loop3A_573, %parallel_loop3A_545 : vector<16xf32>
        %parallel_loop3A_575 = arith.mulf %parallel_loop3A_574, %parallel_loop3A_571 : vector<16xf32>
        %parallel_loop3A_576 = arith.mulf %parallel_loop3A_575, %parallel_loop3A_571 : vector<16xf32>
        %parallel_loop3A_577 = arith.constant 1.500000e+00 : f32
        %parallel_loop3A_578 = vector.broadcast %parallel_loop3A_577 : f32 to vector<16xf32>
        %parallel_loop3A_579 = arith.subf %parallel_loop3A_578, %parallel_loop3A_576 : vector<16xf32>
        %parallel_loop3A_580 = arith.mulf %parallel_loop3A_571, %parallel_loop3A_579 : vector<16xf32>
        %parallel_loop3A_581 = arith.mulf %parallel_loop3A_542, %parallel_loop3A_580 : vector<16xf32>
        %parallel_loop3A_582 = arith.minimumf %parallel_loop3A_581, %parallel_loop3A_537 : vector<16xf32>
        %parallel_loop3A_583 = arith.maximumf %parallel_loop3A_581, %parallel_loop3A_537 : vector<16xf32>
        %parallel_loop3A_584 = arith.divf %parallel_loop3A_582, %parallel_loop3A_583 : vector<16xf32>
        %parallel_loop3A_585 = arith.mulf %parallel_loop3A_584, %parallel_loop3A_584 : vector<16xf32>
        %parallel_loop3A_586 = arith.constant -0.00466878433 : f32
        %parallel_loop3A_587 = vector.broadcast %parallel_loop3A_586 : f32 to vector<16xf32>
        %parallel_loop3A_588 = arith.mulf %parallel_loop3A_587, %parallel_loop3A_585 : vector<16xf32>
        %parallel_loop3A_589 = arith.constant 0.0241662469 : f32
        %parallel_loop3A_590 = vector.broadcast %parallel_loop3A_589 : f32 to vector<16xf32>
        %parallel_loop3A_591 = arith.addf %parallel_loop3A_588, %parallel_loop3A_590 : vector<16xf32>
        %parallel_loop3A_592 = arith.mulf %parallel_loop3A_591, %parallel_loop3A_585 : vector<16xf32>
        %parallel_loop3A_593 = arith.constant -0.0593672097 : f32
        %parallel_loop3A_594 = vector.broadcast %parallel_loop3A_593 : f32 to vector<16xf32>
        %parallel_loop3A_595 = arith.addf %parallel_loop3A_592, %parallel_loop3A_594 : vector<16xf32>
        %parallel_loop3A_596 = arith.mulf %parallel_loop3A_595, %parallel_loop3A_585 : vector<16xf32>
        %parallel_loop3A_597 = arith.constant 0.0990610718 : f32
        %parallel_loop3A_598 = vector.broadcast %parallel_loop3A_597 : f32 to vector<16xf32>
        %parallel_loop3A_599 = arith.addf %parallel_loop3A_596, %parallel_loop3A_598 : vector<16xf32>
        %parallel_loop3A_600 = arith.mulf %parallel_loop3A_599, %parallel_loop3A_585 : vector<16xf32>
        %parallel_loop3A_601 = arith.constant -0.140165895 : f32
        %parallel_loop3A_602 = vector.broadcast %parallel_loop3A_601 : f32 to vector<16xf32>
        %parallel_loop3A_603 = arith.addf %parallel_loop3A_600, %parallel_loop3A_602 : vector<16xf32>
        %parallel_loop3A_604 = arith.mulf %parallel_loop3A_603, %parallel_loop3A_585 : vector<16xf32>
        %parallel_loop3A_605 = arith.constant 0.199692369 : f32
        %parallel_loop3A_606 = vector.broadcast %parallel_loop3A_605 : f32 to vector<16xf32>
        %parallel_loop3A_607 = arith.addf %parallel_loop3A_604, %parallel_loop3A_606 : vector<16xf32>
        %parallel_loop3A_608 = arith.mulf %parallel_loop3A_607, %parallel_loop3A_585 : vector<16xf32>
        %parallel_loop3A_609 = arith.constant -0.333319604 : f32
        %parallel_loop3A_610 = vector.broadcast %parallel_loop3A_609 : f32 to vector<16xf32>
        %parallel_loop3A_611 = arith.addf %parallel_loop3A_608, %parallel_loop3A_610 : vector<16xf32>
        %parallel_loop3A_612 = arith.mulf %parallel_loop3A_611, %parallel_loop3A_585 : vector<16xf32>
        %parallel_loop3A_613 = arith.constant 0.99999988 : f32
        %parallel_loop3A_614 = vector.broadcast %parallel_loop3A_613 : f32 to vector<16xf32>
        %parallel_loop3A_615 = arith.addf %parallel_loop3A_612, %parallel_loop3A_614 : vector<16xf32>
        %parallel_loop3A_616 = arith.mulf %parallel_loop3A_615, %parallel_loop3A_584 : vector<16xf32>
        %parallel_loop3A_617 = arith.cmpf ogt, %parallel_loop3A_581, %parallel_loop3A_537 : vector<16xf32>
        %parallel_loop3A_618 = arith.constant 1.57079637 : f32
        %parallel_loop3A_619 = vector.broadcast %parallel_loop3A_618 : f32 to vector<16xf32>
        %parallel_loop3A_620 = arith.subf %parallel_loop3A_619, %parallel_loop3A_616 : vector<16xf32>
        %parallel_loop3A_621 = arith.select %parallel_loop3A_617, %parallel_loop3A_620, %parallel_loop3A_616 : vector<16xi1>, vector<16xf32>
        %parallel_loop3A_622 = arith.constant 2.000000e+00 : f32
        %parallel_loop3A_623 = vector.broadcast %parallel_loop3A_622 : f32 to vector<16xf32>
        %parallel_loop3A_624 = arith.mulf %parallel_loop3A_623, %parallel_loop3A_621 : vector<16xf32>
        %parallel_loop3A_625 = arith.constant 1.000000e-07 : f32
        %parallel_loop3A_626 = vector.broadcast %parallel_loop3A_625 : f32 to vector<16xf32>
        %parallel_loop3A_627 = arith.cmpf ogt, %parallel_loop3A_581, %parallel_loop3A_626 : vector<16xf32>
        %parallel_loop3A_628 = arith.constant 1.000000e-07 : f32
        %parallel_loop3A_629 = vector.broadcast %parallel_loop3A_628 : f32 to vector<16xf32>
        %parallel_loop3A_630 = arith.cmpf ogt, %parallel_loop3A_537, %parallel_loop3A_629 : vector<16xf32>
        %parallel_loop3A_631 = arith.constant 1.000000e+00 : f32
        %parallel_loop3A_632 = vector.broadcast %parallel_loop3A_631 : f32 to vector<16xf32>
        %parallel_loop3A_633 = arith.select %parallel_loop3A_630, %parallel_loop3A_537, %parallel_loop3A_632 : vector<16xi1>, vector<16xf32>
        %parallel_loop3A_634 = arith.constant 2.000000e+00 : f32
        %parallel_loop3A_635 = vector.broadcast %parallel_loop3A_634 : f32 to vector<16xf32>
        %parallel_loop3A_636 = arith.select %parallel_loop3A_627, %parallel_loop3A_624, %parallel_loop3A_635 : vector<16xi1>, vector<16xf32>
        %parallel_loop3A_637 = arith.select %parallel_loop3A_627, %parallel_loop3A_581, %parallel_loop3A_633 : vector<16xi1>, vector<16xf32>
        %parallel_loop3A_638 = arith.divf %parallel_loop3A_636, %parallel_loop3A_637 : vector<16xf32>
        %parallel_loop3A_639 = arith.mulf %parallel_loop3A_534, %parallel_loop3A_638 : vector<16xf32>
        %parallel_loop3A_640 = arith.mulf %parallel_loop3A_535, %parallel_loop3A_638 : vector<16xf32>
        %parallel_loop3A_641 = arith.mulf %parallel_loop3A_536, %parallel_loop3A_638 : vector<16xf32>
        %parallel_loop3A_642 = arith.constant 9.99999974E-5 : f32
        %parallel_loop3A_643 = vector.broadcast %parallel_loop3A_642 : f32 to vector<16xf32>
        %parallel_loop3A_644 = arith.cmpf olt, %parallel_loop3A_624, %parallel_loop3A_643 : vector<16xf32>
        %parallel_loop3A_645 = arith.constant 2.000000e+00 : f32
        %parallel_loop3A_646 = vector.broadcast %parallel_loop3A_645 : f32 to vector<16xf32>
        %parallel_loop3A_647 = arith.mulf %parallel_loop3A_646, %parallel_loop3A_581 : vector<16xf32>
        %parallel_loop3A_648 = arith.mulf %parallel_loop3A_647, %parallel_loop3A_537 : vector<16xf32>
        %parallel_loop3A_649 = arith.mulf %parallel_loop3A_537, %parallel_loop3A_537 : vector<16xf32>
        %parallel_loop3A_650 = arith.subf %parallel_loop3A_649, %parallel_loop3A_542 : vector<16xf32>
        %parallel_loop3A_651 = arith.mulf %parallel_loop3A_624, %parallel_loop3A_624 : vector<16xf32>
        %parallel_loop3A_652 = arith.constant 2.000000e+00 : f32
        %parallel_loop3A_653 = vector.broadcast %parallel_loop3A_652 : f32 to vector<16xf32>
        %parallel_loop3A_654 = arith.mulf %parallel_loop3A_653, %parallel_loop3A_624 : vector<16xf32>
        %parallel_loop3A_655 = arith.mulf %parallel_loop3A_654, %parallel_loop3A_648 : vector<16xf32>
        %parallel_loop3A_656 = math.absf %parallel_loop3A_655 : vector<16xf32>
        %parallel_loop3A_657 = arith.constant 9.99999996E-13 : f32
        %parallel_loop3A_658 = vector.broadcast %parallel_loop3A_657 : f32 to vector<16xf32>
        %parallel_loop3A_659 = arith.cmpf ogt, %parallel_loop3A_656, %parallel_loop3A_658 : vector<16xf32>
        %parallel_loop3A_660 = arith.constant 9.99999996E-13 : f32
        %parallel_loop3A_661 = vector.broadcast %parallel_loop3A_660 : f32 to vector<16xf32>
        %parallel_loop3A_662 = arith.select %parallel_loop3A_659, %parallel_loop3A_655, %parallel_loop3A_661 : vector<16xi1>, vector<16xf32>
        %parallel_loop3A_663 = arith.constant 1.000000e+00 : f32
        %parallel_loop3A_664 = vector.broadcast %parallel_loop3A_663 : f32 to vector<16xf32>
        %parallel_loop3A_665 = arith.addf %parallel_loop3A_664, %parallel_loop3A_650 : vector<16xf32>
        %parallel_loop3A_666 = arith.mulf %parallel_loop3A_665, %parallel_loop3A_651 : vector<16xf32>
        %parallel_loop3A_667 = arith.subf %parallel_loop3A_662, %parallel_loop3A_666 : vector<16xf32>
        %parallel_loop3A_668 = arith.mulf %parallel_loop3A_651, %parallel_loop3A_662 : vector<16xf32>
        %parallel_loop3A_669 = arith.divf %parallel_loop3A_667, %parallel_loop3A_668 : vector<16xf32>
        %parallel_loop3A_670 = arith.constant 0.0833333358 : f32
        %parallel_loop3A_671 = vector.broadcast %parallel_loop3A_670 : f32 to vector<16xf32>
        %parallel_loop3A_672 = arith.select %parallel_loop3A_644, %parallel_loop3A_671, %parallel_loop3A_669 : vector<16xi1>, vector<16xf32>
        %parallel_loop3A_673 = arith.mulf %parallel_loop3A_640, %parallel_loop3A_525 : vector<16xf32>
        %parallel_loop3A_674 = arith.mulf %parallel_loop3A_641, %parallel_loop3A_522 : vector<16xf32>
        %parallel_loop3A_675 = arith.subf %parallel_loop3A_673, %parallel_loop3A_674 : vector<16xf32>
        %parallel_loop3A_676 = arith.mulf %parallel_loop3A_641, %parallel_loop3A_519 : vector<16xf32>
        %parallel_loop3A_677 = arith.mulf %parallel_loop3A_639, %parallel_loop3A_525 : vector<16xf32>
        %parallel_loop3A_678 = arith.subf %parallel_loop3A_676, %parallel_loop3A_677 : vector<16xf32>
        %parallel_loop3A_679 = arith.mulf %parallel_loop3A_639, %parallel_loop3A_522 : vector<16xf32>
        %parallel_loop3A_680 = arith.mulf %parallel_loop3A_640, %parallel_loop3A_519 : vector<16xf32>
        %parallel_loop3A_681 = arith.subf %parallel_loop3A_679, %parallel_loop3A_680 : vector<16xf32>
        %parallel_loop3A_682 = arith.mulf %parallel_loop3A_640, %parallel_loop3A_681 : vector<16xf32>
        %parallel_loop3A_683 = arith.mulf %parallel_loop3A_641, %parallel_loop3A_678 : vector<16xf32>
        %parallel_loop3A_684 = arith.subf %parallel_loop3A_682, %parallel_loop3A_683 : vector<16xf32>
        %parallel_loop3A_685 = arith.mulf %parallel_loop3A_641, %parallel_loop3A_675 : vector<16xf32>
        %parallel_loop3A_686 = arith.mulf %parallel_loop3A_639, %parallel_loop3A_681 : vector<16xf32>
        %parallel_loop3A_687 = arith.subf %parallel_loop3A_685, %parallel_loop3A_686 : vector<16xf32>
        %parallel_loop3A_688 = arith.mulf %parallel_loop3A_639, %parallel_loop3A_678 : vector<16xf32>
        %parallel_loop3A_689 = arith.mulf %parallel_loop3A_640, %parallel_loop3A_675 : vector<16xf32>
        %parallel_loop3A_690 = arith.subf %parallel_loop3A_688, %parallel_loop3A_689 : vector<16xf32>
        %parallel_loop3A_691 = arith.constant 5.000000e-01 : f32
        %parallel_loop3A_692 = vector.broadcast %parallel_loop3A_691 : f32 to vector<16xf32>
        %parallel_loop3A_693 = arith.mulf %parallel_loop3A_692, %parallel_loop3A_675 : vector<16xf32>
        %parallel_loop3A_694 = arith.subf %parallel_loop3A_519, %parallel_loop3A_693 : vector<16xf32>
        %parallel_loop3A_695 = arith.mulf %parallel_loop3A_672, %parallel_loop3A_684 : vector<16xf32>
        %parallel_loop3A_696 = arith.addf %parallel_loop3A_694, %parallel_loop3A_695 : vector<16xf32>
        %parallel_loop3A_697 = arith.constant 5.000000e-01 : f32
        %parallel_loop3A_698 = vector.broadcast %parallel_loop3A_697 : f32 to vector<16xf32>
        %parallel_loop3A_699 = arith.mulf %parallel_loop3A_698, %parallel_loop3A_678 : vector<16xf32>
        %parallel_loop3A_700 = arith.subf %parallel_loop3A_522, %parallel_loop3A_699 : vector<16xf32>
        %parallel_loop3A_701 = arith.mulf %parallel_loop3A_672, %parallel_loop3A_687 : vector<16xf32>
        %parallel_loop3A_702 = arith.addf %parallel_loop3A_700, %parallel_loop3A_701 : vector<16xf32>
        %parallel_loop3A_703 = arith.constant 5.000000e-01 : f32
        %parallel_loop3A_704 = vector.broadcast %parallel_loop3A_703 : f32 to vector<16xf32>
        %parallel_loop3A_705 = arith.mulf %parallel_loop3A_704, %parallel_loop3A_681 : vector<16xf32>
        %parallel_loop3A_706 = arith.subf %parallel_loop3A_525, %parallel_loop3A_705 : vector<16xf32>
        %parallel_loop3A_707 = arith.mulf %parallel_loop3A_672, %parallel_loop3A_690 : vector<16xf32>
        %parallel_loop3A_708 = arith.addf %parallel_loop3A_706, %parallel_loop3A_707 : vector<16xf32>
        %parallel_loop3A_709 = arith.constant 0 : i32
        %parallel_loop3A_710 = arith.index_cast %parallel_loop3A_709 : i32 to index
        %parallel_loop3A_711 = arith.index_cast %parallel_loop3A_315 : i32 to index
        %parallel_loop3A_712 = tpu.vector_load %arg60[%parallel_loop3A_710, %parallel_loop3A_711] {strides = array<i32>} : memref<6x1024xf32, #tpu.memory_space<vmem>>, vector<16xf32>,
        tpu.vector_store %arg60[%parallel_loop3A_710, %parallel_loop3A_711], %parallel_loop3A_696 {strides = array<i32>} : memref<6x1024xf32, #tpu.memory_space<vmem>>, vector<16xf32>,
        %parallel_loop3A_713 = arith.constant 1 : i32
        %parallel_loop3A_714 = arith.index_cast %parallel_loop3A_713 : i32 to index
        %parallel_loop3A_715 = arith.index_cast %parallel_loop3A_315 : i32 to index
        %parallel_loop3A_716 = tpu.vector_load %arg60[%parallel_loop3A_714, %parallel_loop3A_715] {strides = array<i32>} : memref<6x1024xf32, #tpu.memory_space<vmem>>, vector<16xf32>,
        tpu.vector_store %arg60[%parallel_loop3A_714, %parallel_loop3A_715], %parallel_loop3A_702 {strides = array<i32>} : memref<6x1024xf32, #tpu.memory_space<vmem>>, vector<16xf32>,
        %parallel_loop3A_717 = arith.constant 2 : i32
        %parallel_loop3A_718 = arith.index_cast %parallel_loop3A_717 : i32 to index
        %parallel_loop3A_719 = arith.index_cast %parallel_loop3A_315 : i32 to index
        %parallel_loop3A_720 = tpu.vector_load %arg60[%parallel_loop3A_718, %parallel_loop3A_719] {strides = array<i32>} : memref<6x1024xf32, #tpu.memory_space<vmem>>, vector<16xf32>,
        tpu.vector_store %arg60[%parallel_loop3A_718, %parallel_loop3A_719], %parallel_loop3A_708 {strides = array<i32>} : memref<6x1024xf32, #tpu.memory_space<vmem>>, vector<16xf32>,
        %parallel_loop3A_721 = arith.constant 3 : i32
        %parallel_loop3A_722 = arith.index_cast %parallel_loop3A_721 : i32 to index
        %parallel_loop3A_723 = arith.index_cast %parallel_loop3A_315 : i32 to index
        %parallel_loop3A_724 = tpu.vector_load %arg60[%parallel_loop3A_722, %parallel_loop3A_723] {strides = array<i32>} : memref<6x1024xf32, #tpu.memory_space<vmem>>, vector<16xf32>,
        tpu.vector_store %arg60[%parallel_loop3A_722, %parallel_loop3A_723], %parallel_loop3A_639 {strides = array<i32>} : memref<6x1024xf32, #tpu.memory_space<vmem>>, vector<16xf32>,
        %parallel_loop3A_725 = arith.constant 4 : i32
        %parallel_loop3A_726 = arith.index_cast %parallel_loop3A_725 : i32 to index
        %parallel_loop3A_727 = arith.index_cast %parallel_loop3A_315 : i32 to index
        %parallel_loop3A_728 = tpu.vector_load %arg60[%parallel_loop3A_726, %parallel_loop3A_727] {strides = array<i32>} : memref<6x1024xf32, #tpu.memory_space<vmem>>, vector<16xf32>,
        tpu.vector_store %arg60[%parallel_loop3A_726, %parallel_loop3A_727], %parallel_loop3A_640 {strides = array<i32>} : memref<6x1024xf32, #tpu.memory_space<vmem>>, vector<16xf32>,
        %parallel_loop3A_729 = arith.constant 5 : i32
        %parallel_loop3A_730 = arith.index_cast %parallel_loop3A_729 : i32 to index
        %parallel_loop3A_731 = arith.index_cast %parallel_loop3A_315 : i32 to index
        %parallel_loop3A_732 = tpu.vector_load %arg60[%parallel_loop3A_730, %parallel_loop3A_731] {strides = array<i32>} : memref<6x1024xf32, #tpu.memory_space<vmem>>, vector<16xf32>,
        tpu.vector_store %arg60[%parallel_loop3A_730, %parallel_loop3A_731], %parallel_loop3A_641 {strides = array<i32>} : memref<6x1024xf32, #tpu.memory_space<vmem>>, vector<16xf32>,
      } {sc.loop_unroll_factor = 4 : i64, sc.parallel_access}
      %mul3A_304 = arith.constant 32 : i32
      %mul3A_305 = arith.muli %add3A_226, %mul3A_304 : i32
      %add3A_306 = arith.addi %add3A, %mul3A_305 : i32
      %min3A_307 = arith.constant 3124 : i32
      %min3A_308 = arith.minsi %add3A_306, %min3A_307 : i32
      %mul3A_309 = arith.constant 1024 : i32
      %mul3A_310 = arith.muli %min3A_308, %mul3A_309 : i32
      %dma_start3A_311 = arith.constant 0 : i32
      %dma_start3A_312 = tpu.memref_slice %arg6[%dma_start3A_311, %mul3A_310] : memref<6x3200000xf32, #tpu.memory_space<hbm>> -> memref<6x1024xf32, #tpu.memory_space<hbm>>
      %dma_start3A_313 = arith.constant 0 : i32
      %dma_start3A_314 = tpu.memref_slice %arg6[%dma_start3A_313, %mul3A_310] : memref<6x3200000xf32, #tpu.memory_space<hbm>> -> memref<6x1024xf32, #tpu.memory_space<hbm>>
      tpu.enqueue_dma source(%arg60 : memref<6x1024xf32, #tpu.memory_space<vmem>>) target(%dma_start3A_314 : memref<6x1024xf32, #tpu.memory_space<hbm>>) target_semaphore(%arg68 : memref<!tpu.dma_semaphore, #tpu.memory_space<semaphore_mem>>)
    }
    %scan3A_93 = arith.constant 49 : i32
    %dma_wait3A = arith.constant 0 : i32
    %dma_wait3A_94 = tpu.memref_slice %arg7[%dma_wait3A] : memref<100352xf32, #tpu.memory_space<vmem_shared>> -> memref<100352xf32, #tpu.memory_space<vmem_shared>>
    tpu.wait_indirect_dma semaphore(%arg61 : memref<!tpu.dma_semaphore, #tpu.memory_space<semaphore_mem>>) src(%dma_wait3A_94 : memref<100352xf32, #tpu.memory_space<vmem_shared>>) dst(%arg29 : memref<2048xf32, #tpu.memory_space<vmem>>)
    %dma_wait3A_95 = arith.constant 0 : i32
    %dma_wait3A_96 = tpu.memref_slice %arg8[%dma_wait3A_95] : memref<100352xf32, #tpu.memory_space<vmem_shared>> -> memref<100352xf32, #tpu.memory_space<vmem_shared>>
    tpu.wait_indirect_dma semaphore(%arg61 : memref<!tpu.dma_semaphore, #tpu.memory_space<semaphore_mem>>) src(%dma_wait3A_96 : memref<100352xf32, #tpu.memory_space<vmem_shared>>) dst(%arg30 : memref<2048xf32, #tpu.memory_space<vmem>>)
    %dma_wait3A_97 = arith.constant 0 : i32
    %dma_wait3A_98 = tpu.memref_slice %arg9[%dma_wait3A_97] : memref<100352xf32, #tpu.memory_space<vmem_shared>> -> memref<100352xf32, #tpu.memory_space<vmem_shared>>
    tpu.wait_indirect_dma semaphore(%arg61 : memref<!tpu.dma_semaphore, #tpu.memory_space<semaphore_mem>>) src(%dma_wait3A_98 : memref<100352xf32, #tpu.memory_space<vmem_shared>>) dst(%arg31 : memref<2048xf32, #tpu.memory_space<vmem>>)
    %dma_wait3A_99 = arith.constant 0 : i32
    %dma_wait3A_100 = tpu.memref_slice %arg10[%dma_wait3A_99] : memref<100352xf32, #tpu.memory_space<vmem_shared>> -> memref<100352xf32, #tpu.memory_space<vmem_shared>>
    tpu.wait_indirect_dma semaphore(%arg61 : memref<!tpu.dma_semaphore, #tpu.memory_space<semaphore_mem>>) src(%dma_wait3A_100 : memref<100352xf32, #tpu.memory_space<vmem_shared>>) dst(%arg32 : memref<2048xf32, #tpu.memory_space<vmem>>)
    %dma_wait3A_101 = arith.constant 0 : i32
    %dma_wait3A_102 = tpu.memref_slice %arg11[%dma_wait3A_101] : memref<100352xf32, #tpu.memory_space<vmem_shared>> -> memref<100352xf32, #tpu.memory_space<vmem_shared>>
    tpu.wait_indirect_dma semaphore(%arg61 : memref<!tpu.dma_semaphore, #tpu.memory_space<semaphore_mem>>) src(%dma_wait3A_102 : memref<100352xf32, #tpu.memory_space<vmem_shared>>) dst(%arg33 : memref<2048xf32, #tpu.memory_space<vmem>>)
    %dma_wait3A_103 = arith.constant 0 : i32
    %dma_wait3A_104 = tpu.memref_slice %arg12[%dma_wait3A_103] : memref<100352xf32, #tpu.memory_space<vmem_shared>> -> memref<100352xf32, #tpu.memory_space<vmem_shared>>
    tpu.wait_indirect_dma semaphore(%arg61 : memref<!tpu.dma_semaphore, #tpu.memory_space<semaphore_mem>>) src(%dma_wait3A_104 : memref<100352xf32, #tpu.memory_space<vmem_shared>>) dst(%arg34 : memref<2048xf32, #tpu.memory_space<vmem>>)
    %dma_wait3A_105 = arith.constant 0 : i32
    %dma_wait3A_106 = tpu.memref_slice %arg13[%dma_wait3A_105] : memref<100352xf32, #tpu.memory_space<vmem_shared>> -> memref<100352xf32, #tpu.memory_space<vmem_shared>>
    tpu.wait_indirect_dma semaphore(%arg61 : memref<!tpu.dma_semaphore, #tpu.memory_space<semaphore_mem>>) src(%dma_wait3A_106 : memref<100352xf32, #tpu.memory_space<vmem_shared>>) dst(%arg35 : memref<2048xf32, #tpu.memory_space<vmem>>)
    %dma_wait3A_107 = arith.constant 0 : i32
    %dma_wait3A_108 = arith.constant 0 : i32
    %dma_wait3A_109 = tpu.memref_slice %arg3[%dma_wait3A_107, %dma_wait3A_108] : memref<2x3200000xi32, #tpu.memory_space<hbm>> -> memref<2x1024xi32, #tpu.memory_space<hbm>>
    %dma_wait3A_110 = arith.constant 0 : i32
    %dma_wait3A_111 = arith.constant 0 : i32
    %dma_wait3A_112 = tpu.memref_slice %arg3[%dma_wait3A_110, %dma_wait3A_111] : memref<2x3200000xi32, #tpu.memory_space<hbm>> -> memref<2x1024xi32, #tpu.memory_space<hbm>>
    tpu.wait_dma2 semaphore(%arg64 : memref<!tpu.dma_semaphore, #tpu.memory_space<semaphore_mem>>) src(%dma_wait3A_112 : memref<2x1024xi32, #tpu.memory_space<hbm>>) dst(%arg24 : memref<2x1024xi32, #tpu.memory_space<vmem>>)
    %dma_wait3A_113 = arith.constant 0 : i32
    %dma_wait3A_114 = arith.constant 0 : i32
    %dma_wait3A_115 = tpu.memref_slice %arg4[%dma_wait3A_113, %dma_wait3A_114] : memref<7x3200000xf32, #tpu.memory_space<hbm>> -> memref<7x1024xf32, #tpu.memory_space<hbm>>
    %dma_wait3A_116 = arith.constant 0 : i32
    %dma_wait3A_117 = arith.constant 0 : i32
    %dma_wait3A_118 = tpu.memref_slice %arg4[%dma_wait3A_116, %dma_wait3A_117] : memref<7x3200000xf32, #tpu.memory_space<hbm>> -> memref<7x1024xf32, #tpu.memory_space<hbm>>
    tpu.wait_dma2 semaphore(%arg65 : memref<!tpu.dma_semaphore, #tpu.memory_space<semaphore_mem>>) src(%dma_wait3A_118 : memref<7x1024xf32, #tpu.memory_space<hbm>>) dst(%arg57 : memref<7x1024xf32, #tpu.memory_space<vmem>>)
    %dma_wait3A_119 = arith.constant 0 : i32
    %dma_wait3A_120 = arith.constant 0 : i32
    %dma_wait3A_121 = tpu.memref_slice %arg6[%dma_wait3A_119, %dma_wait3A_120] : memref<6x3200000xf32, #tpu.memory_space<hbm>> -> memref<6x1024xf32, #tpu.memory_space<hbm>>
    %dma_wait3A_122 = arith.constant 0 : i32
    %dma_wait3A_123 = arith.constant 0 : i32
    %dma_wait3A_124 = tpu.memref_slice %arg6[%dma_wait3A_122, %dma_wait3A_123] : memref<6x3200000xf32, #tpu.memory_space<hbm>> -> memref<6x1024xf32, #tpu.memory_space<hbm>>
    tpu.wait_dma2 semaphore(%arg67 : memref<!tpu.dma_semaphore, #tpu.memory_space<semaphore_mem>>) src(%arg59 : memref<6x1024xf32, #tpu.memory_space<vmem>>) dst(%dma_wait3A_124 : memref<6x1024xf32, #tpu.memory_space<hbm>>)
    %dma_wait3A_125 = arith.constant 0 : i32
    %dma_wait3A_126 = arith.constant 0 : i32
    %dma_wait3A_127 = tpu.memref_slice %arg6[%dma_wait3A_125, %dma_wait3A_126] : memref<6x3200000xf32, #tpu.memory_space<hbm>> -> memref<6x1024xf32, #tpu.memory_space<hbm>>
    %dma_wait3A_128 = arith.constant 0 : i32
    %dma_wait3A_129 = arith.constant 0 : i32
    %dma_wait3A_130 = tpu.memref_slice %arg6[%dma_wait3A_128, %dma_wait3A_129] : memref<6x3200000xf32, #tpu.memory_space<hbm>> -> memref<6x1024xf32, #tpu.memory_space<hbm>>
    tpu.wait_dma2 semaphore(%arg68 : memref<!tpu.dma_semaphore, #tpu.memory_space<semaphore_mem>>) src(%arg60 : memref<6x1024xf32, #tpu.memory_space<vmem>>) dst(%dma_wait3A_130 : memref<6x1024xf32, #tpu.memory_space<hbm>>)
    return
  }
}

</mosaic_0001>

<sc_bundles>
// kernel: _pose_graph_sc.3.cloned.1.call-start
scs
__scs_entry_jumppad:
0x0: {  	(pc) =	sbr.rel $0x88, $3  }
0x1: {  	(tag) =	ssettag $0x0;
	lr =	simm.s32 $0x1  }
0x2: {  	[smem:$0x3F9D] =	sst lr;
	_ =	strace $0xD0000000  }
0x3: {  	_ = 	snop  }
0x4: {  	_ = 	snop  }
0x5: {  	_ = 	snop  }
0x6: {  	_ = 	snop  }
0x7: {  	_ = 	snop  }
__scs_overlays_trampoline_lowered:
0x8: {  	[smem:$0x3FAC] =	sst s0  }
0x9: {  	[smem:$0x3FAD] =	sst s1  }
0xa: {  	[smem:$0x3FAE] =	sst s2  }
0xb: {  	[smem:$0x3FAF] =	sst s3  }
0xc: {  	[smem:$0x3FB0] =	sst s4  }
0xd: {  	[smem:$0x3FB1] =	sst s5  }
0xe: {  	[smem:$0x3FB2] =	sst s6  }
0xf: {  	[smem:$0x3FB3] =	sst s7  }
0x10: {  	[smem:$0x3FB4] =	sst s8  }
0x11: {  	[smem:$0x3FB5] =	sst s9;
	s0 =	simm.s32 @!p0 $0x0  }
0x12: {  	s1 =	sld [smem:$0x3F9B];
	s0 =	simm.s32 @p0 $0x1  }
0x13: {  	[smem:$0x3FB6] =	sst s0;
	s0 =	simm.s32 @!p1 $0x0  }
0x14: {  	s2 =	sld [smem:$0x3F9A];
	s0 =	simm.s32 @p1 $0x1  }
0x15: {  	[smem:$0x3FB7] =	sst s0;
	s0 =	simm.s32 @!p2 $0x0  }
0x16: {  	s3 =	sld [smem:$0x3FDB];
	s0 =	simm.s32 @p2 $0x1  }
0x17: {  	s4 =	simm.s32 $0x1BF5;
	[smem:$0x3FB9] =	sst s0  }
0x18: {  	s0 =	sld [smem:$0x3F9C];
	_ =	swait.ge [sflag:s4], $0x0  }
0x19: {  	s7 =	sld [smem:$0x3F9D]  }
0x1a: {  	s8 =	sadd.s32 $0xFFFFE003, lr  }
0x1b: {  	s9 =	sadd.s32 $0xFFFFFEF7, lr;
	s5 =	simm.s32 $0xFFFFFFFF;
	p2 =	slt.u32 s8, $0xFFFFF086  }
0x1c: {  	p1 =	slt.u32 s9, $0xF7A;
	s5 =	simm.s32 @!p2 $0x0  }
0x1d: {  	s5 =	simm.s32 @p1 $0x1;
	p0 =	seq.s32 s7, s2  }
0x1e: {  	s7 =	smul.u32 @!p0 $0xF7A, s2;
	p2 =	seq.s32 @!p0 s5, $0x0  }
0x1f: {  	s9 =	smul.u32 $0xF7A, s1;
	s8 =	simm.s32 @!p0 $0x1BF5;
	p2 =	por !p2, p0  }
0x20: {  	[sflag:s8] =	ssyncset.s32 @!p0 $0xFFFFF086;
	s6 =	sadd.s32 @!p0 s3, s7;
	s7 =	simm.s32 @!p0 $0x108  }
0x21: {  	s3 =	sadd.s32 s3, s9;
	s6 =	sadd.s32 @!p0 $0x88, s6;
	s7 =	simm.s32 @p2 $0x1082  }
0x22: {  	[simem:s7], [sflag:s8] =	dma.local @!p0 [hbm:s6], $0xF7A  }
0x23: {  	s9 =	sor.u32 $0xD0000000, s2;
	s6 =	simm.s32 $0x108;
	_ =	swait.ge @!p0 [sflag:s8], $0x0  }
0x24: {  	s3 =	sadd.s32 $0x88, s3;
	s6 =	simm.s32 @!p1 $0x1082;
	[sflag:s4] =	ssyncset.s32 $0xFFFFF086  }
0x25: {  	[simem:s6], [sflag:s4] =	dma.local [hbm:s3], $0xF7A  }
0x26: {  	[smem:$0x3F9D] =	sst s1;
	(tag) =	ssettag s2;
	_ =	strace s9  }
0x27: {  	s1 =	sld [smem:$0x3FAD]  }
0x28: {  	s2 =	sld [smem:$0x3FAE]  }
0x29: {  	s4 =	sld [smem:$0x3FB0]  }
0x2a: {  	p0 =	seq.s32 s5, $0x0;
	s5 =	sld [smem:$0x3FB1]  }
0x2b: {  	s6 =	sld [smem:$0x3FB2]  }
0x2c: {  	s7 =	sld [smem:$0x3FB3]  }
0x2d: {  	s3 =	simm.s32 $0x108;
	s8 =	sld [smem:$0x3FB4]  }
0x2e: {  	s3 =	simm.s32 @!p0 $0x1082;
	s9 =	sld [smem:$0x3FB5]  }
0x2f: {  	lr =	sadd.s32 s0, s3;
	s0 =	sld [smem:$0x3FAC]  }
0x30: {  	s3 =	sld [smem:$0x3FAF]  }
0x31: {  	[smem:$0x3FB8] =	sst s10  }
0x32: {  	s10 =	sld [smem:$0x3FB6];
	_ =	sdelay $0x3  }
0x33: {  	p0 =	seq.s32 s10, $0x1;
	s10 =	sld [smem:$0x3FB8];
	_ =	sdelay $0x3  }
0x34: {  	[smem:$0x3FB8] =	sst s10  }
0x35: {  	s10 =	sld [smem:$0x3FB7];
	_ =	sdelay $0x3  }
0x36: {  	p1 =	seq.s32 s10, $0x1;
	s10 =	sld [smem:$0x3FB8];
	_ =	sdelay $0x3  }
0x37: {  	[smem:$0x3FB8] =	sst s10  }
0x38: {  	s10 =	sld [smem:$0x3FB9]  }
0x39: {  	_ = 	snop;
	(pc) =	sbr.ind lr, $3  }
0x3a: {  	_ = 	snop  }
0x3b: {  	_ = 	snop  }
0x3c: {  	p2 =	seq.s32 s10, $0x1;
	s10 =	sld [smem:$0x3FB8]  }
0x3d: {  	_ =	shalt  }
0x3e: {  	_ =	shalt  }
0x3f: {  	_ =	shalt  }
0x40: {  	_ =	shalt  }
0x41: {  	_ =	shalt  }
0x42: {  	_ =	shalt  }
0x43: {  	_ =	shalt  }
0x44: {  	_ =	shalt  }
0x45: {  	_ =	shalt  }
0x46: {  	_ =	shalt  }
0x47: {  	_ =	shalt  }
0x48: {  	_ =	shalt  }
0x49: {  	_ =	shalt  }
0x4a: {  	_ =	shalt  }
0x4b: {  	_ =	shalt  }
0x4c: {  	_ =	shalt  }
0x4d: {  	_ =	shalt  }
0x4e: {  	_ =	shalt  }
0x4f: {  	_ =	shalt  }
0x50: {  	_ =	shalt  }
0x51: {  	_ =	shalt  }
0x52: {  	_ =	shalt  }
0x53: {  	_ =	shalt  }
0x54: {  	_ =	shalt  }
0x55: {  	_ =	shalt  }
0x56: {  	_ =	shalt  }
0x57: {  	_ =	shalt  }
0x58: {  	_ =	shalt  }
0x59: {  	_ =	shalt  }
0x5a: {  	_ =	shalt  }
0x5b: {  	_ =	shalt  }
0x5c: {  	_ =	shalt  }
0x5d: {  	_ =	shalt  }
0x5e: {  	_ =	shalt  }
0x5f: {  	_ =	shalt  }
0x60: {  	_ =	shalt  }
0x61: {  	_ =	shalt  }
0x62: {  	_ =	shalt  }
0x63: {  	_ =	shalt  }
0x64: {  	_ =	shalt  }
0x65: {  	_ =	shalt  }
0x66: {  	_ =	shalt  }
0x67: {  	_ =	shalt  }
0x68: {  	_ =	shalt  }
0x69: {  	_ =	shalt  }
0x6a: {  	_ =	shalt  }
0x6b: {  	_ =	shalt  }
0x6c: {  	_ =	shalt  }
0x6d: {  	_ =	shalt  }
0x6e: {  	_ =	shalt  }
0x6f: {  	_ =	shalt  }
0x70: {  	_ =	shalt  }
0x71: {  	_ =	shalt  }
0x72: {  	_ =	shalt  }
0x73: {  	_ =	shalt  }
0x74: {  	_ =	shalt  }
0x75: {  	_ =	shalt  }
0x76: {  	_ =	shalt  }
0x77: {  	_ =	shalt  }
0x78: {  	_ =	shalt  }
0x79: {  	_ =	shalt  }
0x7a: {  	_ =	shalt  }
0x7b: {  	_ =	shalt  }
0x7c: {  	_ =	shalt  }
0x7d: {  	_ =	shalt  }
0x7e: {  	_ =	shalt  }
0x7f: {  	_ =	shalt  }
0x80: {  	_ =	shalt  }
0x81: {  	_ =	shalt  }
0x82: {  	_ =	shalt  }
0x83: {  	_ =	shalt  }
0x84: {  	_ =	shalt  }
0x85: {  	_ =	shalt  }
0x86: {  	_ =	shalt  }
0x87: {  	_ =	shalt  }
.Lfunc_end0:
.L_simem_size_0:
called_computation_lowered:
.L_overlay_start_0:
0x88: {  	s2 =	sld [smem:$0x3FD9]  }
0x89: {  	s3 =	sld [smem:$0x3FFE];
	_ =	sdelay $0x1  }
0x8a: {  	s1 =	srdreg.scid  }
0x8b: {  	s0 =	sand.u32 $0x1, s1  }
0x8c: {  	s18 =	sshll.u32 s0, $0xA;
	s2 =	sadd.s32 s3, s2  }
0x8d: {  	s2 =	sadd.s32 s2, s18  }
0x8e: {  	[smem:$0x3FC4] =	sst s2  }
0x8f: {  	_ = 	snop  }
0x90: {  	s2 =	sld [smem:$0x3FC9]  }
0x91: {  	s19 =	sld [smem:$0x3FC8]  }
0x92: {  	s4 =	sld [smem:$0x3FC7]  }
0x93: {  	s5 =	sld [smem:$0x3FC6]  }
0x94: {  	s6 =	sld [smem:$0x3FD0];
	(tm) =	ssettm $0x1  }
0x95: {  	s7 =	sld [smem:$0x3FFB];
	_ =	sdelay $0x3  }
0x96: {  	_ =	strace s7  }
0x97: {  	s7 =	sld [smem:$0x3FFC];
	_ =	sdelay $0x3  }
0x98: {  	_ =	strace s7  }
0x99: {  	s7 =	sld [smem:$0x3FFD];
	_ =	sdelay $0x3  }
0x9a: {  	_ =	strace s7  }
0x9b: {  	_ =	strace $0x8FFFFFFF  }
0x9c: {  	s20 =	sld [smem:$0x3FDB];
	_ =	sdelay $0x1  }
0x9d: {  	s8 =	simm.s32 $_scs_section_size  }
0x9e: {  	s9 =	simm.s32 $_size__tile_overlayer_lowered;
	s10 =	simm.s32 $_tile_overlayer_lowered  }
0x9f: {  	s23 =	simm.s32 $0x1BFF;
	s22 =	sshll.u32 s10, $0x1;
	s7 =	sadd.s32 s8, s20  }
0xa0: {  	s11 =	simm.s32 $0x0;
	s21 =	sshll.u32 s9, $0x1;
	s9 =	sadd.s32 s22, s7  }
0xa1: {  	[timem:s11], [sflag:s23] =	dma.local [hbm:s9], s21  }
0xa2: {  	_ =	swait.ge [sflag:s23], s21  }
0xa3: {  	s8 =	ssub.s32 $0x0, s21;
	[sflag:s23] =	ssyncset.done $0x0  }
0xa4: {  	[sflag:s23] =	ssyncadd.s32 s8;
	_ =	sdelay $0x1  }
0xa5: {  	s24 =	simm.s32 $0x1B8B  }
0xa6: {  	_ =	swait.ge [sflag:s24], $0x1  }
0xa7: {  	[sflag:s24] =	ssyncset.done $0x0  }
0xa8: {  	s25 =	simm.s32 $0x1B8E;
	[sflag:s24] =	ssyncadd.s32 $0xFFFFFFFF  }
0xa9: {  	s26 =	simm.s32 $execute0_lowered;
	[smem:$0x3FD2] =	sst s25  }
0xaa: {  	s8 =	sshll.u32 s26, $0x1;
	_ =	strace $0x80000046;
	[dreg:$0x1] =	wrdreg $0xFFFFFFFF  }
0xab: {  	s28 =	simm.s32 $_size_execute0_lowered;
	s7 =	sadd.s32 s7, s8;
	[dreg:$0x0] =	wrdreg $0x0  }
0xac: {  	s8 =	sshll.u32 s28, $0x1;
	[dreg:$0x2] =	wrdreg s7  }
0xad: {  	[dreg:$0x3] =	wrdreg s8  }
0xae: {  	[dreg:$0x4] =	wrdreg $0xC0  }
0xaf: {  	_ =	task [dreg:s11], $0x5FFFF  }
0xb0: {  	[dreg:$0x1] =	wrdreg $0xFFFFFFFF  }
0xb1: {  	[dreg:$0x0] =	wrdreg $0x60  }
0xb2: {  	[dreg:$0x2] =	wrdreg s2  }
0xb3: {  	[dreg:$0x3] =	wrdreg s19  }
0xb4: {  	[dreg:$0x4] =	wrdreg s4  }
0xb5: {  	[dreg:$0x5] =	wrdreg s5  }
0xb6: {  	[dreg:$0x6] =	wrdreg s6  }
0xb7: {  	[dreg:$0x7] =	wrdreg $0x0  }
0xb8: {  	[dreg:$0x8] =	wrdreg $0x18800  }
0xb9: {  	[dreg:$0x9] =	wrdreg $0x31000  }
0xba: {  	[dreg:$0xa] =	wrdreg $0x49800  }
0xbb: {  	[dreg:$0xb] =	wrdreg $0x62000  }
0xbc: {  	[dreg:$0xc] =	wrdreg $0x7A800  }
0xbd: {  	[dreg:$0xd] =	wrdreg $0x93000  }
0xbe: {  	[dreg:$0xe] =	wrdreg $0x9  }
0xbf: {  	_ =	task.clear_ibuf [dreg:s11], $0xFFFFF;
	_ =	strace $0x90000046  }
0xc0: {  	s29 =	simm.s32 $0x9;
	_ =	strace $0x80000048  }
0xc1: {  	_ =	swait.ge [sflag:s29], $0x1  }
0xc2: {  	[sflag:s29] =	ssyncadd.s32 $0xFFFFFFFF  }
0xc3: {  	_ =	strace $0x90000048  }
0xc4: {  	_ =	sfence  }
0xc5: {  	s30 =	sld [smem:$0x0];
	_ =	sdelay $0x2  }
0xc6: {  	s31 =	sshll.u32 s1, $0xD;
	s1 =	sshrl.u32 s1, $0x2  }
0xc7: {  	s3 =	sand.u32 $0x4000, s31;
	s1 =	sadd.s32 s1, s30  }
0xc8: {  	s0 =	sor.u32 s3, s0;
	s1 =	sshll.u32 s1, $0x11  }
0xc9: {  	s0 =	sor.u32 s1, s0  }
0xca: {  	s0 =	sadd.s32 $0x8F2B, s0  }
0xcb: {  	[sflag:s0] =	ssyncadd.remote.s32 $0x1  }
0xcc: {  	_ =	sfence.sel $0xFFFF  }
0xcd: {  	[dreg:$0x0] =	wrdreg $0xFFFFFFFF;
	(pc) =	sbr.abs _section_cstart, $3  }
0xce: {  	[dreg:$0x1] =	wrdreg $0xFFFFFFFF  }
0xcf: {  	_ =	task.clear_ibuf [dreg:s11], $0x2FFFF;
	_ =	strace $0x9FFFFFFF  }
0xd0: {  	(tm) =	ssettm $0x7FFFFFFF  }
0xd1: {  	_ =	shalt  }
tec
execute0_lowered:
.L_overlay_start_1:
0x0: {  	(tag) =	ssettag $0x1  }
0x1: {  	s0 =	rddreg [dreg:$0x0]  }
0x2: {  	s30 =	rddreg [dreg:$0x1]  }
0x3: {  	s31 =	rddreg [dreg:$0x2]  }
0x4: {  	s6 =	rddreg [dreg:$0x5]  }
0x5: {  	s7 =	rddreg [dreg:$0x6]  }
0x6: {  	s8 =	rddreg [dreg:$0x7]  }
0x7: {  	s9 =	rddreg [dreg:$0x8]  }
0x8: {  	s10 =	rddreg [dreg:$0x9]  }
0x9: {  	s11 =	rddreg [dreg:$0xa]  }
0xa: {  	s13 =	rddreg [dreg:$0xb];
	s12 =	stileid.u32  }
0xb: {  	s1 =	srdreg.scid;
	s3 =	smul.u32 $0x380, s12  }
0xc: {  	s28 =	simm.s32 $0x0;
	s2 =	sand.u32 $0x1, s1;
	s15 =	sshll.u32 s12, $0x1  }
0xd: {  	[smem:$0x7FF] =	sst s28;
	s14 =	sor.u32 s2, s15;
	s5 =	sadd.s32 $0x3800, s3  }
0xe: {  	_ =	strace $0x80000047;
	[dreg:$0xd] =	wrdreg s14;
	s16 =	sadd.s32 s0, s5  }
0xf: {  	s17 =	sadd.s32 s5, s6;
	[dreg:$0xe] =	wrdreg s16  }
0x10: {  	s18 =	sadd.s32 s5, s7;
	[dreg:$0xf] =	wrdreg s17  }
0x11: {  	s19 =	sadd.s32 s5, s8;
	[dreg:$0x10] =	wrdreg s18  }
0x12: {  	s20 =	sadd.s32 s5, s9;
	[dreg:$0x11] =	wrdreg s19  }
0x13: {  	s21 =	sadd.s32 s5, s10;
	[dreg:$0x12] =	wrdreg s20  }
0x14: {  	s22 =	sadd.s32 s5, s11;
	[dreg:$0x13] =	wrdreg s21  }
0x15: {  	s23 =	sadd.s32 $0x7000, s3;
	s24 =	sadd.s32 s5, s13;
	[dreg:$0x14] =	wrdreg s22  }
0x16: {  	s25 =	sadd.s32 s0, s23;
	[dreg:$0x15] =	wrdreg s24  }
0x17: {  	s26 =	sadd.s32 s23, s6;
	[dreg:$0x16] =	wrdreg s25  }
0x18: {  	s29 =	sadd.s32 s23, s7;
	[dreg:$0x17] =	wrdreg s26  }
0x19: {  	s5 =	sadd.s32 s23, s8;
	[dreg:$0x18] =	wrdreg s29  }
0x1a: {  	s15 =	sadd.s32 s23, s9;
	[dreg:$0x19] =	wrdreg s5  }
0x1b: {  	s1 =	ssub.s32 $0x2, s2;
	s2 =	sadd.s32 s23, s13;
	[dreg:$0x1a] =	wrdreg s15  }
0x1c: {  	s16 =	sadd.s32 s23, s10;
	[dreg:$0x1d] =	wrdreg s2  }
0x1d: {  	s17 =	sadd.s32 s23, s11;
	s18 =	sadd.s32 $0xA800, s3;
	[dreg:$0x1b] =	wrdreg s16  }
0x1e: {  	[dreg:$0x1c] =	wrdreg s17;
	s19 =	sadd.s32 s0, s18  }
0x1f: {  	s20 =	sadd.s32 s18, s6;
	[dreg:$0x1e] =	wrdreg s19  }
0x20: {  	s21 =	sadd.s32 s18, s7;
	[dreg:$0x1f] =	wrdreg s20  }
0x21: {  	s22 =	sadd.s32 s18, s8;
	[smem:$0x7CB] =	sst s21  }
0x22: {  	s23 =	sadd.s32 s18, s9;
	[smem:$0x7CC] =	sst s22  }
0x23: {  	s4 =	sshrl.u32 s1, $0x1;
	s24 =	sadd.s32 s18, s10;
	[smem:$0x7CD] =	sst s23  }
0x24: {  	s1 =	ssub.s32 s1, s4;
	s25 =	sadd.s32 s18, s11;
	[smem:$0x7CE] =	sst s24  }
0x25: {  	s26 =	sadd.s32 $0xE000, s3;
	s4 =	sadd.s32 s18, s13;
	[smem:$0x7CF] =	sst s25  }
0x26: {  	s29 =	sadd.s32 s0, s26;
	[smem:$0x7D0] =	sst s4  }
0x27: {  	s5 =	sadd.s32 s26, s6;
	[smem:$0x7D1] =	sst s29  }
0x28: {  	s15 =	sadd.s32 s26, s7;
	[smem:$0x7D2] =	sst s5  }
0x29: {  	s16 =	sadd.s32 s26, s8;
	[smem:$0x7D3] =	sst s15  }
0x2a: {  	s17 =	sadd.s32 s26, s9;
	[smem:$0x7D4] =	sst s16  }
0x2b: {  	s18 =	sadd.s32 s26, s10;
	[smem:$0x7D5] =	sst s17  }
0x2c: {  	s2 =	sadd.s32 s26, s13;
	[smem:$0x7D6] =	sst s18  }
0x2d: {  	s19 =	sadd.s32 s26, s11;
	[smem:$0x7D8] =	sst s2  }
0x2e: {  	s15 =	sadd.s32 s0, s3;
	[smem:$0x7D7] =	sst s19  }
0x2f: {  	s16 =	sadd.s32 s3, s6;
	[smem:$0x7E1] =	sst s15  }
0x30: {  	s17 =	sadd.s32 s3, s7;
	[smem:$0x7E2] =	sst s16  }
0x31: {  	s20 =	sadd.s32 $0x11800, s3;
	s18 =	sadd.s32 s3, s8;
	[smem:$0x7E3] =	sst s17  }
0x32: {  	s21 =	sadd.s32 s0, s20;
	[smem:$0x7E4] =	sst s18  }
0x33: {  	s22 =	sadd.s32 s20, s6;
	[smem:$0x7D9] =	sst s21  }
0x34: {  	s23 =	sadd.s32 s20, s7;
	[smem:$0x7DA] =	sst s22  }
0x35: {  	s24 =	sadd.s32 s20, s8;
	[smem:$0x7DB] =	sst s23  }
0x36: {  	s25 =	sadd.s32 s20, s9;
	[smem:$0x7DC] =	sst s24  }
0x37: {  	s26 =	sadd.s32 s20, s10;
	[smem:$0x7DD] =	sst s25  }
0x38: {  	s29 =	sadd.s32 s20, s11;
	[smem:$0x7DE] =	sst s26  }
0x39: {  	s5 =	sadd.s32 s20, s13;
	[smem:$0x7DF] =	sst s29  }
0x3a: {  	s19 =	sadd.s32 s3, s9;
	[smem:$0x7E0] =	sst s5  }
0x3b: {  	s20 =	sadd.s32 s3, s10;
	[smem:$0x7E5] =	sst s19  }
0x3c: {  	s17 =	smax.u32 s1, $0x1;
	[smem:$0x7E6] =	sst s20  }
0x3d: {  	s18 =	sadd.s32 $0x18480, s6;
	[smem:$0x7F2] =	sst s17  }
0x3e: {  	s21 =	sadd.s32 s3, s11;
	[smem:$0x7F3] =	sst s18  }
0x3f: {  	s22 =	sadd.s32 s3, s13;
	[smem:$0x7E7] =	sst s21  }
0x40: {  	s19 =	sadd.s32 $0x18480, s7;
	[smem:$0x7E8] =	sst s22  }
0x41: {  	s15 =	sshll.u32 s14, $0x8;
	s20 =	sadd.s32 $0x18480, s8;
	[smem:$0x7F4] =	sst s19  }
0x42: {  	s23 =	sadd.s32 $0x15000, s3;
	s16 =	sadd.s32 s30, s15;
	[smem:$0x7F5] =	sst s20  }
0x43: {  	s0 =	sadd.s32 s0, s23;
	[smem:$0x7FA] =	sst s16  }
0x44: {  	s24 =	sadd.s32 s23, s6;
	[smem:$0x7E9] =	sst s0  }
0x45: {  	s25 =	sadd.s32 s23, s7;
	[smem:$0x7EA] =	sst s24  }
0x46: {  	s26 =	sadd.s32 s23, s8;
	[smem:$0x7EB] =	sst s25  }
0x47: {  	s29 =	sadd.s32 s23, s9;
	[smem:$0x7EC] =	sst s26  }
0x48: {  	s3 =	sadd.s32 s23, s10;
	[smem:$0x7ED] =	sst s29  }
0x49: {  	s4 =	sadd.s32 s23, s11;
	[smem:$0x7EE] =	sst s3  }
0x4a: {  	s2 =	sadd.s32 s23, s13;
	[smem:$0x7EF] =	sst s4  }
0x4b: {  	p0 =	seq.s32 s12, $0xF;
	s21 =	sadd.s32 $0x18480, s9;
	[smem:$0x7F0] =	sst s2  }
0x4c: {  	s5 =	sshll.u32 s14, $0xA;
	s22 =	sadd.s32 $0x18480, s10;
	[smem:$0x7F6] =	sst s21  }
0x4d: {  	s23 =	sadd.s32 $0x18480, s11;
	s11 =	simm.s32 $0xAB80;
	[smem:$0x7F7] =	sst s22  }
0x4e: {  	s20 =	simm.s32 $0x10700;
	s0 =	sadd.s32 s31, s5;
	[smem:$0x7F8] =	sst s23  }
0x4f: {  	s24 =	sadd.s32 $0x18480, s13;
	s25 =	sadd.s32 $0x2000, s16;
	[smem:$0x7F1] =	sst s0  }
0x50: {  	s26 =	sor.u32 $0x40, s14;
	s29 =	sor.u32 $0x60, s14;
	[smem:$0x7F9] =	sst s24  }
0x51: {  	s13 =	simm.s32 $0x9;
	s22 =	simm.s32 $0x1;
	[smem:$0x7FB] =	sst s25  }
0x52: {  	s23 =	simm.s32 $0x800;
	s2 =	simm.s32 $0x0;
	[smem:$0x7FC] =	sst s26  }
0x53: {  	v0 =	vimm.f32 $1.000000000e+00;
	[smem:$0x7FD] =	sst s29;
	s24 =	simm.s32 $0xFF00;
	s26 =	simm.s32 $0x2  }
.LBB2_1:
0x54: {  	s0 =	sld [smem:$0x7E1];
	_ =	sdelay $0x1  }
0x55: {  	[smem:$0x7CA] =	sst s2;
	s6 =	simm.s32 $0x0  }
0x56: {  	[tilespmem:s11], [sflag:$0x9] =	stream.linear.gather [hbm4b:s0+s28], $0x1C00, $0x38;
	[tilespmem:$0x1FF00] =	vst v63  }
0x57: {  	s7 =	sand.u32 $0x1C00, s28;
	s1 =	sand.u32 $0x60, s6;
	_ =	swait.ge [sflag:s13], $0x1C00  }
0x58: {  	s2 =	sadd.s32 $0xAB80, s7;
	s3 =	sor.u32 $0x10, s1;
	[sflag:s13] =	ssyncset.done $0x0  }
0x59: {  	s5 =	sor.u32 s3, s2;
	[sflag:s13] =	ssyncadd.s32 $0xFFFFE400  }
0x5a: {  	s1 =	sor.u32 s1, s2;
	v1 =	vld [tilespmem:s5+$0x0]  }
0x5b: {  	v2 =	vld [tilespmem:s1+$0x0];
	_ =	sdelay $0x1  }
0x5c: {  	s0 =	sand.u32 $0x380, s6  }
0x5d: {  	s6 =	sor.u32 s0, s3  }
0x5e: {  	s8 =	simm.s32 $0xC780;
	[tilespmem:s6+$0xC780] =	vst v1  }
0x5f: {  	[tilespmem:s8+$0x0] =	vst v2;
	v1 =	vld [tilespmem:s5+$0x80]  }
0x60: {  	s9 =	simm.s32 $0x20;
	s12 =	simm.s32 $0x100;
	v2 =	vld [tilespmem:s1+$0x80]  }
0x61: {  	s14 =	sand.u32 $0x60, s9;
	s2 =	sand.u32 $0x1C00, s12  }
0x62: {  	s4 =	sor.u32 $0x10, s14;
	s2 =	sadd.s32 $0xAB80, s2  }
0x63: {  	s10 =	sor.u32 s4, s2  }
0x64: {  	s7 =	simm.s32 $0xCB00;
	v3 =	vld [tilespmem:s10+$0x0];
	[tilespmem:s6+$0xCB00] =	vst v1  }
0x65: {  	[tilespmem:s7+$0x0] =	vst v2;
	v1 =	vld [tilespmem:s5+$0x100]  }
0x66: {  	s7 =	sor.u32 s14, s2;
	v2 =	vld [tilespmem:s1+$0x100]  }
0x67: {  	s0 =	sand.u32 $0x380, s9;
	v4 =	vld [tilespmem:s7+$0x0]  }
0x68: {  	s0 =	sor.u32 s0, s4  }
0x69: {  	[tilespmem:s0+$0xC780] =	vst v3  }
0x6a: {  	s15 =	simm.s32 $0xCE80;
	v3 =	vld [tilespmem:s10+$0x80];
	[tilespmem:s6+$0xCE80] =	vst v1  }
0x6b: {  	s16 =	simm.s32 $0xC7A0;
	[tilespmem:s15+$0x0] =	vst v2;
	v1 =	vld [tilespmem:s5+$0x180]  }
0x6c: {  	[tilespmem:s16+$0x0] =	vst v4;
	v2 =	vld [tilespmem:s1+$0x180]  }
0x6d: {  	v4 =	vld [tilespmem:s7+$0x80];
	_ =	sdelay $0x1  }
0x6e: {  	[tilespmem:s0+$0xCB00] =	vst v3  }
0x6f: {  	s17 =	simm.s32 $0xD200;
	s8 =	simm.s32 $0x40;
	s2 =	simm.s32 $0x200;
	v3 =	vld [tilespmem:s10+$0x100];
	[tilespmem:s6+$0xD200] =	vst v1  }
0x70: {  	s18 =	simm.s32 $0xCB20;
	s19 =	sand.u32 $0x60, s8;
	s9 =	sand.u32 $0x1C00, s2;
	[tilespmem:s17+$0x0] =	vst v2;
	v1 =	vld [tilespmem:s5+$0x200]  }
0x71: {  	s12 =	sor.u32 $0x10, s19;
	s9 =	sadd.s32 $0xAB80, s9;
	[tilespmem:s18+$0x0] =	vst v4;
	v2 =	vld [tilespmem:s1+$0x200]  }
0x72: {  	s3 =	sor.u32 s12, s9;
	v4 =	vld [tilespmem:s7+$0x100]  }
0x73: {  	s4 =	sor.u32 s19, s9;
	v5 =	vld [tilespmem:s3+$0x0]  }
0x74: {  	v6 =	vld [tilespmem:s4+$0x0];
	[tilespmem:s0+$0xCE80] =	vst v3  }
0x75: {  	s21 =	simm.s32 $0xD580;
	v3 =	vld [tilespmem:s10+$0x180];
	[tilespmem:s6+$0xD580] =	vst v1  }
0x76: {  	s29 =	simm.s32 $0xCEA0;
	s25 =	sand.u32 $0x380, s8;
	[tilespmem:s21+$0x0] =	vst v2;
	v1 =	vld [tilespmem:s5+$0x280]  }
0x77: {  	s28 =	sand.u32 $0x3, s28;
	[tilespmem:s29+$0x0] =	vst v4;
	v2 =	vld [tilespmem:s1+$0x280];
	s1 =	sor.u32 s25, s12  }
0x78: {  	s9 =	sshll.u32 s28, $0x5;
	v4 =	vld [tilespmem:s7+$0x180];
	s12 =	simm.s32 $0xC7C0;
	[tilespmem:s1+$0xC780] =	vst v5  }
0x79: {  	s5 =	sadd.s32 $0x0, s9;
	[tilespmem:s12+$0x0] =	vst v6;
	v5 =	vld [tilespmem:s3+$0x80]  }
0x7a: {  	[tilespmem:s0+$0xD200] =	vst v3;
	s14 =	sadd.s32 $0x10, s5;
	v6 =	vld [tilespmem:s4+$0x80]  }
0x7b: {  	s15 =	simm.s32 $0xD900;
	v3 =	vld [tilespmem:s10+$0x200];
	s8 =	sor.u32 $0x300, s14;
	[tilespmem:s6+$0xD900] =	vst v1  }
0x7c: {  	s16 =	simm.s32 $0xD220;
	s5 =	sor.u32 $0x300, s5;
	[tilespmem:s15+$0x0] =	vst v2;
	v1 =	vld [tilespmem:s8+$0xAB80]  }
0x7d: {  	s12 =	simm.s32 $0x300;
	[tilespmem:s16+$0x0] =	vst v4;
	v2 =	vld [tilespmem:s5+$0xAB80];
	s8 =	simm.s32 $0x60  }
0x7e: {  	s18 =	sand.u32 $0x1C00, s12;
	s15 =	simm.s32 $0xCB40;
	v4 =	vld [tilespmem:s7+$0x200];
	s17 =	sand.u32 $0x60, s8;
	[tilespmem:s1+$0xCB00] =	vst v5  }
0x7f: {  	s14 =	sadd.s32 $0xAB80, s18;
	[tilespmem:s15+$0x0] =	vst v6;
	s16 =	sor.u32 $0x10, s17;
	v5 =	vld [tilespmem:s3+$0x100]  }
0x80: {  	[tilespmem:s0+$0xD580] =	vst v3;
	v6 =	vld [tilespmem:s4+$0x100];
	s5 =	sor.u32 s16, s14  }
0x81: {  	s19 =	simm.s32 $0xDC80;
	s14 =	sor.u32 s17, s14;
	[tilespmem:s6+$0xDC80] =	vst v1;
	v1 =	vld [tilespmem:s5+$0x0]  }
0x82: {  	s9 =	simm.s32 $0xD5A0;
	[tilespmem:s19+$0x0] =	vst v2;
	v2 =	vld [tilespmem:s14+$0x0]  }
0x83: {  	v7 =	vld [tilespmem:s10+$0x280];
	s10 =	simm.s32 $0x1;
	[tilespmem:s9+$0x0] =	vst v4  }
0x84: {  	s18 =	simm.s32 $0xCEC0;
	s21 =	sand.u32 $0x380, s8;
	s17 =	sand.u32 $0x3, s10;
	v8 =	vld [tilespmem:s7+$0x280];
	[tilespmem:s1+$0xCE80] =	vst v5  }
0x85: {  	s25 =	sshll.u32 s17, $0x5;
	s6 =	sor.u32 s21, s16;
	[tilespmem:s18+$0x0] =	vst v6;
	v6 =	vld [tilespmem:s3+$0x180]  }
0x86: {  	s21 =	simm.s32 $0xC7E0;
	s7 =	sadd.s32 $0x100, s25;
	v3 =	vld [tilespmem:s4+$0x180];
	[tilespmem:s6+$0xC780] =	vst v1  }
0x87: {  	s28 =	sadd.s32 $0x10, s7;
	[tilespmem:s21+$0x0] =	vst v2;
	v4 =	vld [tilespmem:s5+$0x80]  }
0x88: {  	[tilespmem:s0+$0xD900] =	vst v7;
	s16 =	simm.s32 $0xD920;
	s29 =	sor.u32 $0x300, s28;
	v5 =	vld [tilespmem:s14+$0x80]  }
0x89: {  	s7 =	sor.u32 $0x300, s7;
	v2 =	vld [tilespmem:s29+$0xAB80];
	[tilespmem:s16+$0x0] =	vst v8  }
0x8a: {  	s17 =	simm.s32 $0x300;
	s19 =	simm.s32 $0xD240;
	v1 =	vld [tilespmem:s7+$0xAB80];
	s7 =	simm.s32 $0xDC80;
	[tilespmem:s1+$0xD200] =	vst v6  }
.LBB2_2:
0x8b: {  	s8 =	sadd.s32 $0x20, s8;
	s12 =	sadd.s32 $0x100, s12;
	[tilespmem:s19+$0x0] =	vst v3;
	v3 =	vld [tilespmem:s3+$0x200];
	s15 =	sadd.s32 $0x20, s15  }
0x8c: {  	s25 =	sand.u32 $0x60, s8;
	s28 =	sand.u32 $0x1C00, s12;
	p1 =	slt.u32 s8, $0x360;
	[tilespmem:s6+$0xCB00] =	vst v4;
	v4 =	vld [tilespmem:s4+$0x200]  }
0x8d: {  	s28 =	sadd.s32 $0xAB80, s28;
	s29 =	sor.u32 $0x10, s25;
	[tilespmem:s15+$0x0] =	vst v5;
	v5 =	vld [tilespmem:s5+$0x100]  }
0x8e: {  	s7 =	sadd.s32 $0x20, s7;
	s25 =	sor.u32 s25, s28;
	s28 =	sor.u32 s29, s28;
	v6 =	vld [tilespmem:s14+$0x100];
	[tilespmem:s0+$0xDC80] =	vst v2  }
0x8f: {  	s0 =	smov.u32 s1;
	s1 =	smov.u32 s6;
	v2 =	vld [tilespmem:s28+$0x0];
	[tilespmem:s7+$0x0] =	vst v1  }
0x90: {  	s9 =	sadd.s32 $0x20, s9;
	v1 =	vld [tilespmem:s25+$0x0];
	[tilespmem:s0+$0xD580] =	vst v3  }
0x91: {  	s10 =	sadd.s32 $0x1, s10;
	[tilespmem:s9+$0x0] =	vst v4;
	v7 =	vld [tilespmem:s3+$0x280];
	s3 =	smov.u32 s5;
	s5 =	smov.u32 s28  }
0x92: {  	s18 =	sadd.s32 $0x20, s18;
	s6 =	sand.u32 $0x380, s8;
	s28 =	sand.u32 $0x3, s10;
	[tilespmem:s1+$0xCE80] =	vst v5;
	v8 =	vld [tilespmem:s4+$0x280]  }
0x93: {  	s6 =	sor.u32 s6, s29;
	s28 =	sshll.u32 s28, $0x5;
	s4 =	smov.u32 s14;
	[tilespmem:s18+$0x0] =	vst v6;
	v6 =	vld [tilespmem:s3+$0x180]  }
.Ltmp0:
0x94: {  	s21 =	sadd.s32 $0x20, s21;
	s2 =	sadd.s32 s28, s2;
	[tilespmem:s6+$0xC780] =	vst v2;
	v3 =	vld [tilespmem:s4+$0x180];
	(pc) =	sbr.rel @p1 .LBB2_2-.Ltmp0, $4  }
0x95: {  	s28 =	sor.u32 $0x300, s2;
	s14 =	sadd.s32 $0x10, s2;
	s2 =	smov.u32 s17;
	[tilespmem:s21+$0x0] =	vst v1;
	v4 =	vld [tilespmem:s5+$0x80]  }
0x96: {  	s16 =	sadd.s32 $0x20, s16;
	s17 =	smov.u32 s12;
	s14 =	sor.u32 $0x300, s14;
	v5 =	vld [tilespmem:s25+$0x80];
	[tilespmem:s0+$0xD900] =	vst v7  }
0x97: {  	[tilespmem:s16+$0x0] =	vst v8;
	v2 =	vld [tilespmem:s14+$0xAB80];
	s14 =	smov.u32 s25  }
0x98: {  	s19 =	sadd.s32 $0x20, s19;
	[tilespmem:s1+$0xD200] =	vst v6;
	v1 =	vld [tilespmem:s28+$0xAB80]  }
0x99: {  	_ = 	snop  }
0x9a: {  	s8 =	sadd.s32 $0x20, s15;
	[tilespmem:s6+$0xCB00] =	vst v4  }
0x9b: {  	[tilespmem:s8+$0x0] =	vst v5;
	v4 =	vld [tilespmem:s5+$0x100]  }
0x9c: {  	v5 =	vld [tilespmem:s14+$0x100];
	_ =	sdelay $0x3  }
0x9d: {  	s18 =	sadd.s32 $0x20, s18;
	[tilespmem:s6+$0xCE80] =	vst v4  }
0x9e: {  	[tilespmem:s18+$0x0] =	vst v5;
	v4 =	vld [tilespmem:s5+$0x180]  }
0x9f: {  	v5 =	vld [tilespmem:s14+$0x180];
	_ =	sdelay $0x2  }
0xa0: {  	[tilespmem:s19+$0x0] =	vst v3;
	v3 =	vld [tilespmem:s3+$0x200]  }
0xa1: {  	s21 =	sadd.s32 $0x20, s19;
	v6 =	vld [tilespmem:s4+$0x200];
	[tilespmem:s6+$0xD200] =	vst v4  }
0xa2: {  	[tilespmem:s21+$0x0] =	vst v5;
	v4 =	vld [tilespmem:s5+$0x200]  }
0xa3: {  	v5 =	vld [tilespmem:s14+$0x200];
	_ =	sdelay $0x1  }
0xa4: {  	s25 =	sadd.s32 $0x20, s9;
	[tilespmem:s1+$0xD580] =	vst v3  }
0xa5: {  	s28 =	sadd.s32 $0x1, s10;
	[tilespmem:s25+$0x0] =	vst v6;
	v3 =	vld [tilespmem:s3+$0x280]  }
0xa6: {  	s29 =	sand.u32 $0x3, s28;
	s10 =	sadd.s32 $0x20, s25;
	v6 =	vld [tilespmem:s4+$0x280];
	[tilespmem:s6+$0xD580] =	vst v4  }
0xa7: {  	s12 =	sshll.u32 s29, $0x5;
	s3 =	sadd.s32 $0x1, s28;
	[tilespmem:s10+$0x0] =	vst v5;
	v4 =	vld [tilespmem:s5+$0x280]  }
0xa8: {  	s2 =	sadd.s32 s12, s2;
	s3 =	sand.u32 $0x3, s3;
	v5 =	vld [tilespmem:s14+$0x280]  }
0xa9: {  	s15 =	sadd.s32 $0x10, s2;
	s3 =	sshll.u32 s3, $0x5  }
0xaa: {  	s4 =	sor.u32 $0x300, s15;
	s18 =	sadd.s32 $0x20, s16;
	s3 =	sadd.s32 s3, s17;
	[tilespmem:s1+$0xD900] =	vst v3  }
0xab: {  	s2 =	sor.u32 $0x300, s2;
	s19 =	sadd.s32 $0x10, s3;
	[tilespmem:s18+$0x0] =	vst v6;
	v3 =	vld [tilespmem:s4+$0xAB80]  }
0xac: {  	s25 =	sadd.s32 $0x20, s18;
	v6 =	vld [tilespmem:s2+$0xAB80];
	s21 =	sor.u32 $0x300, s19;
	[tilespmem:s6+$0xD900] =	vst v4  }
0xad: {  	s3 =	sor.u32 $0x300, s3;
	[tilespmem:s25+$0x0] =	vst v5;
	v4 =	vld [tilespmem:s21+$0xAB80]  }
0xae: {  	[tilespmem:s0+$0xDC80] =	vst v2;
	s28 =	sadd.s32 $0x20, s7;
	v2 =	vld [tilespmem:s3+$0xAB80]  }
0xaf: {  	[tilespmem:s28+$0x0] =	vst v1  }
0xb0: {  	s0 =	sadd.s32 $0x20, s28;
	[tilespmem:s1+$0xDC80] =	vst v3  }
0xb1: {  	[tilespmem:s0+$0x0] =	vst v6  }
0xb2: {  	s0 =	sadd.s32 $0x20, s0;
	[tilespmem:s6+$0xDC80] =	vst v4  }
0xb3: {  	[tilespmem:s0+$0x0] =	vst v2  }
0xb4: {  	s0 =	sld [smem:$0x7E2];
	_ =	sdelay $0x1  }
0xb5: {  	s29 =	simm.s32 $0xC780  }
0xb6: {  	[spmem:s0] =	stream.linear.scatter [tilespmem:s29], [sflag:$0x9], $0x380, $0x38;
	[tilespmem:$0x1FF00] =	vst v63  }
0xb7: {  	_ =	swait.ge [sflag:s13], $0x380  }
0xb8: {  	s7 =	sld [smem:$0x7E3]  }
0xb9: {  	[sflag:s13] =	ssyncset.done $0x0  }
0xba: {  	s3 =	simm.s32 $0xCB00;
	[sflag:s13] =	ssyncadd.s32 $0xFFFFFC80  }
0xbb: {  	[spmem:s7] =	stream.linear.scatter [tilespmem:s3], [sflag:$0x9], $0x380, $0x38;
	[tilespmem:$0x1FF00] =	vst v63  }
0xbc: {  	_ =	swait.ge [sflag:s13], $0x380  }
0xbd: {  	s8 =	sld [smem:$0x7E4]  }
0xbe: {  	[sflag:s13] =	ssyncset.done $0x0  }
0xbf: {  	s5 =	simm.s32 $0xCE80;
	[sflag:s13] =	ssyncadd.s32 $0xFFFFFC80  }
0xc0: {  	[spmem:s8] =	stream.linear.scatter [tilespmem:s5], [sflag:$0x9], $0x380, $0x38;
	[tilespmem:$0x1FF00] =	vst v63  }
0xc1: {  	_ =	swait.ge [sflag:s13], $0x380  }
0xc2: {  	s9 =	sld [smem:$0x7E5]  }
0xc3: {  	[sflag:s13] =	ssyncset.done $0x0  }
0xc4: {  	s4 =	simm.s32 $0xD200;
	[sflag:s13] =	ssyncadd.s32 $0xFFFFFC80  }
0xc5: {  	[spmem:s9] =	stream.linear.scatter [tilespmem:s4], [sflag:$0x9], $0x380, $0x38;
	[tilespmem:$0x1FF00] =	vst v63  }
0xc6: {  	_ =	swait.ge [sflag:s13], $0x380  }
0xc7: {  	s10 =	sld [smem:$0x7E6]  }
0xc8: {  	[sflag:s13] =	ssyncset.done $0x0  }
0xc9: {  	s2 =	simm.s32 $0xD580;
	[sflag:s13] =	ssyncadd.s32 $0xFFFFFC80  }
0xca: {  	[spmem:s10] =	stream.linear.scatter [tilespmem:s2], [sflag:$0x9], $0x380, $0x38;
	[tilespmem:$0x1FF00] =	vst v63  }
0xcb: {  	_ =	swait.ge [sflag:s13], $0x380  }
0xcc: {  	s12 =	sld [smem:$0x7E7]  }
0xcd: {  	[sflag:s13] =	ssyncset.done $0x0  }
0xce: {  	s6 =	simm.s32 $0xD900;
	[sflag:s13] =	ssyncadd.s32 $0xFFFFFC80  }
0xcf: {  	[spmem:s12] =	stream.linear.scatter [tilespmem:s6], [sflag:$0x9], $0x380, $0x38;
	[tilespmem:$0x1FF00] =	vst v63  }
0xd0: {  	_ =	swait.ge [sflag:s13], $0x380  }
0xd1: {  	s14 =	sld [smem:$0x7E8]  }
0xd2: {  	[sflag:s13] =	ssyncset.done $0x0  }
0xd3: {  	s0 =	simm.s32 $0xDC80;
	[sflag:s13] =	ssyncadd.s32 $0xFFFFFC80  }
0xd4: {  	[spmem:s14] =	stream.linear.scatter [tilespmem:s0], [sflag:$0x9], $0x380, $0x38;
	[tilespmem:$0x1FF00] =	vst v63  }
0xd5: {  	_ =	swait.ge [sflag:s13], $0x380  }
0xd6: {  	s16 =	simm.s32 $0x0;
	[sflag:s13] =	ssyncset.done $0x0  }
0xd7: {  	s8 =	simm.s32 $0x0;
	s15 =	rddreg [dreg:$0xe];
	[sflag:s13] =	ssyncadd.s32 $0xFFFFFC80  }
0xd8: {  	[tilespmem:s11], [sflag:$0x9] =	stream.linear.gather [hbm4b:s15+s8], $0x1C00, $0x38;
	[tilespmem:$0x1FF00] =	vst v63  }
0xd9: {  	s17 =	sand.u32 $0x60, s16;
	s18 =	sand.u32 $0x1C00, s8;
	_ =	swait.ge [sflag:s13], $0x1C00  }
0xda: {  	s10 =	sadd.s32 $0xAB80, s18;
	s12 =	sor.u32 $0x10, s17;
	[sflag:s13] =	ssyncset.done $0x0  }
0xdb: {  	s14 =	sor.u32 s12, s10;
	[sflag:s13] =	ssyncadd.s32 $0xFFFFE400  }
0xdc: {  	s9 =	sor.u32 s17, s10;
	v1 =	vld [tilespmem:s14+$0x0]  }
0xdd: {  	v2 =	vld [tilespmem:s9+$0x0];
	_ =	sdelay $0x1  }
0xde: {  	s7 =	sand.u32 $0x380, s16  }
0xdf: {  	s7 =	sor.u32 s7, s12  }
0xe0: {  	[tilespmem:s7+$0xC780] =	vst v1  }
0xe1: {  	[tilespmem:s29+$0x0] =	vst v2;
	v1 =	vld [tilespmem:s14+$0x80]  }
0xe2: {  	s19 =	simm.s32 $0x20;
	s21 =	simm.s32 $0x100;
	v2 =	vld [tilespmem:s9+$0x80]  }
0xe3: {  	s25 =	sand.u32 $0x60, s19;
	s10 =	sand.u32 $0x1C00, s21  }
0xe4: {  	s28 =	sadd.s32 $0xAB80, s10;
	s29 =	sor.u32 $0x10, s25  }
0xe5: {  	s10 =	sor.u32 s29, s28  }
0xe6: {  	v3 =	vld [tilespmem:s10+$0x0];
	[tilespmem:s7+$0xCB00] =	vst v1  }
0xe7: {  	[tilespmem:s3+$0x0] =	vst v2;
	v1 =	vld [tilespmem:s14+$0x100]  }
0xe8: {  	s16 =	sor.u32 s25, s28;
	v2 =	vld [tilespmem:s9+$0x100]  }
0xe9: {  	s1 =	sand.u32 $0x380, s19;
	v4 =	vld [tilespmem:s16+$0x0]  }
0xea: {  	s1 =	sor.u32 s1, s29  }
0xeb: {  	[tilespmem:s1+$0xC780] =	vst v3  }
0xec: {  	v3 =	vld [tilespmem:s10+$0x80];
	[tilespmem:s7+$0xCE80] =	vst v1  }
0xed: {  	s18 =	simm.s32 $0xC7A0;
	[tilespmem:s5+$0x0] =	vst v2;
	v1 =	vld [tilespmem:s14+$0x180]  }
0xee: {  	[tilespmem:s18+$0x0] =	vst v4;
	v2 =	vld [tilespmem:s9+$0x180]  }
0xef: {  	v4 =	vld [tilespmem:s16+$0x80];
	_ =	sdelay $0x1  }
0xf0: {  	[tilespmem:s1+$0xCB00] =	vst v3  }
0xf1: {  	s19 =	simm.s32 $0x40;
	s3 =	simm.s32 $0x200;
	v3 =	vld [tilespmem:s10+$0x100];
	[tilespmem:s7+$0xD200] =	vst v1  }
0xf2: {  	s21 =	simm.s32 $0xCB20;
	s25 =	sand.u32 $0x60, s19;
	s28 =	sand.u32 $0x1C00, s3;
	[tilespmem:s4+$0x0] =	vst v2;
	v1 =	vld [tilespmem:s14+$0x200]  }
0xf3: {  	s29 =	sor.u32 $0x10, s25;
	[tilespmem:s21+$0x0] =	vst v4;
	s15 =	sadd.s32 $0xAB80, s28;
	v2 =	vld [tilespmem:s9+$0x200]  }
0xf4: {  	v4 =	vld [tilespmem:s16+$0x100];
	s4 =	sor.u32 s29, s15  }
0xf5: {  	s5 =	sor.u32 s25, s15;
	v5 =	vld [tilespmem:s4+$0x0]  }
0xf6: {  	v6 =	vld [tilespmem:s5+$0x0];
	[tilespmem:s1+$0xCE80] =	vst v3  }
0xf7: {  	v3 =	vld [tilespmem:s10+$0x180];
	[tilespmem:s7+$0xD580] =	vst v1  }
0xf8: {  	s15 =	simm.s32 $0xCEA0;
	[tilespmem:s2+$0x0] =	vst v2;
	v1 =	vld [tilespmem:s14+$0x280];
	s14 =	sand.u32 $0x380, s19  }
0xf9: {  	s8 =	sand.u32 $0x3, s8;
	[tilespmem:s15+$0x0] =	vst v4;
	v2 =	vld [tilespmem:s9+$0x280];
	s2 =	sor.u32 s14, s29  }
0xfa: {  	s17 =	simm.s32 $0xC7C0;
	s8 =	sshll.u32 s8, $0x5;
	v4 =	vld [tilespmem:s16+$0x180];
	[tilespmem:s2+$0xC780] =	vst v5  }
0xfb: {  	s8 =	sadd.s32 $0x0, s8;
	[tilespmem:s17+$0x0] =	vst v6;
	v5 =	vld [tilespmem:s4+$0x80]  }
0xfc: {  	s18 =	sadd.s32 $0x10, s8;
	v6 =	vld [tilespmem:s5+$0x80];
	[tilespmem:s1+$0xD200] =	vst v3  }
0xfd: {  	s9 =	sor.u32 $0x300, s18;
	v3 =	vld [tilespmem:s10+$0x200];
	[tilespmem:s7+$0xD900] =	vst v1  }
0xfe: {  	s8 =	sor.u32 $0x300, s8;
	s19 =	simm.s32 $0xD220;
	[tilespmem:s6+$0x0] =	vst v2;
	v1 =	vld [tilespmem:s9+$0xAB80]  }
0xff: {  	s12 =	simm.s32 $0x300;
	[tilespmem:s19+$0x0] =	vst v4;
	v2 =	vld [tilespmem:s8+$0xAB80];
	s8 =	simm.s32 $0x60  }
0x100: {  	s25 =	sand.u32 $0x1C00, s12;
	s15 =	simm.s32 $0xCB40;
	v4 =	vld [tilespmem:s16+$0x200];
	s21 =	sand.u32 $0x60, s8;
	[tilespmem:s2+$0xCB00] =	vst v5  }
0x101: {  	s28 =	sadd.s32 $0xAB80, s25;
	[tilespmem:s15+$0x0] =	vst v6;
	s29 =	sor.u32 $0x10, s21;
	v5 =	vld [tilespmem:s4+$0x100]  }
0x102: {  	v6 =	vld [tilespmem:s5+$0x100];
	[tilespmem:s1+$0xD580] =	vst v3;
	s6 =	sor.u32 s29, s28  }
0x103: {  	s14 =	sor.u32 s21, s28;
	[tilespmem:s7+$0xDC80] =	vst v1;
	v1 =	vld [tilespmem:s6+$0x0]  }
0x104: {  	s9 =	simm.s32 $0xD5A0;
	[tilespmem:s0+$0x0] =	vst v2;
	v2 =	vld [tilespmem:s14+$0x0]  }
0x105: {  	[tilespmem:s9+$0x0] =	vst v4;
	v7 =	vld [tilespmem:s10+$0x280];
	s10 =	simm.s32 $0x1  }
0x106: {  	s18 =	simm.s32 $0xCEC0;
	s19 =	sand.u32 $0x380, s8;
	s21 =	sand.u32 $0x3, s10;
	v8 =	vld [tilespmem:s16+$0x280];
	[tilespmem:s2+$0xCE80] =	vst v5  }
0x107: {  	[tilespmem:s18+$0x0] =	vst v6;
	s25 =	sshll.u32 s21, $0x5;
	s7 =	sor.u32 s19, s29;
	v6 =	vld [tilespmem:s4+$0x180]  }
0x108: {  	v3 =	vld [tilespmem:s5+$0x180];
	s21 =	simm.s32 $0xC7E0;
	s28 =	sadd.s32 $0x100, s25;
	[tilespmem:s7+$0xC780] =	vst v1  }
0x109: {  	s16 =	sadd.s32 $0x10, s28;
	[tilespmem:s21+$0x0] =	vst v2;
	v4 =	vld [tilespmem:s6+$0x80]  }
0x10a: {  	[tilespmem:s1+$0xD900] =	vst v7;
	s29 =	sor.u32 $0x300, s16;
	s16 =	simm.s32 $0xD920;
	v5 =	vld [tilespmem:s14+$0x80]  }
0x10b: {  	s17 =	sor.u32 $0x300, s28;
	[tilespmem:s16+$0x0] =	vst v8;
	v2 =	vld [tilespmem:s29+$0xAB80]  }
0x10c: {  	s19 =	simm.s32 $0xD240;
	v1 =	vld [tilespmem:s17+$0xAB80];
	s17 =	simm.s32 $0x300;
	[tilespmem:s2+$0xD200] =	vst v6  }
.LBB2_4:
0x10d: {  	s8 =	sadd.s32 $0x20, s8;
	s12 =	sadd.s32 $0x100, s12;
	[tilespmem:s19+$0x0] =	vst v3;
	v3 =	vld [tilespmem:s4+$0x200];
	s15 =	sadd.s32 $0x20, s15  }
0x10e: {  	s25 =	sand.u32 $0x60, s8;
	s28 =	sand.u32 $0x1C00, s12;
	p1 =	slt.u32 s8, $0x360;
	[tilespmem:s7+$0xCB00] =	vst v4;
	v4 =	vld [tilespmem:s5+$0x200]  }
0x10f: {  	s28 =	sadd.s32 $0xAB80, s28;
	s29 =	sor.u32 $0x10, s25;
	[tilespmem:s15+$0x0] =	vst v5;
	v5 =	vld [tilespmem:s6+$0x100]  }
0x110: {  	s0 =	sadd.s32 $0x20, s0;
	s25 =	sor.u32 s25, s28;
	s28 =	sor.u32 s29, s28;
	v6 =	vld [tilespmem:s14+$0x100];
	[tilespmem:s1+$0xDC80] =	vst v2  }
0x111: {  	s1 =	smov.u32 s2;
	s2 =	smov.u32 s7;
	v2 =	vld [tilespmem:s28+$0x0];
	[tilespmem:s0+$0x0] =	vst v1  }
0x112: {  	s9 =	sadd.s32 $0x20, s9;
	v1 =	vld [tilespmem:s25+$0x0];
	[tilespmem:s1+$0xD580] =	vst v3  }
0x113: {  	s10 =	sadd.s32 $0x1, s10;
	[tilespmem:s9+$0x0] =	vst v4;
	v7 =	vld [tilespmem:s4+$0x280];
	s4 =	smov.u32 s6;
	s6 =	smov.u32 s28  }
0x114: {  	s18 =	sadd.s32 $0x20, s18;
	s7 =	sand.u32 $0x380, s8;
	s28 =	sand.u32 $0x3, s10;
	[tilespmem:s2+$0xCE80] =	vst v5;
	v8 =	vld [tilespmem:s5+$0x280]  }
0x115: {  	s7 =	sor.u32 s7, s29;
	s28 =	sshll.u32 s28, $0x5;
	s5 =	smov.u32 s14;
	[tilespmem:s18+$0x0] =	vst v6;
	v6 =	vld [tilespmem:s4+$0x180]  }
.Ltmp1:
0x116: {  	s21 =	sadd.s32 $0x20, s21;
	s3 =	sadd.s32 s28, s3;
	[tilespmem:s7+$0xC780] =	vst v2;
	v3 =	vld [tilespmem:s5+$0x180];
	(pc) =	sbr.rel @p1 .LBB2_4-.Ltmp1, $4  }
0x117: {  	s28 =	sor.u32 $0x300, s3;
	s14 =	sadd.s32 $0x10, s3;
	s3 =	smov.u32 s17;
	[tilespmem:s21+$0x0] =	vst v1;
	v4 =	vld [tilespmem:s6+$0x80]  }
0x118: {  	s16 =	sadd.s32 $0x20, s16;
	s17 =	smov.u32 s12;
	s14 =	sor.u32 $0x300, s14;
	v5 =	vld [tilespmem:s25+$0x80];
	[tilespmem:s1+$0xD900] =	vst v7  }
0x119: {  	[tilespmem:s16+$0x0] =	vst v8;
	v2 =	vld [tilespmem:s14+$0xAB80];
	s14 =	smov.u32 s25  }
0x11a: {  	s19 =	sadd.s32 $0x20, s19;
	[tilespmem:s2+$0xD200] =	vst v6;
	v1 =	vld [tilespmem:s28+$0xAB80]  }
0x11b: {  	_ = 	snop  }
0x11c: {  	s8 =	sadd.s32 $0x20, s15;
	[tilespmem:s7+$0xCB00] =	vst v4  }
0x11d: {  	[tilespmem:s8+$0x0] =	vst v5;
	v4 =	vld [tilespmem:s6+$0x100]  }
0x11e: {  	v5 =	vld [tilespmem:s14+$0x100];
	_ =	sdelay $0x3  }
0x11f: {  	s21 =	sadd.s32 $0x20, s18;
	[tilespmem:s7+$0xCE80] =	vst v4  }
0x120: {  	[tilespmem:s21+$0x0] =	vst v5;
	v4 =	vld [tilespmem:s6+$0x180]  }
0x121: {  	v5 =	vld [tilespmem:s14+$0x180];
	_ =	sdelay $0x2  }
0x122: {  	[tilespmem:s19+$0x0] =	vst v3;
	v3 =	vld [tilespmem:s4+$0x200]  }
0x123: {  	s25 =	sadd.s32 $0x20, s19;
	v6 =	vld [tilespmem:s5+$0x200];
	[tilespmem:s7+$0xD200] =	vst v4  }
0x124: {  	[tilespmem:s25+$0x0] =	vst v5;
	v4 =	vld [tilespmem:s6+$0x200]  }
0x125: {  	v5 =	vld [tilespmem:s14+$0x200];
	_ =	sdelay $0x1  }
0x126: {  	s28 =	sadd.s32 $0x20, s9;
	[tilespmem:s2+$0xD580] =	vst v3  }
0x127: {  	s29 =	sadd.s32 $0x1, s10;
	[tilespmem:s28+$0x0] =	vst v6;
	v3 =	vld [tilespmem:s4+$0x280]  }
0x128: {  	s10 =	sand.u32 $0x3, s29;
	s12 =	sadd.s32 $0x20, s28;
	v6 =	vld [tilespmem:s5+$0x280];
	[tilespmem:s7+$0xD580] =	vst v4  }
0x129: {  	s15 =	sshll.u32 s10, $0x5;
	s4 =	sadd.s32 $0x1, s29;
	[tilespmem:s12+$0x0] =	vst v5;
	v4 =	vld [tilespmem:s6+$0x280]  }
0x12a: {  	s3 =	sadd.s32 s15, s3;
	s4 =	sand.u32 $0x3, s4;
	v5 =	vld [tilespmem:s14+$0x280]  }
0x12b: {  	s18 =	sadd.s32 $0x10, s3;
	s4 =	sshll.u32 s4, $0x5  }
0x12c: {  	s19 =	sadd.s32 $0x20, s16;
	s5 =	sor.u32 $0x300, s18;
	s4 =	sadd.s32 s4, s17;
	[tilespmem:s2+$0xD900] =	vst v3  }
0x12d: {  	s3 =	sor.u32 $0x300, s3;
	s21 =	sadd.s32 $0x10, s4;
	[tilespmem:s19+$0x0] =	vst v6;
	v3 =	vld [tilespmem:s5+$0xAB80]  }
0x12e: {  	s28 =	sadd.s32 $0x20, s19;
	v6 =	vld [tilespmem:s3+$0xAB80];
	s25 =	sor.u32 $0x300, s21;
	[tilespmem:s7+$0xD900] =	vst v4  }
0x12f: {  	s4 =	sor.u32 $0x300, s4;
	[tilespmem:s28+$0x0] =	vst v5;
	v4 =	vld [tilespmem:s25+$0xAB80]  }
0x130: {  	s0 =	sadd.s32 $0x20, s0;
	[tilespmem:s1+$0xDC80] =	vst v2;
	v2 =	vld [tilespmem:s4+$0xAB80]  }
0x131: {  	[tilespmem:s0+$0x0] =	vst v1  }
0x132: {  	s0 =	sadd.s32 $0x20, s0;
	[tilespmem:s2+$0xDC80] =	vst v3  }
0x133: {  	[tilespmem:s0+$0x0] =	vst v6  }
0x134: {  	s0 =	sadd.s32 $0x20, s0;
	[tilespmem:s7+$0xDC80] =	vst v4  }
0x135: {  	[tilespmem:s0+$0x0] =	vst v2  }
0x136: {  	s29 =	simm.s32 $0xC780;
	s0 =	rddreg [dreg:$0xf]  }
0x137: {  	[spmem:s0] =	stream.linear.scatter [tilespmem:s29], [sflag:$0x9], $0x380, $0x38;
	[tilespmem:$0x1FF00] =	vst v63  }
0x138: {  	_ =	swait.ge [sflag:s13], $0x380  }
0x139: {  	[sflag:s13] =	ssyncset.done $0x0  }
0x13a: {  	s3 =	simm.s32 $0xCB00;
	s7 =	rddreg [dreg:$0x10];
	[sflag:s13] =	ssyncadd.s32 $0xFFFFFC80  }
0x13b: {  	[spmem:s7] =	stream.linear.scatter [tilespmem:s3], [sflag:$0x9], $0x380, $0x38;
	[tilespmem:$0x1FF00] =	vst v63  }
0x13c: {  	_ =	swait.ge [sflag:s13], $0x380  }
0x13d: {  	[sflag:s13] =	ssyncset.done $0x0  }
0x13e: {  	s5 =	simm.s32 $0xCE80;
	s8 =	rddreg [dreg:$0x11];
	[sflag:s13] =	ssyncadd.s32 $0xFFFFFC80  }
0x13f: {  	[spmem:s8] =	stream.linear.scatter [tilespmem:s5], [sflag:$0x9], $0x380, $0x38;
	[tilespmem:$0x1FF00] =	vst v63  }
0x140: {  	_ =	swait.ge [sflag:s13], $0x380  }
0x141: {  	[sflag:s13] =	ssyncset.done $0x0  }
0x142: {  	s4 =	simm.s32 $0xD200;
	s9 =	rddreg [dreg:$0x12];
	[sflag:s13] =	ssyncadd.s32 $0xFFFFFC80  }
0x143: {  	[spmem:s9] =	stream.linear.scatter [tilespmem:s4], [sflag:$0x9], $0x380, $0x38;
	[tilespmem:$0x1FF00] =	vst v63  }
0x144: {  	_ =	swait.ge [sflag:s13], $0x380  }
0x145: {  	[sflag:s13] =	ssyncset.done $0x0  }
0x146: {  	s2 =	simm.s32 $0xD580;
	s10 =	rddreg [dreg:$0x13];
	[sflag:s13] =	ssyncadd.s32 $0xFFFFFC80  }
0x147: {  	[spmem:s10] =	stream.linear.scatter [tilespmem:s2], [sflag:$0x9], $0x380, $0x38;
	[tilespmem:$0x1FF00] =	vst v63  }
0x148: {  	_ =	swait.ge [sflag:s13], $0x380  }
0x149: {  	[sflag:s13] =	ssyncset.done $0x0  }
0x14a: {  	s6 =	simm.s32 $0xD900;
	s12 =	rddreg [dreg:$0x14];
	[sflag:s13] =	ssyncadd.s32 $0xFFFFFC80  }
0x14b: {  	[spmem:s12] =	stream.linear.scatter [tilespmem:s6], [sflag:$0x9], $0x380, $0x38;
	[tilespmem:$0x1FF00] =	vst v63  }
0x14c: {  	_ =	swait.ge [sflag:s13], $0x380  }
0x14d: {  	[sflag:s13] =	ssyncset.done $0x0  }
0x14e: {  	s0 =	simm.s32 $0xDC80;
	s14 =	rddreg [dreg:$0x15];
	[sflag:s13] =	ssyncadd.s32 $0xFFFFFC80  }
0x14f: {  	[spmem:s14] =	stream.linear.scatter [tilespmem:s0], [sflag:$0x9], $0x380, $0x38;
	[tilespmem:$0x1FF00] =	vst v63  }
0x150: {  	_ =	swait.ge [sflag:s13], $0x380  }
0x151: {  	s16 =	simm.s32 $0x0;
	[sflag:s13] =	ssyncset.done $0x0  }
0x152: {  	s8 =	simm.s32 $0x0;
	s15 =	rddreg [dreg:$0x16];
	[sflag:s13] =	ssyncadd.s32 $0xFFFFFC80  }
0x153: {  	[tilespmem:s11], [sflag:$0x9] =	stream.linear.gather [hbm4b:s15+s8], $0x1C00, $0x38;
	[tilespmem:$0x1FF00] =	vst v63  }
0x154: {  	s17 =	sand.u32 $0x60, s16;
	s18 =	sand.u32 $0x1C00, s8;
	_ =	swait.ge [sflag:s13], $0x1C00  }
0x155: {  	s10 =	sadd.s32 $0xAB80, s18;
	s12 =	sor.u32 $0x10, s17;
	[sflag:s13] =	ssyncset.done $0x0  }
0x156: {  	s14 =	sor.u32 s12, s10;
	[sflag:s13] =	ssyncadd.s32 $0xFFFFE400  }
0x157: {  	s9 =	sor.u32 s17, s10;
	v1 =	vld [tilespmem:s14+$0x0]  }
0x158: {  	v2 =	vld [tilespmem:s9+$0x0];
	_ =	sdelay $0x1  }
0x159: {  	s7 =	sand.u32 $0x380, s16  }
0x15a: {  	s7 =	sor.u32 s7, s12  }
0x15b: {  	[tilespmem:s7+$0xC780] =	vst v1  }
0x15c: {  	[tilespmem:s29+$0x0] =	vst v2;
	v1 =	vld [tilespmem:s14+$0x80]  }
0x15d: {  	s19 =	simm.s32 $0x20;
	s21 =	simm.s32 $0x100;
	v2 =	vld [tilespmem:s9+$0x80]  }
0x15e: {  	s25 =	sand.u32 $0x60, s19;
	s10 =	sand.u32 $0x1C00, s21  }
0x15f: {  	s28 =	sadd.s32 $0xAB80, s10;
	s29 =	sor.u32 $0x10, s25  }
0x160: {  	s10 =	sor.u32 s29, s28  }
0x161: {  	v3 =	vld [tilespmem:s10+$0x0];
	[tilespmem:s7+$0xCB00] =	vst v1  }
0x162: {  	[tilespmem:s3+$0x0] =	vst v2;
	v1 =	vld [tilespmem:s14+$0x100]  }
0x163: {  	s16 =	sor.u32 s25, s28;
	v2 =	vld [tilespmem:s9+$0x100]  }
0x164: {  	s1 =	sand.u32 $0x380, s19;
	v4 =	vld [tilespmem:s16+$0x0]  }
0x165: {  	s1 =	sor.u32 s1, s29  }
0x166: {  	[tilespmem:s1+$0xC780] =	vst v3  }
0x167: {  	v3 =	vld [tilespmem:s10+$0x80];
	[tilespmem:s7+$0xCE80] =	vst v1  }
0x168: {  	s18 =	simm.s32 $0xC7A0;
	[tilespmem:s5+$0x0] =	vst v2;
	v1 =	vld [tilespmem:s14+$0x180]  }
0x169: {  	[tilespmem:s18+$0x0] =	vst v4;
	v2 =	vld [tilespmem:s9+$0x180]  }
0x16a: {  	v4 =	vld [tilespmem:s16+$0x80];
	_ =	sdelay $0x1  }
0x16b: {  	[tilespmem:s1+$0xCB00] =	vst v3  }
0x16c: {  	s19 =	simm.s32 $0x40;
	s3 =	simm.s32 $0x200;
	v3 =	vld [tilespmem:s10+$0x100];
	[tilespmem:s7+$0xD200] =	vst v1  }
0x16d: {  	s21 =	simm.s32 $0xCB20;
	s25 =	sand.u32 $0x60, s19;
	s28 =	sand.u32 $0x1C00, s3;
	[tilespmem:s4+$0x0] =	vst v2;
	v1 =	vld [tilespmem:s14+$0x200]  }
0x16e: {  	s29 =	sor.u32 $0x10, s25;
	[tilespmem:s21+$0x0] =	vst v4;
	s15 =	sadd.s32 $0xAB80, s28;
	v2 =	vld [tilespmem:s9+$0x200]  }
0x16f: {  	v4 =	vld [tilespmem:s16+$0x100];
	s4 =	sor.u32 s29, s15  }
0x170: {  	s5 =	sor.u32 s25, s15;
	v5 =	vld [tilespmem:s4+$0x0]  }
0x171: {  	v6 =	vld [tilespmem:s5+$0x0];
	[tilespmem:s1+$0xCE80] =	vst v3  }
0x172: {  	v3 =	vld [tilespmem:s10+$0x180];
	[tilespmem:s7+$0xD580] =	vst v1  }
0x173: {  	s15 =	simm.s32 $0xCEA0;
	[tilespmem:s2+$0x0] =	vst v2;
	v1 =	vld [tilespmem:s14+$0x280];
	s14 =	sand.u32 $0x380, s19  }
0x174: {  	s8 =	sand.u32 $0x3, s8;
	[tilespmem:s15+$0x0] =	vst v4;
	v2 =	vld [tilespmem:s9+$0x280];
	s2 =	sor.u32 s14, s29  }
0x175: {  	s17 =	simm.s32 $0xC7C0;
	s8 =	sshll.u32 s8, $0x5;
	v4 =	vld [tilespmem:s16+$0x180];
	[tilespmem:s2+$0xC780] =	vst v5  }
0x176: {  	s8 =	sadd.s32 $0x0, s8;
	[tilespmem:s17+$0x0] =	vst v6;
	v5 =	vld [tilespmem:s4+$0x80]  }
0x177: {  	s18 =	sadd.s32 $0x10, s8;
	v6 =	vld [tilespmem:s5+$0x80];
	[tilespmem:s1+$0xD200] =	vst v3  }
0x178: {  	s9 =	sor.u32 $0x300, s18;
	v3 =	vld [tilespmem:s10+$0x200];
	[tilespmem:s7+$0xD900] =	vst v1  }
0x179: {  	s8 =	sor.u32 $0x300, s8;
	s19 =	simm.s32 $0xD220;
	[tilespmem:s6+$0x0] =	vst v2;
	v1 =	vld [tilespmem:s9+$0xAB80]  }
0x17a: {  	s12 =	simm.s32 $0x300;
	[tilespmem:s19+$0x0] =	vst v4;
	v2 =	vld [tilespmem:s8+$0xAB80];
	s8 =	simm.s32 $0x60  }
0x17b: {  	s25 =	sand.u32 $0x1C00, s12;
	s15 =	simm.s32 $0xCB40;
	v4 =	vld [tilespmem:s16+$0x200];
	s21 =	sand.u32 $0x60, s8;
	[tilespmem:s2+$0xCB00] =	vst v5  }
0x17c: {  	s28 =	sadd.s32 $0xAB80, s25;
	[tilespmem:s15+$0x0] =	vst v6;
	s29 =	sor.u32 $0x10, s21;
	v5 =	vld [tilespmem:s4+$0x100]  }
0x17d: {  	v6 =	vld [tilespmem:s5+$0x100];
	[tilespmem:s1+$0xD580] =	vst v3;
	s6 =	sor.u32 s29, s28  }
0x17e: {  	s14 =	sor.u32 s21, s28;
	[tilespmem:s7+$0xDC80] =	vst v1;
	v1 =	vld [tilespmem:s6+$0x0]  }
0x17f: {  	s9 =	simm.s32 $0xD5A0;
	[tilespmem:s0+$0x0] =	vst v2;
	v2 =	vld [tilespmem:s14+$0x0]  }
0x180: {  	[tilespmem:s9+$0x0] =	vst v4;
	v7 =	vld [tilespmem:s10+$0x280];
	s10 =	simm.s32 $0x1  }
0x181: {  	s18 =	simm.s32 $0xCEC0;
	s19 =	sand.u32 $0x380, s8;
	s21 =	sand.u32 $0x3, s10;
	v8 =	vld [tilespmem:s16+$0x280];
	[tilespmem:s2+$0xCE80] =	vst v5  }
0x182: {  	[tilespmem:s18+$0x0] =	vst v6;
	s25 =	sshll.u32 s21, $0x5;
	s7 =	sor.u32 s19, s29;
	v6 =	vld [tilespmem:s4+$0x180]  }
0x183: {  	v3 =	vld [tilespmem:s5+$0x180];
	s21 =	simm.s32 $0xC7E0;
	s28 =	sadd.s32 $0x100, s25;
	[tilespmem:s7+$0xC780] =	vst v1  }
0x184: {  	s16 =	sadd.s32 $0x10, s28;
	[tilespmem:s21+$0x0] =	vst v2;
	v4 =	vld [tilespmem:s6+$0x80]  }
0x185: {  	[tilespmem:s1+$0xD900] =	vst v7;
	s29 =	sor.u32 $0x300, s16;
	s16 =	simm.s32 $0xD920;
	v5 =	vld [tilespmem:s14+$0x80]  }
0x186: {  	s17 =	sor.u32 $0x300, s28;
	[tilespmem:s16+$0x0] =	vst v8;
	v2 =	vld [tilespmem:s29+$0xAB80]  }
0x187: {  	s19 =	simm.s32 $0xD240;
	v1 =	vld [tilespmem:s17+$0xAB80];
	s17 =	simm.s32 $0x300;
	[tilespmem:s2+$0xD200] =	vst v6  }
.LBB2_6:
0x188: {  	s8 =	sadd.s32 $0x20, s8;
	s12 =	sadd.s32 $0x100, s12;
	[tilespmem:s19+$0x0] =	vst v3;
	v3 =	vld [tilespmem:s4+$0x200];
	s15 =	sadd.s32 $0x20, s15  }
0x189: {  	s25 =	sand.u32 $0x60, s8;
	s28 =	sand.u32 $0x1C00, s12;
	p1 =	slt.u32 s8, $0x360;
	[tilespmem:s7+$0xCB00] =	vst v4;
	v4 =	vld [tilespmem:s5+$0x200]  }
0x18a: {  	s28 =	sadd.s32 $0xAB80, s28;
	s29 =	sor.u32 $0x10, s25;
	[tilespmem:s15+$0x0] =	vst v5;
	v5 =	vld [tilespmem:s6+$0x100]  }
0x18b: {  	s0 =	sadd.s32 $0x20, s0;
	s25 =	sor.u32 s25, s28;
	s28 =	sor.u32 s29, s28;
	v6 =	vld [tilespmem:s14+$0x100];
	[tilespmem:s1+$0xDC80] =	vst v2  }
0x18c: {  	s1 =	smov.u32 s2;
	s2 =	smov.u32 s7;
	v2 =	vld [tilespmem:s28+$0x0];
	[tilespmem:s0+$0x0] =	vst v1  }
0x18d: {  	s9 =	sadd.s32 $0x20, s9;
	v1 =	vld [tilespmem:s25+$0x0];
	[tilespmem:s1+$0xD580] =	vst v3  }
0x18e: {  	s10 =	sadd.s32 $0x1, s10;
	[tilespmem:s9+$0x0] =	vst v4;
	v7 =	vld [tilespmem:s4+$0x280];
	s4 =	smov.u32 s6;
	s6 =	smov.u32 s28  }
0x18f: {  	s18 =	sadd.s32 $0x20, s18;
	s7 =	sand.u32 $0x380, s8;
	s28 =	sand.u32 $0x3, s10;
	[tilespmem:s2+$0xCE80] =	vst v5;
	v8 =	vld [tilespmem:s5+$0x280]  }
0x190: {  	s7 =	sor.u32 s7, s29;
	s28 =	sshll.u32 s28, $0x5;
	s5 =	smov.u32 s14;
	[tilespmem:s18+$0x0] =	vst v6;
	v6 =	vld [tilespmem:s4+$0x180]  }
.Ltmp2:
0x191: {  	s21 =	sadd.s32 $0x20, s21;
	s3 =	sadd.s32 s28, s3;
	[tilespmem:s7+$0xC780] =	vst v2;
	v3 =	vld [tilespmem:s5+$0x180];
	(pc) =	sbr.rel @p1 .LBB2_6-.Ltmp2, $4  }
0x192: {  	s28 =	sor.u32 $0x300, s3;
	s14 =	sadd.s32 $0x10, s3;
	s3 =	smov.u32 s17;
	[tilespmem:s21+$0x0] =	vst v1;
	v4 =	vld [tilespmem:s6+$0x80]  }
0x193: {  	s16 =	sadd.s32 $0x20, s16;
	s17 =	smov.u32 s12;
	s14 =	sor.u32 $0x300, s14;
	v5 =	vld [tilespmem:s25+$0x80];
	[tilespmem:s1+$0xD900] =	vst v7  }
0x194: {  	[tilespmem:s16+$0x0] =	vst v8;
	v2 =	vld [tilespmem:s14+$0xAB80];
	s14 =	smov.u32 s25  }
0x195: {  	s19 =	sadd.s32 $0x20, s19;
	[tilespmem:s2+$0xD200] =	vst v6;
	v1 =	vld [tilespmem:s28+$0xAB80]  }
0x196: {  	_ = 	snop  }
0x197: {  	s8 =	sadd.s32 $0x20, s15;
	[tilespmem:s7+$0xCB00] =	vst v4  }
0x198: {  	[tilespmem:s8+$0x0] =	vst v5;
	v4 =	vld [tilespmem:s6+$0x100]  }
0x199: {  	v5 =	vld [tilespmem:s14+$0x100];
	_ =	sdelay $0x3  }
0x19a: {  	s21 =	sadd.s32 $0x20, s18;
	[tilespmem:s7+$0xCE80] =	vst v4  }
0x19b: {  	[tilespmem:s21+$0x0] =	vst v5;
	v4 =	vld [tilespmem:s6+$0x180]  }
0x19c: {  	v5 =	vld [tilespmem:s14+$0x180];
	_ =	sdelay $0x2  }
0x19d: {  	[tilespmem:s19+$0x0] =	vst v3;
	v3 =	vld [tilespmem:s4+$0x200]  }
0x19e: {  	s25 =	sadd.s32 $0x20, s19;
	v6 =	vld [tilespmem:s5+$0x200];
	[tilespmem:s7+$0xD200] =	vst v4  }
0x19f: {  	[tilespmem:s25+$0x0] =	vst v5;
	v4 =	vld [tilespmem:s6+$0x200]  }
0x1a0: {  	v5 =	vld [tilespmem:s14+$0x200];
	_ =	sdelay $0x1  }
0x1a1: {  	s28 =	sadd.s32 $0x20, s9;
	[tilespmem:s2+$0xD580] =	vst v3  }
0x1a2: {  	s29 =	sadd.s32 $0x1, s10;
	[tilespmem:s28+$0x0] =	vst v6;
	v3 =	vld [tilespmem:s4+$0x280]  }
0x1a3: {  	s10 =	sand.u32 $0x3, s29;
	s12 =	sadd.s32 $0x20, s28;
	v6 =	vld [tilespmem:s5+$0x280];
	[tilespmem:s7+$0xD580] =	vst v4  }
0x1a4: {  	s15 =	sshll.u32 s10, $0x5;
	s4 =	sadd.s32 $0x1, s29;
	[tilespmem:s12+$0x0] =	vst v5;
	v4 =	vld [tilespmem:s6+$0x280]  }
0x1a5: {  	s3 =	sadd.s32 s15, s3;
	s4 =	sand.u32 $0x3, s4;
	v5 =	vld [tilespmem:s14+$0x280]  }
0x1a6: {  	s18 =	sadd.s32 $0x10, s3;
	s4 =	sshll.u32 s4, $0x5  }
0x1a7: {  	s19 =	sadd.s32 $0x20, s16;
	s5 =	sor.u32 $0x300, s18;
	s4 =	sadd.s32 s4, s17;
	[tilespmem:s2+$0xD900] =	vst v3  }
0x1a8: {  	s3 =	sor.u32 $0x300, s3;
	s21 =	sadd.s32 $0x10, s4;
	[tilespmem:s19+$0x0] =	vst v6;
	v3 =	vld [tilespmem:s5+$0xAB80]  }
0x1a9: {  	s28 =	sadd.s32 $0x20, s19;
	v6 =	vld [tilespmem:s3+$0xAB80];
	s25 =	sor.u32 $0x300, s21;
	[tilespmem:s7+$0xD900] =	vst v4  }
0x1aa: {  	s4 =	sor.u32 $0x300, s4;
	[tilespmem:s28+$0x0] =	vst v5;
	v4 =	vld [tilespmem:s25+$0xAB80]  }
0x1ab: {  	s0 =	sadd.s32 $0x20, s0;
	[tilespmem:s1+$0xDC80] =	vst v2;
	v2 =	vld [tilespmem:s4+$0xAB80]  }
0x1ac: {  	[tilespmem:s0+$0x0] =	vst v1  }
0x1ad: {  	s0 =	sadd.s32 $0x20, s0;
	[tilespmem:s2+$0xDC80] =	vst v3  }
0x1ae: {  	[tilespmem:s0+$0x0] =	vst v6  }
0x1af: {  	s0 =	sadd.s32 $0x20, s0;
	[tilespmem:s7+$0xDC80] =	vst v4  }
0x1b0: {  	[tilespmem:s0+$0x0] =	vst v2  }
0x1b1: {  	s29 =	simm.s32 $0xC780;
	s0 =	rddreg [dreg:$0x17]  }
0x1b2: {  	[spmem:s0] =	stream.linear.scatter [tilespmem:s29], [sflag:$0x9], $0x380, $0x38;
	[tilespmem:$0x1FF00] =	vst v63  }
0x1b3: {  	_ =	swait.ge [sflag:s13], $0x380  }
0x1b4: {  	[sflag:s13] =	ssyncset.done $0x0  }
0x1b5: {  	s3 =	simm.s32 $0xCB00;
	s7 =	rddreg [dreg:$0x18];
	[sflag:s13] =	ssyncadd.s32 $0xFFFFFC80  }
0x1b6: {  	[spmem:s7] =	stream.linear.scatter [tilespmem:s3], [sflag:$0x9], $0x380, $0x38;
	[tilespmem:$0x1FF00] =	vst v63  }
0x1b7: {  	_ =	swait.ge [sflag:s13], $0x380  }
0x1b8: {  	[sflag:s13] =	ssyncset.done $0x0  }
0x1b9: {  	s5 =	simm.s32 $0xCE80;
	s8 =	rddreg [dreg:$0x19];
	[sflag:s13] =	ssyncadd.s32 $0xFFFFFC80  }
0x1ba: {  	[spmem:s8] =	stream.linear.scatter [tilespmem:s5], [sflag:$0x9], $0x380, $0x38;
	[tilespmem:$0x1FF00] =	vst v63  }
0x1bb: {  	_ =	swait.ge [sflag:s13], $0x380  }
0x1bc: {  	[sflag:s13] =	ssyncset.done $0x0  }
0x1bd: {  	s4 =	simm.s32 $0xD200;
	s9 =	rddreg [dreg:$0x1a];
	[sflag:s13] =	ssyncadd.s32 $0xFFFFFC80  }
0x1be: {  	[spmem:s9] =	stream.linear.scatter [tilespmem:s4], [sflag:$0x9], $0x380, $0x38;
	[tilespmem:$0x1FF00] =	vst v63  }
0x1bf: {  	_ =	swait.ge [sflag:s13], $0x380  }
0x1c0: {  	[sflag:s13] =	ssyncset.done $0x0  }
0x1c1: {  	s2 =	simm.s32 $0xD580;
	s10 =	rddreg [dreg:$0x1b];
	[sflag:s13] =	ssyncadd.s32 $0xFFFFFC80  }
0x1c2: {  	[spmem:s10] =	stream.linear.scatter [tilespmem:s2], [sflag:$0x9], $0x380, $0x38;
	[tilespmem:$0x1FF00] =	vst v63  }
0x1c3: {  	_ =	swait.ge [sflag:s13], $0x380  }
0x1c4: {  	[sflag:s13] =	ssyncset.done $0x0  }
0x1c5: {  	s6 =	simm.s32 $0xD900;
	s12 =	rddreg [dreg:$0x1c];
	[sflag:s13] =	ssyncadd.s32 $0xFFFFFC80  }
0x1c6: {  	[spmem:s12] =	stream.linear.scatter [tilespmem:s6], [sflag:$0x9], $0x380, $0x38;
	[tilespmem:$0x1FF00] =	vst v63  }
0x1c7: {  	_ =	swait.ge [sflag:s13], $0x380  }
0x1c8: {  	[sflag:s13] =	ssyncset.done $0x0  }
0x1c9: {  	s0 =	simm.s32 $0xDC80;
	s14 =	rddreg [dreg:$0x1d];
	[sflag:s13] =	ssyncadd.s32 $0xFFFFFC80  }
0x1ca: {  	[spmem:s14] =	stream.linear.scatter [tilespmem:s0], [sflag:$0x9], $0x380, $0x38;
	[tilespmem:$0x1FF00] =	vst v63  }
0x1cb: {  	_ =	swait.ge [sflag:s13], $0x380  }
0x1cc: {  	s16 =	simm.s32 $0x0;
	[sflag:s13] =	ssyncset.done $0x0  }
0x1cd: {  	s8 =	simm.s32 $0x0;
	s15 =	rddreg [dreg:$0x1e];
	[sflag:s13] =	ssyncadd.s32 $0xFFFFFC80  }
0x1ce: {  	[tilespmem:s11], [sflag:$0x9] =	stream.linear.gather [hbm4b:s15+s8], $0x1C00, $0x38;
	[tilespmem:$0x1FF00] =	vst v63  }
0x1cf: {  	s17 =	sand.u32 $0x60, s16;
	s18 =	sand.u32 $0x1C00, s8;
	_ =	swait.ge [sflag:s13], $0x1C00  }
0x1d0: {  	s10 =	sadd.s32 $0xAB80, s18;
	s12 =	sor.u32 $0x10, s17;
	[sflag:s13] =	ssyncset.done $0x0  }
0x1d1: {  	s14 =	sor.u32 s12, s10;
	[sflag:s13] =	ssyncadd.s32 $0xFFFFE400  }
0x1d2: {  	s9 =	sor.u32 s17, s10;
	v1 =	vld [tilespmem:s14+$0x0]  }
0x1d3: {  	v2 =	vld [tilespmem:s9+$0x0];
	_ =	sdelay $0x1  }
0x1d4: {  	s7 =	sand.u32 $0x380, s16  }
0x1d5: {  	s7 =	sor.u32 s7, s12  }
0x1d6: {  	[tilespmem:s7+$0xC780] =	vst v1  }
0x1d7: {  	[tilespmem:s29+$0x0] =	vst v2;
	v1 =	vld [tilespmem:s14+$0x80]  }
0x1d8: {  	s19 =	simm.s32 $0x20;
	s21 =	simm.s32 $0x100;
	v2 =	vld [tilespmem:s9+$0x80]  }
0x1d9: {  	s25 =	sand.u32 $0x60, s19;
	s10 =	sand.u32 $0x1C00, s21  }
0x1da: {  	s28 =	sadd.s32 $0xAB80, s10;
	s29 =	sor.u32 $0x10, s25  }
0x1db: {  	s10 =	sor.u32 s29, s28  }
0x1dc: {  	v3 =	vld [tilespmem:s10+$0x0];
	[tilespmem:s7+$0xCB00] =	vst v1  }
0x1dd: {  	[tilespmem:s3+$0x0] =	vst v2;
	v1 =	vld [tilespmem:s14+$0x100]  }
0x1de: {  	s16 =	sor.u32 s25, s28;
	v2 =	vld [tilespmem:s9+$0x100]  }
0x1df: {  	s1 =	sand.u32 $0x380, s19;
	v4 =	vld [tilespmem:s16+$0x0]  }
0x1e0: {  	s1 =	sor.u32 s1, s29  }
0x1e1: {  	[tilespmem:s1+$0xC780] =	vst v3  }
0x1e2: {  	v3 =	vld [tilespmem:s10+$0x80];
	[tilespmem:s7+$0xCE80] =	vst v1  }
0x1e3: {  	s18 =	simm.s32 $0xC7A0;
	[tilespmem:s5+$0x0] =	vst v2;
	v1 =	vld [tilespmem:s14+$0x180]  }
0x1e4: {  	[tilespmem:s18+$0x0] =	vst v4;
	v2 =	vld [tilespmem:s9+$0x180]  }
0x1e5: {  	v4 =	vld [tilespmem:s16+$0x80];
	_ =	sdelay $0x1  }
0x1e6: {  	[tilespmem:s1+$0xCB00] =	vst v3  }
0x1e7: {  	s19 =	simm.s32 $0x40;
	s3 =	simm.s32 $0x200;
	v3 =	vld [tilespmem:s10+$0x100];
	[tilespmem:s7+$0xD200] =	vst v1  }
0x1e8: {  	s21 =	simm.s32 $0xCB20;
	s25 =	sand.u32 $0x60, s19;
	s28 =	sand.u32 $0x1C00, s3;
	[tilespmem:s4+$0x0] =	vst v2;
	v1 =	vld [tilespmem:s14+$0x200]  }
0x1e9: {  	s29 =	sor.u32 $0x10, s25;
	[tilespmem:s21+$0x0] =	vst v4;
	s15 =	sadd.s32 $0xAB80, s28;
	v2 =	vld [tilespmem:s9+$0x200]  }
0x1ea: {  	v4 =	vld [tilespmem:s16+$0x100];
	s4 =	sor.u32 s29, s15  }
0x1eb: {  	s5 =	sor.u32 s25, s15;
	v5 =	vld [tilespmem:s4+$0x0]  }
0x1ec: {  	v6 =	vld [tilespmem:s5+$0x0];
	[tilespmem:s1+$0xCE80] =	vst v3  }
0x1ed: {  	v3 =	vld [tilespmem:s10+$0x180];
	[tilespmem:s7+$0xD580] =	vst v1  }
0x1ee: {  	s15 =	simm.s32 $0xCEA0;
	[tilespmem:s2+$0x0] =	vst v2;
	v1 =	vld [tilespmem:s14+$0x280];
	s14 =	sand.u32 $0x380, s19  }
0x1ef: {  	s8 =	sand.u32 $0x3, s8;
	[tilespmem:s15+$0x0] =	vst v4;
	v2 =	vld [tilespmem:s9+$0x280];
	s2 =	sor.u32 s14, s29  }
0x1f0: {  	s17 =	simm.s32 $0xC7C0;
	s8 =	sshll.u32 s8, $0x5;
	v4 =	vld [tilespmem:s16+$0x180];
	[tilespmem:s2+$0xC780] =	vst v5  }
0x1f1: {  	s8 =	sadd.s32 $0x0, s8;
	[tilespmem:s17+$0x0] =	vst v6;
	v5 =	vld [tilespmem:s4+$0x80]  }
0x1f2: {  	s18 =	sadd.s32 $0x10, s8;
	v6 =	vld [tilespmem:s5+$0x80];
	[tilespmem:s1+$0xD200] =	vst v3  }
0x1f3: {  	s9 =	sor.u32 $0x300, s18;
	v3 =	vld [tilespmem:s10+$0x200];
	[tilespmem:s7+$0xD900] =	vst v1  }
0x1f4: {  	s8 =	sor.u32 $0x300, s8;
	s19 =	simm.s32 $0xD220;
	[tilespmem:s6+$0x0] =	vst v2;
	v1 =	vld [tilespmem:s9+$0xAB80]  }
0x1f5: {  	s12 =	simm.s32 $0x300;
	[tilespmem:s19+$0x0] =	vst v4;
	v2 =	vld [tilespmem:s8+$0xAB80];
	s8 =	simm.s32 $0x60  }
0x1f6: {  	s25 =	sand.u32 $0x1C00, s12;
	s15 =	simm.s32 $0xCB40;
	v4 =	vld [tilespmem:s16+$0x200];
	s21 =	sand.u32 $0x60, s8;
	[tilespmem:s2+$0xCB00] =	vst v5  }
0x1f7: {  	s28 =	sadd.s32 $0xAB80, s25;
	[tilespmem:s15+$0x0] =	vst v6;
	s29 =	sor.u32 $0x10, s21;
	v5 =	vld [tilespmem:s4+$0x100]  }
0x1f8: {  	v6 =	vld [tilespmem:s5+$0x100];
	[tilespmem:s1+$0xD580] =	vst v3;
	s6 =	sor.u32 s29, s28  }
0x1f9: {  	s14 =	sor.u32 s21, s28;
	[tilespmem:s7+$0xDC80] =	vst v1;
	v1 =	vld [tilespmem:s6+$0x0]  }
0x1fa: {  	s9 =	simm.s32 $0xD5A0;
	[tilespmem:s0+$0x0] =	vst v2;
	v2 =	vld [tilespmem:s14+$0x0]  }
0x1fb: {  	[tilespmem:s9+$0x0] =	vst v4;
	v7 =	vld [tilespmem:s10+$0x280];
	s10 =	simm.s32 $0x1  }
0x1fc: {  	s18 =	simm.s32 $0xCEC0;
	s19 =	sand.u32 $0x380, s8;
	s21 =	sand.u32 $0x3, s10;
	v8 =	vld [tilespmem:s16+$0x280];
	[tilespmem:s2+$0xCE80] =	vst v5  }
0x1fd: {  	[tilespmem:s18+$0x0] =	vst v6;
	s25 =	sshll.u32 s21, $0x5;
	s7 =	sor.u32 s19, s29;
	v6 =	vld [tilespmem:s4+$0x180]  }
0x1fe: {  	v3 =	vld [tilespmem:s5+$0x180];
	s21 =	simm.s32 $0xC7E0;
	s28 =	sadd.s32 $0x100, s25;
	[tilespmem:s7+$0xC780] =	vst v1  }
0x1ff: {  	s16 =	sadd.s32 $0x10, s28;
	[tilespmem:s21+$0x0] =	vst v2;
	v4 =	vld [tilespmem:s6+$0x80]  }
0x200: {  	[tilespmem:s1+$0xD900] =	vst v7;
	s29 =	sor.u32 $0x300, s16;
	s16 =	simm.s32 $0xD920;
	v5 =	vld [tilespmem:s14+$0x80]  }
0x201: {  	s17 =	sor.u32 $0x300, s28;
	[tilespmem:s16+$0x0] =	vst v8;
	v2 =	vld [tilespmem:s29+$0xAB80]  }
0x202: {  	s19 =	simm.s32 $0xD240;
	v1 =	vld [tilespmem:s17+$0xAB80];
	s17 =	simm.s32 $0x300;
	[tilespmem:s2+$0xD200] =	vst v6  }
.LBB2_8:
0x203: {  	s8 =	sadd.s32 $0x20, s8;
	s12 =	sadd.s32 $0x100, s12;
	[tilespmem:s19+$0x0] =	vst v3;
	v3 =	vld [tilespmem:s4+$0x200];
	s15 =	sadd.s32 $0x20, s15  }
0x204: {  	s25 =	sand.u32 $0x60, s8;
	s28 =	sand.u32 $0x1C00, s12;
	p1 =	slt.u32 s8, $0x360;
	[tilespmem:s7+$0xCB00] =	vst v4;
	v4 =	vld [tilespmem:s5+$0x200]  }
0x205: {  	s28 =	sadd.s32 $0xAB80, s28;
	s29 =	sor.u32 $0x10, s25;
	[tilespmem:s15+$0x0] =	vst v5;
	v5 =	vld [tilespmem:s6+$0x100]  }
0x206: {  	s0 =	sadd.s32 $0x20, s0;
	s25 =	sor.u32 s25, s28;
	s28 =	sor.u32 s29, s28;
	v6 =	vld [tilespmem:s14+$0x100];
	[tilespmem:s1+$0xDC80] =	vst v2  }
0x207: {  	s1 =	smov.u32 s2;
	s2 =	smov.u32 s7;
	v2 =	vld [tilespmem:s28+$0x0];
	[tilespmem:s0+$0x0] =	vst v1  }
0x208: {  	s9 =	sadd.s32 $0x20, s9;
	v1 =	vld [tilespmem:s25+$0x0];
	[tilespmem:s1+$0xD580] =	vst v3  }
0x209: {  	s10 =	sadd.s32 $0x1, s10;
	[tilespmem:s9+$0x0] =	vst v4;
	v7 =	vld [tilespmem:s4+$0x280];
	s4 =	smov.u32 s6;
	s6 =	smov.u32 s28  }
0x20a: {  	s18 =	sadd.s32 $0x20, s18;
	s7 =	sand.u32 $0x380, s8;
	s28 =	sand.u32 $0x3, s10;
	[tilespmem:s2+$0xCE80] =	vst v5;
	v8 =	vld [tilespmem:s5+$0x280]  }
0x20b: {  	s7 =	sor.u32 s7, s29;
	s28 =	sshll.u32 s28, $0x5;
	s5 =	smov.u32 s14;
	[tilespmem:s18+$0x0] =	vst v6;
	v6 =	vld [tilespmem:s4+$0x180]  }
.Ltmp3:
0x20c: {  	s21 =	sadd.s32 $0x20, s21;
	s3 =	sadd.s32 s28, s3;
	[tilespmem:s7+$0xC780] =	vst v2;
	v3 =	vld [tilespmem:s5+$0x180];
	(pc) =	sbr.rel @p1 .LBB2_8-.Ltmp3, $4  }
0x20d: {  	s28 =	sor.u32 $0x300, s3;
	s14 =	sadd.s32 $0x10, s3;
	s3 =	smov.u32 s17;
	[tilespmem:s21+$0x0] =	vst v1;
	v4 =	vld [tilespmem:s6+$0x80]  }
0x20e: {  	s16 =	sadd.s32 $0x20, s16;
	s17 =	smov.u32 s12;
	s14 =	sor.u32 $0x300, s14;
	v5 =	vld [tilespmem:s25+$0x80];
	[tilespmem:s1+$0xD900] =	vst v7  }
0x20f: {  	[tilespmem:s16+$0x0] =	vst v8;
	v2 =	vld [tilespmem:s14+$0xAB80];
	s14 =	smov.u32 s25  }
0x210: {  	s19 =	sadd.s32 $0x20, s19;
	[tilespmem:s2+$0xD200] =	vst v6;
	v1 =	vld [tilespmem:s28+$0xAB80]  }
0x211: {  	_ = 	snop  }
0x212: {  	s8 =	sadd.s32 $0x20, s15;
	[tilespmem:s7+$0xCB00] =	vst v4  }
0x213: {  	[tilespmem:s8+$0x0] =	vst v5;
	v4 =	vld [tilespmem:s6+$0x100]  }
0x214: {  	v5 =	vld [tilespmem:s14+$0x100];
	_ =	sdelay $0x3  }
0x215: {  	s21 =	sadd.s32 $0x20, s18;
	[tilespmem:s7+$0xCE80] =	vst v4  }
0x216: {  	[tilespmem:s21+$0x0] =	vst v5;
	v4 =	vld [tilespmem:s6+$0x180]  }
0x217: {  	v5 =	vld [tilespmem:s14+$0x180];
	_ =	sdelay $0x2  }
0x218: {  	[tilespmem:s19+$0x0] =	vst v3;
	v3 =	vld [tilespmem:s4+$0x200]  }
0x219: {  	s25 =	sadd.s32 $0x20, s19;
	v6 =	vld [tilespmem:s5+$0x200];
	[tilespmem:s7+$0xD200] =	vst v4  }
0x21a: {  	[tilespmem:s25+$0x0] =	vst v5;
	v4 =	vld [tilespmem:s6+$0x200]  }
0x21b: {  	v5 =	vld [tilespmem:s14+$0x200];
	_ =	sdelay $0x1  }
0x21c: {  	s28 =	sadd.s32 $0x20, s9;
	[tilespmem:s2+$0xD580] =	vst v3  }
0x21d: {  	s29 =	sadd.s32 $0x1, s10;
	[tilespmem:s28+$0x0] =	vst v6;
	v3 =	vld [tilespmem:s4+$0x280]  }
0x21e: {  	s10 =	sand.u32 $0x3, s29;
	s12 =	sadd.s32 $0x20, s28;
	v6 =	vld [tilespmem:s5+$0x280];
	[tilespmem:s7+$0xD580] =	vst v4  }
0x21f: {  	s15 =	sshll.u32 s10, $0x5;
	s4 =	sadd.s32 $0x1, s29;
	[tilespmem:s12+$0x0] =	vst v5;
	v4 =	vld [tilespmem:s6+$0x280]  }
0x220: {  	s3 =	sadd.s32 s15, s3;
	s4 =	sand.u32 $0x3, s4;
	v5 =	vld [tilespmem:s14+$0x280]  }
0x221: {  	s18 =	sadd.s32 $0x10, s3;
	s4 =	sshll.u32 s4, $0x5  }
0x222: {  	s19 =	sadd.s32 $0x20, s16;
	s5 =	sor.u32 $0x300, s18;
	s4 =	sadd.s32 s4, s17;
	[tilespmem:s2+$0xD900] =	vst v3  }
0x223: {  	s3 =	sor.u32 $0x300, s3;
	s21 =	sadd.s32 $0x10, s4;
	[tilespmem:s19+$0x0] =	vst v6;
	v3 =	vld [tilespmem:s5+$0xAB80]  }
0x224: {  	s28 =	sadd.s32 $0x20, s19;
	v6 =	vld [tilespmem:s3+$0xAB80];
	s25 =	sor.u32 $0x300, s21;
	[tilespmem:s7+$0xD900] =	vst v4  }
0x225: {  	s4 =	sor.u32 $0x300, s4;
	[tilespmem:s28+$0x0] =	vst v5;
	v4 =	vld [tilespmem:s25+$0xAB80]  }
0x226: {  	s0 =	sadd.s32 $0x20, s0;
	[tilespmem:s1+$0xDC80] =	vst v2;
	v2 =	vld [tilespmem:s4+$0xAB80]  }
0x227: {  	[tilespmem:s0+$0x0] =	vst v1  }
0x228: {  	s0 =	sadd.s32 $0x20, s0;
	[tilespmem:s2+$0xDC80] =	vst v3  }
0x229: {  	[tilespmem:s0+$0x0] =	vst v6  }
0x22a: {  	s0 =	sadd.s32 $0x20, s0;
	[tilespmem:s7+$0xDC80] =	vst v4  }
0x22b: {  	[tilespmem:s0+$0x0] =	vst v2  }
0x22c: {  	s29 =	simm.s32 $0xC780;
	s0 =	rddreg [dreg:$0x1f]  }
0x22d: {  	[spmem:s0] =	stream.linear.scatter [tilespmem:s29], [sflag:$0x9], $0x380, $0x38;
	[tilespmem:$0x1FF00] =	vst v63  }
0x22e: {  	_ =	swait.ge [sflag:s13], $0x380  }
0x22f: {  	s7 =	sld [smem:$0x7CB]  }
0x230: {  	[sflag:s13] =	ssyncset.done $0x0  }
0x231: {  	s3 =	simm.s32 $0xCB00;
	[sflag:s13] =	ssyncadd.s32 $0xFFFFFC80  }
0x232: {  	[spmem:s7] =	stream.linear.scatter [tilespmem:s3], [sflag:$0x9], $0x380, $0x38;
	[tilespmem:$0x1FF00] =	vst v63  }
0x233: {  	_ =	swait.ge [sflag:s13], $0x380  }
0x234: {  	s8 =	sld [smem:$0x7CC]  }
0x235: {  	[sflag:s13] =	ssyncset.done $0x0  }
0x236: {  	s5 =	simm.s32 $0xCE80;
	[sflag:s13] =	ssyncadd.s32 $0xFFFFFC80  }
0x237: {  	[spmem:s8] =	stream.linear.scatter [tilespmem:s5], [sflag:$0x9], $0x380, $0x38;
	[tilespmem:$0x1FF00] =	vst v63  }
0x238: {  	_ =	swait.ge [sflag:s13], $0x380  }
0x239: {  	s9 =	sld [smem:$0x7CD]  }
0x23a: {  	[sflag:s13] =	ssyncset.done $0x0  }
0x23b: {  	s4 =	simm.s32 $0xD200;
	[sflag:s13] =	ssyncadd.s32 $0xFFFFFC80  }
0x23c: {  	[spmem:s9] =	stream.linear.scatter [tilespmem:s4], [sflag:$0x9], $0x380, $0x38;
	[tilespmem:$0x1FF00] =	vst v63  }
0x23d: {  	_ =	swait.ge [sflag:s13], $0x380  }
0x23e: {  	s10 =	sld [smem:$0x7CE]  }
0x23f: {  	[sflag:s13] =	ssyncset.done $0x0  }
0x240: {  	s2 =	simm.s32 $0xD580;
	[sflag:s13] =	ssyncadd.s32 $0xFFFFFC80  }
0x241: {  	[spmem:s10] =	stream.linear.scatter [tilespmem:s2], [sflag:$0x9], $0x380, $0x38;
	[tilespmem:$0x1FF00] =	vst v63  }
0x242: {  	_ =	swait.ge [sflag:s13], $0x380  }
0x243: {  	s12 =	sld [smem:$0x7CF]  }
0x244: {  	[sflag:s13] =	ssyncset.done $0x0  }
0x245: {  	s6 =	simm.s32 $0xD900;
	[sflag:s13] =	ssyncadd.s32 $0xFFFFFC80  }
0x246: {  	[spmem:s12] =	stream.linear.scatter [tilespmem:s6], [sflag:$0x9], $0x380, $0x38;
	[tilespmem:$0x1FF00] =	vst v63  }
0x247: {  	_ =	swait.ge [sflag:s13], $0x380  }
0x248: {  	s14 =	sld [smem:$0x7D0]  }
0x249: {  	[sflag:s13] =	ssyncset.done $0x0  }
0x24a: {  	s0 =	simm.s32 $0xDC80;
	[sflag:s13] =	ssyncadd.s32 $0xFFFFFC80  }
0x24b: {  	[spmem:s14] =	stream.linear.scatter [tilespmem:s0], [sflag:$0x9], $0x380, $0x38;
	[tilespmem:$0x1FF00] =	vst v63  }
0x24c: {  	_ =	swait.ge [sflag:s13], $0x380  }
0x24d: {  	s15 =	sld [smem:$0x7D1]  }
0x24e: {  	[sflag:s13] =	ssyncset.done $0x0  }
0x24f: {  	s16 =	simm.s32 $0x0;
	s8 =	simm.s32 $0x0;
	[sflag:s13] =	ssyncadd.s32 $0xFFFFFC80  }
0x250: {  	[tilespmem:s11], [sflag:$0x9] =	stream.linear.gather [hbm4b:s15+s8], $0x1C00, $0x38;
	[tilespmem:$0x1FF00] =	vst v63  }
0x251: {  	s17 =	sand.u32 $0x60, s16;
	s18 =	sand.u32 $0x1C00, s8;
	_ =	swait.ge [sflag:s13], $0x1C00  }
0x252: {  	s10 =	sadd.s32 $0xAB80, s18;
	s12 =	sor.u32 $0x10, s17;
	[sflag:s13] =	ssyncset.done $0x0  }
0x253: {  	s14 =	sor.u32 s12, s10;
	[sflag:s13] =	ssyncadd.s32 $0xFFFFE400  }
0x254: {  	s9 =	sor.u32 s17, s10;
	v1 =	vld [tilespmem:s14+$0x0]  }
0x255: {  	v2 =	vld [tilespmem:s9+$0x0];
	_ =	sdelay $0x1  }
0x256: {  	s7 =	sand.u32 $0x380, s16  }
0x257: {  	s7 =	sor.u32 s7, s12  }
0x258: {  	[tilespmem:s7+$0xC780] =	vst v1  }
0x259: {  	[tilespmem:s29+$0x0] =	vst v2;
	v1 =	vld [tilespmem:s14+$0x80]  }
0x25a: {  	s19 =	simm.s32 $0x20;
	s21 =	simm.s32 $0x100;
	v2 =	vld [tilespmem:s9+$0x80]  }
0x25b: {  	s25 =	sand.u32 $0x60, s19;
	s10 =	sand.u32 $0x1C00, s21  }
0x25c: {  	s28 =	sadd.s32 $0xAB80, s10;
	s29 =	sor.u32 $0x10, s25  }
0x25d: {  	s10 =	sor.u32 s29, s28  }
0x25e: {  	v3 =	vld [tilespmem:s10+$0x0];
	[tilespmem:s7+$0xCB00] =	vst v1  }
0x25f: {  	[tilespmem:s3+$0x0] =	vst v2;
	v1 =	vld [tilespmem:s14+$0x100]  }
0x260: {  	s16 =	sor.u32 s25, s28;
	v2 =	vld [tilespmem:s9+$0x100]  }
0x261: {  	s1 =	sand.u32 $0x380, s19;
	v4 =	vld [tilespmem:s16+$0x0]  }
0x262: {  	s1 =	sor.u32 s1, s29  }
0x263: {  	[tilespmem:s1+$0xC780] =	vst v3  }
0x264: {  	v3 =	vld [tilespmem:s10+$0x80];
	[tilespmem:s7+$0xCE80] =	vst v1  }
0x265: {  	s18 =	simm.s32 $0xC7A0;
	[tilespmem:s5+$0x0] =	vst v2;
	v1 =	vld [tilespmem:s14+$0x180]  }
0x266: {  	[tilespmem:s18+$0x0] =	vst v4;
	v2 =	vld [tilespmem:s9+$0x180]  }
0x267: {  	v4 =	vld [tilespmem:s16+$0x80];
	_ =	sdelay $0x1  }
0x268: {  	[tilespmem:s1+$0xCB00] =	vst v3  }
0x269: {  	s19 =	simm.s32 $0x40;
	s3 =	simm.s32 $0x200;
	v3 =	vld [tilespmem:s10+$0x100];
	[tilespmem:s7+$0xD200] =	vst v1  }
0x26a: {  	s21 =	simm.s32 $0xCB20;
	s25 =	sand.u32 $0x60, s19;
	s28 =	sand.u32 $0x1C00, s3;
	[tilespmem:s4+$0x0] =	vst v2;
	v1 =	vld [tilespmem:s14+$0x200]  }
0x26b: {  	s29 =	sor.u32 $0x10, s25;
	[tilespmem:s21+$0x0] =	vst v4;
	s15 =	sadd.s32 $0xAB80, s28;
	v2 =	vld [tilespmem:s9+$0x200]  }
0x26c: {  	v4 =	vld [tilespmem:s16+$0x100];
	s4 =	sor.u32 s29, s15  }
0x26d: {  	s5 =	sor.u32 s25, s15;
	v5 =	vld [tilespmem:s4+$0x0]  }
0x26e: {  	v6 =	vld [tilespmem:s5+$0x0];
	[tilespmem:s1+$0xCE80] =	vst v3  }
0x26f: {  	v3 =	vld [tilespmem:s10+$0x180];
	[tilespmem:s7+$0xD580] =	vst v1  }
0x270: {  	s15 =	simm.s32 $0xCEA0;
	[tilespmem:s2+$0x0] =	vst v2;
	v1 =	vld [tilespmem:s14+$0x280];
	s14 =	sand.u32 $0x380, s19  }
0x271: {  	s8 =	sand.u32 $0x3, s8;
	[tilespmem:s15+$0x0] =	vst v4;
	v2 =	vld [tilespmem:s9+$0x280];
	s2 =	sor.u32 s14, s29  }
0x272: {  	s17 =	simm.s32 $0xC7C0;
	s8 =	sshll.u32 s8, $0x5;
	v4 =	vld [tilespmem:s16+$0x180];
	[tilespmem:s2+$0xC780] =	vst v5  }
0x273: {  	s8 =	sadd.s32 $0x0, s8;
	[tilespmem:s17+$0x0] =	vst v6;
	v5 =	vld [tilespmem:s4+$0x80]  }
0x274: {  	s18 =	sadd.s32 $0x10, s8;
	v6 =	vld [tilespmem:s5+$0x80];
	[tilespmem:s1+$0xD200] =	vst v3  }
0x275: {  	s9 =	sor.u32 $0x300, s18;
	v3 =	vld [tilespmem:s10+$0x200];
	[tilespmem:s7+$0xD900] =	vst v1  }
0x276: {  	s8 =	sor.u32 $0x300, s8;
	s19 =	simm.s32 $0xD220;
	[tilespmem:s6+$0x0] =	vst v2;
	v1 =	vld [tilespmem:s9+$0xAB80]  }
0x277: {  	s12 =	simm.s32 $0x300;
	[tilespmem:s19+$0x0] =	vst v4;
	v2 =	vld [tilespmem:s8+$0xAB80];
	s8 =	simm.s32 $0x60  }
0x278: {  	s25 =	sand.u32 $0x1C00, s12;
	s15 =	simm.s32 $0xCB40;
	v4 =	vld [tilespmem:s16+$0x200];
	s21 =	sand.u32 $0x60, s8;
	[tilespmem:s2+$0xCB00] =	vst v5  }
0x279: {  	s28 =	sadd.s32 $0xAB80, s25;
	[tilespmem:s15+$0x0] =	vst v6;
	s29 =	sor.u32 $0x10, s21;
	v5 =	vld [tilespmem:s4+$0x100]  }
0x27a: {  	v6 =	vld [tilespmem:s5+$0x100];
	[tilespmem:s1+$0xD580] =	vst v3;
	s6 =	sor.u32 s29, s28  }
0x27b: {  	s14 =	sor.u32 s21, s28;
	[tilespmem:s7+$0xDC80] =	vst v1;
	v1 =	vld [tilespmem:s6+$0x0]  }
0x27c: {  	s9 =	simm.s32 $0xD5A0;
	[tilespmem:s0+$0x0] =	vst v2;
	v2 =	vld [tilespmem:s14+$0x0]  }
0x27d: {  	[tilespmem:s9+$0x0] =	vst v4;
	v7 =	vld [tilespmem:s10+$0x280];
	s10 =	simm.s32 $0x1  }
0x27e: {  	s18 =	simm.s32 $0xCEC0;
	s19 =	sand.u32 $0x380, s8;
	s21 =	sand.u32 $0x3, s10;
	v8 =	vld [tilespmem:s16+$0x280];
	[tilespmem:s2+$0xCE80] =	vst v5  }
0x27f: {  	[tilespmem:s18+$0x0] =	vst v6;
	s25 =	sshll.u32 s21, $0x5;
	s7 =	sor.u32 s19, s29;
	v6 =	vld [tilespmem:s4+$0x180]  }
0x280: {  	v3 =	vld [tilespmem:s5+$0x180];
	s21 =	simm.s32 $0xC7E0;
	s28 =	sadd.s32 $0x100, s25;
	[tilespmem:s7+$0xC780] =	vst v1  }
0x281: {  	s16 =	sadd.s32 $0x10, s28;
	[tilespmem:s21+$0x0] =	vst v2;
	v4 =	vld [tilespmem:s6+$0x80]  }
0x282: {  	[tilespmem:s1+$0xD900] =	vst v7;
	s29 =	sor.u32 $0x300, s16;
	s16 =	simm.s32 $0xD920;
	v5 =	vld [tilespmem:s14+$0x80]  }
0x283: {  	s17 =	sor.u32 $0x300, s28;
	[tilespmem:s16+$0x0] =	vst v8;
	v2 =	vld [tilespmem:s29+$0xAB80]  }
0x284: {  	s19 =	simm.s32 $0xD240;
	v1 =	vld [tilespmem:s17+$0xAB80];
	s17 =	simm.s32 $0x300;
	[tilespmem:s2+$0xD200] =	vst v6  }
.LBB2_10:
0x285: {  	s8 =	sadd.s32 $0x20, s8;
	s12 =	sadd.s32 $0x100, s12;
	[tilespmem:s19+$0x0] =	vst v3;
	v3 =	vld [tilespmem:s4+$0x200];
	s15 =	sadd.s32 $0x20, s15  }
0x286: {  	s25 =	sand.u32 $0x60, s8;
	s28 =	sand.u32 $0x1C00, s12;
	p1 =	slt.u32 s8, $0x360;
	[tilespmem:s7+$0xCB00] =	vst v4;
	v4 =	vld [tilespmem:s5+$0x200]  }
0x287: {  	s28 =	sadd.s32 $0xAB80, s28;
	s29 =	sor.u32 $0x10, s25;
	[tilespmem:s15+$0x0] =	vst v5;
	v5 =	vld [tilespmem:s6+$0x100]  }
0x288: {  	s0 =	sadd.s32 $0x20, s0;
	s25 =	sor.u32 s25, s28;
	s28 =	sor.u32 s29, s28;
	v6 =	vld [tilespmem:s14+$0x100];
	[tilespmem:s1+$0xDC80] =	vst v2  }
0x289: {  	s1 =	smov.u32 s2;
	s2 =	smov.u32 s7;
	v2 =	vld [tilespmem:s28+$0x0];
	[tilespmem:s0+$0x0] =	vst v1  }
0x28a: {  	s9 =	sadd.s32 $0x20, s9;
	v1 =	vld [tilespmem:s25+$0x0];
	[tilespmem:s1+$0xD580] =	vst v3  }
0x28b: {  	s10 =	sadd.s32 $0x1, s10;
	[tilespmem:s9+$0x0] =	vst v4;
	v7 =	vld [tilespmem:s4+$0x280];
	s4 =	smov.u32 s6;
	s6 =	smov.u32 s28  }
0x28c: {  	s18 =	sadd.s32 $0x20, s18;
	s7 =	sand.u32 $0x380, s8;
	s28 =	sand.u32 $0x3, s10;
	[tilespmem:s2+$0xCE80] =	vst v5;
	v8 =	vld [tilespmem:s5+$0x280]  }
0x28d: {  	s7 =	sor.u32 s7, s29;
	s28 =	sshll.u32 s28, $0x5;
	s5 =	smov.u32 s14;
	[tilespmem:s18+$0x0] =	vst v6;
	v6 =	vld [tilespmem:s4+$0x180]  }
.Ltmp4:
0x28e: {  	s21 =	sadd.s32 $0x20, s21;
	s3 =	sadd.s32 s28, s3;
	[tilespmem:s7+$0xC780] =	vst v2;
	v3 =	vld [tilespmem:s5+$0x180];
	(pc) =	sbr.rel @p1 .LBB2_10-.Ltmp4, $4  }
0x28f: {  	s28 =	sor.u32 $0x300, s3;
	s14 =	sadd.s32 $0x10, s3;
	s3 =	smov.u32 s17;
	[tilespmem:s21+$0x0] =	vst v1;
	v4 =	vld [tilespmem:s6+$0x80]  }
0x290: {  	s16 =	sadd.s32 $0x20, s16;
	s17 =	smov.u32 s12;
	s14 =	sor.u32 $0x300, s14;
	v5 =	vld [tilespmem:s25+$0x80];
	[tilespmem:s1+$0xD900] =	vst v7  }
0x291: {  	[tilespmem:s16+$0x0] =	vst v8;
	v2 =	vld [tilespmem:s14+$0xAB80];
	s14 =	smov.u32 s25  }
0x292: {  	s19 =	sadd.s32 $0x20, s19;
	[tilespmem:s2+$0xD200] =	vst v6;
	v1 =	vld [tilespmem:s28+$0xAB80]  }
0x293: {  	_ = 	snop  }
0x294: {  	s8 =	sadd.s32 $0x20, s15;
	[tilespmem:s7+$0xCB00] =	vst v4  }
0x295: {  	[tilespmem:s8+$0x0] =	vst v5;
	v4 =	vld [tilespmem:s6+$0x100]  }
0x296: {  	v5 =	vld [tilespmem:s14+$0x100];
	_ =	sdelay $0x3  }
0x297: {  	s21 =	sadd.s32 $0x20, s18;
	[tilespmem:s7+$0xCE80] =	vst v4  }
0x298: {  	[tilespmem:s21+$0x0] =	vst v5;
	v4 =	vld [tilespmem:s6+$0x180]  }
0x299: {  	v5 =	vld [tilespmem:s14+$0x180];
	_ =	sdelay $0x2  }
0x29a: {  	[tilespmem:s19+$0x0] =	vst v3;
	v3 =	vld [tilespmem:s4+$0x200]  }
0x29b: {  	s25 =	sadd.s32 $0x20, s19;
	v6 =	vld [tilespmem:s5+$0x200];
	[tilespmem:s7+$0xD200] =	vst v4  }
0x29c: {  	[tilespmem:s25+$0x0] =	vst v5;
	v4 =	vld [tilespmem:s6+$0x200]  }
0x29d: {  	v5 =	vld [tilespmem:s14+$0x200];
	_ =	sdelay $0x1  }
0x29e: {  	s28 =	sadd.s32 $0x20, s9;
	[tilespmem:s2+$0xD580] =	vst v3  }
0x29f: {  	s29 =	sadd.s32 $0x1, s10;
	[tilespmem:s28+$0x0] =	vst v6;
	v3 =	vld [tilespmem:s4+$0x280]  }
0x2a0: {  	s10 =	sand.u32 $0x3, s29;
	s12 =	sadd.s32 $0x20, s28;
	v6 =	vld [tilespmem:s5+$0x280];
	[tilespmem:s7+$0xD580] =	vst v4  }
0x2a1: {  	s15 =	sshll.u32 s10, $0x5;
	s4 =	sadd.s32 $0x1, s29;
	[tilespmem:s12+$0x0] =	vst v5;
	v4 =	vld [tilespmem:s6+$0x280]  }
0x2a2: {  	s3 =	sadd.s32 s15, s3;
	s4 =	sand.u32 $0x3, s4;
	v5 =	vld [tilespmem:s14+$0x280]  }
0x2a3: {  	s18 =	sadd.s32 $0x10, s3;
	s4 =	sshll.u32 s4, $0x5  }
0x2a4: {  	s19 =	sadd.s32 $0x20, s16;
	s5 =	sor.u32 $0x300, s18;
	s4 =	sadd.s32 s4, s17;
	[tilespmem:s2+$0xD900] =	vst v3  }
0x2a5: {  	s3 =	sor.u32 $0x300, s3;
	s21 =	sadd.s32 $0x10, s4;
	[tilespmem:s19+$0x0] =	vst v6;
	v3 =	vld [tilespmem:s5+$0xAB80]  }
0x2a6: {  	s28 =	sadd.s32 $0x20, s19;
	v6 =	vld [tilespmem:s3+$0xAB80];
	s25 =	sor.u32 $0x300, s21;
	[tilespmem:s7+$0xD900] =	vst v4  }
0x2a7: {  	s4 =	sor.u32 $0x300, s4;
	[tilespmem:s28+$0x0] =	vst v5;
	v4 =	vld [tilespmem:s25+$0xAB80]  }
0x2a8: {  	s0 =	sadd.s32 $0x20, s0;
	[tilespmem:s1+$0xDC80] =	vst v2;
	v2 =	vld [tilespmem:s4+$0xAB80]  }
0x2a9: {  	[tilespmem:s0+$0x0] =	vst v1  }
0x2aa: {  	s0 =	sadd.s32 $0x20, s0;
	[tilespmem:s2+$0xDC80] =	vst v3  }
0x2ab: {  	[tilespmem:s0+$0x0] =	vst v6  }
0x2ac: {  	s0 =	sadd.s32 $0x20, s0;
	[tilespmem:s7+$0xDC80] =	vst v4  }
0x2ad: {  	[tilespmem:s0+$0x0] =	vst v2  }
0x2ae: {  	s0 =	sld [smem:$0x7D2];
	_ =	sdelay $0x1  }
0x2af: {  	s29 =	simm.s32 $0xC780  }
0x2b0: {  	[spmem:s0] =	stream.linear.scatter [tilespmem:s29], [sflag:$0x9], $0x380, $0x38;
	[tilespmem:$0x1FF00] =	vst v63  }
0x2b1: {  	_ =	swait.ge [sflag:s13], $0x380  }
0x2b2: {  	s8 =	sld [smem:$0x7D3]  }
0x2b3: {  	[sflag:s13] =	ssyncset.done $0x0  }
0x2b4: {  	s3 =	simm.s32 $0xCB00;
	[sflag:s13] =	ssyncadd.s32 $0xFFFFFC80  }
0x2b5: {  	[spmem:s8] =	stream.linear.scatter [tilespmem:s3], [sflag:$0x9], $0x380, $0x38;
	[tilespmem:$0x1FF00] =	vst v63  }
0x2b6: {  	_ =	swait.ge [sflag:s13], $0x380  }
0x2b7: {  	s9 =	sld [smem:$0x7D4]  }
0x2b8: {  	[sflag:s13] =	ssyncset.done $0x0  }
0x2b9: {  	s5 =	simm.s32 $0xCE80;
	[sflag:s13] =	ssyncadd.s32 $0xFFFFFC80  }
0x2ba: {  	[spmem:s9] =	stream.linear.scatter [tilespmem:s5], [sflag:$0x9], $0x380, $0x38;
	[tilespmem:$0x1FF00] =	vst v63  }
0x2bb: {  	_ =	swait.ge [sflag:s13], $0x380  }
0x2bc: {  	s10 =	sld [smem:$0x7D5]  }
0x2bd: {  	[sflag:s13] =	ssyncset.done $0x0  }
0x2be: {  	s4 =	simm.s32 $0xD200;
	[sflag:s13] =	ssyncadd.s32 $0xFFFFFC80  }
0x2bf: {  	[spmem:s10] =	stream.linear.scatter [tilespmem:s4], [sflag:$0x9], $0x380, $0x38;
	[tilespmem:$0x1FF00] =	vst v63  }
0x2c0: {  	_ =	swait.ge [sflag:s13], $0x380  }
0x2c1: {  	s12 =	sld [smem:$0x7D6]  }
0x2c2: {  	[sflag:s13] =	ssyncset.done $0x0  }
0x2c3: {  	s2 =	simm.s32 $0xD580;
	[sflag:s13] =	ssyncadd.s32 $0xFFFFFC80  }
0x2c4: {  	[spmem:s12] =	stream.linear.scatter [tilespmem:s2], [sflag:$0x9], $0x380, $0x38;
	[tilespmem:$0x1FF00] =	vst v63  }
0x2c5: {  	_ =	swait.ge [sflag:s13], $0x380  }
0x2c6: {  	s14 =	sld [smem:$0x7D7]  }
0x2c7: {  	[sflag:s13] =	ssyncset.done $0x0  }
0x2c8: {  	s6 =	simm.s32 $0xD900;
	[sflag:s13] =	ssyncadd.s32 $0xFFFFFC80  }
0x2c9: {  	[spmem:s14] =	stream.linear.scatter [tilespmem:s6], [sflag:$0x9], $0x380, $0x38;
	[tilespmem:$0x1FF00] =	vst v63  }
0x2ca: {  	_ =	swait.ge [sflag:s13], $0x380  }
0x2cb: {  	s15 =	sld [smem:$0x7D8]  }
0x2cc: {  	[sflag:s13] =	ssyncset.done $0x0  }
0x2cd: {  	s0 =	simm.s32 $0xDC80;
	[sflag:s13] =	ssyncadd.s32 $0xFFFFFC80  }
0x2ce: {  	[spmem:s15] =	stream.linear.scatter [tilespmem:s0], [sflag:$0x9], $0x380, $0x38;
	[tilespmem:$0x1FF00] =	vst v63  }
0x2cf: {  	_ =	swait.ge [sflag:s13], $0x380  }
0x2d0: {  	s16 =	sld [smem:$0x7D9]  }
0x2d1: {  	[sflag:s13] =	ssyncset.done $0x0  }
0x2d2: {  	s17 =	simm.s32 $0x0;
	s8 =	simm.s32 $0x0;
	[sflag:s13] =	ssyncadd.s32 $0xFFFFFC80  }
0x2d3: {  	[tilespmem:s11], [sflag:$0x9] =	stream.linear.gather [hbm4b:s16+s8], $0x1C00, $0x38;
	[tilespmem:$0x1FF00] =	vst v63  }
0x2d4: {  	s18 =	sand.u32 $0x60, s17;
	s19 =	sand.u32 $0x1C00, s8;
	_ =	swait.ge [sflag:s13], $0x1C00  }
0x2d5: {  	s10 =	sadd.s32 $0xAB80, s19;
	s12 =	sor.u32 $0x10, s18;
	[sflag:s13] =	ssyncset.done $0x0  }
0x2d6: {  	s14 =	sor.u32 s12, s10;
	[sflag:s13] =	ssyncadd.s32 $0xFFFFE400  }
0x2d7: {  	s10 =	sor.u32 s18, s10;
	v1 =	vld [tilespmem:s14+$0x0]  }
0x2d8: {  	v2 =	vld [tilespmem:s10+$0x0];
	_ =	sdelay $0x1  }
0x2d9: {  	s7 =	sand.u32 $0x380, s17  }
0x2da: {  	s7 =	sor.u32 s7, s12  }
0x2db: {  	[tilespmem:s7+$0xC780] =	vst v1  }
0x2dc: {  	[tilespmem:s29+$0x0] =	vst v2;
	v1 =	vld [tilespmem:s14+$0x80]  }
0x2dd: {  	s21 =	simm.s32 $0x20;
	s25 =	simm.s32 $0x100;
	v2 =	vld [tilespmem:s10+$0x80]  }
0x2de: {  	s28 =	sand.u32 $0x60, s21;
	s9 =	sand.u32 $0x1C00, s25  }
0x2df: {  	s9 =	sadd.s32 $0xAB80, s9;
	s29 =	sor.u32 $0x10, s28  }
0x2e0: {  	s16 =	sor.u32 s29, s9  }
0x2e1: {  	v3 =	vld [tilespmem:s16+$0x0];
	[tilespmem:s7+$0xCB00] =	vst v1  }
0x2e2: {  	[tilespmem:s3+$0x0] =	vst v2;
	v1 =	vld [tilespmem:s14+$0x100]  }
0x2e3: {  	s9 =	sor.u32 s28, s9;
	v2 =	vld [tilespmem:s10+$0x100]  }
0x2e4: {  	s1 =	sand.u32 $0x380, s21;
	v4 =	vld [tilespmem:s9+$0x0]  }
0x2e5: {  	s1 =	sor.u32 s1, s29  }
0x2e6: {  	[tilespmem:s1+$0xC780] =	vst v3  }
0x2e7: {  	v3 =	vld [tilespmem:s16+$0x80];
	[tilespmem:s7+$0xCE80] =	vst v1  }
0x2e8: {  	s17 =	simm.s32 $0xC7A0;
	[tilespmem:s5+$0x0] =	vst v2;
	v1 =	vld [tilespmem:s14+$0x180]  }
0x2e9: {  	[tilespmem:s17+$0x0] =	vst v4;
	v2 =	vld [tilespmem:s10+$0x180]  }
0x2ea: {  	v4 =	vld [tilespmem:s9+$0x80];
	_ =	sdelay $0x1  }
0x2eb: {  	[tilespmem:s1+$0xCB00] =	vst v3  }
0x2ec: {  	s18 =	simm.s32 $0x40;
	s3 =	simm.s32 $0x200;
	v3 =	vld [tilespmem:s16+$0x100];
	[tilespmem:s7+$0xD200] =	vst v1  }
0x2ed: {  	s19 =	simm.s32 $0xCB20;
	s21 =	sand.u32 $0x60, s18;
	s25 =	sand.u32 $0x1C00, s3;
	[tilespmem:s4+$0x0] =	vst v2;
	v1 =	vld [tilespmem:s14+$0x200]  }
0x2ee: {  	s29 =	sor.u32 $0x10, s21;
	s28 =	sadd.s32 $0xAB80, s25;
	[tilespmem:s19+$0x0] =	vst v4;
	v2 =	vld [tilespmem:s10+$0x200]  }
0x2ef: {  	s5 =	sor.u32 s29, s28;
	v4 =	vld [tilespmem:s9+$0x100]  }
0x2f0: {  	v5 =	vld [tilespmem:s5+$0x0];
	s4 =	sor.u32 s21, s28  }
0x2f1: {  	v6 =	vld [tilespmem:s4+$0x0];
	[tilespmem:s1+$0xCE80] =	vst v3  }
0x2f2: {  	v3 =	vld [tilespmem:s16+$0x180];
	[tilespmem:s7+$0xD580] =	vst v1  }
0x2f3: {  	s15 =	simm.s32 $0xCEA0;
	[tilespmem:s2+$0x0] =	vst v2;
	v1 =	vld [tilespmem:s14+$0x280];
	s14 =	sand.u32 $0x380, s18  }
0x2f4: {  	s8 =	sand.u32 $0x3, s8;
	[tilespmem:s15+$0x0] =	vst v4;
	v2 =	vld [tilespmem:s10+$0x280];
	s2 =	sor.u32 s14, s29  }
0x2f5: {  	s8 =	sshll.u32 s8, $0x5;
	s17 =	simm.s32 $0xC7C0;
	v4 =	vld [tilespmem:s9+$0x180];
	[tilespmem:s2+$0xC780] =	vst v5  }
0x2f6: {  	s8 =	sadd.s32 $0x0, s8;
	[tilespmem:s17+$0x0] =	vst v6;
	v5 =	vld [tilespmem:s5+$0x80]  }
0x2f7: {  	s18 =	sadd.s32 $0x10, s8;
	v6 =	vld [tilespmem:s4+$0x80];
	[tilespmem:s1+$0xD200] =	vst v3  }
0x2f8: {  	s10 =	sor.u32 $0x300, s18;
	v3 =	vld [tilespmem:s16+$0x200];
	[tilespmem:s7+$0xD900] =	vst v1  }
0x2f9: {  	s19 =	simm.s32 $0xD220;
	s8 =	sor.u32 $0x300, s8;
	[tilespmem:s6+$0x0] =	vst v2;
	v1 =	vld [tilespmem:s10+$0xAB80]  }
0x2fa: {  	[tilespmem:s19+$0x0] =	vst v4;
	s14 =	simm.s32 $0x300;
	v2 =	vld [tilespmem:s8+$0xAB80];
	s10 =	simm.s32 $0x60  }
0x2fb: {  	s12 =	simm.s32 $0xCB40;
	v4 =	vld [tilespmem:s9+$0x200];
	s25 =	sand.u32 $0x1C00, s14;
	s21 =	sand.u32 $0x60, s10;
	[tilespmem:s2+$0xCB00] =	vst v5  }
0x2fc: {  	s28 =	sadd.s32 $0xAB80, s25;
	[tilespmem:s12+$0x0] =	vst v6;
	s29 =	sor.u32 $0x10, s21;
	v5 =	vld [tilespmem:s5+$0x100]  }
0x2fd: {  	v6 =	vld [tilespmem:s4+$0x100];
	[tilespmem:s1+$0xD580] =	vst v3;
	s6 =	sor.u32 s29, s28  }
0x2fe: {  	s15 =	sor.u32 s21, s28;
	[tilespmem:s7+$0xDC80] =	vst v1;
	v1 =	vld [tilespmem:s6+$0x0]  }
0x2ff: {  	s8 =	simm.s32 $0xD5A0;
	[tilespmem:s0+$0x0] =	vst v2;
	v2 =	vld [tilespmem:s15+$0x0]  }
0x300: {  	[tilespmem:s8+$0x0] =	vst v4;
	v7 =	vld [tilespmem:s16+$0x280];
	s16 =	simm.s32 $0x1  }
0x301: {  	s18 =	simm.s32 $0xCEC0;
	s19 =	sand.u32 $0x380, s10;
	s21 =	sand.u32 $0x3, s16;
	v8 =	vld [tilespmem:s9+$0x280];
	[tilespmem:s2+$0xCE80] =	vst v5  }
0x302: {  	s25 =	sshll.u32 s21, $0x5;
	s7 =	sor.u32 s19, s29;
	[tilespmem:s18+$0x0] =	vst v6;
	v6 =	vld [tilespmem:s5+$0x180]  }
0x303: {  	s21 =	simm.s32 $0xC7E0;
	s28 =	sadd.s32 $0x100, s25;
	v3 =	vld [tilespmem:s4+$0x180];
	[tilespmem:s7+$0xC780] =	vst v1  }
0x304: {  	s9 =	sadd.s32 $0x10, s28;
	[tilespmem:s21+$0x0] =	vst v2;
	v5 =	vld [tilespmem:s6+$0x80]  }
0x305: {  	[tilespmem:s1+$0xD900] =	vst v7;
	s29 =	sor.u32 $0x300, s9;
	s9 =	simm.s32 $0xD920;
	v4 =	vld [tilespmem:s15+$0x80]  }
0x306: {  	s17 =	sor.u32 $0x300, s28;
	[tilespmem:s9+$0x0] =	vst v8;
	v2 =	vld [tilespmem:s29+$0xAB80]  }
0x307: {  	s19 =	simm.s32 $0xD240;
	v1 =	vld [tilespmem:s17+$0xAB80];
	s17 =	simm.s32 $0x300;
	[tilespmem:s2+$0xD200] =	vst v6  }
.LBB2_12:
0x308: {  	s10 =	sadd.s32 $0x20, s10;
	s14 =	sadd.s32 $0x100, s14;
	[tilespmem:s19+$0x0] =	vst v3;
	v3 =	vld [tilespmem:s5+$0x200];
	s12 =	sadd.s32 $0x20, s12  }
0x309: {  	s25 =	sand.u32 $0x60, s10;
	s28 =	sand.u32 $0x1C00, s14;
	p1 =	slt.u32 s10, $0x360;
	[tilespmem:s7+$0xCB00] =	vst v5;
	v5 =	vld [tilespmem:s4+$0x200]  }
0x30a: {  	s28 =	sadd.s32 $0xAB80, s28;
	s29 =	sor.u32 $0x10, s25;
	[tilespmem:s12+$0x0] =	vst v4;
	v4 =	vld [tilespmem:s6+$0x100]  }
0x30b: {  	s0 =	sadd.s32 $0x20, s0;
	s25 =	sor.u32 s25, s28;
	s28 =	sor.u32 s29, s28;
	v6 =	vld [tilespmem:s15+$0x100];
	[tilespmem:s1+$0xDC80] =	vst v2  }
0x30c: {  	s1 =	smov.u32 s2;
	s2 =	smov.u32 s7;
	v2 =	vld [tilespmem:s28+$0x0];
	[tilespmem:s0+$0x0] =	vst v1  }
0x30d: {  	s8 =	sadd.s32 $0x20, s8;
	v1 =	vld [tilespmem:s25+$0x0];
	[tilespmem:s1+$0xD580] =	vst v3  }
0x30e: {  	s16 =	sadd.s32 $0x1, s16;
	[tilespmem:s8+$0x0] =	vst v5;
	v7 =	vld [tilespmem:s5+$0x280];
	s5 =	smov.u32 s6;
	s6 =	smov.u32 s28  }
0x30f: {  	s18 =	sadd.s32 $0x20, s18;
	s7 =	sand.u32 $0x380, s10;
	s28 =	sand.u32 $0x3, s16;
	[tilespmem:s2+$0xCE80] =	vst v4;
	v8 =	vld [tilespmem:s4+$0x280]  }
0x310: {  	s7 =	sor.u32 s7, s29;
	s28 =	sshll.u32 s28, $0x5;
	s4 =	smov.u32 s15;
	[tilespmem:s18+$0x0] =	vst v6;
	v6 =	vld [tilespmem:s5+$0x180]  }
.Ltmp5:
0x311: {  	s21 =	sadd.s32 $0x20, s21;
	s3 =	sadd.s32 s28, s3;
	[tilespmem:s7+$0xC780] =	vst v2;
	v3 =	vld [tilespmem:s4+$0x180];
	(pc) =	sbr.rel @p1 .LBB2_12-.Ltmp5, $4  }
0x312: {  	s28 =	sor.u32 $0x300, s3;
	s15 =	sadd.s32 $0x10, s3;
	s3 =	smov.u32 s17;
	[tilespmem:s21+$0x0] =	vst v1;
	v5 =	vld [tilespmem:s6+$0x80]  }
0x313: {  	s9 =	sadd.s32 $0x20, s9;
	s17 =	smov.u32 s14;
	s15 =	sor.u32 $0x300, s15;
	v4 =	vld [tilespmem:s25+$0x80];
	[tilespmem:s1+$0xD900] =	vst v7  }
0x314: {  	[tilespmem:s9+$0x0] =	vst v8;
	v2 =	vld [tilespmem:s15+$0xAB80];
	s15 =	smov.u32 s25  }
0x315: {  	s19 =	sadd.s32 $0x20, s19;
	[tilespmem:s2+$0xD200] =	vst v6;
	v1 =	vld [tilespmem:s28+$0xAB80]  }
0x316: {  	_ = 	snop  }
0x317: {  	s10 =	sadd.s32 $0x20, s12;
	[tilespmem:s7+$0xCB00] =	vst v5  }
0x318: {  	v5 =	vld [tilespmem:s6+$0x100];
	[tilespmem:s10+$0x0] =	vst v4  }
0x319: {  	v4 =	vld [tilespmem:s15+$0x100];
	_ =	sdelay $0x3  }
0x31a: {  	s12 =	sadd.s32 $0x20, s18;
	[tilespmem:s7+$0xCE80] =	vst v5  }
0x31b: {  	v5 =	vld [tilespmem:s6+$0x180];
	[tilespmem:s12+$0x0] =	vst v4  }
0x31c: {  	v4 =	vld [tilespmem:s15+$0x180];
	_ =	sdelay $0x1  }
0x31d: {  	[tilespmem:s19+$0x0] =	vst v3  }
0x31e: {  	v3 =	vld [tilespmem:s4+$0x200]  }
0x31f: {  	v6 =	vld [tilespmem:s5+$0x200];
	s14 =	sadd.s32 $0x20, s19;
	[tilespmem:s7+$0xD200] =	vst v5  }
0x320: {  	v5 =	vld [tilespmem:s6+$0x200];
	[tilespmem:s14+$0x0] =	vst v4  }
0x321: {  	v4 =	vld [tilespmem:s15+$0x200]  }
0x322: {  	s8 =	sadd.s32 $0x20, s8  }
0x323: {  	[tilespmem:s8+$0x0] =	vst v3  }
0x324: {  	[tilespmem:s2+$0xD580] =	vst v6;
	v3 =	vld [tilespmem:s4+$0x280]  }
0x325: {  	s18 =	sadd.s32 $0x1, s16;
	v6 =	vld [tilespmem:s5+$0x280];
	s8 =	sadd.s32 $0x20, s8;
	[tilespmem:s7+$0xD580] =	vst v5  }
0x326: {  	s19 =	sand.u32 $0x3, s18;
	s5 =	sadd.s32 $0x1, s18;
	v5 =	vld [tilespmem:s6+$0x280];
	[tilespmem:s8+$0x0] =	vst v4  }
0x327: {  	s5 =	sand.u32 $0x3, s5;
	s6 =	sshll.u32 s19, $0x5;
	v4 =	vld [tilespmem:s15+$0x280]  }
0x328: {  	s21 =	sshll.u32 s5, $0x5;
	s3 =	sadd.s32 s6, s3;
	s6 =	sadd.s32 $0x20, s9  }
0x329: {  	s4 =	sadd.s32 s21, s17;
	s25 =	sadd.s32 $0x10, s3;
	s3 =	sor.u32 $0x300, s3;
	[tilespmem:s6+$0x0] =	vst v3  }
0x32a: {  	s28 =	sadd.s32 $0x10, s4;
	[tilespmem:s2+$0xD900] =	vst v6;
	s5 =	sor.u32 $0x300, s25;
	v3 =	vld [tilespmem:s3+$0xAB80]  }
0x32b: {  	s29 =	sor.u32 $0x300, s28;
	v6 =	vld [tilespmem:s5+$0xAB80];
	s5 =	sadd.s32 $0x20, s6;
	[tilespmem:s7+$0xD900] =	vst v5  }
0x32c: {  	s8 =	sor.u32 $0x300, s4;
	v5 =	vld [tilespmem:s29+$0xAB80];
	[tilespmem:s5+$0x0] =	vst v4  }
0x32d: {  	s0 =	sadd.s32 $0x20, s0;
	[tilespmem:s1+$0xDC80] =	vst v2;
	v2 =	vld [tilespmem:s8+$0xAB80]  }
0x32e: {  	[tilespmem:s0+$0x0] =	vst v1;
	s0 =	sadd.s32 $0x20, s0  }
0x32f: {  	[tilespmem:s0+$0x0] =	vst v3  }
0x330: {  	[tilespmem:s2+$0xDC80] =	vst v6  }
0x331: {  	s0 =	sadd.s32 $0x20, s0;
	[tilespmem:s7+$0xDC80] =	vst v5  }
0x332: {  	[tilespmem:s0+$0x0] =	vst v2  }
0x333: {  	s0 =	sld [smem:$0x7DA];
	_ =	sdelay $0x1  }
0x334: {  	s9 =	simm.s32 $0xC780  }
0x335: {  	[spmem:s0] =	stream.linear.scatter [tilespmem:s9], [sflag:$0x9], $0x380, $0x38;
	[tilespmem:$0x1FF00] =	vst v63  }
0x336: {  	_ =	swait.ge [sflag:s13], $0x380  }
0x337: {  	s10 =	sld [smem:$0x7DB]  }
0x338: {  	[sflag:s13] =	ssyncset.done $0x0  }
0x339: {  	s12 =	simm.s32 $0xCB00;
	[sflag:s13] =	ssyncadd.s32 $0xFFFFFC80  }
0x33a: {  	[spmem:s10] =	stream.linear.scatter [tilespmem:s12], [sflag:$0x9], $0x380, $0x38;
	[tilespmem:$0x1FF00] =	vst v63  }
0x33b: {  	_ =	swait.ge [sflag:s13], $0x380  }
0x33c: {  	s14 =	sld [smem:$0x7DC]  }
0x33d: {  	[sflag:s13] =	ssyncset.done $0x0  }
0x33e: {  	s15 =	simm.s32 $0xCE80;
	[sflag:s13] =	ssyncadd.s32 $0xFFFFFC80  }
0x33f: {  	[spmem:s14] =	stream.linear.scatter [tilespmem:s15], [sflag:$0x9], $0x380, $0x38;
	[tilespmem:$0x1FF00] =	vst v63  }
0x340: {  	_ =	swait.ge [sflag:s13], $0x380  }
0x341: {  	s16 =	sld [smem:$0x7DD]  }
0x342: {  	[sflag:s13] =	ssyncset.done $0x0  }
0x343: {  	s17 =	simm.s32 $0xD200;
	[sflag:s13] =	ssyncadd.s32 $0xFFFFFC80  }
0x344: {  	[spmem:s16] =	stream.linear.scatter [tilespmem:s17], [sflag:$0x9], $0x380, $0x38;
	[tilespmem:$0x1FF00] =	vst v63  }
0x345: {  	_ =	swait.ge [sflag:s13], $0x380  }
0x346: {  	s18 =	sld [smem:$0x7DE]  }
0x347: {  	[sflag:s13] =	ssyncset.done $0x0  }
0x348: {  	s19 =	simm.s32 $0xD580;
	[sflag:s13] =	ssyncadd.s32 $0xFFFFFC80  }
0x349: {  	[spmem:s18] =	stream.linear.scatter [tilespmem:s19], [sflag:$0x9], $0x380, $0x38;
	[tilespmem:$0x1FF00] =	vst v63  }
0x34a: {  	_ =	swait.ge [sflag:s13], $0x380  }
0x34b: {  	s21 =	sld [smem:$0x7DF]  }
0x34c: {  	[sflag:s13] =	ssyncset.done $0x0  }
0x34d: {  	s25 =	simm.s32 $0xD900;
	[sflag:s13] =	ssyncadd.s32 $0xFFFFFC80  }
0x34e: {  	[spmem:s21] =	stream.linear.scatter [tilespmem:s25], [sflag:$0x9], $0x380, $0x38;
	[tilespmem:$0x1FF00] =	vst v63  }
0x34f: {  	_ =	swait.ge [sflag:s13], $0x380  }
0x350: {  	s28 =	sld [smem:$0x7E0]  }
0x351: {  	[sflag:s13] =	ssyncset.done $0x0  }
.Ltmp6:
0x352: {  	s29 =	simm.s32 $0xDC80;
	[sflag:s13] =	ssyncadd.s32 $0xFFFFFC80;
	(pc) =	sbr.rel @!p0 .LBB2_14-.Ltmp6, $4  }
0x353: {  	[spmem:s28] =	stream.linear.scatter [tilespmem:s29], [sflag:$0x9], $0x380, $0x38;
	[tilespmem:$0x1FF00] =	vst v63  }
0x354: {  	_ =	swait.ge [sflag:s13], $0x380  }
0x355: {  	[sflag:s13] =	ssyncset.done $0x0  }
0x356: {  	[sflag:s13] =	ssyncadd.s32 $0xFFFFFC80  }
0x357: {  	s0 =	rddreg [dreg:$0x3];
	s28 =	simm.s32 $0x0;
	s1 =	simm.s32 $0xE000  }
0x358: {  	[tilespmem:s1], [sflag:$0x9] =	stream.linear.gather [hbm4b:s0+s28], $0xF00, $0x38;
	[tilespmem:$0x1FF00] =	vst v63  }
0x359: {  	_ =	swait.ge [sflag:s13], $0xF00  }
0x35a: {  	s9 =	sld [smem:$0x7F3]  }
0x35b: {  	[sflag:s13] =	ssyncset.done $0x0  }
0x35c: {  	[sflag:s13] =	ssyncadd.s32 $0xFFFFF100  }
0x35d: {  	[spmem:s9] =	stream.linear.scatter [tilespmem:s1], [sflag:$0x9], $0x220, $0x38;
	[tilespmem:$0x1FF00] =	vst v63  }
0x35e: {  	_ =	swait.ge [sflag:s13], $0x220  }
0x35f: {  	s10 =	sld [smem:$0x7F4]  }
0x360: {  	[sflag:s13] =	ssyncset.done $0x0  }
0x361: {  	s11 =	simm.s32 $0xE220;
	[sflag:s13] =	ssyncadd.s32 $0xFFFFFDE0  }
0x362: {  	[spmem:s10] =	stream.linear.scatter [tilespmem:s11], [sflag:$0x9], $0x220, $0x38;
	[tilespmem:$0x1FF00] =	vst v63  }
0x363: {  	_ =	swait.ge [sflag:s13], $0x220  }
0x364: {  	s12 =	sld [smem:$0x7F5]  }
0x365: {  	[sflag:s13] =	ssyncset.done $0x0  }
0x366: {  	s14 =	simm.s32 $0xE440;
	[sflag:s13] =	ssyncadd.s32 $0xFFFFFDE0  }
0x367: {  	[spmem:s12] =	stream.linear.scatter [tilespmem:s14], [sflag:$0x9], $0x220, $0x38;
	[tilespmem:$0x1FF00] =	vst v63  }
0x368: {  	_ =	swait.ge [sflag:s13], $0x220  }
0x369: {  	s15 =	sld [smem:$0x7F6]  }
0x36a: {  	[sflag:s13] =	ssyncset.done $0x0  }
0x36b: {  	s16 =	simm.s32 $0xE660;
	[sflag:s13] =	ssyncadd.s32 $0xFFFFFDE0  }
0x36c: {  	[spmem:s15] =	stream.linear.scatter [tilespmem:s16], [sflag:$0x9], $0x220, $0x38;
	[tilespmem:$0x1FF00] =	vst v63  }
0x36d: {  	_ =	swait.ge [sflag:s13], $0x220  }
0x36e: {  	s17 =	sld [smem:$0x7F7]  }
0x36f: {  	[sflag:s13] =	ssyncset.done $0x0  }
0x370: {  	s18 =	simm.s32 $0xE880;
	[sflag:s13] =	ssyncadd.s32 $0xFFFFFDE0  }
0x371: {  	[spmem:s17] =	stream.linear.scatter [tilespmem:s18], [sflag:$0x9], $0x220, $0x38;
	[tilespmem:$0x1FF00] =	vst v63  }
0x372: {  	_ =	swait.ge [sflag:s13], $0x220  }
0x373: {  	s19 =	sld [smem:$0x7F8]  }
0x374: {  	[sflag:s13] =	ssyncset.done $0x0  }
0x375: {  	s21 =	simm.s32 $0xEAA0;
	[sflag:s13] =	ssyncadd.s32 $0xFFFFFDE0  }
0x376: {  	[spmem:s19] =	stream.linear.scatter [tilespmem:s21], [sflag:$0x9], $0x220, $0x38;
	[tilespmem:$0x1FF00] =	vst v63  }
0x377: {  	_ =	swait.ge [sflag:s13], $0x220  }
0x378: {  	s25 =	sld [smem:$0x7F9]  }
0x379: {  	[sflag:s13] =	ssyncset.done $0x0  }
.Ltmp7:
0x37a: {  	s29 =	simm.s32 $0xECC0;
	[sflag:s13] =	ssyncadd.s32 $0xFFFFFDE0;
	(pc) =	sbr.rel .LBB2_18-.Ltmp7, $4  }
0x37b: {  	[spmem:s25] =	stream.linear.scatter [tilespmem:s29], [sflag:$0x9], $0x220, $0x38;
	[tilespmem:$0x1FF00] =	vst v63  }
0x37c: {  	_ =	swait.ge [sflag:s13], $0x220  }
0x37d: {  	[sflag:s13] =	ssyncset.done $0x0  }
0x37e: {  	[sflag:s13] =	ssyncadd.s32 $0xFFFFFDE0  }
.LBB2_14:
0x37f: {  	s0 =	sld [smem:$0x7E9];
	_ =	sdelay $0x1  }
0x380: {  	s1 =	simm.s32 $0x0;
	s25 =	simm.s32 $0x0  }
0x381: {  	[tilespmem:s11], [sflag:$0x9] =	stream.linear.gather [hbm4b:s0+s1], $0x1C00, $0x38;
	[tilespmem:$0x1FF00] =	vst v63  }
0x382: {  	s2 =	sand.u32 $0x60, s25;
	s3 =	sand.u32 $0x1C00, s1;
	_ =	swait.ge [sflag:s13], $0x1C00  }
0x383: {  	s3 =	sadd.s32 $0xAB80, s3;
	s4 =	sor.u32 $0x10, s2;
	[sflag:s13] =	ssyncset.done $0x0  }
0x384: {  	s6 =	sor.u32 s4, s3;
	[sflag:s13] =	ssyncadd.s32 $0xFFFFE400  }
0x385: {  	s5 =	sor.u32 s2, s3;
	v1 =	vld [tilespmem:s6+$0x0]  }
0x386: {  	v2 =	vld [tilespmem:s5+$0x0];
	_ =	sdelay $0x1  }
0x387: {  	s0 =	sand.u32 $0x380, s25  }
0x388: {  	s7 =	sor.u32 s0, s4  }
0x389: {  	s28 =	simm.s32 $0xC780;
	[tilespmem:s7+$0xC780] =	vst v1  }
0x38a: {  	[tilespmem:s28+$0x0] =	vst v2;
	v1 =	vld [tilespmem:s6+$0x80]  }
0x38b: {  	s29 =	simm.s32 $0x20;
	s10 =	simm.s32 $0x100;
	v2 =	vld [tilespmem:s5+$0x80]  }
0x38c: {  	s12 =	sand.u32 $0x60, s29;
	s2 =	sand.u32 $0x1C00, s10  }
0x38d: {  	s8 =	sor.u32 $0x10, s12;
	s2 =	sadd.s32 $0xAB80, s2  }
0x38e: {  	s16 =	sor.u32 s8, s2  }
0x38f: {  	s11 =	simm.s32 $0xCB00;
	v3 =	vld [tilespmem:s16+$0x0];
	[tilespmem:s7+$0xCB00] =	vst v1  }
0x390: {  	[tilespmem:s11+$0x0] =	vst v2;
	v1 =	vld [tilespmem:s6+$0x100]  }
0x391: {  	s9 =	sor.u32 s12, s2;
	v2 =	vld [tilespmem:s5+$0x100]  }
0x392: {  	s0 =	sand.u32 $0x380, s29;
	v4 =	vld [tilespmem:s9+$0x0]  }
0x393: {  	s0 =	sor.u32 s0, s8  }
0x394: {  	[tilespmem:s0+$0xC780] =	vst v3  }
0x395: {  	s14 =	simm.s32 $0xCE80;
	v3 =	vld [tilespmem:s16+$0x80];
	[tilespmem:s7+$0xCE80] =	vst v1  }
0x396: {  	s15 =	simm.s32 $0xC7A0;
	[tilespmem:s14+$0x0] =	vst v2;
	v1 =	vld [tilespmem:s6+$0x180]  }
0x397: {  	[tilespmem:s15+$0x0] =	vst v4;
	v2 =	vld [tilespmem:s5+$0x180]  }
0x398: {  	v4 =	vld [tilespmem:s9+$0x80];
	_ =	sdelay $0x1  }
0x399: {  	[tilespmem:s0+$0xCB00] =	vst v3  }
0x39a: {  	s17 =	simm.s32 $0xD200;
	s18 =	simm.s32 $0x40;
	s2 =	simm.s32 $0x200;
	v3 =	vld [tilespmem:s16+$0x100];
	[tilespmem:s7+$0xD200] =	vst v1  }
0x39b: {  	s19 =	simm.s32 $0xCB20;
	s10 =	sand.u32 $0x60, s18;
	s21 =	sand.u32 $0x1C00, s2;
	[tilespmem:s17+$0x0] =	vst v2;
	v1 =	vld [tilespmem:s6+$0x200]  }
0x39c: {  	s12 =	sadd.s32 $0xAB80, s21;
	[tilespmem:s19+$0x0] =	vst v4;
	s14 =	sor.u32 $0x10, s10;
	v2 =	vld [tilespmem:s5+$0x200]  }
0x39d: {  	v4 =	vld [tilespmem:s9+$0x100];
	s4 =	sor.u32 s14, s12  }
0x39e: {  	s3 =	sor.u32 s10, s12;
	v5 =	vld [tilespmem:s4+$0x0]  }
0x39f: {  	v6 =	vld [tilespmem:s3+$0x0];
	[tilespmem:s0+$0xCE80] =	vst v3  }
0x3a0: {  	s25 =	simm.s32 $0xD580;
	v3 =	vld [tilespmem:s16+$0x180];
	[tilespmem:s7+$0xD580] =	vst v1  }
0x3a1: {  	s28 =	sand.u32 $0x380, s18;
	s10 =	simm.s32 $0xCEA0;
	[tilespmem:s25+$0x0] =	vst v2;
	v1 =	vld [tilespmem:s6+$0x280]  }
0x3a2: {  	s29 =	sand.u32 $0x3, s1;
	s1 =	sor.u32 s28, s14;
	[tilespmem:s10+$0x0] =	vst v4;
	v2 =	vld [tilespmem:s5+$0x280]  }
0x3a3: {  	s11 =	sshll.u32 s29, $0x5;
	s12 =	simm.s32 $0xC7C0;
	v4 =	vld [tilespmem:s9+$0x180];
	[tilespmem:s1+$0xC780] =	vst v5  }
0x3a4: {  	[tilespmem:s12+$0x0] =	vst v6;
	v5 =	vld [tilespmem:s4+$0x80];
	s5 =	sadd.s32 $0x0, s11  }
0x3a5: {  	v6 =	vld [tilespmem:s3+$0x80];
	[tilespmem:s0+$0xD200] =	vst v3;
	s14 =	sadd.s32 $0x10, s5  }
0x3a6: {  	s15 =	simm.s32 $0xD900;
	v3 =	vld [tilespmem:s16+$0x200];
	s6 =	sor.u32 $0x300, s14;
	[tilespmem:s7+$0xD900] =	vst v1  }
0x3a7: {  	s17 =	simm.s32 $0xD220;
	s5 =	sor.u32 $0x300, s5;
	[tilespmem:s15+$0x0] =	vst v2;
	v1 =	vld [tilespmem:s6+$0xAB80]  }
0x3a8: {  	s10 =	simm.s32 $0x60;
	[tilespmem:s17+$0x0] =	vst v4;
	s14 =	simm.s32 $0x300;
	v2 =	vld [tilespmem:s5+$0xAB80]  }
0x3a9: {  	s12 =	simm.s32 $0xCB40;
	s18 =	sand.u32 $0x60, s10;
	v4 =	vld [tilespmem:s9+$0x200];
	[tilespmem:s1+$0xCB00] =	vst v5;
	s19 =	sand.u32 $0x1C00, s14  }
0x3aa: {  	s17 =	sor.u32 $0x10, s18;
	[tilespmem:s12+$0x0] =	vst v6;
	v5 =	vld [tilespmem:s4+$0x100];
	s15 =	sadd.s32 $0xAB80, s19  }
0x3ab: {  	v6 =	vld [tilespmem:s3+$0x100];
	[tilespmem:s0+$0xD580] =	vst v3;
	s6 =	sor.u32 s17, s15  }
0x3ac: {  	s5 =	simm.s32 $0xDC80;
	s15 =	sor.u32 s18, s15;
	[tilespmem:s7+$0xDC80] =	vst v1;
	v1 =	vld [tilespmem:s6+$0x0]  }
0x3ad: {  	s8 =	simm.s32 $0xD5A0;
	[tilespmem:s5+$0x0] =	vst v2;
	v2 =	vld [tilespmem:s15+$0x0]  }
0x3ae: {  	[tilespmem:s8+$0x0] =	vst v4;
	v7 =	vld [tilespmem:s16+$0x280];
	s16 =	simm.s32 $0x1  }
0x3af: {  	s21 =	sand.u32 $0x380, s10;
	v8 =	vld [tilespmem:s9+$0x280];
	s19 =	sand.u32 $0x3, s16;
	[tilespmem:s1+$0xCE80] =	vst v5;
	s18 =	simm.s32 $0xCEC0  }
0x3b0: {  	s25 =	sshll.u32 s19, $0x5;
	[tilespmem:s18+$0x0] =	vst v6;
	v6 =	vld [tilespmem:s4+$0x180];
	s7 =	sor.u32 s21, s17  }
0x3b1: {  	s28 =	sadd.s32 $0x100, s25;
	v3 =	vld [tilespmem:s3+$0x180];
	s21 =	simm.s32 $0xC7E0;
	[tilespmem:s7+$0xC780] =	vst v1  }
0x3b2: {  	s9 =	sadd.s32 $0x10, s28;
	[tilespmem:s21+$0x0] =	vst v2;
	v5 =	vld [tilespmem:s6+$0x80]  }
0x3b3: {  	[tilespmem:s0+$0xD900] =	vst v7;
	s29 =	sor.u32 $0x300, s9;
	s9 =	simm.s32 $0xD920;
	v4 =	vld [tilespmem:s15+$0x80]  }
0x3b4: {  	[tilespmem:s9+$0x0] =	vst v8;
	s17 =	sor.u32 $0x300, s28;
	v2 =	vld [tilespmem:s29+$0xAB80]  }
0x3b5: {  	s19 =	simm.s32 $0xD240;
	[tilespmem:s1+$0xD200] =	vst v6;
	v1 =	vld [tilespmem:s17+$0xAB80];
	s17 =	simm.s32 $0x300  }
.LBB2_15:
0x3b6: {  	s10 =	sadd.s32 $0x20, s10;
	s14 =	sadd.s32 $0x100, s14;
	[tilespmem:s19+$0x0] =	vst v3;
	v3 =	vld [tilespmem:s4+$0x200];
	s12 =	sadd.s32 $0x20, s12  }
0x3b7: {  	s25 =	sand.u32 $0x60, s10;
	s28 =	sand.u32 $0x1C00, s14;
	p1 =	slt.u32 s10, $0x360;
	[tilespmem:s7+$0xCB00] =	vst v5;
	v5 =	vld [tilespmem:s3+$0x200]  }
0x3b8: {  	s28 =	sadd.s32 $0xAB80, s28;
	s29 =	sor.u32 $0x10, s25;
	[tilespmem:s12+$0x0] =	vst v4;
	v4 =	vld [tilespmem:s6+$0x100]  }
0x3b9: {  	s5 =	sadd.s32 $0x20, s5;
	s25 =	sor.u32 s25, s28;
	s28 =	sor.u32 s29, s28;
	v6 =	vld [tilespmem:s15+$0x100];
	[tilespmem:s0+$0xDC80] =	vst v2  }
0x3ba: {  	s0 =	smov.u32 s1;
	s1 =	smov.u32 s7;
	v2 =	vld [tilespmem:s28+$0x0];
	[tilespmem:s5+$0x0] =	vst v1  }
0x3bb: {  	s8 =	sadd.s32 $0x20, s8;
	v1 =	vld [tilespmem:s25+$0x0];
	[tilespmem:s0+$0xD580] =	vst v3  }
0x3bc: {  	s16 =	sadd.s32 $0x1, s16;
	[tilespmem:s8+$0x0] =	vst v5;
	v7 =	vld [tilespmem:s4+$0x280];
	s4 =	smov.u32 s6;
	s6 =	smov.u32 s28  }
0x3bd: {  	s18 =	sadd.s32 $0x20, s18;
	s7 =	sand.u32 $0x380, s10;
	s28 =	sand.u32 $0x3, s16;
	[tilespmem:s1+$0xCE80] =	vst v4;
	v8 =	vld [tilespmem:s3+$0x280]  }
0x3be: {  	s7 =	sor.u32 s7, s29;
	s28 =	sshll.u32 s28, $0x5;
	s3 =	smov.u32 s15;
	[tilespmem:s18+$0x0] =	vst v6;
	v6 =	vld [tilespmem:s4+$0x180]  }
.Ltmp8:
0x3bf: {  	s21 =	sadd.s32 $0x20, s21;
	s2 =	sadd.s32 s28, s2;
	[tilespmem:s7+$0xC780] =	vst v2;
	v3 =	vld [tilespmem:s3+$0x180];
	(pc) =	sbr.rel @p1 .LBB2_15-.Ltmp8, $4  }
0x3c0: {  	s28 =	sor.u32 $0x300, s2;
	s15 =	sadd.s32 $0x10, s2;
	s2 =	smov.u32 s17;
	[tilespmem:s21+$0x0] =	vst v1;
	v5 =	vld [tilespmem:s6+$0x80]  }
0x3c1: {  	s9 =	sadd.s32 $0x20, s9;
	s17 =	smov.u32 s14;
	s15 =	sor.u32 $0x300, s15;
	v4 =	vld [tilespmem:s25+$0x80];
	[tilespmem:s0+$0xD900] =	vst v7  }
0x3c2: {  	[tilespmem:s9+$0x0] =	vst v8;
	v2 =	vld [tilespmem:s15+$0xAB80];
	s15 =	smov.u32 s25  }
0x3c3: {  	s19 =	sadd.s32 $0x20, s19;
	[tilespmem:s1+$0xD200] =	vst v6;
	v1 =	vld [tilespmem:s28+$0xAB80]  }
0x3c4: {  	_ = 	snop  }
0x3c5: {  	s10 =	sadd.s32 $0x20, s12;
	[tilespmem:s7+$0xCB00] =	vst v5  }
0x3c6: {  	v5 =	vld [tilespmem:s6+$0x100];
	[tilespmem:s10+$0x0] =	vst v4  }
0x3c7: {  	v4 =	vld [tilespmem:s15+$0x100];
	_ =	sdelay $0x3  }
0x3c8: {  	s11 =	sadd.s32 $0x20, s18;
	[tilespmem:s7+$0xCE80] =	vst v5  }
0x3c9: {  	v5 =	vld [tilespmem:s6+$0x180];
	[tilespmem:s11+$0x0] =	vst v4  }
0x3ca: {  	v4 =	vld [tilespmem:s15+$0x180];
	_ =	sdelay $0x1  }
0x3cb: {  	[tilespmem:s19+$0x0] =	vst v3  }
0x3cc: {  	v3 =	vld [tilespmem:s3+$0x200]  }
0x3cd: {  	v6 =	vld [tilespmem:s4+$0x200];
	s12 =	sadd.s32 $0x20, s19;
	[tilespmem:s7+$0xD200] =	vst v5  }
0x3ce: {  	v5 =	vld [tilespmem:s6+$0x200];
	[tilespmem:s12+$0x0] =	vst v4  }
0x3cf: {  	v4 =	vld [tilespmem:s15+$0x200]  }
0x3d0: {  	s8 =	sadd.s32 $0x20, s8  }
0x3d1: {  	[tilespmem:s8+$0x0] =	vst v3  }
0x3d2: {  	[tilespmem:s1+$0xD580] =	vst v6;
	v3 =	vld [tilespmem:s3+$0x280]  }
0x3d3: {  	s14 =	sadd.s32 $0x1, s16;
	v6 =	vld [tilespmem:s4+$0x280];
	s8 =	sadd.s32 $0x20, s8;
	[tilespmem:s7+$0xD580] =	vst v5  }
0x3d4: {  	s16 =	sand.u32 $0x3, s14;
	s4 =	sadd.s32 $0x1, s14;
	v5 =	vld [tilespmem:s6+$0x280];
	[tilespmem:s8+$0x0] =	vst v4  }
0x3d5: {  	s4 =	sand.u32 $0x3, s4;
	s6 =	sshll.u32 s16, $0x5;
	v4 =	vld [tilespmem:s15+$0x280]  }
0x3d6: {  	s29 =	sadd.s32 $0x20, s9;
	s18 =	sshll.u32 s4, $0x5;
	s2 =	sadd.s32 s6, s2  }
0x3d7: {  	s3 =	sadd.s32 s18, s17;
	[tilespmem:s29+$0x0] =	vst v3;
	s19 =	sadd.s32 $0x10, s2;
	s2 =	sor.u32 $0x300, s2  }
0x3d8: {  	s21 =	sadd.s32 $0x10, s3;
	[tilespmem:s1+$0xD900] =	vst v6;
	s4 =	sor.u32 $0x300, s19;
	v3 =	vld [tilespmem:s2+$0xAB80]  }
0x3d9: {  	s25 =	sor.u32 $0x300, s21;
	v6 =	vld [tilespmem:s4+$0xAB80];
	s4 =	sadd.s32 $0x20, s29;
	[tilespmem:s7+$0xD900] =	vst v5  }
0x3da: {  	s6 =	sor.u32 $0x300, s3;
	v5 =	vld [tilespmem:s25+$0xAB80];
	[tilespmem:s4+$0x0] =	vst v4  }
0x3db: {  	[tilespmem:s0+$0xDC80] =	vst v2;
	s8 =	sadd.s32 $0x20, s5;
	v2 =	vld [tilespmem:s6+$0xAB80]  }
0x3dc: {  	[tilespmem:s8+$0x0] =	vst v1;
	s0 =	sadd.s32 $0x20, s8  }
0x3dd: {  	[tilespmem:s0+$0x0] =	vst v3  }
0x3de: {  	[tilespmem:s1+$0xDC80] =	vst v6  }
0x3df: {  	s0 =	sadd.s32 $0x20, s0;
	[tilespmem:s7+$0xDC80] =	vst v5  }
0x3e0: {  	[tilespmem:s0+$0x0] =	vst v2  }
0x3e1: {  	s0 =	sld [smem:$0x7EA];
	_ =	sdelay $0x1  }
0x3e2: {  	s9 =	simm.s32 $0xC780  }
0x3e3: {  	[spmem:s0] =	stream.linear.scatter [tilespmem:s9], [sflag:$0x9], $0x380, $0x38;
	[tilespmem:$0x1FF00] =	vst v63  }
0x3e4: {  	_ =	swait.ge [sflag:s13], $0x380  }
0x3e5: {  	s10 =	sld [smem:$0x7EB]  }
0x3e6: {  	[sflag:s13] =	ssyncset.done $0x0  }
0x3e7: {  	s11 =	simm.s32 $0xCB00;
	[sflag:s13] =	ssyncadd.s32 $0xFFFFFC80  }
0x3e8: {  	[spmem:s10] =	stream.linear.scatter [tilespmem:s11], [sflag:$0x9], $0x380, $0x38;
	[tilespmem:$0x1FF00] =	vst v63  }
0x3e9: {  	_ =	swait.ge [sflag:s13], $0x380  }
0x3ea: {  	s12 =	sld [smem:$0x7EC]  }
0x3eb: {  	[sflag:s13] =	ssyncset.done $0x0  }
0x3ec: {  	s14 =	simm.s32 $0xCE80;
	[sflag:s13] =	ssyncadd.s32 $0xFFFFFC80  }
0x3ed: {  	[spmem:s12] =	stream.linear.scatter [tilespmem:s14], [sflag:$0x9], $0x380, $0x38;
	[tilespmem:$0x1FF00] =	vst v63  }
0x3ee: {  	_ =	swait.ge [sflag:s13], $0x380  }
0x3ef: {  	s15 =	sld [smem:$0x7ED]  }
0x3f0: {  	[sflag:s13] =	ssyncset.done $0x0  }
0x3f1: {  	s16 =	simm.s32 $0xD200;
	[sflag:s13] =	ssyncadd.s32 $0xFFFFFC80  }
0x3f2: {  	[spmem:s15] =	stream.linear.scatter [tilespmem:s16], [sflag:$0x9], $0x380, $0x38;
	[tilespmem:$0x1FF00] =	vst v63  }
0x3f3: {  	_ =	swait.ge [sflag:s13], $0x380  }
0x3f4: {  	s17 =	sld [smem:$0x7EE]  }
0x3f5: {  	[sflag:s13] =	ssyncset.done $0x0  }
0x3f6: {  	s18 =	simm.s32 $0xD580;
	[sflag:s13] =	ssyncadd.s32 $0xFFFFFC80  }
0x3f7: {  	[spmem:s17] =	stream.linear.scatter [tilespmem:s18], [sflag:$0x9], $0x380, $0x38;
	[tilespmem:$0x1FF00] =	vst v63  }
0x3f8: {  	_ =	swait.ge [sflag:s13], $0x380  }
0x3f9: {  	s19 =	sld [smem:$0x7EF]  }
0x3fa: {  	[sflag:s13] =	ssyncset.done $0x0  }
0x3fb: {  	s21 =	simm.s32 $0xD900;
	[sflag:s13] =	ssyncadd.s32 $0xFFFFFC80  }
0x3fc: {  	[spmem:s19] =	stream.linear.scatter [tilespmem:s21], [sflag:$0x9], $0x380, $0x38;
	[tilespmem:$0x1FF00] =	vst v63  }
0x3fd: {  	_ =	swait.ge [sflag:s13], $0x380  }
0x3fe: {  	s25 =	sld [smem:$0x7F0]  }
0x3ff: {  	[sflag:s13] =	ssyncset.done $0x0  }
0x400: {  	s29 =	simm.s32 $0xDC80;
	[sflag:s13] =	ssyncadd.s32 $0xFFFFFC80  }
0x401: {  	[spmem:s25] =	stream.linear.scatter [tilespmem:s29], [sflag:$0x9], $0x380, $0x38;
	[tilespmem:$0x1FF00] =	vst v63  }
0x402: {  	_ =	swait.ge [sflag:s13], $0x380  }
0x403: {  	[sflag:s13] =	ssyncset.done $0x0  }
0x404: {  	s28 =	simm.s32 $0x0;
	[sflag:s13] =	ssyncadd.s32 $0xFFFFFC80  }
.LBB2_18:
0x405: {  	[bflag:$0x0] =	sbarrier.arrive $0xFFFF;
	s1 =	simm.s32 $0x0  }
0x406: {  	s2 =	simm.s32 $0xEF00;
	p1 =	por $0x0, $0x0;
	s3 =	simm.s32 $0x1  }
0x407: {  	s4 =	simm.s32 $0x10;
	s5 =	simm.s32 $0x20;
	s9 =	simm.s32 $0x30  }
0x408: {  	s0 =	sld [smem:$0x7FA];
	s3 =	simm.s32 @!p1 $0x0;
	s6 =	sand.u32 $0x3, s1  }
0x409: {  	s4 =	sand.u32 $0x50, s4;
	s5 =	sand.u32 $0x60, s5;
	s8 =	sand.u32 $0x700, s1  }
0x40a: {  	s9 =	sand.u32 $0x70, s9;
	s19 =	sand.u32 $0x7, s1;
	p1 =	por !p1, !p1  }
0x40b: {  	[tilespmem:s2], [sflag:$0x9] =	stream.linear.gather [hbm4b:s0+s1], $0x800, $0x38;
	[tilespmem:$0x1FF00] =	vst v63  }
0x40c: {  	s6 =	sshll.u32 s6, $0x5;
	s8 =	sadd.s32 $0xEF00, s8;
	_ =	swait.ge [sflag:s13], $0x800  }
0x40d: {  	s3 =	sshll.u32 s3, $0x6;
	s21 =	sshll.u32 s19, $0x4;
	[sflag:s13] =	ssyncset.done $0x0  }
0x40e: {  	s9 =	sor.u32 s9, s8;
	s2 =	simm.s32 $0x0;
	[sflag:s13] =	ssyncadd.s32 $0xFFFFF800  }
0x40f: {  	s6 =	sadd.s32 $0x0, s6;
	s4 =	sor.u32 s4, s8;
	s7 =	sand.u32 $0x40, s2;
	v4 =	vld [tilespmem:s9+$0x0]  }
0x410: {  	s3 =	sadd.s32 $0x0, s3;
	s12 =	sor.u32 s5, s8;
	s7 =	sor.u32 s7, s8  }
0x411: {  	s25 =	sadd.s32 $0x0, s21;
	s0 =	simm.s32 $0xFF00;
	s10 =	sadd.s32 $0x20, s6;
	v3 =	vld [tilespmem:s7+$0x0]  }
0x412: {  	s6 =	sor.u32 $0x80, s3;
	s29 =	sadd.s32 $0x10, s25;
	s3 =	sadd.s32 $0x30, s25  }
0x413: {  	s5 =	sor.u32 $0x80, s10;
	s8 =	sor.u32 $0x80, s29;
	v1 =	vld [tilespmem:s4+$0x0];
	s9 =	sor.u32 $0x80, s3  }
0x414: {  	v2 =	vld [tilespmem:s12+$0x0];
	s3 =	simm.s32 $0x2;
	s7 =	simm.s32 $0x0;
	s4 =	simm.s32 $0x0;
	[tilespmem:s0+$0x30] =	vst v4  }
.LBB2_19:
0x415: {  	s10 =	sadd.s32 $0x50, s2  }
0x416: {  	s12 =	sadd.s32 $0x60, s2;
	[tilespmem:s0+$0x0] =	vst v3;
	v3 =	vld [tilespmem:s9+$0xEF00];
	s9 =	smov.u32 s2;
	s2 =	sadd.s32 $0x40, s2  }
0x417: {  	s14 =	simm.s32 $0x1;
	s15 =	sand.u32 $0x3, s3;
	s1 =	sadd.s32 $0x80, s1  }
0x418: {  	s4 =	sadd.s32 $0x4, s4;
	s14 =	simm.s32 @!p1 $0x0;
	v4 =	vld [tilespmem:s6+$0xEF00];
	s6 =	sand.u32 $0x3C0, s7;
	[tilespmem:s0+$0x10] =	vst v1  }
0x419: {  	s7 =	sand.u32 $0x40, s2;
	s10 =	sand.u32 $0x50, s10;
	s12 =	sand.u32 $0x60, s12;
	v1 =	vld [tilespmem:s8+$0xEF00];
	[tilespmem:s0+$0x20] =	vst v2  }
0x41a: {  	s9 =	sadd.s32 $0x70, s9;
	s8 =	sshll.u32 s14, $0x6;
	s14 =	sshll.u32 s15, $0x5;
	v2 =	vld [tilespmem:s5+$0xEF00]  }
0x41b: {  	p2 =	slt.u32 s2, $0x3C0;
	s5 =	sadd.s32 s1, s14;
	s14 =	sand.u32 $0x700, s1  }
0x41c: {  	s9 =	sand.u32 $0x70, s9;
	s14 =	sadd.s32 $0xEF00, s14;
	s5 =	sadd.s32 $0x20, s5;
	[tilespmem:s0+$0x430] =	vst v3  }
0x41d: {  	s7 =	sor.u32 s7, s14;
	s10 =	sor.u32 s10, s14;
	s9 =	sor.u32 s9, s14;
	[tilespmem:s6+$0x10300] =	vst v4  }
0x41e: {  	s5 =	sor.u32 $0x80, s5;
	s6 =	sadd.s32 s8, s1;
	s8 =	sor.u32 s12, s14;
	v4 =	vld [tilespmem:s9+$0x0];
	[tilespmem:s0+$0x410] =	vst v1  }
.Ltmp9:
0x41f: {  	s9 =	sand.u32 $0x7, s4;
	s6 =	sor.u32 $0x80, s6;
	v3 =	vld [tilespmem:s7+$0x0];
	[tilespmem:s0+$0x420] =	vst v2;
	(pc) =	sbr.rel @p2 .LBB2_19-.Ltmp9, $4  }
0x420: {  	s9 =	sshll.u32 s9, $0x4;
	s7 =	smov.u32 s2;
	v1 =	vld [tilespmem:s10+$0x0]  }
0x421: {  	p1 =	por !p1, !p1;
	s9 =	sadd.s32 s9, s1;
	v2 =	vld [tilespmem:s8+$0x0]  }
0x422: {  	s0 =	sadd.s32 $0x40, s0;
	s8 =	sadd.s32 $0x10, s9;
	s9 =	sadd.s32 $0x30, s9  }
0x423: {  	s3 =	sadd.s32 $0x2, s3;
	s8 =	sor.u32 $0x80, s8;
	s9 =	sor.u32 $0x80, s9;
	[tilespmem:s0+$0x30] =	vst v4  }
0x424: {  	[tilespmem:s0+$0x0] =	vst v3;
	v3 =	vld [tilespmem:s9+$0xEF00]  }
0x425: {  	v4 =	vld [tilespmem:s6+$0xEF00];
	[tilespmem:s0+$0x10] =	vst v1  }
0x426: {  	v1 =	vld [tilespmem:s8+$0xEF00];
	[tilespmem:s0+$0x20] =	vst v2  }
0x427: {  	v2 =	vld [tilespmem:s5+$0xEF00];
	_ =	sdelay $0x1  }
0x428: {  	s1 =	sand.u32 $0x3C0, s7;
	[tilespmem:s0+$0x430] =	vst v3  }
0x429: {  	[tilespmem:s1+$0x10300] =	vst v4  }
0x42a: {  	s7 =	rddreg [dreg:$0x6];
	[tilespmem:s0+$0x410] =	vst v1  }
0x42b: {  	s6 =	simm.s32 $0x10F00;
	s5 =	rddreg [dreg:$0x5];
	[tilespmem:s0+$0x420] =	vst v2  }
0x42c: {  	[tilespmem:s6], [sflag:$0x1] =	stream.indirect.gather [spmem:s5], $0x1, s24, s23, $0xb8;
	[tilespmem:$0x1FF00] =	vst v63  }
0x42d: {  	s9 =	rddreg [dreg:$0x7];
	s8 =	simm.s32 $0x11700  }
0x42e: {  	[tilespmem:s8], [sflag:$0x1] =	stream.indirect.gather [spmem:s7], $0x1, s24, s23, $0xb8;
	[tilespmem:$0x1FF00] =	vst v63  }
0x42f: {  	s10 =	simm.s32 $0x11F00;
	s11 =	rddreg [dreg:$0x8]  }
0x430: {  	[tilespmem:s10], [sflag:$0x1] =	stream.indirect.gather [spmem:s9], $0x1, s24, s23, $0xb8;
	[tilespmem:$0x1FF00] =	vst v63  }
0x431: {  	s12 =	simm.s32 $0x12700;
	s13 =	rddreg [dreg:$0x9]  }
0x432: {  	[tilespmem:s12], [sflag:$0x1] =	stream.indirect.gather [spmem:s11], $0x1, s24, s23, $0xb8;
	[tilespmem:$0x1FF00] =	vst v63  }
0x433: {  	s14 =	simm.s32 $0x12F00;
	s15 =	rddreg [dreg:$0xa]  }
0x434: {  	[tilespmem:s14], [sflag:$0x1] =	stream.indirect.gather [spmem:s13], $0x1, s24, s23, $0xb8;
	[tilespmem:$0x1FF00] =	vst v63  }
0x435: {  	s16 =	simm.s32 $0x13700;
	s17 =	rddreg [dreg:$0xb]  }
0x436: {  	[tilespmem:s16], [sflag:$0x1] =	stream.indirect.gather [spmem:s15], $0x1, s24, s23, $0xb8;
	[tilespmem:$0x1FF00] =	vst v63  }
0x437: {  	s18 =	simm.s32 $0x13F00;
	s19 =	sld [smem:$0x7FB]  }
0x438: {  	[tilespmem:s18], [sflag:$0x1] =	stream.indirect.gather [spmem:s17], $0x1, s24, s23, $0xb8;
	[tilespmem:$0x1FF00] =	vst v63  }
0x439: {  	s2 =	simm.s32 $0x0;
	s21 =	simm.s32 $0xF700;
	s25 =	sld [smem:$0x7F1]  }
0x43a: {  	[tilespmem:s21], [sflag:$0x4] =	stream.linear.gather [hbm4b:s19+s2], $0x800, $0x38;
	[tilespmem:$0x1FF00] =	vst v63  }
0x43b: {  	s29 =	simm.s32 $0x17F00  }
0x43c: {  	[tilespmem:s29], [sflag:$0x5] =	stream.linear.gather [hbm4b:s25+s2], $0x2000, $0x38;
	[tilespmem:$0x1FF00] =	vst v63  }
0x43d: {  	s25 =	simm.s32 $0x0  }
.LBB2_21:
0x43e: {  	s0 =	simm.s32 $0x4  }
0x43f: {  	p1 =	por $0x0, $0x0;
	s1 =	simm.s32 $0x0;
	s2 =	simm.s32 $0x10  }
0x440: {  	s3 =	simm.s32 $0x1;
	s4 =	simm.s32 $0x20;
	s10 =	simm.s32 $0x0  }
0x441: {  	s8 =	simm.s32 $0x30;
	_ =	swait.ge [sflag:s0], $0x800;
	s3 =	simm.s32 @!p1 $0x0  }
0x442: {  	s5 =	sand.u32 $0x3, s10;
	s6 =	sand.u32 $0x40, s1;
	s2 =	sand.u32 $0x50, s2  }
0x443: {  	s4 =	sand.u32 $0x60, s4;
	s7 =	sand.u32 $0x700, s10;
	s8 =	sand.u32 $0x70, s8  }
0x444: {  	s19 =	sand.u32 $0x7, s10;
	p1 =	por !p1, !p1;
	[sflag:s0] =	ssyncset.done $0x0  }
0x445: {  	s5 =	sshll.u32 s5, $0x5;
	s7 =	sadd.s32 $0xF700, s7;
	s3 =	sshll.u32 s3, $0x6  }
0x446: {  	s21 =	sshll.u32 s19, $0x4;
	[sflag:s0] =	ssyncadd.s32 $0xFFFFF800;
	s8 =	sor.u32 s8, s7  }
0x447: {  	s0 =	simm.s32 $0x10700;
	s5 =	sadd.s32 $0x0, s5;
	s9 =	sor.u32 s6, s7;
	v4 =	vld [tilespmem:s8+$0x0]  }
0x448: {  	s2 =	sor.u32 s2, s7;
	s3 =	sadd.s32 $0x0, s3;
	s4 =	sor.u32 s4, s7  }
0x449: {  	s29 =	sadd.s32 $0x0, s21;
	s5 =	sadd.s32 $0x20, s5;
	s6 =	sor.u32 $0x80, s3;
	v3 =	vld [tilespmem:s9+$0x0]  }
0x44a: {  	s7 =	sadd.s32 $0x10, s29;
	s3 =	sadd.s32 $0x30, s29;
	v1 =	vld [tilespmem:s2+$0x0];
	s2 =	simm.s32 $0x2  }
0x44b: {  	v2 =	vld [tilespmem:s4+$0x0];
	s4 =	simm.s32 $0x0;
	s5 =	sor.u32 $0x80, s5;
	s8 =	sor.u32 $0x80, s7  }
0x44c: {  	s9 =	sor.u32 $0x80, s3;
	s7 =	simm.s32 $0x0;
	s3 =	simm.s32 $0x0;
	[tilespmem:s0+$0x30] =	vst v4  }
.LBB2_22:
0x44d: {  	s10 =	sadd.s32 $0x50, s1  }
0x44e: {  	s12 =	sadd.s32 $0x60, s1;
	[tilespmem:s0+$0x0] =	vst v3;
	v3 =	vld [tilespmem:s9+$0xF700];
	s9 =	smov.u32 s1;
	s1 =	sadd.s32 $0x40, s1  }
0x44f: {  	s14 =	simm.s32 $0x1;
	s15 =	sand.u32 $0x3, s2;
	s3 =	sadd.s32 $0x80, s3  }
0x450: {  	s4 =	sadd.s32 $0x4, s4;
	s14 =	simm.s32 @!p1 $0x0;
	v4 =	vld [tilespmem:s6+$0xF700];
	s6 =	sand.u32 $0x3C0, s7;
	[tilespmem:s0+$0x10] =	vst v1  }
0x451: {  	s7 =	sand.u32 $0x40, s1;
	s10 =	sand.u32 $0x50, s10;
	s12 =	sand.u32 $0x60, s12;
	v1 =	vld [tilespmem:s8+$0xF700];
	[tilespmem:s0+$0x20] =	vst v2  }
0x452: {  	s9 =	sadd.s32 $0x70, s9;
	s8 =	sshll.u32 s14, $0x6;
	s14 =	sshll.u32 s15, $0x5;
	v2 =	vld [tilespmem:s5+$0xF700]  }
0x453: {  	p2 =	slt.u32 s1, $0x3C0;
	s5 =	sadd.s32 s3, s14;
	s14 =	sand.u32 $0x700, s3  }
0x454: {  	s9 =	sand.u32 $0x70, s9;
	s14 =	sadd.s32 $0xF700, s14;
	s5 =	sadd.s32 $0x20, s5;
	[tilespmem:s0+$0x430] =	vst v3  }
0x455: {  	s7 =	sor.u32 s7, s14;
	s10 =	sor.u32 s10, s14;
	s9 =	sor.u32 s9, s14;
	[tilespmem:s6+$0x10B00] =	vst v4  }
0x456: {  	s5 =	sor.u32 $0x80, s5;
	s6 =	sadd.s32 s8, s3;
	s8 =	sor.u32 s12, s14;
	v4 =	vld [tilespmem:s9+$0x0];
	[tilespmem:s0+$0x410] =	vst v1  }
.Ltmp10:
0x457: {  	s9 =	sand.u32 $0x7, s4;
	s6 =	sor.u32 $0x80, s6;
	v3 =	vld [tilespmem:s7+$0x0];
	[tilespmem:s0+$0x420] =	vst v2;
	(pc) =	sbr.rel @p2 .LBB2_22-.Ltmp10, $4  }
0x458: {  	s9 =	sshll.u32 s9, $0x4;
	s7 =	smov.u32 s1;
	v1 =	vld [tilespmem:s10+$0x0]  }
0x459: {  	p1 =	por !p1, !p1;
	s9 =	sadd.s32 s9, s3;
	v2 =	vld [tilespmem:s8+$0x0]  }
0x45a: {  	s0 =	sadd.s32 $0x40, s0;
	s8 =	sadd.s32 $0x10, s9;
	s9 =	sadd.s32 $0x30, s9  }
0x45b: {  	s2 =	sadd.s32 $0x2, s2;
	s8 =	sor.u32 $0x80, s8;
	s9 =	sor.u32 $0x80, s9;
	[tilespmem:s0+$0x30] =	vst v4  }
0x45c: {  	[tilespmem:s0+$0x0] =	vst v3;
	v3 =	vld [tilespmem:s9+$0xF700]  }
0x45d: {  	v4 =	vld [tilespmem:s6+$0xF700];
	[tilespmem:s0+$0x10] =	vst v1  }
0x45e: {  	v1 =	vld [tilespmem:s8+$0xF700];
	[tilespmem:s0+$0x20] =	vst v2  }
0x45f: {  	v2 =	vld [tilespmem:s5+$0xF700];
	_ =	sdelay $0x1  }
0x460: {  	s1 =	sand.u32 $0x3C0, s7;
	[tilespmem:s0+$0x430] =	vst v3  }
0x461: {  	[tilespmem:s1+$0x10B00] =	vst v4  }
0x462: {  	s7 =	rddreg [dreg:$0x6];
	[tilespmem:s0+$0x410] =	vst v1  }
0x463: {  	s6 =	simm.s32 $0x14700;
	s5 =	rddreg [dreg:$0x5];
	[tilespmem:s0+$0x420] =	vst v2  }
0x464: {  	[tilespmem:s6], [sflag:$0x2] =	stream.indirect.gather [spmem:s5], $0x1, s20, s23, $0xb8;
	[tilespmem:$0x1FF00] =	vst v63  }
0x465: {  	s9 =	rddreg [dreg:$0x7];
	s8 =	simm.s32 $0x14F00  }
0x466: {  	[tilespmem:s8], [sflag:$0x2] =	stream.indirect.gather [spmem:s7], $0x1, s20, s23, $0xb8;
	[tilespmem:$0x1FF00] =	vst v63  }
0x467: {  	s10 =	simm.s32 $0x15700;
	s11 =	rddreg [dreg:$0x8]  }
0x468: {  	[tilespmem:s10], [sflag:$0x2] =	stream.indirect.gather [spmem:s9], $0x1, s20, s23, $0xb8;
	[tilespmem:$0x1FF00] =	vst v63  }
0x469: {  	s12 =	simm.s32 $0x15F00;
	s13 =	rddreg [dreg:$0x9]  }
0x46a: {  	[tilespmem:s12], [sflag:$0x2] =	stream.indirect.gather [spmem:s11], $0x1, s20, s23, $0xb8;
	[tilespmem:$0x1FF00] =	vst v63  }
0x46b: {  	s14 =	simm.s32 $0x16700;
	s15 =	rddreg [dreg:$0xa]  }
0x46c: {  	[tilespmem:s14], [sflag:$0x2] =	stream.indirect.gather [spmem:s13], $0x1, s20, s23, $0xb8;
	[tilespmem:$0x1FF00] =	vst v63  }
0x46d: {  	s16 =	simm.s32 $0x16F00;
	s19 =	sld [smem:$0x7FC]  }
0x46e: {  	[tilespmem:s16], [sflag:$0x2] =	stream.indirect.gather [spmem:s15], $0x1, s20, s23, $0xb8;
	[tilespmem:$0x1FF00] =	vst v63  }
0x46f: {  	s15 =	sshll.u32 s25, $0x6  }
0x470: {  	s17 =	rddreg [dreg:$0xb];
	s18 =	simm.s32 $0x17700;
	s0 =	sadd.s32 s19, s15  }
0x471: {  	[tilespmem:s18], [sflag:$0x2] =	stream.indirect.gather [spmem:s17], $0x1, s20, s23, $0xb8;
	[tilespmem:$0x1FF00] =	vst v63  }
0x472: {  	s0 =	smin.u32 s0, $0xC34  }
0x473: {  	s2 =	simm.s32 $0xEF00;
	s21 =	sshll.u32 s0, $0x8  }
0x474: {  	s11 =	smov.u32 s30;
	s1 =	sadd.s32 s30, s21;
	s30 =	rddreg [dreg:$0xd]  }
0x475: {  	[tilespmem:s2], [sflag:$0x3] =	stream.linear.gather [hbm4b:s1+s28], $0x800, $0x38;
	[tilespmem:$0x1FF00] =	vst v63  }
0x476: {  	s17 =	sor.u32 s15, s30  }
0x477: {  	s1 =	sor.u32 $0x20, s17  }
0x478: {  	s1 =	smin.u32 s1, $0xC34  }
0x479: {  	s2 =	sshll.u32 s1, $0xA  }
0x47a: {  	s3 =	simm.s32 $0x19F00;
	s1 =	sadd.s32 s31, s2  }
0x47b: {  	[tilespmem:s3], [sflag:$0x6] =	stream.linear.gather [hbm4b:s1+s28], $0x2000, $0x38;
	[tilespmem:$0x1FF00] =	vst v63  }
0x47c: {  	_ =	swait.ge [sflag:s22], $0x800  }
0x47d: {  	[sflag:s22] =	ssyncset.done $0x0  }
0x47e: {  	[sflag:s22] =	ssyncadd.s32 $0xFFFFF800  }
0x47f: {  	_ =	swait.ge [sflag:s22], $0x800  }
0x480: {  	[sflag:s22] =	ssyncset.done $0x0  }
0x481: {  	[sflag:s22] =	ssyncadd.s32 $0xFFFFF800  }
0x482: {  	_ =	swait.ge [sflag:s22], $0x800  }
0x483: {  	[sflag:s22] =	ssyncset.done $0x0  }
0x484: {  	[sflag:s22] =	ssyncadd.s32 $0xFFFFF800  }
0x485: {  	_ =	swait.ge [sflag:s22], $0x800  }
0x486: {  	[sflag:s22] =	ssyncset.done $0x0  }
0x487: {  	[sflag:s22] =	ssyncadd.s32 $0xFFFFF800  }
0x488: {  	_ =	swait.ge [sflag:s22], $0x800  }
0x489: {  	[sflag:s22] =	ssyncset.done $0x0  }
0x48a: {  	[sflag:s22] =	ssyncadd.s32 $0xFFFFF800  }
0x48b: {  	_ =	swait.ge [sflag:s22], $0x800  }
0x48c: {  	[sflag:s22] =	ssyncset.done $0x0  }
0x48d: {  	[sflag:s22] =	ssyncadd.s32 $0xFFFFF800  }
0x48e: {  	_ =	swait.ge [sflag:s22], $0x800  }
0x48f: {  	[sflag:s22] =	ssyncset.done $0x0  }
0x490: {  	s29 =	smov.u32 s31;
	s31 =	simm.s32 $0x5;
	[sflag:s22] =	ssyncadd.s32 $0xFFFFF800  }
0x491: {  	_ =	swait.ge [sflag:s31], $0x2000  }
0x492: {  	p1 =	seq.s32 s25, $0x0;
	[sflag:s31] =	ssyncset.done $0x0  }
0x493: {  	s1 =	simm.s32 @!p1 $0x7;
	[sflag:s31] =	ssyncadd.s32 $0xFFFFE000  }
0x494: {  	p2 =	por $0x0, $0x0;
	_ =	swait.ge @!p1 [sflag:s1], $0x2000  }
0x495: {  	s18 =	simm.s32 $0xFFFFFFC0;
	s16 =	sshll.u32 s0, $0xA;
	[sflag:s1] =	ssyncset.done @!p1 $0x0  }
0x496: {  	s0 =	simm.s32 $0x0;
	s3 =	simm.s32 $0x0;
	[sflag:s1] =	ssyncadd.s32 @!p1 $0xFFFFE000  }
.LBB2_24:
0x497: {  	s31 =	sshra.s32 s0, $0x2  }
0x498: {  	v1 =	vld [tilespmem:s31+$0x12700]  }
0x499: {  	v2 =	vld [tilespmem:s31+$0x12F00]  }
0x49a: {  	v3 =	vld [tilespmem:s31+$0x13700]  }
0x49b: {  	v4 =	vld [tilespmem:s31+$0x13F00]  }
0x49c: {  	v5 =	vld [tilespmem:s31+$0x12B00]  }
0x49d: {  	v6 =	vld [tilespmem:s31+$0x13300]  }
0x49e: {  	v7 =	vld [tilespmem:s31+$0x14300]  }
0x49f: {  	v8 =	vld [tilespmem:s31+$0x13B00];
	_ =	sdelay $0x2  }
0x4a0: {  	v9 =	vsub.f32 $0.0e+00, v1;
	v1 =	vsub.f32 $0.0e+00, v2;
	v10 =	vmul.f32 v5, v4  }
0x4a1: {  	v2 =	vsub.f32 $0.0e+00, v3;
	v14 =	vmul.f32 v7, v4;
	v58 =	vmul.f32 v6, v4  }
0x4a2: {  	v4 =	vmul.f32 v8, v4;
	v3 =	vmul.f32 v7, v9  }
0x4a3: {  	s1 =	simm.s32 $0x1;
	v11 =	vmul.f32 v6, v2;
	v54 =	vmul.f32 v7, v1  }
0x4a4: {  	s18 =	sadd.s32 $0x40, s18;
	s1 =	simm.s32 @!p2 $0x0;
	v13 =	vmul.f32 v5, v2;
	v15 =	vmul.f32 v5, v9  }
0x4a5: {  	s12 =	sand.u32 $0x1C00, s3;
	s28 =	sand.u32 $0x40, s18;
	s1 =	sshll.u32 s1, $0x6;
	v7 =	vmul.f32 v7, v2;
	v5 =	vmul.f32 v5, v1  }
0x4a6: {  	s21 =	sadd.s32 s1, s3;
	s1 =	sor.u32 s28, s12;
	v12 =	vmul.f32 v8, v1;
	v57 =	vmul.f32 v6, v1;
	v3 =	vadd.f32 v3, v10  }
0x4a7: {  	v16 =	vld [tilespmem:s1+$0x18080];
	s4 =	sor.u32 $0x300, s21;
	v6 =	vmul.f32 v6, v9;
	v10 =	vsub.f32 v54, v13;
	v5 =	vadd.f32 v7, v5  }
0x4a8: {  	s14 =	sor.u32 $0x200, s21;
	v1 =	vld [tilespmem:s4+$0x17F00];
	v2 =	vmul.f32 v8, v2;
	v56 =	vsub.f32 v14, v15;
	v3 =	vadd.f32 v3, v11  }
0x4a9: {  	v55 =	vld [tilespmem:s14+$0x17F00];
	v8 =	vmul.f32 v8, v9;
	v10 =	vadd.f32 v10, v58;
	v5 =	vsub.f32 v5, v6  }
0x4aa: {  	s30 =	sor.u32 $0x280, s21;
	v59 =	vsub.f32 v3, v12;
	v3 =	vsub.f32 v56, v57  }
0x4ab: {  	v60 =	vld [tilespmem:s30+$0x17F00];
	v5 =	vadd.f32 v5, v4;
	v63 =	vadd.f32 v10, v8  }
0x4ac: {  	v15 =	vsub.f32 v3, v2;
	v3 =	vsub.f32 $0.0e+00, v16  }
0x4ad: {  	v61 =	vmul.f32 v1, v59;
	v33 =	vmul.f32 v1, v63  }
0x4ae: {  	v2 =	vsub.f32 $0.0e+00, v55;
	v37 =	vmul.f32 v1, v5;
	v62 =	vmul.f32 v3, v15  }
0x4af: {  	v31 =	vmul.f32 v1, v15;
	v32 =	vmul.f32 v3, v59  }
0x4b0: {  	v12 =	vsub.f32 $0.0e+00, v60;
	v30 =	vmul.f32 v2, v5;
	v34 =	vmul.f32 v3, v5  }
0x4b1: {  	v36 =	vmul.f32 v2, v63;
	v4 =	vadd.f32 v61, v62;
	v35 =	vsub.f32 v31, v32  }
0x4b2: {  	v40 =	vmul.f32 v12, v5;
	v38 =	vmul.f32 v3, v63;
	v6 =	vsub.f32 v33, v34  }
0x4b3: {  	v39 =	vmul.f32 v2, v15;
	v8 =	vadd.f32 v4, v30;
	v4 =	vsub.f32 v35, v36  }
0x4b4: {  	v41 =	vmul.f32 v12, v63;
	v42 =	vmul.f32 v2, v59;
	v10 =	vadd.f32 v37, v38  }
0x4b5: {  	v43 =	vmul.f32 v12, v59;
	v6 =	vadd.f32 v6, v39;
	v4 =	vsub.f32 v4, v40  }
0x4b6: {  	v45 =	vmul.f32 v12, v15;
	v44 =	vsub.f32 v10, v42  }
0x4b7: {  	v8 =	vsub.f32 v8, v41;
	v6 =	vadd.f32 v6, v43;
	vm0 =	vlt.f32 v4, $0.0e+00  }
0x4b8: {  	v9 =	vadd.f32 v44, v45;
	v46 =	vsel vm0, $0xBF800000, v0  }
0x4b9: {  	v10 =	vmul.f32 v46, v8;
	v11 =	vmul.f32 v46, v6  }
0x4ba: {  	v9 =	vmul.f32 v46, v9  }
0x4bb: {  	v47 =	vmul.f32 v10, v10;
	v48 =	vmul.f32 v11, v11;
	_ =	sdelay $0x1  }
0x4bc: {  	v49 =	vmul.f32 v9, v9;
	v6 =	vadd.f32 v48, v47;
	_ =	sdelay $0x1  }
0x4bd: {  	v8 =	vadd.f32 v6, v49;
	_ =	sdelay $0x1  }
0x4be: {  	v6 =	vmax.f32 v8, $1.000000000e-30  }
0x4bf: {  	v50 =	vshrl.u32 v6, $0x1;
	v6 =	vmul.f32 $5.000000000e-01, v6  }
0x4c0: {  	v13 =	vsub.s32 $0x5F3759DF, v50  }
0x4c1: {  	v51 =	vmul.f32 v13, v6;
	_ =	sdelay $0x1  }
0x4c2: {  	v14 =	vmul.f32 v13, v51;
	_ =	sdelay $0x1  }
0x4c3: {  	v14 =	vsub.f32 $1.500000000e+00, v14;
	_ =	sdelay $0x1  }
0x4c4: {  	v13 =	vmul.f32 v13, v14;
	_ =	sdelay $0x1  }
0x4c5: {  	v14 =	vmul.f32 v13, v6;
	_ =	sdelay $0x1  }
0x4c6: {  	v23 =	vld [tilespmem:s31+$0x10F00];
	v14 =	vmul.f32 v14, v13  }
0x4c7: {  	v25 =	vld [tilespmem:s31+$0x11F00]  }
0x4c8: {  	v14 =	vsub.f32 $1.500000000e+00, v14  }
0x4c9: {  	s19 =	sand.u32 $0x380, s18;
	s9 =	sor.u32 $0x10, s28  }
0x4ca: {  	v22 =	vld [tilespmem:s31+$0x11700];
	s5 =	sor.u32 s19, s9;
	v13 =	vmul.f32 v14, v13  }
0x4cb: {  	v24 =	vld [tilespmem:s5+$0x12700];
	v20 =	vmul.f32 v5, v23  }
0x4cc: {  	v26 =	vld [tilespmem:s5+$0x13F00];
	v21 =	vmul.f32 v59, v25;
	v6 =	vmul.f32 v13, v6  }
0x4cd: {  	v54 =	vld [tilespmem:s5+$0x12F00]  }
0x4ce: {  	v58 =	vld [tilespmem:s31+$0x14310];
	v55 =	vsub.f32 v20, v21;
	v6 =	vmul.f32 v6, v13  }
0x4cf: {  	v57 =	vld [tilespmem:s31+$0x12B10];
	v52 =	vmul.f32 v63, v25  }
0x4d0: {  	v18 =	vmul.f32 v5, v22;
	v29 =	vadd.f32 v55, v55;
	v6 =	vsub.f32 $1.500000000e+00, v6  }
0x4d1: {  	v53 =	vmul.f32 v59, v22;
	v19 =	vmul.f32 v63, v23;
	v61 =	vsub.f32 $0.0e+00, v24  }
0x4d2: {  	v31 =	vld [tilespmem:s31+$0x13B10];
	v32 =	vmul.f32 v29, v5;
	v6 =	vmul.f32 v6, v13  }
0x4d3: {  	v27 =	vld [tilespmem:s31+$0x13310];
	v62 =	vsub.f32 $0.0e+00, v54;
	v35 =	vmul.f32 v29, v59;
	v43 =	vmul.f32 v58, v61  }
0x4d4: {  	v44 =	vmul.f32 v57, v26;
	v14 =	vmul.f32 v6, v8  }
0x4d5: {  	v45 =	vmul.f32 v58, v62;
	v40 =	vmul.f32 v58, v26;
	v13 =	vand.u32 $0x7FFFFFFF, v4  }
0x4d6: {  	v56 =	vld [tilespmem:s5+$0x13700];
	v41 =	vmul.f32 v57, v61;
	v6 =	vsub.f32 v52, v18;
	v17 =	vmax.f32 v14, v13  }
0x4d7: {  	v28 =	vmul.f32 v31, v62;
	(erf) = vrcp.f32 v17;
	v17 =	vsub.f32 v53, v19  }
0x4d8: {  	v54 =	vmul.f32 v31, v61;
	v48 =	vmul.f32 v27, v26;
	v6 =	vadd.f32 v6, v6  }
0x4d9: {  	v49 =	vmul.f32 v27, v61;
	v18 =	vmul.f32 v57, v62;
	v17 =	vadd.f32 v17, v17  }
0x4da: {  	s7 =	sadd.s32 $0x10, s21;
	s4 =	sor.u32 s9, s12;
	v33 =	vmul.f32 v6, v5;
	v36 =	vmul.f32 v6, v63  }
0x4db: {  	s6 =	sor.u32 $0x200, s7;
	s8 =	sor.u32 $0x300, s7;
	s7 =	sor.u32 $0x280, s7;
	v42 =	vld [tilespmem:s4+$0x18080];
	v37 =	vmul.f32 v6, v15;
	v30 =	vmul.f32 v17, v63;
	v63 =	vsub.f32 $0.0e+00, v56  }
0x4dc: {  	v47 =	vsub.f32 v40, v41;
	v53 =	vld [tilespmem:s7+$0x17F00];
	v6 =	vmul.f32 v27, v62;
	v34 =	vmul.f32 v17, v59  }
0x4dd: {  	v38 =	vmul.f32 v17, v15;
	v17 =	vadd.f32 v43, v44;
	v43 =	vld [tilespmem:s6+$0x17F00];
	v20 =	vmul.f32 v27, v63  }
0x4de: {  	v6 =	vsub.f32 v47, v6;
	v39 =	vmul.f32 v57, v63;
	v46 =	vmul.f32 v58, v63  }
0x4df: {  	v5 =	vld [tilespmem:s8+$0x17F00];
	v16 =	vmul.f32 v31, v63;
	v32 =	vsub.f32 v30, v32;
	v17 =	vadd.f32 v17, v20  }
0x4e0: {  	v51 =	vmul.f32 v31, v26;
	v19 =	vsub.f32 v45, v39;
	v18 =	vadd.f32 v46, v18  }
0x4e1: {  	v59 =	vmin.f32 v14, v13;
	v27 =	vsub.f32 v6, v16;
	v6 =	vsub.f32 $0.0e+00, v42  }
0x4e2: {  	v15 =	vmul.f32 v29, v15;
	v20 =	vsub.f32 $0.0e+00, v53;
	v60 =	vpop (erf);
	v7 =	vsub.f32 $0.0e+00, v43  }
0x4e3: {  	v21 =	vmul.f32 v60, v59;
	v28 =	vsub.f32 v17, v28;
	v18 =	vsub.f32 v18, v49  }
0x4e4: {  	v50 =	vadd.f32 v19, v48;
	v56 =	vmul.f32 v6, v27;
	v60 =	vmul.f32 v5, v27  }
0x4e5: {  	v49 =	vmul.f32 v7, v27;
	v24 =	vmul.f32 v21, v21;
	v31 =	vadd.f32 v18, v51  }
0x4e6: {  	v55 =	vmul.f32 v5, v28;
	v30 =	vadd.f32 v50, v54;
	v61 =	vmul.f32 v6, v28  }
0x4e7: {  	v35 =	vsub.f32 v35, v36;
	v53 =	vmul.f32 v20, v28;
	v52 =	vmul.f32 $4.668784330e-03, v24  }
0x4e8: {  	v23 =	vadd.f32 v37, v23;
	v58 =	vmul.f32 v7, v31;
	v62 =	vmul.f32 v5, v30  }
0x4e9: {  	v63 =	vmul.f32 v6, v31;
	v44 =	vsub.f32 v60, v61;
	v45 =	vmul.f32 v7, v30  }
0x4ea: {  	v59 =	vadd.f32 v55, v56;
	v47 =	vmul.f32 v5, v31;
	v48 =	vmul.f32 v6, v30  }
0x4eb: {  	v50 =	vmul.f32 v20, v31;
	v57 =	vsub.f32 $2.416624690e-02, v52;
	v16 =	vsub.f32 v44, v45  }
0x4ec: {  	v51 =	vmul.f32 v20, v30;
	v17 =	vadd.f32 v59, v58;
	v46 =	vsub.f32 v62, v63  }
0x4ed: {  	v26 =	vadd.f32 v47, v48;
	v52 =	vmul.f32 v7, v28;
	v16 =	vsub.f32 v16, v50  }
0x4ee: {  	v55 =	vmul.f32 v20, v27;
	v19 =	vadd.f32 v46, v49;
	v54 =	vmul.f32 v57, v24  }
0x4ef: {  	v26 =	vsub.f32 v26, v52;
	v17 =	vsub.f32 v17, v51;
	vm6 =	vlt.f32 v16, $0.0e+00  }
0x4f0: {  	v19 =	vadd.f32 v19, v53;
	v56 =	vadd.f32 $-5.936720970e-02, v54;
	v57 =	vsel vm6, $0xBF800000, v0  }
0x4f1: {  	v25 =	vadd.f32 v38, v25;
	v58 =	vld [tilespmem:s31+$0x12300];
	v26 =	vadd.f32 v26, v55;
	v17 =	vmul.f32 v57, v17  }
0x4f2: {  	v33 =	vsub.f32 v33, v34;
	v45 =	vld [tilespmem:s31+$0x11B00];
	v18 =	vmul.f32 v57, v19;
	v59 =	vmul.f32 v56, v24  }
0x4f3: {  	v15 =	vadd.f32 v15, v22;
	v25 =	vadd.f32 v35, v25;
	v60 =	vld [tilespmem:s31+$0x11300];
	v19 =	vmul.f32 v57, v26  }
0x4f4: {  	v63 =	vld [tilespmem:s1+$0x18000];
	v61 =	vmul.f32 v17, v17;
	v62 =	vmul.f32 v18, v18;
	v44 =	vadd.f32 $9.906107180e-02, v59  }
0x4f5: {  	v32 =	vadd.f32 v32, v23;
	v15 =	vadd.f32 v33, v15;
	v50 =	vld [tilespmem:s1+$0x17F80]  }
0x4f6: {  	v47 =	vmul.f32 v19, v19;
	v46 =	vadd.f32 v62, v61;
	v49 =	vmul.f32 v44, v24  }
0x4f7: {  	v25 =	vsub.f32 v58, v25;
	v15 =	vsub.f32 v45, v15  }
0x4f8: {  	v48 =	vld [tilespmem:s1+$0x17F00];
	v23 =	vadd.f32 v46, v47;
	v22 =	vadd.f32 $-1.401658950e-01, v49  }
0x4f9: {  	v4 =	vmul.f32 v4, v4;
	v26 =	vsub.f32 v60, v32;
	v25 =	vsub.f32 v25, v63  }
0x4fa: {  	v15 =	vsub.f32 v15, v50;
	v51 =	vmax.f32 v23, $1.000000000e-30;
	v22 =	vmul.f32 v22, v24  }
0x4fb: {  	v53 =	vmul.f32 v25, v2;
	v52 =	vshrl.u32 v51, $0x1;
	v32 =	vmul.f32 $5.000000000e-01, v51  }
0x4fc: {  	v56 =	vmul.f32 v25, v3;
	v33 =	vsub.s32 $0x5F3759DF, v52;
	v22 =	vadd.f32 $1.996923690e-01, v22  }
0x4fd: {  	v26 =	vsub.f32 v26, v48;
	v57 =	vmul.f32 v15, v3;
	v54 =	vmul.f32 v33, v32  }
0x4fe: {  	vm7 =	vgt.f32 v13, $1.000000010e-07;
	v58 =	vmul.f32 v15, v12;
	v22 =	vmul.f32 v22, v24  }
0x4ff: {  	v4 =	vsub.f32 v4, v8;
	v38 =	vmul.f32 v26, v2;
	v35 =	vmul.f32 v33, v54  }
0x500: {  	v55 =	vmul.f32 v26, v12;
	v34 =	vsub.f32 v53, v58;
	v22 =	vadd.f32 $-3.333196040e-01, v22  }
0x501: {  	v40 =	vnsel vm7, $0x3F800000, v13;
	v59 =	vsub.f32 v57, v38;
	v35 =	vsub.f32 $1.500000000e+00, v35  }
0x502: {  	v29 =	vsub.f32 v55, v56;
	v34 =	vadd.f32 v34, v34;
	v22 =	vmul.f32 v22, v24  }
0x503: {  	vm1 =	vgt.f32 v14, $1.000000010e-07;
	v61 =	vadd.f32 v59, v59;
	v60 =	vmul.f32 v33, v35  }
0x504: {  	v29 =	vadd.f32 v29, v29;
	v43 =	vmul.f32 v34, v1;
	v22 =	vadd.f32 $9.999998800e-01, v22  }
0x505: {  	vm8 =	vgt.f32 v14, v13;
	v36 =	vmul.f32 v61, v2;
	v35 =	vmul.f32 v60, v32  }
0x506: {  	v4 =	vadd.f32 $1.000000000e+00, v4;
	v62 =	vmul.f32 v29, v12;
	v21 =	vmul.f32 v22, v21  }
0x507: {  	v12 =	vmul.f32 v34, v12;
	v63 =	vmul.f32 v35, v60;
	v35 =	vsel vm1, v14, v40  }
0x508: {  	v42 =	vmul.f32 v61, v3;
	v41 =	vsub.f32 $1.570796370e+00, v21;
	(erf) = vrcp.f32 v35  }
0x509: {  	v3 =	vmul.f32 v29, v3;
	v2 =	vmul.f32 v34, v2;
	v34 =	vand.u32 $0x7FFFFFFF, v16  }
0x50a: {  	v26 =	vadd.f32 v43, v26;
	v22 =	vsub.f32 $1.500000000e+00, v63;
	v21 =	vsel vm8, v41, v21  }
0x50b: {  	v16 =	vmul.f32 v16, v16;
	v14 =	vadd.f32 v14, v14;
	v21 =	vadd.f32 v21, v21  }
0x50c: {  	v37 =	vld [tilespmem:s5+$0x11700];
	v2 =	vsub.f32 v3, v2;
	v3 =	vmul.f32 v29, v1;
	v22 =	vmul.f32 v22, v60  }
0x50d: {  	s10 =	sor.u32 $0x20, s28;
	v39 =	vld [tilespmem:s5+$0x11F00];
	v12 =	vsub.f32 v12, v42;
	v13 =	vmul.f32 v14, v13;
	v44 =	vadd.f32 v21, v21  }
0x50e: {  	v1 =	vmul.f32 v61, v1;
	v3 =	vadd.f32 v3, v15;
	v35 =	vld [tilespmem:s5+$0x10F00];
	s5 =	sor.u32 s19, s10;
	v24 =	vmul.f32 v22, v32  }
0x50f: {  	v36 =	vsub.f32 v36, v62;
	v16 =	vsub.f32 v16, v23;
	v62 =	vld [tilespmem:s5+$0x13700];
	v13 =	vmul.f32 v44, v13  }
0x510: {  	v1 =	vadd.f32 v1, v25;
	v29 =	vadd.f32 v12, v3;
	v24 =	vmul.f32 v24, v22  }
0x511: {  	v61 =	vld [tilespmem:s5+$0x12F00];
	v46 =	vnsel vm1, $0x40000000, v21;
	v49 =	vmul.f32 v21, v21;
	v47 =	vand.u32 $0x7FFFFFFF, v13;
	v48 =	vpop (erf)  }
0x512: {  	v45 =	vsub.f32 $1.500000000e+00, v24;
	vm9 =	vgt.f32 v47, $9.999999960e-13;
	v50 =	vmul.f32 v46, v48  }
0x513: {  	v63 =	vld [tilespmem:s31+$0x14320];
	v47 =	vmul.f32 v30, v39;
	v48 =	vmul.f32 v31, v37;
	v13 =	vnsel vm9, $0x2B8CBCCC, v13  }
0x514: {  	v8 =	vsub.f32 $0.0e+00, v62;
	v14 =	vmul.f32 v45, v22;
	v51 =	vmul.f32 v13, v49  }
0x515: {  	v24 =	vadd.f32 v2, v1;
	v3 =	vmul.f32 v50, v10;
	v2 =	vmul.f32 v50, v11  }
0x516: {  	v22 =	vsub.f32 $0.0e+00, v61;
	v1 =	vmul.f32 v50, v9;
	v10 =	vmul.f32 v49, v4  }
0x517: {  	vm13 =	vgt.f32 v34, $1.000000010e-07;
	v56 =	vld [tilespmem:s5+$0x12700];
	v49 =	vmul.f32 v31, v35;
	v33 =	vmul.f32 v14, v23  }
0x518: {  	v16 =	vadd.f32 $1.000000000e+00, v16;
	v61 =	vmul.f32 v63, v22;
	v14 =	vmul.f32 v63, v8  }
0x519: {  	v32 =	vadd.f32 v36, v26;
	v9 =	vld [tilespmem:s5+$0x13F00];
	(erf) = vrcp.f32 v51;
	v53 =	vmul.f32 v2, v24  }
0x51a: {  	v4 =	vld [tilespmem:s31+$0x12B20];
	v54 =	vmul.f32 v1, v29;
	v55 =	vmul.f32 v3, v29;
	v52 =	vmax.f32 v33, v34  }
0x51b: {  	vm10 =	vlt.f32 v21, $9.999999740e-05;
	v50 =	vld [tilespmem:s31+$0x13B20];
	v11 =	vmul.f32 v2, v32;
	(erf) = vrcp.f32 v52  }
0x51c: {  	v12 =	vsub.f32 $0.0e+00, v56;
	v59 =	vmul.f32 v1, v32;
	v60 =	vmul.f32 v3, v24  }
0x51d: {  	v51 =	vmul.f32 v28, v39;
	v57 =	vmin.f32 v33, v34;
	v36 =	vsub.f32 v55, v11  }
0x51e: {  	v40 =	vsub.f32 v53, v54;
	v11 =	vld [tilespmem:s31+$0x13320];
	v52 =	vmul.f32 v28, v37;
	v53 =	vmul.f32 v30, v35  }
0x51f: {  	v38 =	vsub.f32 v59, v60;
	v59 =	vmul.f32 v63, v12;
	v60 =	vmul.f32 v4, v9  }
0x520: {  	vm12 =	vgt.f32 v33, v34;
	v55 =	vmul.f32 v50, v22;
	v56 =	vmul.f32 v4, v8  }
0x521: {  	vm14 =	vgt.f32 v33, $1.000000010e-07;
	v62 =	vmul.f32 v63, v9;
	v63 =	vmul.f32 v4, v22  }
0x522: {  	v49 =	vsub.f32 v49, v51;
	v15 =	vmul.f32 v36, v2;
	v43 =	vmul.f32 v38, v1  }
0x523: {  	s8 =	sor.u32 s10, s12;
	s10 =	sadd.s32 $0x20, s21;
	v25 =	vadd.f32 v59, v60;
	v54 =	vmul.f32 v11, v8;
	v60 =	vmul.f32 v11, v22;
	v45 =	vpop (erf)  }
0x524: {  	s9 =	sor.u32 $0x200, s10;
	v26 =	vsub.f32 v61, v56;
	v61 =	vmul.f32 v11, v9;
	v11 =	vmul.f32 v11, v12;
	v58 =	vpop (erf)  }
0x525: {  	v59 =	vld [tilespmem:s9+$0x17F00];
	v14 =	vadd.f32 v14, v63;
	v41 =	vmul.f32 v58, v57;
	v57 =	vmul.f32 v4, v12  }
0x526: {  	v44 =	vmul.f32 v40, v1;
	v8 =	vmul.f32 v50, v8;
	v25 =	vadd.f32 v25, v54;
	v58 =	vld [tilespmem:s8+$0x18080]  }
0x527: {  	s13 =	sor.u32 $0x300, s10;
	v9 =	vmul.f32 v50, v9;
	v11 =	vsub.f32 v14, v11;
	v21 =	vsub.f32 v62, v57  }
0x528: {  	s10 =	sor.u32 $0x280, s10;
	v22 =	vsub.f32 v25, v55;
	v4 =	vld [tilespmem:s13+$0x17F00];
	v12 =	vmul.f32 v50, v12;
	v50 =	vsub.f32 v13, v10  }
0x529: {  	v46 =	vmul.f32 v36, v3;
	v62 =	vadd.f32 v26, v61;
	v57 =	vld [tilespmem:s10+$0x17F00];
	v21 =	vsub.f32 v21, v60  }
0x52a: {  	v42 =	vmul.f32 v41, v41;
	v26 =	vadd.f32 v11, v9;
	v9 =	vsub.f32 $0.0e+00, v59  }
0x52b: {  	v45 =	vmul.f32 v45, v50;
	v21 =	vsub.f32 v21, v8;
	v8 =	vsub.f32 $0.0e+00, v58  }
0x52c: {  	v63 =	vmul.f32 $4.668784330e-03, v42;
	v25 =	vadd.f32 v62, v12;
	v61 =	vmul.f32 v9, v26  }
0x52d: {  	v49 =	vadd.f32 v49, v49;
	v59 =	vmul.f32 v4, v22;
	v60 =	vmul.f32 v8, v21  }
0x52e: {  	v13 =	vsub.f32 $2.416624690e-02, v63;
	v63 =	vmul.f32 v4, v25;
	v11 =	vsub.f32 $0.0e+00, v57  }
0x52f: {  	v62 =	vmul.f32 v4, v21;
	v55 =	vmul.f32 v8, v22;
	v10 =	vadd.f32 v59, v60  }
0x530: {  	v43 =	vsub.f32 v15, v43;
	v58 =	vmul.f32 v11, v25;
	v60 =	vmul.f32 v8, v26  }
0x531: {  	v12 =	vsub.f32 v62, v55;
	v10 =	vadd.f32 v10, v61;
	v61 =	vmul.f32 v9, v25  }
0x532: {  	v62 =	vmul.f32 v4, v26;
	v54 =	vsub.f32 v63, v60;
	v63 =	vmul.f32 v8, v25  }
0x533: {  	v60 =	vmul.f32 v9, v21;
	v12 =	vsub.f32 v12, v61;
	v61 =	vmul.f32 v11, v26  }
0x534: {  	v59 =	vmul.f32 v13, v42;
	v55 =	vadd.f32 v62, v63;
	v62 =	vmul.f32 v9, v22  }
0x535: {  	v54 =	vadd.f32 v54, v60;
	v63 =	vmul.f32 v11, v22;
	v14 =	vsub.f32 v12, v61  }
0x536: {  	v10 =	vsub.f32 v10, v58;
	v58 =	vsub.f32 v52, v53;
	v52 =	vmul.f32 v49, v31  }
0x537: {  	v60 =	vsub.f32 v55, v62;
	v61 =	vmul.f32 v11, v21;
	vm11 =	vlt.f32 v14, $0.0e+00  }
0x538: {  	v54 =	vadd.f32 v54, v63;
	v62 =	vadd.f32 $-5.936720970e-02, v59;
	v63 =	vsel vm11, $0xBF800000, v0  }
0x539: {  	v55 =	vsub.f32 v47, v48;
	v13 =	vadd.f32 v60, v61;
	v10 =	vmul.f32 v63, v10  }
0x53a: {  	v44 =	vsub.f32 v44, v46;
	v12 =	vmul.f32 v63, v54;
	v54 =	vmul.f32 v62, v42  }
0x53b: {  	v50 =	vadd.f32 v58, v58;
	v46 =	vadd.f32 v55, v55;
	v13 =	vmul.f32 v63, v13  }
0x53c: {  	v56 =	vmul.f32 v10, v10;
	v57 =	vmul.f32 v12, v12;
	v15 =	vadd.f32 $9.906107180e-02, v54  }
0x53d: {  	v45 =	vsel vm10, $0x3DAAAAAB, v45;
	v48 =	vmul.f32 v50, v30;
	v31 =	vmul.f32 v46, v31  }
0x53e: {  	v59 =	vmul.f32 v13, v13;
	v47 =	vadd.f32 v57, v56;
	v60 =	vmul.f32 v15, v42  }
0x53f: {  	v63 =	vmul.f32 v50, v28;
	v28 =	vmul.f32 v49, v28;
	v48 =	vsub.f32 v48, v52  }
0x540: {  	v30 =	vmul.f32 v46, v30;
	v15 =	vadd.f32 v47, v59;
	v51 =	vadd.f32 $-1.401658950e-01, v60  }
0x541: {  	v50 =	vmul.f32 v50, v27;
	v46 =	vmul.f32 v46, v27;
	v31 =	vsub.f32 v31, v63  }
0x542: {  	v28 =	vsub.f32 v28, v30;
	v63 =	vld [tilespmem:s31+$0x12310];
	v61 =	vmax.f32 v15, $1.000000000e-30;
	v51 =	vmul.f32 v51, v42  }
0x543: {  	v39 =	vadd.f32 v50, v39;
	v57 =	vld [tilespmem:s31+$0x11310];
	v62 =	vshrl.u32 v61, $0x1;
	v53 =	vmul.f32 $5.000000000e-01, v61  }
0x544: {  	v50 =	vld [tilespmem:s4+$0x17F00];
	v35 =	vadd.f32 v46, v35;
	v54 =	vsub.s32 $0x5F3759DF, v62;
	v51 =	vadd.f32 $1.996923690e-01, v51  }
0x545: {  	v27 =	vmul.f32 v49, v27;
	v28 =	vadd.f32 v28, v39;
	v59 =	vld [tilespmem:s4+$0x18000];
	v60 =	vmul.f32 v54, v53  }
0x546: {  	v52 =	vld [tilespmem:s31+$0x11B10];
	v49 =	vmul.f32 v40, v2;
	v35 =	vadd.f32 v48, v35;
	v61 =	vmul.f32 v51, v42  }
0x547: {  	v27 =	vadd.f32 v27, v37;
	v28 =	vsub.f32 v63, v28;
	v62 =	vmul.f32 v54, v60  }
0x548: {  	v46 =	vmul.f32 v45, v43;
	v35 =	vsub.f32 v57, v35;
	v60 =	vld [tilespmem:s4+$0x17F80];
	v30 =	vadd.f32 $-3.333196040e-01, v61  }
0x549: {  	v56 =	vmul.f32 $5.000000000e-01, v40;
	v27 =	vadd.f32 v31, v27;
	v51 =	vsub.f32 $1.500000000e+00, v62  }
0x54a: {  	v28 =	vsub.f32 v28, v59;
	v40 =	vsub.f32 v35, v50;
	v30 =	vmul.f32 v30, v42  }
0x54b: {  	v47 =	vmul.f32 v38, v3;
	v27 =	vsub.f32 v52, v27;
	v61 =	vmul.f32 v54, v51  }
0x54c: {  	v55 =	vmul.f32 v28, v6;
	v54 =	vmul.f32 v40, v20;
	v30 =	vadd.f32 $9.999998800e-01, v30  }
0x54d: {  	v50 =	vmul.f32 v28, v7;
	v27 =	vsub.f32 v27, v60;
	v62 =	vmul.f32 v61, v53  }
0x54e: {  	v59 =	vmul.f32 v40, v7;
	v42 =	vsub.f32 v54, v55;
	v63 =	vmul.f32 v30, v41  }
0x54f: {  	v58 =	vadd.f32 v33, v33;
	v57 =	vmul.f32 v27, v6;
	v31 =	vmul.f32 v62, v61  }
0x550: {  	v52 =	vmul.f32 v27, v20;
	v42 =	vadd.f32 v42, v42;
	v51 =	vsub.f32 $1.570796370e+00, v63  }
0x551: {  	v48 =	vmul.f32 $5.000000000e-01, v38;
	v38 =	vsub.f32 v57, v59;
	v31 =	vsub.f32 $1.500000000e+00, v31  }
0x552: {  	v30 =	vmul.f32 v45, v44;
	v35 =	vsub.f32 v50, v52;
	v57 =	vsub.f32 v47, v49  }
0x553: {  	v37 =	vsel vm12, v51, v63;
	v38 =	vadd.f32 v38, v38;
	v31 =	vmul.f32 v31, v61  }
0x554: {  	v39 =	vadd.f32 v37, v37;
	v37 =	vmul.f32 v58, v34;
	v34 =	vnsel vm13, $0x3F800000, v34  }
0x555: {  	v49 =	vmul.f32 v45, v57;
	v33 =	vsel vm14, v33, v34;
	v60 =	vmul.f32 v31, v53  }
0x556: {  	v52 =	vmul.f32 v38, v7;
	v61 =	vadd.f32 v39, v39;
	(erf) = vrcp.f32 v33  }
0x557: {  	v63 =	vadd.f32 v35, v35;
	v54 =	vmul.f32 v38, v6;
	v62 =	vmul.f32 v60, v31  }
0x558: {  	v35 =	vand.u32 $0x7FFFFFFF, v14;
	v6 =	vmul.f32 v42, v6;
	v37 =	vmul.f32 v61, v37  }
0x559: {  	v7 =	vmul.f32 v63, v7;
	v43 =	vmul.f32 v63, v5;
	v44 =	vsub.f32 $1.500000000e+00, v62  }
0x55a: {  	v41 =	vmul.f32 v39, v39;
	v53 =	vmul.f32 v42, v20;
	v50 =	vand.u32 $0x7FFFFFFF, v37  }
0x55b: {  	v20 =	vmul.f32 v63, v20;
	vm15 =	vgt.f32 v50, $9.999999960e-13;
	v51 =	vmul.f32 v44, v31  }
0x55c: {  	s13 =	sor.u32 $0x30, s28;
	v59 =	vadd.f32 v43, v40;
	v33 =	vsub.f32 v52, v53;
	v31 =	vnsel vm15, $0x2B8CBCCC, v37  }
0x55d: {  	s28 =	sor.u32 s19, s13;
	v20 =	vsub.f32 v20, v54;
	v37 =	vmul.f32 v31, v41;
	v34 =	vmul.f32 v51, v15  }
0x55e: {  	v57 =	vld [tilespmem:s28+$0x13700];
	v60 =	vmul.f32 v42, v5;
	v5 =	vmul.f32 v38, v5;
	v61 =	vnsel vm14, $0x40000000, v39  }
0x55f: {  	v43 =	vadd.f32 v33, v59;
	v33 =	vld [tilespmem:s28+$0x12F00];
	(erf) = vrcp.f32 v37;
	v62 =	vpop (erf);
	v55 =	vmax.f32 v34, v35  }
0x560: {  	v63 =	vld [tilespmem:s28+$0x12700];
	v54 =	vadd.f32 v60, v27;
	(erf) = vrcp.f32 v55;
	v55 =	vmul.f32 v61, v62  }
0x561: {  	v36 =	vmul.f32 $5.000000000e-01, v36;
	v58 =	vsub.f32 v6, v7;
	v5 =	vadd.f32 v5, v28;
	v27 =	vld [tilespmem:s31+$0x14330]  }
0x562: {  	v29 =	vsub.f32 v29, v48;
	v40 =	vadd.f32 v20, v54;
	v7 =	vmul.f32 v55, v17;
	v17 =	vld [tilespmem:s31+$0x12B30]  }
0x563: {  	v38 =	vadd.f32 v58, v5;
	v6 =	vmul.f32 v55, v18;
	v5 =	vmul.f32 v55, v19;
	v19 =	vld [tilespmem:s31+$0x13B30]  }
0x564: {  	v30 =	vadd.f32 v30, v29;
	vm7 =	vgt.f32 v35, $1.000000010e-07;
	v33 =	vsub.f32 $0.0e+00, v33;
	v18 =	vld [tilespmem:s28+$0x13F00]  }
0x565: {  	v20 =	vsub.f32 $0.0e+00, v63;
	v58 =	vmul.f32 v7, v40;
	v59 =	vmul.f32 v6, v43  }
0x566: {  	v23 =	vsub.f32 $0.0e+00, v57;
	v50 =	vmul.f32 v41, v16;
	v37 =	vld [tilespmem:s31+$0x13330];
	v47 =	vmul.f32 v27, v33  }
0x567: {  	v28 =	vmul.f32 v6, v38;
	v41 =	vsub.f32 v58, v59;
	v59 =	vmul.f32 v27, v20  }
0x568: {  	v62 =	vsub.f32 v32, v56;
	v42 =	vpop (erf);
	v55 =	vmul.f32 v19, v33;
	v56 =	vmul.f32 v17, v23  }
0x569: {  	v60 =	vmin.f32 v34, v35;
	v32 =	vmul.f32 v27, v18;
	v58 =	vmul.f32 v17, v20;
	v61 =	vpop (erf)  }
0x56a: {  	v16 =	vadd.f32 v46, v62;
	v44 =	vmul.f32 v61, v60;
	v60 =	vmul.f32 v17, v18  }
0x56b: {  	s12 =	sor.u32 s13, s12;
	v48 =	vmul.f32 v17, v33;
	v33 =	vmul.f32 v37, v33;
	v62 =	vsub.f32 v32, v58  }
0x56c: {  	s13 =	sadd.s32 $0x30, s21;
	v27 =	vmul.f32 v27, v23;
	v45 =	vmul.f32 v44, v44;
	v46 =	vadd.f32 v59, v60;
	v59 =	vld [tilespmem:s12+$0x18080]  }
0x56d: {  	s19 =	sor.u32 $0x200, s13;
	v61 =	vmul.f32 v37, v23;
	v23 =	vmul.f32 v19, v23;
	v33 =	vsub.f32 v62, v33  }
0x56e: {  	s21 =	sor.u32 $0x300, s13;
	v47 =	vsub.f32 v47, v56;
	v27 =	vadd.f32 v27, v48;
	v60 =	vld [tilespmem:s19+$0x17F00];
	v63 =	vmul.f32 $4.668784330e-03, v45  }
0x56f: {  	v51 =	vmul.f32 v5, v40;
	v17 =	vld [tilespmem:s21+$0x17F00];
	v33 =	vsub.f32 v33, v23;
	v46 =	vadd.f32 v46, v61  }
0x570: {  	v57 =	vsub.f32 $2.416624690e-02, v63;
	v63 =	vmul.f32 v37, v18;
	v37 =	vmul.f32 v37, v20  }
0x571: {  	s13 =	sor.u32 $0x280, s13;
	v62 =	vmul.f32 v19, v18;
	v32 =	vsub.f32 v46, v55;
	v18 =	vsub.f32 $0.0e+00, v59  }
0x572: {  	v61 =	vadd.f32 v47, v63;
	v27 =	vsub.f32 v27, v37;
	v63 =	vmul.f32 v57, v45;
	v57 =	vld [tilespmem:s13+$0x17F00]  }
0x573: {  	v20 =	vmul.f32 v19, v20;
	v55 =	vsub.f32 v24, v36;
	v19 =	vsub.f32 $0.0e+00, v60  }
0x574: {  	v58 =	vmul.f32 v17, v32;
	v59 =	vmul.f32 v18, v33;
	v37 =	vadd.f32 v27, v62  }
0x575: {  	v60 =	vmul.f32 v17, v33;
	v27 =	vadd.f32 $-5.936720970e-02, v63;
	v36 =	vadd.f32 v61, v20  }
0x576: {  	v61 =	vmul.f32 v18, v32;
	v23 =	vadd.f32 v58, v59;
	v46 =	vmul.f32 v19, v37  }
0x577: {  	v62 =	vmul.f32 v17, v36;
	v63 =	vmul.f32 v18, v37;
	v20 =	vsub.f32 $0.0e+00, v57  }
0x578: {  	v46 =	vadd.f32 v23, v46;
	v23 =	vsub.f32 v60, v61;
	v60 =	vmul.f32 v19, v36  }
0x579: {  	v47 =	vsub.f32 v62, v63;
	v61 =	vmul.f32 v17, v37;
	v62 =	vmul.f32 v18, v36  }
0x57a: {  	v52 =	vmul.f32 v5, v43;
	v63 =	vmul.f32 v19, v33;
	v23 =	vsub.f32 v23, v60  }
0x57b: {  	v60 =	vmul.f32 v20, v37;
	v48 =	vadd.f32 v61, v62;
	v61 =	vmul.f32 v19, v32  }
0x57c: {  	v47 =	vadd.f32 v47, v63;
	v62 =	vmul.f32 v20, v32;
	v63 =	vmul.f32 v27, v45  }
0x57d: {  	v58 =	vmul.f32 v20, v36;
	v23 =	vsub.f32 v23, v60;
	v60 =	vsub.f32 v48, v61  }
0x57e: {  	v56 =	vld [tilespmem:s5+$0x11700];
	v61 =	vmul.f32 v20, v33;
	v47 =	vadd.f32 v47, v62;
	v62 =	vadd.f32 $9.906107180e-02, v63  }
0x57f: {  	v53 =	vmul.f32 v7, v38;
	v59 =	vld [tilespmem:s5+$0x11F00];
	v46 =	vsub.f32 v46, v58;
	vm4 =	vlt.f32 v23, $0.0e+00  }
0x580: {  	v48 =	vadd.f32 v60, v61;
	v57 =	vmul.f32 v62, v45;
	v63 =	vsel vm4, $0xBF800000, v0  }
0x581: {  	v51 =	vsub.f32 v28, v51;
	v24 =	vmul.f32 v63, v46;
	v27 =	vmul.f32 v63, v47  }
0x582: {  	v54 =	vmul.f32 v41, v6;
	v47 =	vsub.f32 v52, v53;
	v28 =	vmul.f32 v63, v48  }
0x583: {  	v46 =	vld [tilespmem:s5+$0x10F00];
	v52 =	vadd.f32 $-1.401658950e-01, v57;
	v60 =	vmul.f32 v24, v24;
	v61 =	vmul.f32 v27, v27  }
0x584: {  	v50 =	vsub.f32 v31, v50;
	v58 =	vmul.f32 v26, v56;
	v57 =	vmul.f32 v25, v59  }
0x585: {  	v53 =	vmul.f32 v28, v28;
	v52 =	vmul.f32 v52, v45;
	v48 =	vadd.f32 v61, v60  }
0x586: {  	v29 =	vadd.f32 v49, v55;
	v49 =	vmul.f32 v47, v5;
	v57 =	vsub.f32 v57, v58  }
0x587: {  	vm5 =	vlt.f32 v39, $9.999999740e-05;
	v52 =	vadd.f32 $1.996923690e-01, v52;
	v31 =	vadd.f32 v48, v53  }
0x588: {  	v48 =	vsub.f32 v54, v49;
	v49 =	vmul.f32 v22, v56;
	v53 =	vmul.f32 v25, v46  }
0x589: {  	v60 =	vmul.f32 v26, v46;
	v54 =	vmul.f32 v22, v59;
	v61 =	vmax.f32 v31, $1.000000000e-30  }
0x58a: {  	v49 =	vsub.f32 v49, v53;
	v53 =	vshrl.u32 v61, $0x1;
	v61 =	vmul.f32 $5.000000000e-01, v61  }
0x58b: {  	v55 =	vmul.f32 v51, v5;
	v52 =	vmul.f32 v52, v45;
	v53 =	vsub.s32 $0x5F3759DF, v53  }
0x58c: {  	v57 =	vadd.f32 v57, v57;
	v54 =	vsub.f32 v60, v54;
	v58 =	vmul.f32 v53, v61  }
0x58d: {  	v62 =	vmul.f32 v41, v7;
	v52 =	vadd.f32 $-3.333196040e-01, v52;
	v49 =	vadd.f32 v49, v49  }
0x58e: {  	v60 =	vmul.f32 $5.000000000e-01, v51;
	v54 =	vadd.f32 v54, v54;
	v58 =	vmul.f32 v53, v58  }
0x58f: {  	v55 =	vsub.f32 v55, v62;
	v45 =	vmul.f32 v52, v45;
	v62 =	vmul.f32 v49, v25  }
0x590: {  	v52 =	vmul.f32 v54, v26;
	v26 =	vmul.f32 v57, v26;
	v58 =	vsub.f32 $1.500000000e+00, v58  }
0x591: {  	v43 =	vsub.f32 v43, v60;
	v60 =	vmul.f32 v49, v22;
	v22 =	vmul.f32 v54, v22  }
0x592: {  	vm6 =	vgt.f32 v34, v35;
	v25 =	vmul.f32 v57, v25;
	v53 =	vmul.f32 v53, v58  }
0x593: {  	v54 =	vmul.f32 v54, v21;
	v45 =	vadd.f32 $9.999998800e-01, v45;
	v52 =	vsub.f32 v62, v52  }
0x594: {  	v62 =	vmul.f32 v57, v21;
	v26 =	vsub.f32 v26, v60;
	v63 =	vmul.f32 v53, v61  }
0x595: {  	v22 =	vsub.f32 v22, v25;
	v54 =	vadd.f32 v54, v56;
	v21 =	vmul.f32 v49, v21;
	v56 =	vld [tilespmem:s31+$0x11B20]  }
0x596: {  	v44 =	vmul.f32 v45, v44;
	v46 =	vadd.f32 v62, v46;
	v58 =	vmul.f32 v63, v53  }
0x597: {  	v42 =	vmul.f32 v42, v50;
	v57 =	vld [tilespmem:s31+$0x11320];
	v25 =	vadd.f32 v26, v54;
	v21 =	vadd.f32 v21, v59  }
0x598: {  	vm9 =	vgt.f32 v34, $1.000000010e-07;
	v60 =	vld [tilespmem:s31+$0x12320];
	v63 =	vsub.f32 $1.570796370e+00, v44;
	v45 =	vsub.f32 $1.500000000e+00, v58  }
0x599: {  	v42 =	vsel vm5, $0x3DAAAAAB, v42;
	v62 =	vld [tilespmem:s8+$0x17F00];
	v46 =	vadd.f32 v52, v46;
	v21 =	vadd.f32 v22, v21  }
0x59a: {  	v25 =	vsub.f32 v56, v25;
	v39 =	vsel vm6, v63, v44;
	v45 =	vmul.f32 v45, v53  }
0x59b: {  	v50 =	vmul.f32 v47, v7;
	v56 =	vld [tilespmem:s8+$0x17F80];
	v58 =	vadd.f32 v34, v34;
	v39 =	vadd.f32 v39, v39  }
0x59c: {  	v47 =	vmul.f32 $5.000000000e-01, v47;
	v54 =	vsub.f32 v57, v46;
	v57 =	vld [tilespmem:s8+$0x18000];
	v59 =	vmul.f32 v45, v61  }
0x59d: {  	v21 =	vsub.f32 v60, v21;
	v60 =	vmul.f32 v58, v35;
	v61 =	vadd.f32 v39, v39  }
0x59e: {  	v41 =	vmul.f32 $5.000000000e-01, v41;
	v52 =	vsub.f32 v54, v62;
	v26 =	vmul.f32 v59, v45  }
0x59f: {  	v40 =	vsub.f32 v40, v47;
	v51 =	vmul.f32 v51, v6;
	v22 =	vmul.f32 v61, v60  }
0x5a0: {  	v44 =	vsub.f32 v25, v56;
	v49 =	vmul.f32 v52, v11;
	v62 =	vsub.f32 $1.500000000e+00, v26  }
0x5a1: {  	v46 =	vsub.f32 v21, v57;
	v53 =	vmul.f32 v39, v39;
	v63 =	vand.u32 $0x7FFFFFFF, v22  }
0x5a2: {  	v58 =	vmul.f32 v44, v8;
	vm8 =	vgt.f32 v63, $9.999999960e-13;
	v21 =	vmul.f32 v62, v45  }
0x5a3: {  	v57 =	vmul.f32 v46, v8;
	v45 =	vnsel vm7, $0x3F800000, v35;
	v35 =	vnsel vm8, $0x2B8CBCCC, v22  }
0x5a4: {  	v54 =	vsel vm9, v34, v45;
	v56 =	vmul.f32 v35, v53;
	v26 =	vmul.f32 v21, v31  }
0x5a5: {  	v25 =	vand.u32 $0x7FFFFFFF, v23;
	v60 =	vmul.f32 v52, v9;
	(erf) = vrcp.f32 v54  }
0x5a6: {  	v48 =	vmul.f32 v42, v48;
	(erf) = vrcp.f32 v56;
	v21 =	vmax.f32 v26, v25  }
0x5a7: {  	v22 =	vsub.f32 v58, v60;
	v45 =	vsub.f32 v49, v57;
	(erf) = vrcp.f32 v21  }
0x5a8: {  	v59 =	vsub.f32 v50, v51;
	v61 =	vmul.f32 v46, v9;
	v62 =	vmul.f32 v44, v11  }
0x5a9: {  	v63 =	vmul.f32 v42, v55;
	v54 =	vadd.f32 v22, v22;
	v45 =	vadd.f32 v45, v45  }
0x5aa: {  	v34 =	vmul.f32 v42, v59;
	v21 =	vadd.f32 v48, v43;
	v43 =	vsub.f32 v61, v62  }
0x5ab: {  	v22 =	vadd.f32 v63, v40;
	v63 =	vmul.f32 v14, v14;
	v56 =	vmul.f32 v54, v9  }
0x5ac: {  	v59 =	vmul.f32 v54, v8;
	v57 =	vmul.f32 v45, v11;
	v55 =	vadd.f32 v43, v43  }
0x5ad: {  	v38 =	vsub.f32 v38, v41;
	v8 =	vmul.f32 v45, v8;
	v60 =	vmul.f32 v45, v4  }
0x5ae: {  	v47 =	vld [tilespmem:s28+$0x11700];
	v61 =	vmin.f32 v26, v25;
	v48 =	vnsel vm9, $0x40000000, v39;
	v11 =	vmul.f32 v55, v11;
	v58 =	vpop (erf)  }
0x5af: {  	v40 =	vsub.f32 v56, v57;
	v41 =	vadd.f32 v60, v44;
	v9 =	vmul.f32 v55, v9;
	v49 =	vpop (erf)  }
0x5b0: {  	v45 =	vmul.f32 v55, v4;
	v4 =	vmul.f32 v54, v4;
	v11 =	vsub.f32 v11, v59;
	v62 =	vpop (erf)  }
0x5b1: {  	v8 =	vsub.f32 v8, v9;
	v9 =	vsub.f32 v63, v15;
	v43 =	vmul.f32 v62, v61  }
0x5b2: {  	v50 =	vadd.f32 v45, v52;
	v4 =	vadd.f32 v4, v46;
	v42 =	vmul.f32 v48, v58  }
0x5b3: {  	v45 =	vld [tilespmem:s28+$0x11F00];
	v63 =	vmul.f32 v32, v47;
	v51 =	vadd.f32 $1.000000000e+00, v9;
	v15 =	vmul.f32 v43, v43  }
0x5b4: {  	v14 =	vadd.f32 v8, v4;
	v8 =	vmul.f32 v42, v12;
	v4 =	vmul.f32 v42, v13  }
0x5b5: {  	v11 =	vadd.f32 v11, v41;
	v13 =	vld [tilespmem:s28+$0x10F00];
	v9 =	vmul.f32 v42, v10;
	v52 =	vmul.f32 $4.668784330e-03, v15  }
0x5b6: {  	v40 =	vadd.f32 v40, v50;
	v53 =	vmul.f32 v53, v51;
	v55 =	vmul.f32 v8, v14  }
0x5b7: {  	v56 =	vmul.f32 v4, v11;
	v57 =	vmul.f32 v9, v11;
	v54 =	vsub.f32 $2.416624690e-02, v52  }
0x5b8: {  	v10 =	vadd.f32 v34, v38;
	v59 =	vmul.f32 v8, v40;
	v60 =	vmul.f32 v36, v45  }
0x5b9: {  	v62 =	vmul.f32 v32, v45;
	v35 =	vsub.f32 v35, v53;
	v58 =	vmul.f32 v54, v15  }
0x5ba: {  	v53 =	vmul.f32 v37, v47;
	v42 =	vsub.f32 v55, v56;
	v61 =	vmul.f32 v37, v13  }
0x5bb: {  	v12 =	vsub.f32 v57, v59;
	v52 =	vmul.f32 v36, v13;
	v38 =	vadd.f32 $-5.936720970e-02, v58  }
0x5bc: {  	v23 =	vmul.f32 v23, v23;
	v34 =	vsub.f32 v60, v53;
	v46 =	vsub.f32 v61, v62  }
0x5bd: {  	v55 =	vmul.f32 v9, v14;
	v44 =	vsub.f32 v63, v52;
	v38 =	vmul.f32 v38, v15  }
0x5be: {  	v56 =	vmul.f32 v12, v8;
	v34 =	vadd.f32 v34, v34;
	v46 =	vadd.f32 v46, v46  }
0x5bf: {  	v54 =	vmul.f32 v4, v40;
	v44 =	vadd.f32 v44, v44;
	v38 =	vadd.f32 $9.906107180e-02, v38  }
0x5c0: {  	vm12 =	vgt.f32 v25, $1.000000010e-07;
	v58 =	vmul.f32 v46, v37;
	v37 =	vmul.f32 v34, v37  }
0x5c1: {  	vm10 =	vlt.f32 v39, $9.999999740e-05;
	v57 =	vmul.f32 v44, v36;
	v38 =	vmul.f32 v38, v15  }
0x5c2: {  	v41 =	vsub.f32 v54, v55;
	v59 =	vmul.f32 v44, v32;
	v32 =	vmul.f32 v46, v32  }
0x5c3: {  	v36 =	vmul.f32 v34, v36;
	v44 =	vmul.f32 v44, v33;
	v38 =	vadd.f32 $-1.401658950e-01, v38  }
0x5c4: {  	v60 =	vld [tilespmem:s31+$0x11330];
	v34 =	vmul.f32 v34, v33;
	v33 =	vmul.f32 v46, v33;
	v48 =	vsub.f32 v57, v58  }
0x5c5: {  	v61 =	vld [tilespmem:s31+$0x11B30];
	v37 =	vsub.f32 v37, v59;
	v32 =	vsub.f32 v32, v36;
	v38 =	vmul.f32 v38, v15  }
0x5c6: {  	v62 =	vld [tilespmem:s31+$0x12330];
	v63 =	vmul.f32 v41, v4;
	v44 =	vadd.f32 v44, v45;
	v13 =	vadd.f32 v34, v13  }
0x5c7: {  	vm11 =	vgt.f32 v26, v25;
	v54 =	vld [tilespmem:s12+$0x17F00];
	v33 =	vadd.f32 v33, v47;
	v38 =	vadd.f32 $1.996923690e-01, v38  }
0x5c8: {  	v35 =	vmul.f32 v49, v35;
	v36 =	vsub.f32 v56, v63;
	v56 =	vld [tilespmem:s12+$0x17F80];
	v13 =	vadd.f32 v48, v13  }
0x5c9: {  	vm13 =	vgt.f32 v26, $1.000000010e-07;
	v55 =	vld [tilespmem:s12+$0x18000];
	v33 =	vadd.f32 v37, v33;
	v38 =	vmul.f32 v38, v15  }
0x5ca: {  	v35 =	vsel vm10, $0x3DAAAAAB, v35;
	v32 =	vadd.f32 v32, v44;
	v13 =	vsub.f32 v60, v13  }
0x5cb: {  	v53 =	vmul.f32 v41, v9;
	v33 =	vsub.f32 v61, v33;
	v57 =	vadd.f32 $-3.333196040e-01, v38  }
0x5cc: {  	v58 =	vmul.f32 v42, v4;
	v59 =	vmul.f32 v12, v9;
	v32 =	vsub.f32 v62, v32  }
0x5cd: {  	v13 =	vsub.f32 v13, v54;
	v33 =	vsub.f32 v33, v56;
	v15 =	vmul.f32 v57, v15  }
0x5ce: {  	v12 =	vmul.f32 $5.000000000e-01, v12;
	v60 =	vmul.f32 $5.000000000e-01, v42;
	v32 =	vsub.f32 v32, v55  }
0x5cf: {  	v49 =	vmul.f32 v33, v18;
	v50 =	vmul.f32 v13, v19;
	v15 =	vadd.f32 $9.999998800e-01, v15  }
0x5d0: {  	v52 =	vnsel vm12, $0x3F800000, v25;
	v63 =	vmul.f32 v13, v20;
	v48 =	vmul.f32 v32, v18  }
0x5d1: {  	v37 =	vsub.f32 v40, v60;
	v39 =	vsub.f32 v49, v50;
	v15 =	vmul.f32 v15, v43  }
0x5d2: {  	v61 =	vmul.f32 v32, v19;
	v62 =	vmul.f32 v33, v20;
	v40 =	vsub.f32 v63, v48  }
0x5d3: {  	v39 =	vadd.f32 v39, v39;
	v43 =	vsel vm13, v26, v52;
	v51 =	vsub.f32 $1.570796370e+00, v15  }
0x5d4: {  	v36 =	vmul.f32 v35, v36;
	v40 =	vadd.f32 v40, v40;
	(erf) = vrcp.f32 v43  }
0x5d5: {  	v38 =	vsub.f32 v61, v62;
	v55 =	vmul.f32 v39, v19;
	v15 =	vsel vm11, v51, v15  }
0x5d6: {  	v56 =	vmul.f32 v40, v20;
	v26 =	vadd.f32 v26, v26;
	v15 =	vadd.f32 v15, v15  }
0x5d7: {  	v38 =	vadd.f32 v38, v38;
	v57 =	vmul.f32 v39, v18;
	v18 =	vmul.f32 v40, v18  }
0x5d8: {  	v61 =	vmul.f32 v40, v17;
	v25 =	vmul.f32 v26, v25;
	v54 =	vadd.f32 v15, v15  }
0x5d9: {  	v23 =	vsub.f32 v23, v31;
	v20 =	vmul.f32 v38, v20;
	v19 =	vmul.f32 v38, v19  }
0x5da: {  	v34 =	vsub.f32 v58, v59;
	v38 =	vmul.f32 v38, v17;
	v25 =	vmul.f32 v54, v25  }
0x5db: {  	v42 =	vmul.f32 v42, v8;
	v17 =	vmul.f32 v39, v17;
	v39 =	vadd.f32 v61, v33  }
0x5dc: {  	v18 =	vsub.f32 v18, v19;
	v13 =	vadd.f32 v38, v13;
	v58 =	vand.u32 $0x7FFFFFFF, v25  }
0x5dd: {  	v59 =	vmul.f32 v15, v15;
	v63 =	vnsel vm13, $0x40000000, v15;
	v62 =	vpop (erf);
	vm14 =	vgt.f32 v58, $9.999999960e-13  }
0x5de: {  	v17 =	vadd.f32 v17, v32;
	v19 =	vmul.f32 v63, v62;
	v25 =	vnsel vm14, $0x2B8CBCCC, v25  }
0x5df: {  	[tilespmem:s1+$0x1C080] =	vst v3;
	v26 =	vadd.f32 v36, v37;
	v36 =	vsub.f32 v55, v56;
	v60 =	vmul.f32 v25, v59  }
0x5e0: {  	[tilespmem:s1+$0x1BF80] =	vst v30;
	v20 =	vsub.f32 v20, v57;
	v17 =	vadd.f32 v18, v17;
	v24 =	vmul.f32 v19, v24  }
0x5e1: {  	[tilespmem:s1+$0x1BF00] =	vst v16;
	v13 =	vadd.f32 v36, v13;
	v40 =	vmul.f32 v19, v28;
	(erf) = vrcp.f32 v60  }
0x5e2: {  	[tilespmem:s4+$0x1C080] =	vst v7;
	v43 =	vmul.f32 $5.000000000e-01, v41;
	v3 =	vadd.f32 v20, v39;
	v27 =	vmul.f32 v19, v27  }
0x5e3: {  	[tilespmem:s1+$0x1C000] =	vst v29;
	v23 =	vadd.f32 $1.000000000e+00, v23;
	v45 =	vmul.f32 v40, v13;
	v46 =	vmul.f32 v24, v17  }
0x5e4: {  	[tilespmem:s14+$0x1BF00] =	vst v2;
	v42 =	vsub.f32 v53, v42;
	v47 =	vmul.f32 v24, v3;
	v48 =	vmul.f32 v27, v13  }
0x5e5: {  	[tilespmem:s30+$0x1BF00] =	vst v1;
	v1 =	vsub.f32 v14, v12;
	v49 =	vmul.f32 v27, v17;
	v50 =	vmul.f32 v40, v3  }
0x5e6: {  	[tilespmem:s4+$0x1BF80] =	vst v22;
	v53 =	vmul.f32 v35, v42;
	v2 =	vsub.f32 v11, v43;
	v12 =	vsub.f32 v47, v48  }
0x5e7: {  	[tilespmem:s4+$0x1BF00] =	vst v21;
	v44 =	vmul.f32 v59, v23;
	v11 =	vsub.f32 v45, v46;
	v54 =	vsub.f32 v49, v50  }
0x5e8: {  	[tilespmem:s4+$0x1C000] =	vst v10;
	v1 =	vadd.f32 v53, v1;
	v51 =	vmul.f32 v35, v34;
	v55 =	vmul.f32 v12, v27  }
0x5e9: {  	[tilespmem:s8+$0x1C080] =	vst v9;
	v16 =	vsub.f32 v25, v44;
	v56 =	vmul.f32 v11, v40;
	v57 =	vmul.f32 v54, v40  }
0x5ea: {  	[tilespmem:s6+$0x1BF00] =	vst v6;
	v2 =	vadd.f32 v51, v2;
	v58 =	vmul.f32 v12, v24;
	v59 =	vmul.f32 v11, v24;
	v52 =	vpop (erf)  }
0x5eb: {  	[tilespmem:s7+$0x1BF00] =	vst v5;
	vm15 =	vlt.f32 v15, $9.999999740e-05;
	v60 =	vmul.f32 v54, v27;
	v14 =	vmul.f32 v52, v16  }
0x5ec: {  	[tilespmem:s8+$0x1C000] =	vst v1;
	v61 =	vmul.f32 $5.000000000e-01, v11;
	v7 =	vsub.f32 v55, v56;
	v16 =	vmul.f32 $5.000000000e-01, v54  }
0x5ed: {  	[tilespmem:s8+$0x1BF80] =	vst v2;
	v62 =	vmul.f32 $5.000000000e-01, v12;
	v2 =	vsub.f32 v57, v58;
	v14 =	vsel vm15, $0x3DAAAAAB, v14  }
0x5ee: {  	[tilespmem:s8+$0x1BF00] =	vst v26;
	v5 =	vsub.f32 v59, v60;
	v1 =	vsub.f32 v13, v16;
	v7 =	vmul.f32 v14, v7  }
0x5ef: {  	[tilespmem:s9+$0x1BF00] =	vst v8;
	v3 =	vsub.f32 v3, v61;
	v2 =	vmul.f32 v14, v2  }
0x5f0: {  	[tilespmem:s10+$0x1BF00] =	vst v4;
	v63 =	vsub.f32 v17, v62;
	v5 =	vmul.f32 v14, v5;
	v1 =	vadd.f32 v7, v1  }
0x5f1: {  	p3 =	slt.u32 s18, $0x3C0;
	[tilespmem:s12+$0x1C080] =	vst v24;
	v2 =	vadd.f32 v2, v3  }
.Ltmp11:
0x5f2: {  	v3 =	vadd.f32 v5, v63;
	[tilespmem:s12+$0x1BF00] =	vst v1;
	(pc) =	sbr.rel @p3 .LBB2_24-.Ltmp11, $4  }
0x5f3: {  	[tilespmem:s12+$0x1BF80] =	vst v2  }
0x5f4: {  	[tilespmem:s12+$0x1C000] =	vst v3  }
0x5f5: {  	[tilespmem:s19+$0x1BF00] =	vst v27  }
0x5f6: {  	s0 =	sadd.s32 $0x100, s0;
	p2 =	por !p2, !p2;
	s3 =	sadd.s32 $0x200, s3;
	[tilespmem:s13+$0x1BF00] =	vst v40  }
0x5f7: {  	s0 =	sshll.u32 s17, $0xA  }
0x5f8: {  	s1 =	rddreg [dreg:$0x4];
	s3 =	simm.s32 $0x1BF00;
	s19 =	simm.s32 $0x3  }
0x5f9: {  	p2 =	por $0x0, $0x0;
	s4 =	simm.s32 $0x1;
	s5 =	simm.s32 $0x10  }
0x5fa: {  	s6 =	simm.s32 $0x20;
	s10 =	simm.s32 $0x30;
	s0 =	sadd.s32 s1, s0  }
0x5fb: {  	s1 =	simm.s32 $0x0;
	s4 =	simm.s32 @!p2 $0x0;
	s5 =	sand.u32 $0x50, s5  }
0x5fc: {  	s6 =	sand.u32 $0x60, s6;
	s10 =	sand.u32 $0x70, s10;
	p2 =	por !p2, !p2  }
0x5fd: {  	[hbm4b:s0+s1] =	stream.linear.scatter [tilespmem:s3], [sflag:$0x7], $0x2000, $0x38;
	[tilespmem:$0x1FF00] =	vst v63  }
0x5fe: {  	s0 =	simm.s32 $0xFF00;
	s3 =	simm.s32 $0x0;
	s7 =	sand.u32 $0x3, s1  }
0x5ff: {  	s9 =	sand.u32 $0x700, s1;
	s4 =	sshll.u32 s4, $0x6;
	_ =	swait.ge [sflag:s19], $0x800  }
0x600: {  	s21 =	sand.u32 $0x7, s1;
	s9 =	sadd.s32 $0xEF00, s9;
	[sflag:s19] =	ssyncset.done $0x0  }
0x601: {  	s8 =	sand.u32 $0x40, s3;
	s10 =	sor.u32 s10, s9;
	[sflag:s19] =	ssyncadd.s32 $0xFFFFF800  }
0x602: {  	s7 =	sshll.u32 s7, $0x5;
	s4 =	sadd.s32 $0x0, s4;
	s28 =	sshll.u32 s21, $0x4;
	v4 =	vld [tilespmem:s10+$0x0]  }
0x603: {  	s7 =	sadd.s32 $0x0, s7;
	s8 =	sor.u32 s8, s9;
	s5 =	sor.u32 s5, s9  }
0x604: {  	s13 =	sor.u32 s6, s9;
	s30 =	sadd.s32 $0x0, s28;
	s12 =	sadd.s32 $0x20, s7;
	v3 =	vld [tilespmem:s8+$0x0]  }
0x605: {  	s7 =	sor.u32 $0x80, s4;
	s31 =	sadd.s32 $0x10, s30;
	s4 =	sadd.s32 $0x30, s30  }
0x606: {  	s6 =	sor.u32 $0x80, s12;
	v1 =	vld [tilespmem:s5+$0x0];
	s9 =	sor.u32 $0x80, s31;
	s10 =	sor.u32 $0x80, s4  }
0x607: {  	v2 =	vld [tilespmem:s13+$0x0];
	s4 =	simm.s32 $0x2;
	s8 =	simm.s32 $0x0;
	s5 =	simm.s32 $0x0;
	[tilespmem:s0+$0x30] =	vst v4  }
.LBB2_26:
0x608: {  	s12 =	sadd.s32 $0x50, s3  }
0x609: {  	s13 =	sadd.s32 $0x60, s3;
	[tilespmem:s0+$0x0] =	vst v3;
	v3 =	vld [tilespmem:s10+$0xEF00];
	s10 =	smov.u32 s3;
	s3 =	sadd.s32 $0x40, s3  }
0x60a: {  	s14 =	simm.s32 $0x1;
	s17 =	sand.u32 $0x3, s4;
	s1 =	sadd.s32 $0x80, s1  }
0x60b: {  	s5 =	sadd.s32 $0x4, s5;
	s14 =	simm.s32 @!p2 $0x0;
	v4 =	vld [tilespmem:s7+$0xEF00];
	s7 =	sand.u32 $0x3C0, s8;
	[tilespmem:s0+$0x10] =	vst v1  }
0x60c: {  	s8 =	sand.u32 $0x40, s3;
	s12 =	sand.u32 $0x50, s12;
	s13 =	sand.u32 $0x60, s13;
	v1 =	vld [tilespmem:s9+$0xEF00];
	[tilespmem:s0+$0x20] =	vst v2  }
0x60d: {  	s10 =	sadd.s32 $0x70, s10;
	s9 =	sshll.u32 s14, $0x6;
	s14 =	sshll.u32 s17, $0x5;
	v2 =	vld [tilespmem:s6+$0xEF00]  }
0x60e: {  	p3 =	slt.u32 s3, $0x3C0;
	s6 =	sadd.s32 s1, s14;
	s14 =	sand.u32 $0x700, s1  }
0x60f: {  	s10 =	sand.u32 $0x70, s10;
	s14 =	sadd.s32 $0xEF00, s14;
	s6 =	sadd.s32 $0x20, s6;
	[tilespmem:s0+$0x430] =	vst v3  }
0x610: {  	s8 =	sor.u32 s8, s14;
	s12 =	sor.u32 s12, s14;
	s10 =	sor.u32 s10, s14;
	[tilespmem:s7+$0x10300] =	vst v4  }
0x611: {  	s6 =	sor.u32 $0x80, s6;
	s7 =	sadd.s32 s9, s1;
	s9 =	sor.u32 s13, s14;
	v4 =	vld [tilespmem:s10+$0x0];
	[tilespmem:s0+$0x410] =	vst v1  }
.Ltmp12:
0x612: {  	s10 =	sand.u32 $0x7, s5;
	s7 =	sor.u32 $0x80, s7;
	v3 =	vld [tilespmem:s8+$0x0];
	[tilespmem:s0+$0x420] =	vst v2;
	(pc) =	sbr.rel @p3 .LBB2_26-.Ltmp12, $4  }
0x613: {  	s10 =	sshll.u32 s10, $0x4;
	s8 =	smov.u32 s3;
	v1 =	vld [tilespmem:s12+$0x0]  }
0x614: {  	p2 =	por !p2, !p2;
	s10 =	sadd.s32 s10, s1;
	v2 =	vld [tilespmem:s9+$0x0]  }
0x615: {  	s0 =	sadd.s32 $0x40, s0;
	s9 =	sadd.s32 $0x10, s10;
	s10 =	sadd.s32 $0x30, s10  }
0x616: {  	s4 =	sadd.s32 $0x2, s4;
	s9 =	sor.u32 $0x80, s9;
	s10 =	sor.u32 $0x80, s10;
	[tilespmem:s0+$0x30] =	vst v4  }
0x617: {  	[tilespmem:s0+$0x0] =	vst v3;
	v4 =	vld [tilespmem:s10+$0xEF00]  }
0x618: {  	v3 =	vld [tilespmem:s7+$0xEF00];
	[tilespmem:s0+$0x10] =	vst v1  }
0x619: {  	v1 =	vld [tilespmem:s9+$0xEF00];
	[tilespmem:s0+$0x20] =	vst v2  }
0x61a: {  	v2 =	vld [tilespmem:s6+$0xEF00];
	_ =	sdelay $0x1  }
0x61b: {  	s1 =	sand.u32 $0x3C0, s8;
	[tilespmem:s0+$0x430] =	vst v4  }
0x61c: {  	[tilespmem:s1+$0x10300] =	vst v3  }
0x61d: {  	s19 =	rddreg [dreg:$0x5];
	[tilespmem:s0+$0x410] =	vst v1  }
0x61e: {  	s21 =	simm.s32 $0x10F00;
	s4 =	rddreg [dreg:$0x7];
	[tilespmem:s0+$0x420] =	vst v2  }
0x61f: {  	[tilespmem:s21], [sflag:$0x1] =	stream.indirect.gather [spmem:s19], $0x1, s24, s23, $0xb8;
	[tilespmem:$0x1FF00] =	vst v63  }
0x620: {  	s3 =	simm.s32 $0x11700;
	s1 =	rddreg [dreg:$0x6]  }
0x621: {  	[tilespmem:s3], [sflag:$0x1] =	stream.indirect.gather [spmem:s1], $0x1, s24, s23, $0xb8;
	[tilespmem:$0x1FF00] =	vst v63  }
0x622: {  	s5 =	simm.s32 $0x11F00;
	s17 =	sld [smem:$0x7FD]  }
0x623: {  	[tilespmem:s5], [sflag:$0x1] =	stream.indirect.gather [spmem:s4], $0x1, s24, s23, $0xb8;
	[tilespmem:$0x1FF00] =	vst v63  }
0x624: {  	s7 =	simm.s32 $0x12700;
	s6 =	rddreg [dreg:$0x8]  }
0x625: {  	[tilespmem:s7], [sflag:$0x1] =	stream.indirect.gather [spmem:s6], $0x1, s24, s23, $0xb8;
	[tilespmem:$0x1FF00] =	vst v63  }
0x626: {  	s8 =	rddreg [dreg:$0x9];
	s9 =	simm.s32 $0x12F00;
	s0 =	sadd.s32 s17, s15  }
0x627: {  	[tilespmem:s9], [sflag:$0x1] =	stream.indirect.gather [spmem:s8], $0x1, s24, s23, $0xb8;
	[tilespmem:$0x1FF00] =	vst v63  }
0x628: {  	s10 =	rddreg [dreg:$0xa];
	s12 =	simm.s32 $0x13700;
	s0 =	smin.u32 s0, $0xC34  }
0x629: {  	[tilespmem:s12], [sflag:$0x1] =	stream.indirect.gather [spmem:s10], $0x1, s24, s23, $0xb8;
	[tilespmem:$0x1FF00] =	vst v63  }
0x62a: {  	s13 =	rddreg [dreg:$0xb];
	s14 =	simm.s32 $0x13F00;
	s0 =	sshll.u32 s0, $0x8  }
0x62b: {  	[tilespmem:s14], [sflag:$0x1] =	stream.indirect.gather [spmem:s13], $0x1, s24, s23, $0xb8;
	[tilespmem:$0x1FF00] =	vst v63  }
0x62c: {  	s28 =	simm.s32 $0x0;
	s18 =	simm.s32 $0xF700;
	s0 =	sadd.s32 s11, s0  }
0x62d: {  	[tilespmem:s18], [sflag:$0x4] =	stream.linear.gather [hbm4b:s0+s28], $0x800, $0x38;
	[tilespmem:$0x1FF00] =	vst v63  }
0x62e: {  	s19 =	sadd.s32 s29, s16;
	s21 =	simm.s32 $0x17F00  }
0x62f: {  	[tilespmem:s21], [sflag:$0x5] =	stream.linear.gather [hbm4b:s19+s28], $0x2000, $0x38;
	[tilespmem:$0x1FF00] =	vst v63  }
0x630: {  	_ =	swait.ge [sflag:s26], $0x800  }
0x631: {  	[sflag:s26] =	ssyncset.done $0x0  }
0x632: {  	[sflag:s26] =	ssyncadd.s32 $0xFFFFF800  }
0x633: {  	_ =	swait.ge [sflag:s26], $0x800  }
0x634: {  	[sflag:s26] =	ssyncset.done $0x0  }
0x635: {  	[sflag:s26] =	ssyncadd.s32 $0xFFFFF800  }
0x636: {  	_ =	swait.ge [sflag:s26], $0x800  }
0x637: {  	[sflag:s26] =	ssyncset.done $0x0  }
0x638: {  	[sflag:s26] =	ssyncadd.s32 $0xFFFFF800  }
0x639: {  	_ =	swait.ge [sflag:s26], $0x800  }
0x63a: {  	[sflag:s26] =	ssyncset.done $0x0  }
0x63b: {  	[sflag:s26] =	ssyncadd.s32 $0xFFFFF800  }
0x63c: {  	_ =	swait.ge [sflag:s26], $0x800  }
0x63d: {  	[sflag:s26] =	ssyncset.done $0x0  }
0x63e: {  	[sflag:s26] =	ssyncadd.s32 $0xFFFFF800  }
0x63f: {  	_ =	swait.ge [sflag:s26], $0x800  }
0x640: {  	[sflag:s26] =	ssyncset.done $0x0  }
0x641: {  	[sflag:s26] =	ssyncadd.s32 $0xFFFFF800  }
0x642: {  	_ =	swait.ge [sflag:s26], $0x800  }
0x643: {  	[sflag:s26] =	ssyncset.done $0x0  }
0x644: {  	s31 =	smov.u32 s29;
	s29 =	simm.s32 $0x6;
	[sflag:s26] =	ssyncadd.s32 $0xFFFFF800  }
0x645: {  	_ =	swait.ge [sflag:s29], $0x2000  }
0x646: {  	[sflag:s29] =	ssyncset.done $0x0  }
0x647: {  	s0 =	simm.s32 @!p1 $0x8;
	[sflag:s29] =	ssyncadd.s32 $0xFFFFE000  }
0x648: {  	s30 =	smov.u32 s11;
	_ =	swait.ge @!p1 [sflag:s0], $0x2000  }
0x649: {  	s3 =	simm.s32 $0x0;
	s15 =	simm.s32 $0xFFFFFFC0;
	[sflag:s0] =	ssyncset.done @!p1 $0x0  }
0x64a: {  	[sflag:s0] =	ssyncadd.s32 @!p1 $0xFFFFE000;
	p1 =	por $0x0, $0x0;
	s0 =	simm.s32 $0x0  }
.LBB2_28:
0x64b: {  	s17 =	sshra.s32 s0, $0x2  }
0x64c: {  	v1 =	vld [tilespmem:s17+$0x15F00]  }
0x64d: {  	v2 =	vld [tilespmem:s17+$0x16700]  }
0x64e: {  	v3 =	vld [tilespmem:s17+$0x16F00]  }
0x64f: {  	v4 =	vld [tilespmem:s17+$0x17700]  }
0x650: {  	v5 =	vld [tilespmem:s17+$0x16300]  }
0x651: {  	v6 =	vld [tilespmem:s17+$0x16B00]  }
0x652: {  	v7 =	vld [tilespmem:s17+$0x17B00]  }
0x653: {  	v8 =	vld [tilespmem:s17+$0x17300];
	_ =	sdelay $0x2  }
0x654: {  	v9 =	vsub.f32 $0.0e+00, v1;
	v1 =	vsub.f32 $0.0e+00, v2;
	v10 =	vmul.f32 v5, v4  }
0x655: {  	v2 =	vsub.f32 $0.0e+00, v3;
	v14 =	vmul.f32 v7, v4;
	v58 =	vmul.f32 v6, v4  }
0x656: {  	v4 =	vmul.f32 v8, v4;
	v3 =	vmul.f32 v7, v9  }
0x657: {  	s1 =	simm.s32 $0x1;
	v11 =	vmul.f32 v6, v2;
	v54 =	vmul.f32 v7, v1  }
0x658: {  	s15 =	sadd.s32 $0x40, s15;
	s1 =	simm.s32 @!p1 $0x0;
	v13 =	vmul.f32 v5, v2;
	v15 =	vmul.f32 v5, v9  }
0x659: {  	s12 =	sand.u32 $0x1C00, s3;
	s21 =	sand.u32 $0x40, s15;
	s1 =	sshll.u32 s1, $0x6;
	v7 =	vmul.f32 v7, v2;
	v5 =	vmul.f32 v5, v1  }
0x65a: {  	s18 =	sadd.s32 s1, s3;
	s1 =	sor.u32 s21, s12;
	v12 =	vmul.f32 v8, v1;
	v57 =	vmul.f32 v6, v1;
	v3 =	vadd.f32 v3, v10  }
0x65b: {  	v16 =	vld [tilespmem:s1+$0x1A080];
	s4 =	sor.u32 $0x300, s18;
	v6 =	vmul.f32 v6, v9;
	v10 =	vsub.f32 v54, v13;
	v5 =	vadd.f32 v7, v5  }
0x65c: {  	s14 =	sor.u32 $0x200, s18;
	v1 =	vld [tilespmem:s4+$0x19F00];
	v2 =	vmul.f32 v8, v2;
	v56 =	vsub.f32 v14, v15;
	v3 =	vadd.f32 v3, v11  }
0x65d: {  	v55 =	vld [tilespmem:s14+$0x19F00];
	v8 =	vmul.f32 v8, v9;
	v10 =	vadd.f32 v10, v58;
	v5 =	vsub.f32 v5, v6  }
0x65e: {  	s16 =	sor.u32 $0x280, s18;
	v59 =	vsub.f32 v3, v12;
	v3 =	vsub.f32 v56, v57  }
0x65f: {  	v60 =	vld [tilespmem:s16+$0x19F00];
	v5 =	vadd.f32 v5, v4;
	v63 =	vadd.f32 v10, v8  }
0x660: {  	v15 =	vsub.f32 v3, v2;
	v3 =	vsub.f32 $0.0e+00, v16  }
0x661: {  	v61 =	vmul.f32 v1, v59;
	v33 =	vmul.f32 v1, v63  }
0x662: {  	v2 =	vsub.f32 $0.0e+00, v55;
	v37 =	vmul.f32 v1, v5;
	v62 =	vmul.f32 v3, v15  }
0x663: {  	v31 =	vmul.f32 v1, v15;
	v32 =	vmul.f32 v3, v59  }
0x664: {  	v12 =	vsub.f32 $0.0e+00, v60;
	v30 =	vmul.f32 v2, v5;
	v34 =	vmul.f32 v3, v5  }
0x665: {  	v36 =	vmul.f32 v2, v63;
	v4 =	vadd.f32 v61, v62;
	v35 =	vsub.f32 v31, v32  }
0x666: {  	v40 =	vmul.f32 v12, v5;
	v38 =	vmul.f32 v3, v63;
	v6 =	vsub.f32 v33, v34  }
0x667: {  	v39 =	vmul.f32 v2, v15;
	v8 =	vadd.f32 v4, v30;
	v4 =	vsub.f32 v35, v36  }
0x668: {  	v41 =	vmul.f32 v12, v63;
	v42 =	vmul.f32 v2, v59;
	v10 =	vadd.f32 v37, v38  }
0x669: {  	v43 =	vmul.f32 v12, v59;
	v6 =	vadd.f32 v6, v39;
	v4 =	vsub.f32 v4, v40  }
0x66a: {  	v45 =	vmul.f32 v12, v15;
	v44 =	vsub.f32 v10, v42  }
0x66b: {  	v8 =	vsub.f32 v8, v41;
	v6 =	vadd.f32 v6, v43;
	vm0 =	vlt.f32 v4, $0.0e+00  }
0x66c: {  	v9 =	vadd.f32 v44, v45;
	v46 =	vsel vm0, $0xBF800000, v0  }
0x66d: {  	v10 =	vmul.f32 v46, v8;
	v11 =	vmul.f32 v46, v6  }
0x66e: {  	v9 =	vmul.f32 v46, v9  }
0x66f: {  	v47 =	vmul.f32 v10, v10;
	v48 =	vmul.f32 v11, v11;
	_ =	sdelay $0x1  }
0x670: {  	v49 =	vmul.f32 v9, v9;
	v6 =	vadd.f32 v48, v47;
	_ =	sdelay $0x1  }
0x671: {  	v8 =	vadd.f32 v6, v49;
	_ =	sdelay $0x1  }
0x672: {  	v6 =	vmax.f32 v8, $1.000000000e-30  }
0x673: {  	v50 =	vshrl.u32 v6, $0x1;
	v6 =	vmul.f32 $5.000000000e-01, v6  }
0x674: {  	v13 =	vsub.s32 $0x5F3759DF, v50  }
0x675: {  	v51 =	vmul.f32 v13, v6;
	_ =	sdelay $0x1  }
0x676: {  	v14 =	vmul.f32 v13, v51;
	_ =	sdelay $0x1  }
0x677: {  	v14 =	vsub.f32 $1.500000000e+00, v14;
	_ =	sdelay $0x1  }
0x678: {  	v13 =	vmul.f32 v13, v14;
	_ =	sdelay $0x1  }
0x679: {  	v14 =	vmul.f32 v13, v6;
	_ =	sdelay $0x1  }
0x67a: {  	v23 =	vld [tilespmem:s17+$0x14700];
	v14 =	vmul.f32 v14, v13  }
0x67b: {  	v25 =	vld [tilespmem:s17+$0x15700]  }
0x67c: {  	v14 =	vsub.f32 $1.500000000e+00, v14  }
0x67d: {  	s19 =	sand.u32 $0x380, s15;
	s9 =	sor.u32 $0x10, s21  }
0x67e: {  	v22 =	vld [tilespmem:s17+$0x14F00];
	s5 =	sor.u32 s19, s9;
	v13 =	vmul.f32 v14, v13  }
0x67f: {  	v24 =	vld [tilespmem:s5+$0x15F00];
	v20 =	vmul.f32 v5, v23  }
0x680: {  	v26 =	vld [tilespmem:s5+$0x17700];
	v21 =	vmul.f32 v59, v25;
	v6 =	vmul.f32 v13, v6  }
0x681: {  	v54 =	vld [tilespmem:s5+$0x16700]  }
0x682: {  	v58 =	vld [tilespmem:s17+$0x17B10];
	v55 =	vsub.f32 v20, v21;
	v6 =	vmul.f32 v6, v13  }
0x683: {  	v57 =	vld [tilespmem:s17+$0x16310];
	v52 =	vmul.f32 v63, v25  }
0x684: {  	v18 =	vmul.f32 v5, v22;
	v29 =	vadd.f32 v55, v55;
	v6 =	vsub.f32 $1.500000000e+00, v6  }
0x685: {  	v53 =	vmul.f32 v59, v22;
	v19 =	vmul.f32 v63, v23;
	v61 =	vsub.f32 $0.0e+00, v24  }
0x686: {  	v31 =	vld [tilespmem:s17+$0x17310];
	v32 =	vmul.f32 v29, v5;
	v6 =	vmul.f32 v6, v13  }
0x687: {  	v27 =	vld [tilespmem:s17+$0x16B10];
	v62 =	vsub.f32 $0.0e+00, v54;
	v35 =	vmul.f32 v29, v59;
	v43 =	vmul.f32 v58, v61  }
0x688: {  	v44 =	vmul.f32 v57, v26;
	v14 =	vmul.f32 v6, v8  }
0x689: {  	v45 =	vmul.f32 v58, v62;
	v40 =	vmul.f32 v58, v26;
	v13 =	vand.u32 $0x7FFFFFFF, v4  }
0x68a: {  	v56 =	vld [tilespmem:s5+$0x16F00];
	v41 =	vmul.f32 v57, v61;
	v6 =	vsub.f32 v52, v18;
	v17 =	vmax.f32 v14, v13  }
0x68b: {  	v28 =	vmul.f32 v31, v62;
	(erf) = vrcp.f32 v17;
	v17 =	vsub.f32 v53, v19  }
0x68c: {  	v54 =	vmul.f32 v31, v61;
	v48 =	vmul.f32 v27, v26;
	v6 =	vadd.f32 v6, v6  }
0x68d: {  	v49 =	vmul.f32 v27, v61;
	v18 =	vmul.f32 v57, v62;
	v17 =	vadd.f32 v17, v17  }
0x68e: {  	s7 =	sadd.s32 $0x10, s18;
	s4 =	sor.u32 s9, s12;
	v33 =	vmul.f32 v6, v5;
	v36 =	vmul.f32 v6, v63  }
0x68f: {  	s6 =	sor.u32 $0x200, s7;
	s8 =	sor.u32 $0x300, s7;
	s7 =	sor.u32 $0x280, s7;
	v42 =	vld [tilespmem:s4+$0x1A080];
	v37 =	vmul.f32 v6, v15;
	v30 =	vmul.f32 v17, v63;
	v63 =	vsub.f32 $0.0e+00, v56  }
0x690: {  	v47 =	vsub.f32 v40, v41;
	v53 =	vld [tilespmem:s7+$0x19F00];
	v6 =	vmul.f32 v27, v62;
	v34 =	vmul.f32 v17, v59  }
0x691: {  	v38 =	vmul.f32 v17, v15;
	v17 =	vadd.f32 v43, v44;
	v43 =	vld [tilespmem:s6+$0x19F00];
	v20 =	vmul.f32 v27, v63  }
0x692: {  	v6 =	vsub.f32 v47, v6;
	v39 =	vmul.f32 v57, v63;
	v46 =	vmul.f32 v58, v63  }
0x693: {  	v5 =	vld [tilespmem:s8+$0x19F00];
	v16 =	vmul.f32 v31, v63;
	v32 =	vsub.f32 v30, v32;
	v17 =	vadd.f32 v17, v20  }
0x694: {  	v51 =	vmul.f32 v31, v26;
	v19 =	vsub.f32 v45, v39;
	v18 =	vadd.f32 v46, v18  }
0x695: {  	v59 =	vmin.f32 v14, v13;
	v27 =	vsub.f32 v6, v16;
	v6 =	vsub.f32 $0.0e+00, v42  }
0x696: {  	v15 =	vmul.f32 v29, v15;
	v20 =	vsub.f32 $0.0e+00, v53;
	v60 =	vpop (erf);
	v7 =	vsub.f32 $0.0e+00, v43  }
0x697: {  	v21 =	vmul.f32 v60, v59;
	v28 =	vsub.f32 v17, v28;
	v18 =	vsub.f32 v18, v49  }
0x698: {  	v50 =	vadd.f32 v19, v48;
	v56 =	vmul.f32 v6, v27;
	v60 =	vmul.f32 v5, v27  }
0x699: {  	v49 =	vmul.f32 v7, v27;
	v24 =	vmul.f32 v21, v21;
	v31 =	vadd.f32 v18, v51  }
0x69a: {  	v55 =	vmul.f32 v5, v28;
	v30 =	vadd.f32 v50, v54;
	v61 =	vmul.f32 v6, v28  }
0x69b: {  	v35 =	vsub.f32 v35, v36;
	v53 =	vmul.f32 v20, v28;
	v52 =	vmul.f32 $4.668784330e-03, v24  }
0x69c: {  	v23 =	vadd.f32 v37, v23;
	v58 =	vmul.f32 v7, v31;
	v62 =	vmul.f32 v5, v30  }
0x69d: {  	v63 =	vmul.f32 v6, v31;
	v44 =	vsub.f32 v60, v61;
	v45 =	vmul.f32 v7, v30  }
0x69e: {  	v59 =	vadd.f32 v55, v56;
	v47 =	vmul.f32 v5, v31;
	v48 =	vmul.f32 v6, v30  }
0x69f: {  	v50 =	vmul.f32 v20, v31;
	v57 =	vsub.f32 $2.416624690e-02, v52;
	v16 =	vsub.f32 v44, v45  }
0x6a0: {  	v51 =	vmul.f32 v20, v30;
	v17 =	vadd.f32 v59, v58;
	v46 =	vsub.f32 v62, v63  }
0x6a1: {  	v26 =	vadd.f32 v47, v48;
	v52 =	vmul.f32 v7, v28;
	v16 =	vsub.f32 v16, v50  }
0x6a2: {  	v55 =	vmul.f32 v20, v27;
	v19 =	vadd.f32 v46, v49;
	v54 =	vmul.f32 v57, v24  }
0x6a3: {  	v26 =	vsub.f32 v26, v52;
	v17 =	vsub.f32 v17, v51;
	vm6 =	vlt.f32 v16, $0.0e+00  }
0x6a4: {  	v19 =	vadd.f32 v19, v53;
	v56 =	vadd.f32 $-5.936720970e-02, v54;
	v57 =	vsel vm6, $0xBF800000, v0  }
0x6a5: {  	v25 =	vadd.f32 v38, v25;
	v58 =	vld [tilespmem:s17+$0x15B00];
	v26 =	vadd.f32 v26, v55;
	v17 =	vmul.f32 v57, v17  }
0x6a6: {  	v33 =	vsub.f32 v33, v34;
	v45 =	vld [tilespmem:s17+$0x15300];
	v18 =	vmul.f32 v57, v19;
	v59 =	vmul.f32 v56, v24  }
0x6a7: {  	v15 =	vadd.f32 v15, v22;
	v25 =	vadd.f32 v35, v25;
	v60 =	vld [tilespmem:s17+$0x14B00];
	v19 =	vmul.f32 v57, v26  }
0x6a8: {  	v63 =	vld [tilespmem:s1+$0x1A000];
	v61 =	vmul.f32 v17, v17;
	v62 =	vmul.f32 v18, v18;
	v44 =	vadd.f32 $9.906107180e-02, v59  }
0x6a9: {  	v32 =	vadd.f32 v32, v23;
	v15 =	vadd.f32 v33, v15;
	v50 =	vld [tilespmem:s1+$0x19F80]  }
0x6aa: {  	v47 =	vmul.f32 v19, v19;
	v46 =	vadd.f32 v62, v61;
	v49 =	vmul.f32 v44, v24  }
0x6ab: {  	v25 =	vsub.f32 v58, v25;
	v15 =	vsub.f32 v45, v15  }
0x6ac: {  	v48 =	vld [tilespmem:s1+$0x19F00];
	v23 =	vadd.f32 v46, v47;
	v22 =	vadd.f32 $-1.401658950e-01, v49  }
0x6ad: {  	v4 =	vmul.f32 v4, v4;
	v26 =	vsub.f32 v60, v32;
	v25 =	vsub.f32 v25, v63  }
0x6ae: {  	v15 =	vsub.f32 v15, v50;
	v51 =	vmax.f32 v23, $1.000000000e-30;
	v22 =	vmul.f32 v22, v24  }
0x6af: {  	v53 =	vmul.f32 v25, v2;
	v52 =	vshrl.u32 v51, $0x1;
	v32 =	vmul.f32 $5.000000000e-01, v51  }
0x6b0: {  	v56 =	vmul.f32 v25, v3;
	v33 =	vsub.s32 $0x5F3759DF, v52;
	v22 =	vadd.f32 $1.996923690e-01, v22  }
0x6b1: {  	v26 =	vsub.f32 v26, v48;
	v57 =	vmul.f32 v15, v3;
	v54 =	vmul.f32 v33, v32  }
0x6b2: {  	vm7 =	vgt.f32 v13, $1.000000010e-07;
	v58 =	vmul.f32 v15, v12;
	v22 =	vmul.f32 v22, v24  }
0x6b3: {  	v4 =	vsub.f32 v4, v8;
	v38 =	vmul.f32 v26, v2;
	v35 =	vmul.f32 v33, v54  }
0x6b4: {  	v55 =	vmul.f32 v26, v12;
	v34 =	vsub.f32 v53, v58;
	v22 =	vadd.f32 $-3.333196040e-01, v22  }
0x6b5: {  	v40 =	vnsel vm7, $0x3F800000, v13;
	v59 =	vsub.f32 v57, v38;
	v35 =	vsub.f32 $1.500000000e+00, v35  }
0x6b6: {  	v29 =	vsub.f32 v55, v56;
	v34 =	vadd.f32 v34, v34;
	v22 =	vmul.f32 v22, v24  }
0x6b7: {  	vm1 =	vgt.f32 v14, $1.000000010e-07;
	v61 =	vadd.f32 v59, v59;
	v60 =	vmul.f32 v33, v35  }
0x6b8: {  	v29 =	vadd.f32 v29, v29;
	v43 =	vmul.f32 v34, v1;
	v22 =	vadd.f32 $9.999998800e-01, v22  }
0x6b9: {  	vm8 =	vgt.f32 v14, v13;
	v36 =	vmul.f32 v61, v2;
	v35 =	vmul.f32 v60, v32  }
0x6ba: {  	v4 =	vadd.f32 $1.000000000e+00, v4;
	v62 =	vmul.f32 v29, v12;
	v21 =	vmul.f32 v22, v21  }
0x6bb: {  	v12 =	vmul.f32 v34, v12;
	v63 =	vmul.f32 v35, v60;
	v35 =	vsel vm1, v14, v40  }
0x6bc: {  	v42 =	vmul.f32 v61, v3;
	v41 =	vsub.f32 $1.570796370e+00, v21;
	(erf) = vrcp.f32 v35  }
0x6bd: {  	v3 =	vmul.f32 v29, v3;
	v2 =	vmul.f32 v34, v2;
	v34 =	vand.u32 $0x7FFFFFFF, v16  }
0x6be: {  	v26 =	vadd.f32 v43, v26;
	v22 =	vsub.f32 $1.500000000e+00, v63;
	v21 =	vsel vm8, v41, v21  }
0x6bf: {  	v16 =	vmul.f32 v16, v16;
	v14 =	vadd.f32 v14, v14;
	v21 =	vadd.f32 v21, v21  }
0x6c0: {  	v37 =	vld [tilespmem:s5+$0x14F00];
	v2 =	vsub.f32 v3, v2;
	v3 =	vmul.f32 v29, v1;
	v22 =	vmul.f32 v22, v60  }
0x6c1: {  	s10 =	sor.u32 $0x20, s21;
	v39 =	vld [tilespmem:s5+$0x15700];
	v12 =	vsub.f32 v12, v42;
	v13 =	vmul.f32 v14, v13;
	v44 =	vadd.f32 v21, v21  }
0x6c2: {  	v1 =	vmul.f32 v61, v1;
	v3 =	vadd.f32 v3, v15;
	v35 =	vld [tilespmem:s5+$0x14700];
	s5 =	sor.u32 s19, s10;
	v24 =	vmul.f32 v22, v32  }
0x6c3: {  	v36 =	vsub.f32 v36, v62;
	v16 =	vsub.f32 v16, v23;
	v62 =	vld [tilespmem:s5+$0x16F00];
	v13 =	vmul.f32 v44, v13  }
0x6c4: {  	v1 =	vadd.f32 v1, v25;
	v29 =	vadd.f32 v12, v3;
	v24 =	vmul.f32 v24, v22  }
0x6c5: {  	v61 =	vld [tilespmem:s5+$0x16700];
	v46 =	vnsel vm1, $0x40000000, v21;
	v49 =	vmul.f32 v21, v21;
	v47 =	vand.u32 $0x7FFFFFFF, v13;
	v48 =	vpop (erf)  }
0x6c6: {  	v45 =	vsub.f32 $1.500000000e+00, v24;
	vm9 =	vgt.f32 v47, $9.999999960e-13;
	v50 =	vmul.f32 v46, v48  }
0x6c7: {  	v63 =	vld [tilespmem:s17+$0x17B20];
	v47 =	vmul.f32 v30, v39;
	v48 =	vmul.f32 v31, v37;
	v13 =	vnsel vm9, $0x2B8CBCCC, v13  }
0x6c8: {  	v8 =	vsub.f32 $0.0e+00, v62;
	v14 =	vmul.f32 v45, v22;
	v51 =	vmul.f32 v13, v49  }
0x6c9: {  	v24 =	vadd.f32 v2, v1;
	v3 =	vmul.f32 v50, v10;
	v2 =	vmul.f32 v50, v11  }
0x6ca: {  	v22 =	vsub.f32 $0.0e+00, v61;
	v1 =	vmul.f32 v50, v9;
	v10 =	vmul.f32 v49, v4  }
0x6cb: {  	vm13 =	vgt.f32 v34, $1.000000010e-07;
	v56 =	vld [tilespmem:s5+$0x15F00];
	v49 =	vmul.f32 v31, v35;
	v33 =	vmul.f32 v14, v23  }
0x6cc: {  	v16 =	vadd.f32 $1.000000000e+00, v16;
	v61 =	vmul.f32 v63, v22;
	v14 =	vmul.f32 v63, v8  }
0x6cd: {  	v32 =	vadd.f32 v36, v26;
	v9 =	vld [tilespmem:s5+$0x17700];
	(erf) = vrcp.f32 v51;
	v53 =	vmul.f32 v2, v24  }
0x6ce: {  	v4 =	vld [tilespmem:s17+$0x16320];
	v54 =	vmul.f32 v1, v29;
	v55 =	vmul.f32 v3, v29;
	v52 =	vmax.f32 v33, v34  }
0x6cf: {  	vm10 =	vlt.f32 v21, $9.999999740e-05;
	v50 =	vld [tilespmem:s17+$0x17320];
	v11 =	vmul.f32 v2, v32;
	(erf) = vrcp.f32 v52  }
0x6d0: {  	v12 =	vsub.f32 $0.0e+00, v56;
	v59 =	vmul.f32 v1, v32;
	v60 =	vmul.f32 v3, v24  }
0x6d1: {  	v51 =	vmul.f32 v28, v39;
	v57 =	vmin.f32 v33, v34;
	v36 =	vsub.f32 v55, v11  }
0x6d2: {  	v40 =	vsub.f32 v53, v54;
	v11 =	vld [tilespmem:s17+$0x16B20];
	v52 =	vmul.f32 v28, v37;
	v53 =	vmul.f32 v30, v35  }
0x6d3: {  	v38 =	vsub.f32 v59, v60;
	v59 =	vmul.f32 v63, v12;
	v60 =	vmul.f32 v4, v9  }
0x6d4: {  	vm12 =	vgt.f32 v33, v34;
	v55 =	vmul.f32 v50, v22;
	v56 =	vmul.f32 v4, v8  }
0x6d5: {  	vm14 =	vgt.f32 v33, $1.000000010e-07;
	v62 =	vmul.f32 v63, v9;
	v63 =	vmul.f32 v4, v22  }
0x6d6: {  	v49 =	vsub.f32 v49, v51;
	v15 =	vmul.f32 v36, v2;
	v43 =	vmul.f32 v38, v1  }
0x6d7: {  	s8 =	sor.u32 s10, s12;
	s10 =	sadd.s32 $0x20, s18;
	v25 =	vadd.f32 v59, v60;
	v54 =	vmul.f32 v11, v8;
	v60 =	vmul.f32 v11, v22;
	v45 =	vpop (erf)  }
0x6d8: {  	s9 =	sor.u32 $0x200, s10;
	v26 =	vsub.f32 v61, v56;
	v61 =	vmul.f32 v11, v9;
	v11 =	vmul.f32 v11, v12;
	v58 =	vpop (erf)  }
0x6d9: {  	v59 =	vld [tilespmem:s9+$0x19F00];
	v14 =	vadd.f32 v14, v63;
	v41 =	vmul.f32 v58, v57;
	v57 =	vmul.f32 v4, v12  }
0x6da: {  	v44 =	vmul.f32 v40, v1;
	v8 =	vmul.f32 v50, v8;
	v25 =	vadd.f32 v25, v54;
	v58 =	vld [tilespmem:s8+$0x1A080]  }
0x6db: {  	s13 =	sor.u32 $0x300, s10;
	v9 =	vmul.f32 v50, v9;
	v11 =	vsub.f32 v14, v11;
	v21 =	vsub.f32 v62, v57  }
0x6dc: {  	s10 =	sor.u32 $0x280, s10;
	v22 =	vsub.f32 v25, v55;
	v4 =	vld [tilespmem:s13+$0x19F00];
	v12 =	vmul.f32 v50, v12;
	v50 =	vsub.f32 v13, v10  }
0x6dd: {  	v46 =	vmul.f32 v36, v3;
	v62 =	vadd.f32 v26, v61;
	v57 =	vld [tilespmem:s10+$0x19F00];
	v21 =	vsub.f32 v21, v60  }
0x6de: {  	v42 =	vmul.f32 v41, v41;
	v26 =	vadd.f32 v11, v9;
	v9 =	vsub.f32 $0.0e+00, v59  }
0x6df: {  	v45 =	vmul.f32 v45, v50;
	v21 =	vsub.f32 v21, v8;
	v8 =	vsub.f32 $0.0e+00, v58  }
0x6e0: {  	v63 =	vmul.f32 $4.668784330e-03, v42;
	v25 =	vadd.f32 v62, v12;
	v61 =	vmul.f32 v9, v26  }
0x6e1: {  	v49 =	vadd.f32 v49, v49;
	v59 =	vmul.f32 v4, v22;
	v60 =	vmul.f32 v8, v21  }
0x6e2: {  	v13 =	vsub.f32 $2.416624690e-02, v63;
	v63 =	vmul.f32 v4, v25;
	v11 =	vsub.f32 $0.0e+00, v57  }
0x6e3: {  	v62 =	vmul.f32 v4, v21;
	v55 =	vmul.f32 v8, v22;
	v10 =	vadd.f32 v59, v60  }
0x6e4: {  	v43 =	vsub.f32 v15, v43;
	v58 =	vmul.f32 v11, v25;
	v60 =	vmul.f32 v8, v26  }
0x6e5: {  	v12 =	vsub.f32 v62, v55;
	v10 =	vadd.f32 v10, v61;
	v61 =	vmul.f32 v9, v25  }
0x6e6: {  	v62 =	vmul.f32 v4, v26;
	v54 =	vsub.f32 v63, v60;
	v63 =	vmul.f32 v8, v25  }
0x6e7: {  	v60 =	vmul.f32 v9, v21;
	v12 =	vsub.f32 v12, v61;
	v61 =	vmul.f32 v11, v26  }
0x6e8: {  	v59 =	vmul.f32 v13, v42;
	v55 =	vadd.f32 v62, v63;
	v62 =	vmul.f32 v9, v22  }
0x6e9: {  	v54 =	vadd.f32 v54, v60;
	v63 =	vmul.f32 v11, v22;
	v14 =	vsub.f32 v12, v61  }
0x6ea: {  	v10 =	vsub.f32 v10, v58;
	v58 =	vsub.f32 v52, v53;
	v52 =	vmul.f32 v49, v31  }
0x6eb: {  	v60 =	vsub.f32 v55, v62;
	v61 =	vmul.f32 v11, v21;
	vm11 =	vlt.f32 v14, $0.0e+00  }
0x6ec: {  	v54 =	vadd.f32 v54, v63;
	v62 =	vadd.f32 $-5.936720970e-02, v59;
	v63 =	vsel vm11, $0xBF800000, v0  }
0x6ed: {  	v55 =	vsub.f32 v47, v48;
	v13 =	vadd.f32 v60, v61;
	v10 =	vmul.f32 v63, v10  }
0x6ee: {  	v44 =	vsub.f32 v44, v46;
	v12 =	vmul.f32 v63, v54;
	v54 =	vmul.f32 v62, v42  }
0x6ef: {  	v50 =	vadd.f32 v58, v58;
	v46 =	vadd.f32 v55, v55;
	v13 =	vmul.f32 v63, v13  }
0x6f0: {  	v56 =	vmul.f32 v10, v10;
	v57 =	vmul.f32 v12, v12;
	v15 =	vadd.f32 $9.906107180e-02, v54  }
0x6f1: {  	v45 =	vsel vm10, $0x3DAAAAAB, v45;
	v48 =	vmul.f32 v50, v30;
	v31 =	vmul.f32 v46, v31  }
0x6f2: {  	v59 =	vmul.f32 v13, v13;
	v47 =	vadd.f32 v57, v56;
	v60 =	vmul.f32 v15, v42  }
0x6f3: {  	v63 =	vmul.f32 v50, v28;
	v28 =	vmul.f32 v49, v28;
	v48 =	vsub.f32 v48, v52  }
0x6f4: {  	v30 =	vmul.f32 v46, v30;
	v15 =	vadd.f32 v47, v59;
	v51 =	vadd.f32 $-1.401658950e-01, v60  }
0x6f5: {  	v50 =	vmul.f32 v50, v27;
	v46 =	vmul.f32 v46, v27;
	v31 =	vsub.f32 v31, v63  }
0x6f6: {  	v28 =	vsub.f32 v28, v30;
	v63 =	vld [tilespmem:s17+$0x15B10];
	v61 =	vmax.f32 v15, $1.000000000e-30;
	v51 =	vmul.f32 v51, v42  }
0x6f7: {  	v39 =	vadd.f32 v50, v39;
	v57 =	vld [tilespmem:s17+$0x14B10];
	v62 =	vshrl.u32 v61, $0x1;
	v53 =	vmul.f32 $5.000000000e-01, v61  }
0x6f8: {  	v50 =	vld [tilespmem:s4+$0x19F00];
	v35 =	vadd.f32 v46, v35;
	v54 =	vsub.s32 $0x5F3759DF, v62;
	v51 =	vadd.f32 $1.996923690e-01, v51  }
0x6f9: {  	v27 =	vmul.f32 v49, v27;
	v28 =	vadd.f32 v28, v39;
	v59 =	vld [tilespmem:s4+$0x1A000];
	v60 =	vmul.f32 v54, v53  }
0x6fa: {  	v52 =	vld [tilespmem:s17+$0x15310];
	v49 =	vmul.f32 v40, v2;
	v35 =	vadd.f32 v48, v35;
	v61 =	vmul.f32 v51, v42  }
0x6fb: {  	v27 =	vadd.f32 v27, v37;
	v28 =	vsub.f32 v63, v28;
	v62 =	vmul.f32 v54, v60  }
0x6fc: {  	v46 =	vmul.f32 v45, v43;
	v35 =	vsub.f32 v57, v35;
	v60 =	vld [tilespmem:s4+$0x19F80];
	v30 =	vadd.f32 $-3.333196040e-01, v61  }
0x6fd: {  	v56 =	vmul.f32 $5.000000000e-01, v40;
	v27 =	vadd.f32 v31, v27;
	v51 =	vsub.f32 $1.500000000e+00, v62  }
0x6fe: {  	v28 =	vsub.f32 v28, v59;
	v40 =	vsub.f32 v35, v50;
	v30 =	vmul.f32 v30, v42  }
0x6ff: {  	v47 =	vmul.f32 v38, v3;
	v27 =	vsub.f32 v52, v27;
	v61 =	vmul.f32 v54, v51  }
0x700: {  	v55 =	vmul.f32 v28, v6;
	v54 =	vmul.f32 v40, v20;
	v30 =	vadd.f32 $9.999998800e-01, v30  }
0x701: {  	v50 =	vmul.f32 v28, v7;
	v27 =	vsub.f32 v27, v60;
	v62 =	vmul.f32 v61, v53  }
0x702: {  	v59 =	vmul.f32 v40, v7;
	v42 =	vsub.f32 v54, v55;
	v63 =	vmul.f32 v30, v41  }
0x703: {  	v58 =	vadd.f32 v33, v33;
	v57 =	vmul.f32 v27, v6;
	v31 =	vmul.f32 v62, v61  }
0x704: {  	v52 =	vmul.f32 v27, v20;
	v42 =	vadd.f32 v42, v42;
	v51 =	vsub.f32 $1.570796370e+00, v63  }
0x705: {  	v48 =	vmul.f32 $5.000000000e-01, v38;
	v38 =	vsub.f32 v57, v59;
	v31 =	vsub.f32 $1.500000000e+00, v31  }
0x706: {  	v30 =	vmul.f32 v45, v44;
	v35 =	vsub.f32 v50, v52;
	v57 =	vsub.f32 v47, v49  }
0x707: {  	v37 =	vsel vm12, v51, v63;
	v38 =	vadd.f32 v38, v38;
	v31 =	vmul.f32 v31, v61  }
0x708: {  	v39 =	vadd.f32 v37, v37;
	v37 =	vmul.f32 v58, v34;
	v34 =	vnsel vm13, $0x3F800000, v34  }
0x709: {  	v49 =	vmul.f32 v45, v57;
	v33 =	vsel vm14, v33, v34;
	v60 =	vmul.f32 v31, v53  }
0x70a: {  	v52 =	vmul.f32 v38, v7;
	v61 =	vadd.f32 v39, v39;
	(erf) = vrcp.f32 v33  }
0x70b: {  	v63 =	vadd.f32 v35, v35;
	v54 =	vmul.f32 v38, v6;
	v62 =	vmul.f32 v60, v31  }
0x70c: {  	v35 =	vand.u32 $0x7FFFFFFF, v14;
	v6 =	vmul.f32 v42, v6;
	v37 =	vmul.f32 v61, v37  }
0x70d: {  	v7 =	vmul.f32 v63, v7;
	v43 =	vmul.f32 v63, v5;
	v44 =	vsub.f32 $1.500000000e+00, v62  }
0x70e: {  	v41 =	vmul.f32 v39, v39;
	v53 =	vmul.f32 v42, v20;
	v50 =	vand.u32 $0x7FFFFFFF, v37  }
0x70f: {  	v20 =	vmul.f32 v63, v20;
	vm15 =	vgt.f32 v50, $9.999999960e-13;
	v51 =	vmul.f32 v44, v31  }
0x710: {  	s11 =	sor.u32 $0x30, s21;
	v59 =	vadd.f32 v43, v40;
	v33 =	vsub.f32 v52, v53;
	v31 =	vnsel vm15, $0x2B8CBCCC, v37  }
0x711: {  	s21 =	sor.u32 s19, s11;
	v20 =	vsub.f32 v20, v54;
	v37 =	vmul.f32 v31, v41;
	v34 =	vmul.f32 v51, v15  }
0x712: {  	v57 =	vld [tilespmem:s21+$0x16F00];
	v60 =	vmul.f32 v42, v5;
	v5 =	vmul.f32 v38, v5;
	v61 =	vnsel vm14, $0x40000000, v39  }
0x713: {  	v43 =	vadd.f32 v33, v59;
	v33 =	vld [tilespmem:s21+$0x16700];
	(erf) = vrcp.f32 v37;
	v62 =	vpop (erf);
	v55 =	vmax.f32 v34, v35  }
0x714: {  	v63 =	vld [tilespmem:s21+$0x15F00];
	v54 =	vadd.f32 v60, v27;
	(erf) = vrcp.f32 v55;
	v55 =	vmul.f32 v61, v62  }
0x715: {  	v36 =	vmul.f32 $5.000000000e-01, v36;
	v58 =	vsub.f32 v6, v7;
	v5 =	vadd.f32 v5, v28;
	v27 =	vld [tilespmem:s17+$0x17B30]  }
0x716: {  	v29 =	vsub.f32 v29, v48;
	v40 =	vadd.f32 v20, v54;
	v7 =	vmul.f32 v55, v17;
	v17 =	vld [tilespmem:s17+$0x16330]  }
0x717: {  	v38 =	vadd.f32 v58, v5;
	v6 =	vmul.f32 v55, v18;
	v5 =	vmul.f32 v55, v19;
	v19 =	vld [tilespmem:s17+$0x17330]  }
0x718: {  	v30 =	vadd.f32 v30, v29;
	vm7 =	vgt.f32 v35, $1.000000010e-07;
	v33 =	vsub.f32 $0.0e+00, v33;
	v18 =	vld [tilespmem:s21+$0x17700]  }
0x719: {  	v20 =	vsub.f32 $0.0e+00, v63;
	v58 =	vmul.f32 v7, v40;
	v59 =	vmul.f32 v6, v43  }
0x71a: {  	v23 =	vsub.f32 $0.0e+00, v57;
	v50 =	vmul.f32 v41, v16;
	v37 =	vld [tilespmem:s17+$0x16B30];
	v47 =	vmul.f32 v27, v33  }
0x71b: {  	v28 =	vmul.f32 v6, v38;
	v41 =	vsub.f32 v58, v59;
	v59 =	vmul.f32 v27, v20  }
0x71c: {  	v62 =	vsub.f32 v32, v56;
	v42 =	vpop (erf);
	v55 =	vmul.f32 v19, v33;
	v56 =	vmul.f32 v17, v23  }
0x71d: {  	v60 =	vmin.f32 v34, v35;
	v32 =	vmul.f32 v27, v18;
	v58 =	vmul.f32 v17, v20;
	v61 =	vpop (erf)  }
0x71e: {  	v16 =	vadd.f32 v46, v62;
	v44 =	vmul.f32 v61, v60;
	v60 =	vmul.f32 v17, v18  }
0x71f: {  	s12 =	sor.u32 s11, s12;
	v48 =	vmul.f32 v17, v33;
	v33 =	vmul.f32 v37, v33;
	v62 =	vsub.f32 v32, v58  }
0x720: {  	s29 =	sadd.s32 $0x30, s18;
	v27 =	vmul.f32 v27, v23;
	v45 =	vmul.f32 v44, v44;
	v46 =	vadd.f32 v59, v60;
	v59 =	vld [tilespmem:s12+$0x1A080]  }
0x721: {  	s18 =	sor.u32 $0x200, s29;
	v61 =	vmul.f32 v37, v23;
	v23 =	vmul.f32 v19, v23;
	v33 =	vsub.f32 v62, v33  }
0x722: {  	s11 =	sor.u32 $0x300, s29;
	v47 =	vsub.f32 v47, v56;
	v27 =	vadd.f32 v27, v48;
	v60 =	vld [tilespmem:s18+$0x19F00];
	v63 =	vmul.f32 $4.668784330e-03, v45  }
0x723: {  	v51 =	vmul.f32 v5, v40;
	v17 =	vld [tilespmem:s11+$0x19F00];
	v33 =	vsub.f32 v33, v23;
	v46 =	vadd.f32 v46, v61  }
0x724: {  	v57 =	vsub.f32 $2.416624690e-02, v63;
	v63 =	vmul.f32 v37, v18;
	v37 =	vmul.f32 v37, v20  }
0x725: {  	s29 =	sor.u32 $0x280, s29;
	v62 =	vmul.f32 v19, v18;
	v32 =	vsub.f32 v46, v55;
	v18 =	vsub.f32 $0.0e+00, v59  }
0x726: {  	v61 =	vadd.f32 v47, v63;
	v27 =	vsub.f32 v27, v37;
	v63 =	vmul.f32 v57, v45;
	v57 =	vld [tilespmem:s29+$0x19F00]  }
0x727: {  	v20 =	vmul.f32 v19, v20;
	v55 =	vsub.f32 v24, v36;
	v19 =	vsub.f32 $0.0e+00, v60  }
0x728: {  	v58 =	vmul.f32 v17, v32;
	v59 =	vmul.f32 v18, v33;
	v37 =	vadd.f32 v27, v62  }
0x729: {  	v60 =	vmul.f32 v17, v33;
	v27 =	vadd.f32 $-5.936720970e-02, v63;
	v36 =	vadd.f32 v61, v20  }
0x72a: {  	v61 =	vmul.f32 v18, v32;
	v23 =	vadd.f32 v58, v59;
	v46 =	vmul.f32 v19, v37  }
0x72b: {  	v62 =	vmul.f32 v17, v36;
	v63 =	vmul.f32 v18, v37;
	v20 =	vsub.f32 $0.0e+00, v57  }
0x72c: {  	v46 =	vadd.f32 v23, v46;
	v23 =	vsub.f32 v60, v61;
	v60 =	vmul.f32 v19, v36  }
0x72d: {  	v47 =	vsub.f32 v62, v63;
	v61 =	vmul.f32 v17, v37;
	v62 =	vmul.f32 v18, v36  }
0x72e: {  	v52 =	vmul.f32 v5, v43;
	v63 =	vmul.f32 v19, v33;
	v23 =	vsub.f32 v23, v60  }
0x72f: {  	v60 =	vmul.f32 v20, v37;
	v48 =	vadd.f32 v61, v62;
	v61 =	vmul.f32 v19, v32  }
0x730: {  	v47 =	vadd.f32 v47, v63;
	v62 =	vmul.f32 v20, v32;
	v63 =	vmul.f32 v27, v45  }
0x731: {  	v58 =	vmul.f32 v20, v36;
	v23 =	vsub.f32 v23, v60;
	v60 =	vsub.f32 v48, v61  }
0x732: {  	v56 =	vld [tilespmem:s5+$0x14F00];
	v61 =	vmul.f32 v20, v33;
	v47 =	vadd.f32 v47, v62;
	v62 =	vadd.f32 $9.906107180e-02, v63  }
0x733: {  	v53 =	vmul.f32 v7, v38;
	v59 =	vld [tilespmem:s5+$0x15700];
	v46 =	vsub.f32 v46, v58;
	vm4 =	vlt.f32 v23, $0.0e+00  }
0x734: {  	v48 =	vadd.f32 v60, v61;
	v57 =	vmul.f32 v62, v45;
	v63 =	vsel vm4, $0xBF800000, v0  }
0x735: {  	v51 =	vsub.f32 v28, v51;
	v24 =	vmul.f32 v63, v46;
	v27 =	vmul.f32 v63, v47  }
0x736: {  	v54 =	vmul.f32 v41, v6;
	v47 =	vsub.f32 v52, v53;
	v28 =	vmul.f32 v63, v48  }
0x737: {  	v46 =	vld [tilespmem:s5+$0x14700];
	v52 =	vadd.f32 $-1.401658950e-01, v57;
	v60 =	vmul.f32 v24, v24;
	v61 =	vmul.f32 v27, v27  }
0x738: {  	v50 =	vsub.f32 v31, v50;
	v58 =	vmul.f32 v26, v56;
	v57 =	vmul.f32 v25, v59  }
0x739: {  	v53 =	vmul.f32 v28, v28;
	v52 =	vmul.f32 v52, v45;
	v48 =	vadd.f32 v61, v60  }
0x73a: {  	v29 =	vadd.f32 v49, v55;
	v49 =	vmul.f32 v47, v5;
	v57 =	vsub.f32 v57, v58  }
0x73b: {  	vm5 =	vlt.f32 v39, $9.999999740e-05;
	v52 =	vadd.f32 $1.996923690e-01, v52;
	v31 =	vadd.f32 v48, v53  }
0x73c: {  	v48 =	vsub.f32 v54, v49;
	v49 =	vmul.f32 v22, v56;
	v53 =	vmul.f32 v25, v46  }
0x73d: {  	v60 =	vmul.f32 v26, v46;
	v54 =	vmul.f32 v22, v59;
	v61 =	vmax.f32 v31, $1.000000000e-30  }
0x73e: {  	v49 =	vsub.f32 v49, v53;
	v53 =	vshrl.u32 v61, $0x1;
	v61 =	vmul.f32 $5.000000000e-01, v61  }
0x73f: {  	v55 =	vmul.f32 v51, v5;
	v52 =	vmul.f32 v52, v45;
	v53 =	vsub.s32 $0x5F3759DF, v53  }
0x740: {  	v57 =	vadd.f32 v57, v57;
	v54 =	vsub.f32 v60, v54;
	v58 =	vmul.f32 v53, v61  }
0x741: {  	v62 =	vmul.f32 v41, v7;
	v52 =	vadd.f32 $-3.333196040e-01, v52;
	v49 =	vadd.f32 v49, v49  }
0x742: {  	v60 =	vmul.f32 $5.000000000e-01, v51;
	v54 =	vadd.f32 v54, v54;
	v58 =	vmul.f32 v53, v58  }
0x743: {  	v55 =	vsub.f32 v55, v62;
	v45 =	vmul.f32 v52, v45;
	v62 =	vmul.f32 v49, v25  }
0x744: {  	v52 =	vmul.f32 v54, v26;
	v26 =	vmul.f32 v57, v26;
	v58 =	vsub.f32 $1.500000000e+00, v58  }
0x745: {  	v43 =	vsub.f32 v43, v60;
	v60 =	vmul.f32 v49, v22;
	v22 =	vmul.f32 v54, v22  }
0x746: {  	vm6 =	vgt.f32 v34, v35;
	v25 =	vmul.f32 v57, v25;
	v53 =	vmul.f32 v53, v58  }
0x747: {  	v54 =	vmul.f32 v54, v21;
	v45 =	vadd.f32 $9.999998800e-01, v45;
	v52 =	vsub.f32 v62, v52  }
0x748: {  	v62 =	vmul.f32 v57, v21;
	v26 =	vsub.f32 v26, v60;
	v63 =	vmul.f32 v53, v61  }
0x749: {  	v22 =	vsub.f32 v22, v25;
	v54 =	vadd.f32 v54, v56;
	v21 =	vmul.f32 v49, v21;
	v56 =	vld [tilespmem:s17+$0x15320]  }
0x74a: {  	v44 =	vmul.f32 v45, v44;
	v46 =	vadd.f32 v62, v46;
	v58 =	vmul.f32 v63, v53  }
0x74b: {  	v42 =	vmul.f32 v42, v50;
	v57 =	vld [tilespmem:s17+$0x14B20];
	v25 =	vadd.f32 v26, v54;
	v21 =	vadd.f32 v21, v59  }
0x74c: {  	vm9 =	vgt.f32 v34, $1.000000010e-07;
	v60 =	vld [tilespmem:s17+$0x15B20];
	v63 =	vsub.f32 $1.570796370e+00, v44;
	v45 =	vsub.f32 $1.500000000e+00, v58  }
0x74d: {  	v42 =	vsel vm5, $0x3DAAAAAB, v42;
	v62 =	vld [tilespmem:s8+$0x19F00];
	v46 =	vadd.f32 v52, v46;
	v21 =	vadd.f32 v22, v21  }
0x74e: {  	v25 =	vsub.f32 v56, v25;
	v39 =	vsel vm6, v63, v44;
	v45 =	vmul.f32 v45, v53  }
0x74f: {  	v50 =	vmul.f32 v47, v7;
	v56 =	vld [tilespmem:s8+$0x19F80];
	v58 =	vadd.f32 v34, v34;
	v39 =	vadd.f32 v39, v39  }
0x750: {  	v47 =	vmul.f32 $5.000000000e-01, v47;
	v54 =	vsub.f32 v57, v46;
	v57 =	vld [tilespmem:s8+$0x1A000];
	v59 =	vmul.f32 v45, v61  }
0x751: {  	v21 =	vsub.f32 v60, v21;
	v60 =	vmul.f32 v58, v35;
	v61 =	vadd.f32 v39, v39  }
0x752: {  	v41 =	vmul.f32 $5.000000000e-01, v41;
	v52 =	vsub.f32 v54, v62;
	v26 =	vmul.f32 v59, v45  }
0x753: {  	v40 =	vsub.f32 v40, v47;
	v51 =	vmul.f32 v51, v6;
	v22 =	vmul.f32 v61, v60  }
0x754: {  	v44 =	vsub.f32 v25, v56;
	v49 =	vmul.f32 v52, v11;
	v62 =	vsub.f32 $1.500000000e+00, v26  }
0x755: {  	v46 =	vsub.f32 v21, v57;
	v53 =	vmul.f32 v39, v39;
	v63 =	vand.u32 $0x7FFFFFFF, v22  }
0x756: {  	v58 =	vmul.f32 v44, v8;
	vm8 =	vgt.f32 v63, $9.999999960e-13;
	v21 =	vmul.f32 v62, v45  }
0x757: {  	v57 =	vmul.f32 v46, v8;
	v45 =	vnsel vm7, $0x3F800000, v35;
	v35 =	vnsel vm8, $0x2B8CBCCC, v22  }
0x758: {  	v54 =	vsel vm9, v34, v45;
	v56 =	vmul.f32 v35, v53;
	v26 =	vmul.f32 v21, v31  }
0x759: {  	v25 =	vand.u32 $0x7FFFFFFF, v23;
	v60 =	vmul.f32 v52, v9;
	(erf) = vrcp.f32 v54  }
0x75a: {  	v48 =	vmul.f32 v42, v48;
	(erf) = vrcp.f32 v56;
	v21 =	vmax.f32 v26, v25  }
0x75b: {  	v22 =	vsub.f32 v58, v60;
	v45 =	vsub.f32 v49, v57;
	(erf) = vrcp.f32 v21  }
0x75c: {  	v59 =	vsub.f32 v50, v51;
	v61 =	vmul.f32 v46, v9;
	v62 =	vmul.f32 v44, v11  }
0x75d: {  	v63 =	vmul.f32 v42, v55;
	v54 =	vadd.f32 v22, v22;
	v45 =	vadd.f32 v45, v45  }
0x75e: {  	v34 =	vmul.f32 v42, v59;
	v21 =	vadd.f32 v48, v43;
	v43 =	vsub.f32 v61, v62  }
0x75f: {  	v22 =	vadd.f32 v63, v40;
	v63 =	vmul.f32 v14, v14;
	v56 =	vmul.f32 v54, v9  }
0x760: {  	v59 =	vmul.f32 v54, v8;
	v57 =	vmul.f32 v45, v11;
	v55 =	vadd.f32 v43, v43  }
0x761: {  	v38 =	vsub.f32 v38, v41;
	v8 =	vmul.f32 v45, v8;
	v60 =	vmul.f32 v45, v4  }
0x762: {  	v47 =	vld [tilespmem:s21+$0x14F00];
	v61 =	vmin.f32 v26, v25;
	v48 =	vnsel vm9, $0x40000000, v39;
	v11 =	vmul.f32 v55, v11;
	v58 =	vpop (erf)  }
0x763: {  	v40 =	vsub.f32 v56, v57;
	v41 =	vadd.f32 v60, v44;
	v9 =	vmul.f32 v55, v9;
	v49 =	vpop (erf)  }
0x764: {  	v45 =	vmul.f32 v55, v4;
	v4 =	vmul.f32 v54, v4;
	v11 =	vsub.f32 v11, v59;
	v62 =	vpop (erf)  }
0x765: {  	v8 =	vsub.f32 v8, v9;
	v9 =	vsub.f32 v63, v15;
	v43 =	vmul.f32 v62, v61  }
0x766: {  	v50 =	vadd.f32 v45, v52;
	v4 =	vadd.f32 v4, v46;
	v42 =	vmul.f32 v48, v58  }
0x767: {  	v45 =	vld [tilespmem:s21+$0x15700];
	v63 =	vmul.f32 v32, v47;
	v51 =	vadd.f32 $1.000000000e+00, v9;
	v15 =	vmul.f32 v43, v43  }
0x768: {  	v14 =	vadd.f32 v8, v4;
	v8 =	vmul.f32 v42, v12;
	v4 =	vmul.f32 v42, v13  }
0x769: {  	v11 =	vadd.f32 v11, v41;
	v13 =	vld [tilespmem:s21+$0x14700];
	v9 =	vmul.f32 v42, v10;
	v52 =	vmul.f32 $4.668784330e-03, v15  }
0x76a: {  	v40 =	vadd.f32 v40, v50;
	v53 =	vmul.f32 v53, v51;
	v55 =	vmul.f32 v8, v14  }
0x76b: {  	v56 =	vmul.f32 v4, v11;
	v57 =	vmul.f32 v9, v11;
	v54 =	vsub.f32 $2.416624690e-02, v52  }
0x76c: {  	v10 =	vadd.f32 v34, v38;
	v59 =	vmul.f32 v8, v40;
	v60 =	vmul.f32 v36, v45  }
0x76d: {  	v62 =	vmul.f32 v32, v45;
	v35 =	vsub.f32 v35, v53;
	v58 =	vmul.f32 v54, v15  }
0x76e: {  	v53 =	vmul.f32 v37, v47;
	v42 =	vsub.f32 v55, v56;
	v61 =	vmul.f32 v37, v13  }
0x76f: {  	v12 =	vsub.f32 v57, v59;
	v52 =	vmul.f32 v36, v13;
	v38 =	vadd.f32 $-5.936720970e-02, v58  }
0x770: {  	v23 =	vmul.f32 v23, v23;
	v34 =	vsub.f32 v60, v53;
	v46 =	vsub.f32 v61, v62  }
0x771: {  	v55 =	vmul.f32 v9, v14;
	v44 =	vsub.f32 v63, v52;
	v38 =	vmul.f32 v38, v15  }
0x772: {  	v56 =	vmul.f32 v12, v8;
	v34 =	vadd.f32 v34, v34;
	v46 =	vadd.f32 v46, v46  }
0x773: {  	v54 =	vmul.f32 v4, v40;
	v44 =	vadd.f32 v44, v44;
	v38 =	vadd.f32 $9.906107180e-02, v38  }
0x774: {  	vm12 =	vgt.f32 v25, $1.000000010e-07;
	v58 =	vmul.f32 v46, v37;
	v37 =	vmul.f32 v34, v37  }
0x775: {  	vm10 =	vlt.f32 v39, $9.999999740e-05;
	v57 =	vmul.f32 v44, v36;
	v38 =	vmul.f32 v38, v15  }
0x776: {  	v41 =	vsub.f32 v54, v55;
	v59 =	vmul.f32 v44, v32;
	v32 =	vmul.f32 v46, v32  }
0x777: {  	v36 =	vmul.f32 v34, v36;
	v44 =	vmul.f32 v44, v33;
	v38 =	vadd.f32 $-1.401658950e-01, v38  }
0x778: {  	v60 =	vld [tilespmem:s17+$0x14B30];
	v34 =	vmul.f32 v34, v33;
	v33 =	vmul.f32 v46, v33;
	v48 =	vsub.f32 v57, v58  }
0x779: {  	v61 =	vld [tilespmem:s17+$0x15330];
	v37 =	vsub.f32 v37, v59;
	v32 =	vsub.f32 v32, v36;
	v38 =	vmul.f32 v38, v15  }
0x77a: {  	v62 =	vld [tilespmem:s17+$0x15B30];
	v63 =	vmul.f32 v41, v4;
	v44 =	vadd.f32 v44, v45;
	v13 =	vadd.f32 v34, v13  }
0x77b: {  	vm11 =	vgt.f32 v26, v25;
	v54 =	vld [tilespmem:s12+$0x19F00];
	v33 =	vadd.f32 v33, v47;
	v38 =	vadd.f32 $1.996923690e-01, v38  }
0x77c: {  	v35 =	vmul.f32 v49, v35;
	v36 =	vsub.f32 v56, v63;
	v56 =	vld [tilespmem:s12+$0x19F80];
	v13 =	vadd.f32 v48, v13  }
0x77d: {  	vm13 =	vgt.f32 v26, $1.000000010e-07;
	v55 =	vld [tilespmem:s12+$0x1A000];
	v33 =	vadd.f32 v37, v33;
	v38 =	vmul.f32 v38, v15  }
0x77e: {  	v35 =	vsel vm10, $0x3DAAAAAB, v35;
	v32 =	vadd.f32 v32, v44;
	v13 =	vsub.f32 v60, v13  }
0x77f: {  	v53 =	vmul.f32 v41, v9;
	v33 =	vsub.f32 v61, v33;
	v57 =	vadd.f32 $-3.333196040e-01, v38  }
0x780: {  	v58 =	vmul.f32 v42, v4;
	v59 =	vmul.f32 v12, v9;
	v32 =	vsub.f32 v62, v32  }
0x781: {  	v13 =	vsub.f32 v13, v54;
	v33 =	vsub.f32 v33, v56;
	v15 =	vmul.f32 v57, v15  }
0x782: {  	v12 =	vmul.f32 $5.000000000e-01, v12;
	v60 =	vmul.f32 $5.000000000e-01, v42;
	v32 =	vsub.f32 v32, v55  }
0x783: {  	v49 =	vmul.f32 v33, v18;
	v50 =	vmul.f32 v13, v19;
	v15 =	vadd.f32 $9.999998800e-01, v15  }
0x784: {  	v52 =	vnsel vm12, $0x3F800000, v25;
	v63 =	vmul.f32 v13, v20;
	v48 =	vmul.f32 v32, v18  }
0x785: {  	v37 =	vsub.f32 v40, v60;
	v39 =	vsub.f32 v49, v50;
	v15 =	vmul.f32 v15, v43  }
0x786: {  	v61 =	vmul.f32 v32, v19;
	v62 =	vmul.f32 v33, v20;
	v40 =	vsub.f32 v63, v48  }
0x787: {  	v39 =	vadd.f32 v39, v39;
	v43 =	vsel vm13, v26, v52;
	v51 =	vsub.f32 $1.570796370e+00, v15  }
0x788: {  	v36 =	vmul.f32 v35, v36;
	v40 =	vadd.f32 v40, v40;
	(erf) = vrcp.f32 v43  }
0x789: {  	v38 =	vsub.f32 v61, v62;
	v55 =	vmul.f32 v39, v19;
	v15 =	vsel vm11, v51, v15  }
0x78a: {  	v56 =	vmul.f32 v40, v20;
	v26 =	vadd.f32 v26, v26;
	v15 =	vadd.f32 v15, v15  }
0x78b: {  	v38 =	vadd.f32 v38, v38;
	v57 =	vmul.f32 v39, v18;
	v18 =	vmul.f32 v40, v18  }
0x78c: {  	v61 =	vmul.f32 v40, v17;
	v25 =	vmul.f32 v26, v25;
	v54 =	vadd.f32 v15, v15  }
0x78d: {  	v23 =	vsub.f32 v23, v31;
	v20 =	vmul.f32 v38, v20;
	v19 =	vmul.f32 v38, v19  }
0x78e: {  	v34 =	vsub.f32 v58, v59;
	v38 =	vmul.f32 v38, v17;
	v25 =	vmul.f32 v54, v25  }
0x78f: {  	v42 =	vmul.f32 v42, v8;
	v17 =	vmul.f32 v39, v17;
	v39 =	vadd.f32 v61, v33  }
0x790: {  	v18 =	vsub.f32 v18, v19;
	v13 =	vadd.f32 v38, v13;
	v58 =	vand.u32 $0x7FFFFFFF, v25  }
0x791: {  	v59 =	vmul.f32 v15, v15;
	v63 =	vnsel vm13, $0x40000000, v15;
	v62 =	vpop (erf);
	vm14 =	vgt.f32 v58, $9.999999960e-13  }
0x792: {  	v17 =	vadd.f32 v17, v32;
	v19 =	vmul.f32 v63, v62;
	v25 =	vnsel vm14, $0x2B8CBCCC, v25  }
0x793: {  	[tilespmem:s1+$0x1E080] =	vst v3;
	v26 =	vadd.f32 v36, v37;
	v36 =	vsub.f32 v55, v56;
	v60 =	vmul.f32 v25, v59  }
0x794: {  	[tilespmem:s1+$0x1DF80] =	vst v30;
	v20 =	vsub.f32 v20, v57;
	v17 =	vadd.f32 v18, v17;
	v24 =	vmul.f32 v19, v24  }
0x795: {  	[tilespmem:s1+$0x1DF00] =	vst v16;
	v13 =	vadd.f32 v36, v13;
	v40 =	vmul.f32 v19, v28;
	(erf) = vrcp.f32 v60  }
0x796: {  	[tilespmem:s4+$0x1E080] =	vst v7;
	v43 =	vmul.f32 $5.000000000e-01, v41;
	v3 =	vadd.f32 v20, v39;
	v27 =	vmul.f32 v19, v27  }
0x797: {  	[tilespmem:s1+$0x1E000] =	vst v29;
	v23 =	vadd.f32 $1.000000000e+00, v23;
	v45 =	vmul.f32 v40, v13;
	v46 =	vmul.f32 v24, v17  }
0x798: {  	[tilespmem:s14+$0x1DF00] =	vst v2;
	v42 =	vsub.f32 v53, v42;
	v47 =	vmul.f32 v24, v3;
	v48 =	vmul.f32 v27, v13  }
0x799: {  	[tilespmem:s16+$0x1DF00] =	vst v1;
	v1 =	vsub.f32 v14, v12;
	v49 =	vmul.f32 v27, v17;
	v50 =	vmul.f32 v40, v3  }
0x79a: {  	[tilespmem:s4+$0x1DF80] =	vst v22;
	v53 =	vmul.f32 v35, v42;
	v2 =	vsub.f32 v11, v43;
	v12 =	vsub.f32 v47, v48  }
0x79b: {  	[tilespmem:s4+$0x1DF00] =	vst v21;
	v44 =	vmul.f32 v59, v23;
	v11 =	vsub.f32 v45, v46;
	v54 =	vsub.f32 v49, v50  }
0x79c: {  	[tilespmem:s4+$0x1E000] =	vst v10;
	v1 =	vadd.f32 v53, v1;
	v51 =	vmul.f32 v35, v34;
	v55 =	vmul.f32 v12, v27  }
0x79d: {  	[tilespmem:s8+$0x1E080] =	vst v9;
	v16 =	vsub.f32 v25, v44;
	v56 =	vmul.f32 v11, v40;
	v57 =	vmul.f32 v54, v40  }
0x79e: {  	[tilespmem:s6+$0x1DF00] =	vst v6;
	v2 =	vadd.f32 v51, v2;
	v58 =	vmul.f32 v12, v24;
	v59 =	vmul.f32 v11, v24;
	v52 =	vpop (erf)  }
0x79f: {  	[tilespmem:s7+$0x1DF00] =	vst v5;
	vm15 =	vlt.f32 v15, $9.999999740e-05;
	v60 =	vmul.f32 v54, v27;
	v14 =	vmul.f32 v52, v16  }
0x7a0: {  	[tilespmem:s8+$0x1E000] =	vst v1;
	v61 =	vmul.f32 $5.000000000e-01, v11;
	v7 =	vsub.f32 v55, v56;
	v16 =	vmul.f32 $5.000000000e-01, v54  }
0x7a1: {  	[tilespmem:s8+$0x1DF80] =	vst v2;
	v62 =	vmul.f32 $5.000000000e-01, v12;
	v2 =	vsub.f32 v57, v58;
	v14 =	vsel vm15, $0x3DAAAAAB, v14  }
0x7a2: {  	[tilespmem:s8+$0x1DF00] =	vst v26;
	v5 =	vsub.f32 v59, v60;
	v1 =	vsub.f32 v13, v16;
	v7 =	vmul.f32 v14, v7  }
0x7a3: {  	[tilespmem:s9+$0x1DF00] =	vst v8;
	v3 =	vsub.f32 v3, v61;
	v2 =	vmul.f32 v14, v2  }
0x7a4: {  	[tilespmem:s10+$0x1DF00] =	vst v4;
	v63 =	vsub.f32 v17, v62;
	v5 =	vmul.f32 v14, v5;
	v1 =	vadd.f32 v7, v1  }
0x7a5: {  	p2 =	slt.u32 s15, $0x3C0;
	[tilespmem:s12+$0x1E080] =	vst v24;
	v2 =	vadd.f32 v2, v3  }
.Ltmp13:
0x7a6: {  	v3 =	vadd.f32 v5, v63;
	[tilespmem:s12+$0x1DF00] =	vst v1;
	(pc) =	sbr.rel @p2 .LBB2_28-.Ltmp13, $4  }
0x7a7: {  	[tilespmem:s12+$0x1DF80] =	vst v2  }
0x7a8: {  	[tilespmem:s12+$0x1E000] =	vst v3  }
0x7a9: {  	[tilespmem:s18+$0x1DF00] =	vst v27  }
0x7aa: {  	s0 =	sadd.s32 $0x100, s0;
	p1 =	por !p1, !p1;
	s3 =	sadd.s32 $0x200, s3;
	[tilespmem:s29+$0x1DF00] =	vst v40  }
0x7ab: {  	s25 =	sadd.s32 $0x1, s25  }
0x7ac: {  	p1 =	sne.s32 s25, $0x31  }
.Ltmp14:
0x7ad: {  	_ = 	snop;
	(pc) =	sbr.rel @p1 .LBB2_21-.Ltmp14, $4  }
0x7ae: {  	_ = 	snop  }
0x7af: {  	s0 =	rddreg [dreg:$0x4]  }
0x7b0: {  	s1 =	simm.s32 $0x1DF00;
	s0 =	sadd.s32 s0, s2  }
0x7b1: {  	[hbm4b:s0+s28] =	stream.linear.scatter [tilespmem:s1], [sflag:$0x8], $0x2000, $0x38;
	[tilespmem:$0x1FF00] =	vst v63  }
0x7b2: {  	_ =	swait.ge [sflag:s22], $0x800  }
0x7b3: {  	[sflag:s22] =	ssyncset.done $0x0  }
0x7b4: {  	[sflag:s22] =	ssyncadd.s32 $0xFFFFF800  }
0x7b5: {  	_ =	swait.ge [sflag:s22], $0x800  }
0x7b6: {  	[sflag:s22] =	ssyncset.done $0x0  }
0x7b7: {  	[sflag:s22] =	ssyncadd.s32 $0xFFFFF800  }
0x7b8: {  	_ =	swait.ge [sflag:s22], $0x800  }
0x7b9: {  	[sflag:s22] =	ssyncset.done $0x0  }
0x7ba: {  	[sflag:s22] =	ssyncadd.s32 $0xFFFFF800  }
0x7bb: {  	_ =	swait.ge [sflag:s22], $0x800  }
0x7bc: {  	[sflag:s22] =	ssyncset.done $0x0  }
0x7bd: {  	[sflag:s22] =	ssyncadd.s32 $0xFFFFF800  }
0x7be: {  	_ =	swait.ge [sflag:s22], $0x800  }
0x7bf: {  	[sflag:s22] =	ssyncset.done $0x0  }
0x7c0: {  	[sflag:s22] =	ssyncadd.s32 $0xFFFFF800  }
0x7c1: {  	_ =	swait.ge [sflag:s22], $0x800  }
0x7c2: {  	[sflag:s22] =	ssyncset.done $0x0  }
0x7c3: {  	[sflag:s22] =	ssyncadd.s32 $0xFFFFF800  }
0x7c4: {  	_ =	swait.ge [sflag:s22], $0x800  }
0x7c5: {  	[sflag:s22] =	ssyncset.done $0x0  }
0x7c6: {  	s0 =	simm.s32 $0x4;
	[sflag:s22] =	ssyncadd.s32 $0xFFFFF800  }
0x7c7: {  	_ =	swait.ge [sflag:s0], $0x800  }
0x7c8: {  	[sflag:s0] =	ssyncset.done $0x0  }
0x7c9: {  	s21 =	simm.s32 $0x5;
	[sflag:s0] =	ssyncadd.s32 $0xFFFFF800  }
0x7ca: {  	_ =	swait.ge [sflag:s21], $0x2000  }
0x7cb: {  	[sflag:s21] =	ssyncset.done $0x0  }
0x7cc: {  	s25 =	simm.s32 $0x7;
	[sflag:s21] =	ssyncadd.s32 $0xFFFFE000  }
0x7cd: {  	_ =	swait.ge [sflag:s25], $0x2000  }
0x7ce: {  	[sflag:s25] =	ssyncset.done $0x0  }
0x7cf: {  	s1 =	simm.s32 $0x8;
	[sflag:s25] =	ssyncadd.s32 $0xFFFFE000  }
0x7d0: {  	_ =	swait.ge [sflag:s1], $0x2000  }
0x7d1: {  	s2 =	sld [smem:$0x7CA]  }
0x7d2: {  	s29 =	sld [smem:$0x7F2];
	_ =	sdelay $0x1  }
0x7d3: {  	s2 =	sadd.s32 $0x1, s2  }
0x7d4: {  	p1 =	sne.s32 s2, s29  }
.Ltmp15:
0x7d5: {  	_ = 	snop;
	(pc) =	sbr.rel @p1 .LBB2_1-.Ltmp15, $3  }
0x7d6: {  	_ =	sdelay $0x1  }
0x7d7: {  	[sflag:s1] =	ssyncset.done $0x0  }
0x7d8: {  	s11 =	simm.s32 $0xAB80;
	s13 =	simm.s32 $0x9;
	[sflag:s1] =	ssyncadd.s32 $0xFFFFE000  }
0x7d9: {  	_ =	sfence.sel $0x180000  }
0x7da: {  	[bflag:$0x0] =	sbarrier.arrive $0xFFFF  }
0x7db: {  	_ =	strace $0x90000047  }
0x7dc: {  	s0 =	stileid.u32;
	[bflag:$0x2] =	sbarrier.arrive $0xFFFF  }
0x7dd: {  	p0 =	sne.s32 s0, $0x0;
	s0 =	rddreg [dreg:$0xc]  }
0x7de: {  	s0 =	sadd.s32 @!p0 $0x100000, s0  }
0x7df: {  	[sflag:s0] =	ssyncadd.tile.s32 @!p0 $0x1;
	_ =	shalt  }
.Lfunc_end2:
_tile_overlayer_lowered:
.L_overlay_start_2:
0x7e0: {  	(tag) =	ssettag $0x2  }
0x7e1: {  	s0 =	rddreg [dreg:$0x0];
	s2 =	stileid.u32  }
0x7e2: {  	s1 =	rddreg [dreg:$0x1];
	p0 =	sne.s32 s2, $0x0  }
0x7e3: {  	s3 =	rddreg [dreg:$0x2];
	[bflag:$0x3] =	sbarrier.arrive $0xFFFF;
	s2 =	simm.s32 @!p0 $0x1C09  }
0x7e4: {  	[timem:s3], [sflag:s2] =	dma.local @!p0 [hbm:s0], s1  }
0x7e5: {  	s0 =	simm.s32 @!p0 $0x9  }
0x7e6: {  	_ =	swait.ge @!p0 [sflag:s0], s1  }
0x7e7: {  	s1 =	ssub.s32 @!p0 $0x0, s1;
	[sflag:s0] =	ssyncset.done @!p0 $0x0  }
0x7e8: {  	[sflag:s0] =	ssyncadd.s32 @!p0 s1  }
0x7e9: {  	[bflag:$0x3] =	sbarrier.arrive $0xFFFF  }
0x7ea: {  	_ =	shalt  }

</sc_bundles>
